<compile_context>
chip_gen: v7x
topology: tpu7x:2x2x1
jax: 0.10.2.dev20260603
libtpu: 0.0.44.dev20260713+nightly
codegen_flags: <defaults>
</compile_context>

<pallas_src>
import functools

import jax
import jax.numpy as jnp
from jax import lax
from jax.experimental import pallas as pl
from jax.experimental.pallas import tpu as pltpu
from jax.experimental.pallas import tpu_sc as plsc

_N = 8192
_D = 128
_B = 4096
_NEG = 5
_NW = 32
_BPW = _B // _NW
_L = 16
_NBLK = _BPW // _L


@functools.partial(
    pl.kernel,
    mesh=plsc.VectorSubcoreMesh(core_axis_name="c", subcore_axis_name="s"),
    compiler_params=pltpu.CompilerParams(needs_layout_passes=False),
    out_type=jax.ShapeDtypeStruct((_NW, 6, _L), jnp.float32),
    scratch_types=[
        pltpu.VMEM((_BPW,), jnp.int32),
        pltpu.VMEM((_BPW,), jnp.int32),
        pltpu.VMEM((_NEG, _BPW), jnp.int32),
        pltpu.VMEM((_BPW,), jnp.int32),
        pltpu.VMEM((_NEG, _BPW), jnp.int32),
        pltpu.VMEM((_NEG, _BPW), jnp.int32),
        pltpu.VMEM((_BPW, _D), jnp.float32),
        pltpu.VMEM((_BPW, _D), jnp.float32),
        pltpu.VMEM((_NEG, _BPW, _D), jnp.float32),
        pltpu.VMEM((_BPW,), jnp.float32),
        pltpu.VMEM((_NEG, _BPW), jnp.float32),
        pltpu.VMEM((_NEG, _BPW), jnp.float32),
        pltpu.VMEM((6, _L), jnp.float32),
        pltpu.SemaphoreType.DMA,
    ],
)
def _nsloss_sc(idx_s_hbm, idx_t_hbm, idx_neg_hbm, emb_s_hbm, emb_t_hbm,
               adjm_hbm, adjt_hbm, out_hbm,
               idxs_v, idxt_v, idxn_v, linp_v, linst_v, lintt_v,
               xs_v, xt_v, xn_v, yp_v, yst_v, ytt_v, acc_v, sem):
    wid = lax.axis_index("s") * 2 + lax.axis_index("c")
    base = wid * _BPW

    pltpu.sync_copy(idx_s_hbm.at[pl.ds(base, _BPW)], idxs_v)
    pltpu.sync_copy(idx_t_hbm.at[pl.ds(base, _BPW)], idxt_v)
    for n in range(_NEG):
        pltpu.sync_copy(idx_neg_hbm.at[pl.ds(n * _B + base, _BPW)], idxn_v.at[n])

    cps = [
        pltpu.async_copy(emb_s_hbm.at[idxs_v], xs_v, sem),
        pltpu.async_copy(emb_t_hbm.at[idxt_v], xt_v, sem),
    ]
    for n in range(_NEG):
        cps.append(pltpu.async_copy(emb_t_hbm.at[idxn_v.at[n]], xn_v.at[n], sem))

    for c in range(_NBLK):
        sl = pl.ds(c * _L, _L)
        s16 = idxs_v[sl]
        t16 = idxt_v[sl]
        linp_v[sl] = s16 * _N + t16
        for n in range(_NEG):
            n16 = idxn_v[n, sl]
            linst_v[n, sl] = s16 * _N + n16
            lintt_v[n, sl] = t16 * _N + n16

    cps.append(pltpu.async_copy(adjm_hbm.at[linp_v], yp_v, sem))
    for n in range(_NEG):
        cps.append(pltpu.async_copy(adjm_hbm.at[linst_v.at[n]], yst_v.at[n], sem))
        cps.append(pltpu.async_copy(adjt_hbm.at[lintt_v.at[n]], ytt_v.at[n], sem))
    for cp in cps:
        cp.wait()

    iota = lax.iota(jnp.int32, _L)
    zero = jnp.zeros((_L,), jnp.float32)
    accs = [zero] * 6

    for blk in range(_NBLK):
        b0 = blk * _L
        ii = b0 + iota

        def kbody(k, c, ii=ii):
            kk = jnp.full((_L,), k, jnp.int32)
            vs = plsc.load_gather(xs_v, [ii, kk])
            vt = plsc.load_gather(xt_v, [ii, kk])
            out = [c[0] + vs * vt]
            for n in range(_NEG):
                nn = jnp.full((_L,), n, jnp.int32)
                vn = plsc.load_gather(xn_v, [nn, ii, kk])
                out.append(c[1 + 2 * n] + vs * vn)
                out.append(c[2 + 2 * n] + vt * vn)
            return tuple(out)

        init = (zero,) * (1 + 2 * _NEG)
        dots = lax.fori_loop(0, _D, kbody, init)

        dp = dots[0]
        yp = yp_v[pl.ds(b0, _L)]
        accs[0] = accs[0] + dp * dp
        accs[1] = accs[1] + dp
        accs[2] = accs[2] + yp
        accs[3] = accs[3] + yp * yp
        for n in range(_NEG):
            e_st = dots[1 + 2 * n] - yst_v[n, pl.ds(b0, _L)]
            accs[4] = accs[4] + e_st * e_st
            e_tt = dots[2 + 2 * n] - ytt_v[n, pl.ds(b0, _L)]
            accs[5] = accs[5] + e_tt * e_tt

    for j in range(6):
        acc_v[j] = accs[j]
    pltpu.sync_copy(acc_v, out_hbm.at[wid])


def kernel(embed_s, embed_t, idx_s, idx_t, probs, adj_mat, adj_t, neg_num):
    del probs, neg_num
    idx_neg = jax.random.randint(
        jax.random.key(42), (_NEG, _B), 0, _N).astype(jnp.int32)
    part = _nsloss_sc(
        idx_s.astype(jnp.int32), idx_t.astype(jnp.int32), idx_neg.reshape(-1),
        embed_s, embed_t, adj_mat.reshape(-1), adj_t.reshape(-1))
    s = jnp.sum(part, axis=(0, 2))
    b = jnp.float32(_B)
    loss_pos = s[0] / b - 2.0 * (s[1] / b) * (s[2] / b) + s[3] / b
    loss_neg = (s[4] + s[5]) / (_NEG * b)
    return (loss_pos + loss_neg) / b

# --- scband reference (transcript-rebuilt; emitter-appended) ---
"""Pipeline reference for scband-nsloss-65085934403841 (READ-ONLY COPY).

The authoritative reference and input builder live on the scoring server;
editing this copy changes nothing except your own understanding.
"""

import jax, jax.numpy as jnp
import numpy as np


def pairwise_cosine(x, y):
    xn = x / (jnp.linalg.norm(x, axis=1, keepdims=True) + 1e-12)
    yn = y / (jnp.linalg.norm(y, axis=1, keepdims=True) + 1e-12)
    return xn @ yn.T


def setup_inputs(seed: int = 0) -> dict:
    key = jax.random.key(seed)
    ks = jax.random.split(key, 8)
    N, d, B = 8192, 128, 4096
    return {
        "embed_s": jax.random.normal(ks[0], (N, d), dtype=jnp.float32),
        "embed_t": jax.random.normal(ks[1], (N, d), dtype=jnp.float32),
        "idx_s": jax.random.randint(ks[2], (B,), 0, N, dtype=jnp.int64) if jax.config.jax_enable_x64 else jax.random.randint(ks[2], (B,), 0, N),
        "idx_t": jax.random.randint(ks[3], (B,), 0, N),
        "probs": jax.random.uniform(ks[4], (N,), dtype=jnp.float32),
        "adj_mat": jax.random.uniform(ks[5], (N, N), dtype=jnp.float32),
        "adj_t": jax.random.uniform(ks[6], (N, N), dtype=jnp.float32),
        "neg_num": 5,
    }


def reference(embed_s, embed_t, idx_s, idx_t, probs, adj_mat, adj_t, neg_num):
    # map_s / map_t are identity; sample_way='neg'; sim=inner_product; act=identity; loss=MSE
    B = idx_s.shape[0]
    # computed unconditionally in the original (unused for sample_way='neg')
    similarity = pairwise_cosine(embed_s, embed_t)
    x_s = jnp.take(embed_s, idx_s, axis=0)
    x_t = jnp.take(embed_t, idx_t, axis=0)
    y_pos = adj_mat[idx_s, idx_t]  # [B]
    # negative sampling: uniform over target nodes (deterministic key for reproducibility)
    nk = jax.random.key(42)
    idx_neg = jax.random.randint(nk, (5, B), 0, embed_t.shape[0]) + (neg_num - neg_num)
    x_neg = jnp.take(embed_t, idx_neg, axis=0)  # [neg, B, d]
    y_neg_st = adj_mat[idx_s[None, :], idx_neg].reshape(-1)  # [neg*B]
    y_neg_tt = adj_t[idx_t[None, :], idx_neg].reshape(-1)    # [neg*B]
    y_hat = jnp.sum(x_s * x_t, axis=1, keepdims=True)  # [B, 1]
    # torch nn.MSELoss broadcasts [B,1] vs [B] -> [B,B]; reproduced faithfully
    loss_pos = jnp.mean((y_hat - y_pos) ** 2)
    y_hat_st = jnp.sum(x_s[None, :, :] * x_neg, axis=2).reshape(-1)
    loss_neg_st = jnp.mean((y_hat_st - y_neg_st) ** 2)
    y_hat_tt = jnp.sum(x_t[None, :, :] * x_neg, axis=2).reshape(-1)
    loss_neg_tt = jnp.mean((y_hat_tt - y_neg_tt) ** 2)
    return (loss_pos + loss_neg_st + loss_neg_tt) / y_hat.shape[0]

if __name__ == "__main__":
    import jax
    _d = setup_inputs()
    print(jax.jit(kernel)(*tuple(_d.values())))

</pallas_src>

<mosaic_0001>
#map = affine_map<(d0, d1) -> (0)>
#map1 = affine_map<(d0, d1) -> (0, 0)>
#map2 = affine_map<(d0, d1) -> (0, 0, 0)>
module attributes {stable_mosaic.version = 14 : i64} {
  func.func @_nsloss_sc(%arg0: i32, %arg1: i32, %arg2: memref<4096xi32, #tpu.memory_space<hbm>>, %arg3: memref<4096xi32, #tpu.memory_space<hbm>>, %arg4: memref<20480xi32, #tpu.memory_space<hbm>>, %arg5: memref<8192x128xf32, #tpu.memory_space<hbm>>, %arg6: memref<8192x128xf32, #tpu.memory_space<hbm>>, %arg7: memref<67108864xf32, #tpu.memory_space<hbm>>, %arg8: memref<67108864xf32, #tpu.memory_space<hbm>>, %arg9: memref<32x6x16xf32, #tpu.memory_space<hbm>>, %arg10: memref<128xi32, #tpu.memory_space<vmem>>, %arg11: memref<128xi32, #tpu.memory_space<vmem>>, %arg12: memref<5x128xi32, #tpu.memory_space<vmem>>, %arg13: memref<128xi32, #tpu.memory_space<vmem>>, %arg14: memref<5x128xi32, #tpu.memory_space<vmem>>, %arg15: memref<5x128xi32, #tpu.memory_space<vmem>>, %arg16: memref<128x128xf32, #tpu.memory_space<vmem>>, %arg17: memref<128x128xf32, #tpu.memory_space<vmem>>, %arg18: memref<5x128x128xf32, #tpu.memory_space<vmem>>, %arg19: memref<128xf32, #tpu.memory_space<vmem>>, %arg20: memref<5x128xf32, #tpu.memory_space<vmem>>, %arg21: memref<5x128xf32, #tpu.memory_space<vmem>>, %arg22: memref<6x16xf32, #tpu.memory_space<vmem>>, %arg23: memref<!tpu.dma_semaphore, #tpu.memory_space<semaphore_mem>>) attributes {dimension_semantics = [#tpu.dimension_semantics<core_parallel>, #tpu.dimension_semantics<subcore_parallel>], iteration_bounds = array<i64: 2, 16>, scalar_prefetch = 0 : i64, scratch_operands = 14 : i64, tpu.core_type = #tpu.core_type<sc_vector_subcore>, window_params = [{transform_indices = #map}, {transform_indices = #map}, {transform_indices = #map}, {transform_indices = #map1}, {transform_indices = #map1}, {transform_indices = #map}, {transform_indices = #map}, {transform_indices = #map2}]} {
    %mul3A = arith.constant 2 : i32
    %mul3A_0 = arith.muli %arg1, %mul3A : i32
    %add3A = arith.addi %mul3A_0, %arg0 : i32
    %mul3A_1 = arith.constant 128 : i32
    %mul3A_2 = arith.muli %add3A, %mul3A_1 : i32
    "tpu.region"() ({
      %run_scoped3A_1948 = tpu.sem_alloc : memref<!tpu.dma_semaphore, #tpu.memory_space<semaphore_mem>>
      %dma_start3A_1949 = tpu.memref_slice %arg2[%mul3A_2] : memref<4096xi32, #tpu.memory_space<hbm>> -> memref<128xi32, #tpu.memory_space<hbm>>
      %dma_start3A_1950 = tpu.memref_slice %arg2[%mul3A_2] : memref<4096xi32, #tpu.memory_space<hbm>> -> memref<128xi32, #tpu.memory_space<hbm>>
      tpu.enqueue_dma source(%dma_start3A_1950 : memref<128xi32, #tpu.memory_space<hbm>>) target(%arg10 : memref<128xi32, #tpu.memory_space<vmem>>) target_semaphore(%run_scoped3A_1948 : memref<!tpu.dma_semaphore, #tpu.memory_space<semaphore_mem>>)
      %dma_wait3A_1951 = tpu.memref_slice %arg2[%mul3A_2] : memref<4096xi32, #tpu.memory_space<hbm>> -> memref<128xi32, #tpu.memory_space<hbm>>
      %dma_wait3A_1952 = tpu.memref_slice %arg2[%mul3A_2] : memref<4096xi32, #tpu.memory_space<hbm>> -> memref<128xi32, #tpu.memory_space<hbm>>
      tpu.wait_dma2 semaphore(%run_scoped3A_1948 : memref<!tpu.dma_semaphore, #tpu.memory_space<semaphore_mem>>) src(%dma_wait3A_1952 : memref<128xi32, #tpu.memory_space<hbm>>) dst(%arg10 : memref<128xi32, #tpu.memory_space<vmem>>)
      tpu.yield
    }) : () -> ()
    "tpu.region"() ({
      %run_scoped3A_1948 = tpu.sem_alloc : memref<!tpu.dma_semaphore, #tpu.memory_space<semaphore_mem>>
      %dma_start3A_1949 = tpu.memref_slice %arg3[%mul3A_2] : memref<4096xi32, #tpu.memory_space<hbm>> -> memref<128xi32, #tpu.memory_space<hbm>>
      %dma_start3A_1950 = tpu.memref_slice %arg3[%mul3A_2] : memref<4096xi32, #tpu.memory_space<hbm>> -> memref<128xi32, #tpu.memory_space<hbm>>
      tpu.enqueue_dma source(%dma_start3A_1950 : memref<128xi32, #tpu.memory_space<hbm>>) target(%arg11 : memref<128xi32, #tpu.memory_space<vmem>>) target_semaphore(%run_scoped3A_1948 : memref<!tpu.dma_semaphore, #tpu.memory_space<semaphore_mem>>)
      %dma_wait3A_1951 = tpu.memref_slice %arg3[%mul3A_2] : memref<4096xi32, #tpu.memory_space<hbm>> -> memref<128xi32, #tpu.memory_space<hbm>>
      %dma_wait3A_1952 = tpu.memref_slice %arg3[%mul3A_2] : memref<4096xi32, #tpu.memory_space<hbm>> -> memref<128xi32, #tpu.memory_space<hbm>>
      tpu.wait_dma2 semaphore(%run_scoped3A_1948 : memref<!tpu.dma_semaphore, #tpu.memory_space<semaphore_mem>>) src(%dma_wait3A_1952 : memref<128xi32, #tpu.memory_space<hbm>>) dst(%arg11 : memref<128xi32, #tpu.memory_space<vmem>>)
      tpu.yield
    }) : () -> ()
    %add3A_3 = arith.constant 0 : i32
    %add3A_4 = arith.addi %add3A_3, %mul3A_2 : i32
    %run_scoped3A = arith.constant 0 : i32
    "tpu.region"() ({
      %run_scoped3A_1948 = tpu.sem_alloc : memref<!tpu.dma_semaphore, #tpu.memory_space<semaphore_mem>>
      %dma_start3A_1949 = arith.constant 0 : i32
      %dma_start3A_1950 = tpu.memref_slice %arg12[%run_scoped3A, %dma_start3A_1949] : memref<5x128xi32, #tpu.memory_space<vmem>> -> memref<1x128xi32, #tpu.memory_space<vmem>>
      %dma_start3A_1951 = tpu.memref_squeeze %dma_start3A_1950 : memref<1x128xi32, #tpu.memory_space<vmem>> -> memref<128xi32, #tpu.memory_space<vmem>>
      %dma_start3A_1952 = tpu.memref_slice %arg4[%add3A_4] : memref<20480xi32, #tpu.memory_space<hbm>> -> memref<128xi32, #tpu.memory_space<hbm>>
      %dma_start3A_1953 = arith.constant 0 : i32
      %dma_start3A_1954 = tpu.memref_slice %arg12[%run_scoped3A, %dma_start3A_1953] : memref<5x128xi32, #tpu.memory_space<vmem>> -> memref<1x128xi32, #tpu.memory_space<vmem>>
      %dma_start3A_1955 = tpu.memref_squeeze %dma_start3A_1954 : memref<1x128xi32, #tpu.memory_space<vmem>> -> memref<128xi32, #tpu.memory_space<vmem>>
      %dma_start3A_1956 = tpu.memref_slice %arg4[%add3A_4] : memref<20480xi32, #tpu.memory_space<hbm>> -> memref<128xi32, #tpu.memory_space<hbm>>
      tpu.enqueue_dma source(%dma_start3A_1956 : memref<128xi32, #tpu.memory_space<hbm>>) target(%dma_start3A_1955 : memref<128xi32, #tpu.memory_space<vmem>>) target_semaphore(%run_scoped3A_1948 : memref<!tpu.dma_semaphore, #tpu.memory_space<semaphore_mem>>)
      %dma_wait3A_1957 = arith.constant 0 : i32
      %dma_wait3A_1958 = tpu.memref_slice %arg12[%run_scoped3A, %dma_wait3A_1957] : memref<5x128xi32, #tpu.memory_space<vmem>> -> memref<1x128xi32, #tpu.memory_space<vmem>>
      %dma_wait3A_1959 = tpu.memref_squeeze %dma_wait3A_1958 : memref<1x128xi32, #tpu.memory_space<vmem>> -> memref<128xi32, #tpu.memory_space<vmem>>
      %dma_wait3A_1960 = tpu.memref_slice %arg4[%add3A_4] : memref<20480xi32, #tpu.memory_space<hbm>> -> memref<128xi32, #tpu.memory_space<hbm>>
      %dma_wait3A_1961 = arith.constant 0 : i32
      %dma_wait3A_1962 = tpu.memref_slice %arg12[%run_scoped3A, %dma_wait3A_1961] : memref<5x128xi32, #tpu.memory_space<vmem>> -> memref<1x128xi32, #tpu.memory_space<vmem>>
      %dma_wait3A_1963 = tpu.memref_squeeze %dma_wait3A_1962 : memref<1x128xi32, #tpu.memory_space<vmem>> -> memref<128xi32, #tpu.memory_space<vmem>>
      %dma_wait3A_1964 = tpu.memref_slice %arg4[%add3A_4] : memref<20480xi32, #tpu.memory_space<hbm>> -> memref<128xi32, #tpu.memory_space<hbm>>
      tpu.wait_dma2 semaphore(%run_scoped3A_1948 : memref<!tpu.dma_semaphore, #tpu.memory_space<semaphore_mem>>) src(%dma_wait3A_1964 : memref<128xi32, #tpu.memory_space<hbm>>) dst(%dma_wait3A_1963 : memref<128xi32, #tpu.memory_space<vmem>>)
      tpu.yield
    }) : () -> ()
    %add3A_5 = arith.constant 4096 : i32
    %add3A_6 = arith.addi %add3A_5, %mul3A_2 : i32
    %run_scoped3A_7 = arith.constant 1 : i32
    "tpu.region"() ({
      %run_scoped3A_1948 = tpu.sem_alloc : memref<!tpu.dma_semaphore, #tpu.memory_space<semaphore_mem>>
      %dma_start3A_1949 = arith.constant 0 : i32
      %dma_start3A_1950 = tpu.memref_slice %arg12[%run_scoped3A_7, %dma_start3A_1949] : memref<5x128xi32, #tpu.memory_space<vmem>> -> memref<1x128xi32, #tpu.memory_space<vmem>>
      %dma_start3A_1951 = tpu.memref_squeeze %dma_start3A_1950 : memref<1x128xi32, #tpu.memory_space<vmem>> -> memref<128xi32, #tpu.memory_space<vmem>>
      %dma_start3A_1952 = tpu.memref_slice %arg4[%add3A_6] : memref<20480xi32, #tpu.memory_space<hbm>> -> memref<128xi32, #tpu.memory_space<hbm>>
      %dma_start3A_1953 = arith.constant 0 : i32
      %dma_start3A_1954 = tpu.memref_slice %arg12[%run_scoped3A_7, %dma_start3A_1953] : memref<5x128xi32, #tpu.memory_space<vmem>> -> memref<1x128xi32, #tpu.memory_space<vmem>>
      %dma_start3A_1955 = tpu.memref_squeeze %dma_start3A_1954 : memref<1x128xi32, #tpu.memory_space<vmem>> -> memref<128xi32, #tpu.memory_space<vmem>>
      %dma_start3A_1956 = tpu.memref_slice %arg4[%add3A_6] : memref<20480xi32, #tpu.memory_space<hbm>> -> memref<128xi32, #tpu.memory_space<hbm>>
      tpu.enqueue_dma source(%dma_start3A_1956 : memref<128xi32, #tpu.memory_space<hbm>>) target(%dma_start3A_1955 : memref<128xi32, #tpu.memory_space<vmem>>) target_semaphore(%run_scoped3A_1948 : memref<!tpu.dma_semaphore, #tpu.memory_space<semaphore_mem>>)
      %dma_wait3A_1957 = arith.constant 0 : i32
      %dma_wait3A_1958 = tpu.memref_slice %arg12[%run_scoped3A_7, %dma_wait3A_1957] : memref<5x128xi32, #tpu.memory_space<vmem>> -> memref<1x128xi32, #tpu.memory_space<vmem>>
      %dma_wait3A_1959 = tpu.memref_squeeze %dma_wait3A_1958 : memref<1x128xi32, #tpu.memory_space<vmem>> -> memref<128xi32, #tpu.memory_space<vmem>>
      %dma_wait3A_1960 = tpu.memref_slice %arg4[%add3A_6] : memref<20480xi32, #tpu.memory_space<hbm>> -> memref<128xi32, #tpu.memory_space<hbm>>
      %dma_wait3A_1961 = arith.constant 0 : i32
      %dma_wait3A_1962 = tpu.memref_slice %arg12[%run_scoped3A_7, %dma_wait3A_1961] : memref<5x128xi32, #tpu.memory_space<vmem>> -> memref<1x128xi32, #tpu.memory_space<vmem>>
      %dma_wait3A_1963 = tpu.memref_squeeze %dma_wait3A_1962 : memref<1x128xi32, #tpu.memory_space<vmem>> -> memref<128xi32, #tpu.memory_space<vmem>>
      %dma_wait3A_1964 = tpu.memref_slice %arg4[%add3A_6] : memref<20480xi32, #tpu.memory_space<hbm>> -> memref<128xi32, #tpu.memory_space<hbm>>
      tpu.wait_dma2 semaphore(%run_scoped3A_1948 : memref<!tpu.dma_semaphore, #tpu.memory_space<semaphore_mem>>) src(%dma_wait3A_1964 : memref<128xi32, #tpu.memory_space<hbm>>) dst(%dma_wait3A_1963 : memref<128xi32, #tpu.memory_space<vmem>>)
      tpu.yield
    }) : () -> ()
    %add3A_8 = arith.constant 8192 : i32
    %add3A_9 = arith.addi %add3A_8, %mul3A_2 : i32
    %run_scoped3A_10 = arith.constant 2 : i32
    "tpu.region"() ({
      %run_scoped3A_1948 = tpu.sem_alloc : memref<!tpu.dma_semaphore, #tpu.memory_space<semaphore_mem>>
      %dma_start3A_1949 = arith.constant 0 : i32
      %dma_start3A_1950 = tpu.memref_slice %arg12[%run_scoped3A_10, %dma_start3A_1949] : memref<5x128xi32, #tpu.memory_space<vmem>> -> memref<1x128xi32, #tpu.memory_space<vmem>>
      %dma_start3A_1951 = tpu.memref_squeeze %dma_start3A_1950 : memref<1x128xi32, #tpu.memory_space<vmem>> -> memref<128xi32, #tpu.memory_space<vmem>>
      %dma_start3A_1952 = tpu.memref_slice %arg4[%add3A_9] : memref<20480xi32, #tpu.memory_space<hbm>> -> memref<128xi32, #tpu.memory_space<hbm>>
      %dma_start3A_1953 = arith.constant 0 : i32
      %dma_start3A_1954 = tpu.memref_slice %arg12[%run_scoped3A_10, %dma_start3A_1953] : memref<5x128xi32, #tpu.memory_space<vmem>> -> memref<1x128xi32, #tpu.memory_space<vmem>>
      %dma_start3A_1955 = tpu.memref_squeeze %dma_start3A_1954 : memref<1x128xi32, #tpu.memory_space<vmem>> -> memref<128xi32, #tpu.memory_space<vmem>>
      %dma_start3A_1956 = tpu.memref_slice %arg4[%add3A_9] : memref<20480xi32, #tpu.memory_space<hbm>> -> memref<128xi32, #tpu.memory_space<hbm>>
      tpu.enqueue_dma source(%dma_start3A_1956 : memref<128xi32, #tpu.memory_space<hbm>>) target(%dma_start3A_1955 : memref<128xi32, #tpu.memory_space<vmem>>) target_semaphore(%run_scoped3A_1948 : memref<!tpu.dma_semaphore, #tpu.memory_space<semaphore_mem>>)
      %dma_wait3A_1957 = arith.constant 0 : i32
      %dma_wait3A_1958 = tpu.memref_slice %arg12[%run_scoped3A_10, %dma_wait3A_1957] : memref<5x128xi32, #tpu.memory_space<vmem>> -> memref<1x128xi32, #tpu.memory_space<vmem>>
      %dma_wait3A_1959 = tpu.memref_squeeze %dma_wait3A_1958 : memref<1x128xi32, #tpu.memory_space<vmem>> -> memref<128xi32, #tpu.memory_space<vmem>>
      %dma_wait3A_1960 = tpu.memref_slice %arg4[%add3A_9] : memref<20480xi32, #tpu.memory_space<hbm>> -> memref<128xi32, #tpu.memory_space<hbm>>
      %dma_wait3A_1961 = arith.constant 0 : i32
      %dma_wait3A_1962 = tpu.memref_slice %arg12[%run_scoped3A_10, %dma_wait3A_1961] : memref<5x128xi32, #tpu.memory_space<vmem>> -> memref<1x128xi32, #tpu.memory_space<vmem>>
      %dma_wait3A_1963 = tpu.memref_squeeze %dma_wait3A_1962 : memref<1x128xi32, #tpu.memory_space<vmem>> -> memref<128xi32, #tpu.memory_space<vmem>>
      %dma_wait3A_1964 = tpu.memref_slice %arg4[%add3A_9] : memref<20480xi32, #tpu.memory_space<hbm>> -> memref<128xi32, #tpu.memory_space<hbm>>
      tpu.wait_dma2 semaphore(%run_scoped3A_1948 : memref<!tpu.dma_semaphore, #tpu.memory_space<semaphore_mem>>) src(%dma_wait3A_1964 : memref<128xi32, #tpu.memory_space<hbm>>) dst(%dma_wait3A_1963 : memref<128xi32, #tpu.memory_space<vmem>>)
      tpu.yield
    }) : () -> ()
    %add3A_11 = arith.constant 12288 : i32
    %add3A_12 = arith.addi %add3A_11, %mul3A_2 : i32
    %run_scoped3A_13 = arith.constant 3 : i32
    "tpu.region"() ({
      %run_scoped3A_1948 = tpu.sem_alloc : memref<!tpu.dma_semaphore, #tpu.memory_space<semaphore_mem>>
      %dma_start3A_1949 = arith.constant 0 : i32
      %dma_start3A_1950 = tpu.memref_slice %arg12[%run_scoped3A_13, %dma_start3A_1949] : memref<5x128xi32, #tpu.memory_space<vmem>> -> memref<1x128xi32, #tpu.memory_space<vmem>>
      %dma_start3A_1951 = tpu.memref_squeeze %dma_start3A_1950 : memref<1x128xi32, #tpu.memory_space<vmem>> -> memref<128xi32, #tpu.memory_space<vmem>>
      %dma_start3A_1952 = tpu.memref_slice %arg4[%add3A_12] : memref<20480xi32, #tpu.memory_space<hbm>> -> memref<128xi32, #tpu.memory_space<hbm>>
      %dma_start3A_1953 = arith.constant 0 : i32
      %dma_start3A_1954 = tpu.memref_slice %arg12[%run_scoped3A_13, %dma_start3A_1953] : memref<5x128xi32, #tpu.memory_space<vmem>> -> memref<1x128xi32, #tpu.memory_space<vmem>>
      %dma_start3A_1955 = tpu.memref_squeeze %dma_start3A_1954 : memref<1x128xi32, #tpu.memory_space<vmem>> -> memref<128xi32, #tpu.memory_space<vmem>>
      %dma_start3A_1956 = tpu.memref_slice %arg4[%add3A_12] : memref<20480xi32, #tpu.memory_space<hbm>> -> memref<128xi32, #tpu.memory_space<hbm>>
      tpu.enqueue_dma source(%dma_start3A_1956 : memref<128xi32, #tpu.memory_space<hbm>>) target(%dma_start3A_1955 : memref<128xi32, #tpu.memory_space<vmem>>) target_semaphore(%run_scoped3A_1948 : memref<!tpu.dma_semaphore, #tpu.memory_space<semaphore_mem>>)
      %dma_wait3A_1957 = arith.constant 0 : i32
      %dma_wait3A_1958 = tpu.memref_slice %arg12[%run_scoped3A_13, %dma_wait3A_1957] : memref<5x128xi32, #tpu.memory_space<vmem>> -> memref<1x128xi32, #tpu.memory_space<vmem>>
      %dma_wait3A_1959 = tpu.memref_squeeze %dma_wait3A_1958 : memref<1x128xi32, #tpu.memory_space<vmem>> -> memref<128xi32, #tpu.memory_space<vmem>>
      %dma_wait3A_1960 = tpu.memref_slice %arg4[%add3A_12] : memref<20480xi32, #tpu.memory_space<hbm>> -> memref<128xi32, #tpu.memory_space<hbm>>
      %dma_wait3A_1961 = arith.constant 0 : i32
      %dma_wait3A_1962 = tpu.memref_slice %arg12[%run_scoped3A_13, %dma_wait3A_1961] : memref<5x128xi32, #tpu.memory_space<vmem>> -> memref<1x128xi32, #tpu.memory_space<vmem>>
      %dma_wait3A_1963 = tpu.memref_squeeze %dma_wait3A_1962 : memref<1x128xi32, #tpu.memory_space<vmem>> -> memref<128xi32, #tpu.memory_space<vmem>>
      %dma_wait3A_1964 = tpu.memref_slice %arg4[%add3A_12] : memref<20480xi32, #tpu.memory_space<hbm>> -> memref<128xi32, #tpu.memory_space<hbm>>
      tpu.wait_dma2 semaphore(%run_scoped3A_1948 : memref<!tpu.dma_semaphore, #tpu.memory_space<semaphore_mem>>) src(%dma_wait3A_1964 : memref<128xi32, #tpu.memory_space<hbm>>) dst(%dma_wait3A_1963 : memref<128xi32, #tpu.memory_space<vmem>>)
      tpu.yield
    }) : () -> ()
    %add3A_14 = arith.constant 16384 : i32
    %add3A_15 = arith.addi %add3A_14, %mul3A_2 : i32
    %run_scoped3A_16 = arith.constant 4 : i32
    "tpu.region"() ({
      %run_scoped3A_1948 = tpu.sem_alloc : memref<!tpu.dma_semaphore, #tpu.memory_space<semaphore_mem>>
      %dma_start3A_1949 = arith.constant 0 : i32
      %dma_start3A_1950 = tpu.memref_slice %arg12[%run_scoped3A_16, %dma_start3A_1949] : memref<5x128xi32, #tpu.memory_space<vmem>> -> memref<1x128xi32, #tpu.memory_space<vmem>>
      %dma_start3A_1951 = tpu.memref_squeeze %dma_start3A_1950 : memref<1x128xi32, #tpu.memory_space<vmem>> -> memref<128xi32, #tpu.memory_space<vmem>>
      %dma_start3A_1952 = tpu.memref_slice %arg4[%add3A_15] : memref<20480xi32, #tpu.memory_space<hbm>> -> memref<128xi32, #tpu.memory_space<hbm>>
      %dma_start3A_1953 = arith.constant 0 : i32
      %dma_start3A_1954 = tpu.memref_slice %arg12[%run_scoped3A_16, %dma_start3A_1953] : memref<5x128xi32, #tpu.memory_space<vmem>> -> memref<1x128xi32, #tpu.memory_space<vmem>>
      %dma_start3A_1955 = tpu.memref_squeeze %dma_start3A_1954 : memref<1x128xi32, #tpu.memory_space<vmem>> -> memref<128xi32, #tpu.memory_space<vmem>>
      %dma_start3A_1956 = tpu.memref_slice %arg4[%add3A_15] : memref<20480xi32, #tpu.memory_space<hbm>> -> memref<128xi32, #tpu.memory_space<hbm>>
      tpu.enqueue_dma source(%dma_start3A_1956 : memref<128xi32, #tpu.memory_space<hbm>>) target(%dma_start3A_1955 : memref<128xi32, #tpu.memory_space<vmem>>) target_semaphore(%run_scoped3A_1948 : memref<!tpu.dma_semaphore, #tpu.memory_space<semaphore_mem>>)
      %dma_wait3A_1957 = arith.constant 0 : i32
      %dma_wait3A_1958 = tpu.memref_slice %arg12[%run_scoped3A_16, %dma_wait3A_1957] : memref<5x128xi32, #tpu.memory_space<vmem>> -> memref<1x128xi32, #tpu.memory_space<vmem>>
      %dma_wait3A_1959 = tpu.memref_squeeze %dma_wait3A_1958 : memref<1x128xi32, #tpu.memory_space<vmem>> -> memref<128xi32, #tpu.memory_space<vmem>>
      %dma_wait3A_1960 = tpu.memref_slice %arg4[%add3A_15] : memref<20480xi32, #tpu.memory_space<hbm>> -> memref<128xi32, #tpu.memory_space<hbm>>
      %dma_wait3A_1961 = arith.constant 0 : i32
      %dma_wait3A_1962 = tpu.memref_slice %arg12[%run_scoped3A_16, %dma_wait3A_1961] : memref<5x128xi32, #tpu.memory_space<vmem>> -> memref<1x128xi32, #tpu.memory_space<vmem>>
      %dma_wait3A_1963 = tpu.memref_squeeze %dma_wait3A_1962 : memref<1x128xi32, #tpu.memory_space<vmem>> -> memref<128xi32, #tpu.memory_space<vmem>>
      %dma_wait3A_1964 = tpu.memref_slice %arg4[%add3A_15] : memref<20480xi32, #tpu.memory_space<hbm>> -> memref<128xi32, #tpu.memory_space<hbm>>
      tpu.wait_dma2 semaphore(%run_scoped3A_1948 : memref<!tpu.dma_semaphore, #tpu.memory_space<semaphore_mem>>) src(%dma_wait3A_1964 : memref<128xi32, #tpu.memory_space<hbm>>) dst(%dma_wait3A_1963 : memref<128xi32, #tpu.memory_space<vmem>>)
      tpu.yield
    }) : () -> ()
    %dma_start3A = arith.constant 0 : i32
    %dma_start3A_17 = arith.constant 0 : i32
    %dma_start3A_18 = tpu.memref_slice %arg5[%dma_start3A, %dma_start3A_17] : memref<8192x128xf32, #tpu.memory_space<hbm>> -> memref<8192x128xf32, #tpu.memory_space<hbm>>
    tpu.enqueue_indirect_dma source(%dma_start3A_18 : memref<8192x128xf32, #tpu.memory_space<hbm>>) target(%arg16 : memref<128x128xf32, #tpu.memory_space<vmem>>) offsets(%arg10 : memref<128xi32, #tpu.memory_space<vmem>>) semaphore(%arg23 : memref<!tpu.dma_semaphore, #tpu.memory_space<semaphore_mem>>)
    %dma_start3A_19 = arith.constant 0 : i32
    %dma_start3A_20 = arith.constant 0 : i32
    %dma_start3A_21 = tpu.memref_slice %arg6[%dma_start3A_19, %dma_start3A_20] : memref<8192x128xf32, #tpu.memory_space<hbm>> -> memref<8192x128xf32, #tpu.memory_space<hbm>>
    tpu.enqueue_indirect_dma source(%dma_start3A_21 : memref<8192x128xf32, #tpu.memory_space<hbm>>) target(%arg17 : memref<128x128xf32, #tpu.memory_space<vmem>>) offsets(%arg11 : memref<128xi32, #tpu.memory_space<vmem>>) semaphore(%arg23 : memref<!tpu.dma_semaphore, #tpu.memory_space<semaphore_mem>>)
    %dma_start3A_22 = arith.constant 0 : i32
    %dma_start3A_23 = arith.constant 0 : i32
    %dma_start3A_24 = arith.constant 0 : i32
    %dma_start3A_25 = arith.constant 0 : i32
    %dma_start3A_26 = tpu.memref_slice %arg18[%dma_start3A_23, %dma_start3A_24, %dma_start3A_25] : memref<5x128x128xf32, #tpu.memory_space<vmem>> -> memref<1x128x128xf32, #tpu.memory_space<vmem>>
    %dma_start3A_27 = tpu.memref_squeeze %dma_start3A_26 : memref<1x128x128xf32, #tpu.memory_space<vmem>> -> memref<128x128xf32, #tpu.memory_space<vmem>>
    %dma_start3A_28 = arith.constant 0 : i32
    %dma_start3A_29 = tpu.memref_slice %arg12[%dma_start3A_22, %dma_start3A_28] : memref<5x128xi32, #tpu.memory_space<vmem>> -> memref<1x128xi32, #tpu.memory_space<vmem>>
    %dma_start3A_30 = tpu.memref_squeeze %dma_start3A_29 : memref<1x128xi32, #tpu.memory_space<vmem>> -> memref<128xi32, #tpu.memory_space<vmem>>
    %dma_start3A_31 = arith.constant 0 : i32
    %dma_start3A_32 = arith.constant 0 : i32
    %dma_start3A_33 = tpu.memref_slice %arg6[%dma_start3A_31, %dma_start3A_32] : memref<8192x128xf32, #tpu.memory_space<hbm>> -> memref<8192x128xf32, #tpu.memory_space<hbm>>
    tpu.enqueue_indirect_dma source(%dma_start3A_33 : memref<8192x128xf32, #tpu.memory_space<hbm>>) target(%dma_start3A_27 : memref<128x128xf32, #tpu.memory_space<vmem>>) offsets(%dma_start3A_30 : memref<128xi32, #tpu.memory_space<vmem>>) semaphore(%arg23 : memref<!tpu.dma_semaphore, #tpu.memory_space<semaphore_mem>>)
    %dma_start3A_34 = arith.constant 1 : i32
    %dma_start3A_35 = arith.constant 1 : i32
    %dma_start3A_36 = arith.constant 0 : i32
    %dma_start3A_37 = arith.constant 0 : i32
    %dma_start3A_38 = tpu.memref_slice %arg18[%dma_start3A_35, %dma_start3A_36, %dma_start3A_37] : memref<5x128x128xf32, #tpu.memory_space<vmem>> -> memref<1x128x128xf32, #tpu.memory_space<vmem>>
    %dma_start3A_39 = tpu.memref_squeeze %dma_start3A_38 : memref<1x128x128xf32, #tpu.memory_space<vmem>> -> memref<128x128xf32, #tpu.memory_space<vmem>>
    %dma_start3A_40 = arith.constant 0 : i32
    %dma_start3A_41 = tpu.memref_slice %arg12[%dma_start3A_34, %dma_start3A_40] : memref<5x128xi32, #tpu.memory_space<vmem>> -> memref<1x128xi32, #tpu.memory_space<vmem>>
    %dma_start3A_42 = tpu.memref_squeeze %dma_start3A_41 : memref<1x128xi32, #tpu.memory_space<vmem>> -> memref<128xi32, #tpu.memory_space<vmem>>
    %dma_start3A_43 = arith.constant 0 : i32
    %dma_start3A_44 = arith.constant 0 : i32
    %dma_start3A_45 = tpu.memref_slice %arg6[%dma_start3A_43, %dma_start3A_44] : memref<8192x128xf32, #tpu.memory_space<hbm>> -> memref<8192x128xf32, #tpu.memory_space<hbm>>
    tpu.enqueue_indirect_dma source(%dma_start3A_45 : memref<8192x128xf32, #tpu.memory_space<hbm>>) target(%dma_start3A_39 : memref<128x128xf32, #tpu.memory_space<vmem>>) offsets(%dma_start3A_42 : memref<128xi32, #tpu.memory_space<vmem>>) semaphore(%arg23 : memref<!tpu.dma_semaphore, #tpu.memory_space<semaphore_mem>>)
    %dma_start3A_46 = arith.constant 2 : i32
    %dma_start3A_47 = arith.constant 2 : i32
    %dma_start3A_48 = arith.constant 0 : i32
    %dma_start3A_49 = arith.constant 0 : i32
    %dma_start3A_50 = tpu.memref_slice %arg18[%dma_start3A_47, %dma_start3A_48, %dma_start3A_49] : memref<5x128x128xf32, #tpu.memory_space<vmem>> -> memref<1x128x128xf32, #tpu.memory_space<vmem>>
    %dma_start3A_51 = tpu.memref_squeeze %dma_start3A_50 : memref<1x128x128xf32, #tpu.memory_space<vmem>> -> memref<128x128xf32, #tpu.memory_space<vmem>>
    %dma_start3A_52 = arith.constant 0 : i32
    %dma_start3A_53 = tpu.memref_slice %arg12[%dma_start3A_46, %dma_start3A_52] : memref<5x128xi32, #tpu.memory_space<vmem>> -> memref<1x128xi32, #tpu.memory_space<vmem>>
    %dma_start3A_54 = tpu.memref_squeeze %dma_start3A_53 : memref<1x128xi32, #tpu.memory_space<vmem>> -> memref<128xi32, #tpu.memory_space<vmem>>
    %dma_start3A_55 = arith.constant 0 : i32
    %dma_start3A_56 = arith.constant 0 : i32
    %dma_start3A_57 = tpu.memref_slice %arg6[%dma_start3A_55, %dma_start3A_56] : memref<8192x128xf32, #tpu.memory_space<hbm>> -> memref<8192x128xf32, #tpu.memory_space<hbm>>
    tpu.enqueue_indirect_dma source(%dma_start3A_57 : memref<8192x128xf32, #tpu.memory_space<hbm>>) target(%dma_start3A_51 : memref<128x128xf32, #tpu.memory_space<vmem>>) offsets(%dma_start3A_54 : memref<128xi32, #tpu.memory_space<vmem>>) semaphore(%arg23 : memref<!tpu.dma_semaphore, #tpu.memory_space<semaphore_mem>>)
    %dma_start3A_58 = arith.constant 3 : i32
    %dma_start3A_59 = arith.constant 3 : i32
    %dma_start3A_60 = arith.constant 0 : i32
    %dma_start3A_61 = arith.constant 0 : i32
    %dma_start3A_62 = tpu.memref_slice %arg18[%dma_start3A_59, %dma_start3A_60, %dma_start3A_61] : memref<5x128x128xf32, #tpu.memory_space<vmem>> -> memref<1x128x128xf32, #tpu.memory_space<vmem>>
    %dma_start3A_63 = tpu.memref_squeeze %dma_start3A_62 : memref<1x128x128xf32, #tpu.memory_space<vmem>> -> memref<128x128xf32, #tpu.memory_space<vmem>>
    %dma_start3A_64 = arith.constant 0 : i32
    %dma_start3A_65 = tpu.memref_slice %arg12[%dma_start3A_58, %dma_start3A_64] : memref<5x128xi32, #tpu.memory_space<vmem>> -> memref<1x128xi32, #tpu.memory_space<vmem>>
    %dma_start3A_66 = tpu.memref_squeeze %dma_start3A_65 : memref<1x128xi32, #tpu.memory_space<vmem>> -> memref<128xi32, #tpu.memory_space<vmem>>
    %dma_start3A_67 = arith.constant 0 : i32
    %dma_start3A_68 = arith.constant 0 : i32
    %dma_start3A_69 = tpu.memref_slice %arg6[%dma_start3A_67, %dma_start3A_68] : memref<8192x128xf32, #tpu.memory_space<hbm>> -> memref<8192x128xf32, #tpu.memory_space<hbm>>
    tpu.enqueue_indirect_dma source(%dma_start3A_69 : memref<8192x128xf32, #tpu.memory_space<hbm>>) target(%dma_start3A_63 : memref<128x128xf32, #tpu.memory_space<vmem>>) offsets(%dma_start3A_66 : memref<128xi32, #tpu.memory_space<vmem>>) semaphore(%arg23 : memref<!tpu.dma_semaphore, #tpu.memory_space<semaphore_mem>>)
    %dma_start3A_70 = arith.constant 4 : i32
    %dma_start3A_71 = arith.constant 4 : i32
    %dma_start3A_72 = arith.constant 0 : i32
    %dma_start3A_73 = arith.constant 0 : i32
    %dma_start3A_74 = tpu.memref_slice %arg18[%dma_start3A_71, %dma_start3A_72, %dma_start3A_73] : memref<5x128x128xf32, #tpu.memory_space<vmem>> -> memref<1x128x128xf32, #tpu.memory_space<vmem>>
    %dma_start3A_75 = tpu.memref_squeeze %dma_start3A_74 : memref<1x128x128xf32, #tpu.memory_space<vmem>> -> memref<128x128xf32, #tpu.memory_space<vmem>>
    %dma_start3A_76 = arith.constant 0 : i32
    %dma_start3A_77 = tpu.memref_slice %arg12[%dma_start3A_70, %dma_start3A_76] : memref<5x128xi32, #tpu.memory_space<vmem>> -> memref<1x128xi32, #tpu.memory_space<vmem>>
    %dma_start3A_78 = tpu.memref_squeeze %dma_start3A_77 : memref<1x128xi32, #tpu.memory_space<vmem>> -> memref<128xi32, #tpu.memory_space<vmem>>
    %dma_start3A_79 = arith.constant 0 : i32
    %dma_start3A_80 = arith.constant 0 : i32
    %dma_start3A_81 = tpu.memref_slice %arg6[%dma_start3A_79, %dma_start3A_80] : memref<8192x128xf32, #tpu.memory_space<hbm>> -> memref<8192x128xf32, #tpu.memory_space<hbm>>
    tpu.enqueue_indirect_dma source(%dma_start3A_81 : memref<8192x128xf32, #tpu.memory_space<hbm>>) target(%dma_start3A_75 : memref<128x128xf32, #tpu.memory_space<vmem>>) offsets(%dma_start3A_78 : memref<128xi32, #tpu.memory_space<vmem>>) semaphore(%arg23 : memref<!tpu.dma_semaphore, #tpu.memory_space<semaphore_mem>>)
    %get3A = arith.constant 0 : index
    %get3A_82 = tpu.vector_load %arg10[%get3A] {strides = array<i32>} : memref<128xi32, #tpu.memory_space<vmem>>, vector<16xi32>,
    %get3A_83 = arith.constant 0 : index
    %get3A_84 = tpu.vector_load %arg11[%get3A_83] {strides = array<i32>} : memref<128xi32, #tpu.memory_space<vmem>>, vector<16xi32>,
    %mul3A_85 = arith.constant 8192 : i32
    %mul3A_86 = vector.broadcast %mul3A_85 : i32 to vector<16xi32>
    %mul3A_87 = arith.muli %get3A_82, %mul3A_86 : vector<16xi32>
    %add3A_88 = arith.addi %mul3A_87, %get3A_84 : vector<16xi32>
    %swap3A = arith.constant 0 : index
    %swap3A_89 = tpu.vector_load %arg13[%swap3A] {strides = array<i32>} : memref<128xi32, #tpu.memory_space<vmem>>, vector<16xi32>,
    tpu.vector_store %arg13[%swap3A], %add3A_88 {strides = array<i32>} : memref<128xi32, #tpu.memory_space<vmem>>, vector<16xi32>,
    %get3A_90 = arith.constant 0 : i32
    %get3A_91 = arith.index_cast %get3A_90 : i32 to index
    %get3A_92 = arith.constant 0 : index
    %get3A_93 = tpu.vector_load %arg12[%get3A_91, %get3A_92] {strides = array<i32>} : memref<5x128xi32, #tpu.memory_space<vmem>>, vector<16xi32>,
    %mul3A_94 = arith.constant 8192 : i32
    %mul3A_95 = vector.broadcast %mul3A_94 : i32 to vector<16xi32>
    %mul3A_96 = arith.muli %get3A_82, %mul3A_95 : vector<16xi32>
    %add3A_97 = arith.addi %mul3A_96, %get3A_93 : vector<16xi32>
    %swap3A_98 = arith.constant 0 : i32
    %swap3A_99 = arith.index_cast %swap3A_98 : i32 to index
    %swap3A_100 = arith.constant 0 : index
    %swap3A_101 = tpu.vector_load %arg14[%swap3A_99, %swap3A_100] {strides = array<i32>} : memref<5x128xi32, #tpu.memory_space<vmem>>, vector<16xi32>,
    tpu.vector_store %arg14[%swap3A_99, %swap3A_100], %add3A_97 {strides = array<i32>} : memref<5x128xi32, #tpu.memory_space<vmem>>, vector<16xi32>,
    %mul3A_102 = arith.constant 8192 : i32
    %mul3A_103 = vector.broadcast %mul3A_102 : i32 to vector<16xi32>
    %mul3A_104 = arith.muli %get3A_84, %mul3A_103 : vector<16xi32>
    %add3A_105 = arith.addi %mul3A_104, %get3A_93 : vector<16xi32>
    %swap3A_106 = arith.constant 0 : i32
    %swap3A_107 = arith.index_cast %swap3A_106 : i32 to index
    %swap3A_108 = arith.constant 0 : index
    %swap3A_109 = tpu.vector_load %arg15[%swap3A_107, %swap3A_108] {strides = array<i32>} : memref<5x128xi32, #tpu.memory_space<vmem>>, vector<16xi32>,
    tpu.vector_store %arg15[%swap3A_107, %swap3A_108], %add3A_105 {strides = array<i32>} : memref<5x128xi32, #tpu.memory_space<vmem>>, vector<16xi32>,
    %get3A_110 = arith.constant 1 : i32
    %get3A_111 = arith.index_cast %get3A_110 : i32 to index
    %get3A_112 = arith.constant 0 : index
    %get3A_113 = tpu.vector_load %arg12[%get3A_111, %get3A_112] {strides = array<i32>} : memref<5x128xi32, #tpu.memory_space<vmem>>, vector<16xi32>,
    %mul3A_114 = arith.constant 8192 : i32
    %mul3A_115 = vector.broadcast %mul3A_114 : i32 to vector<16xi32>
    %mul3A_116 = arith.muli %get3A_82, %mul3A_115 : vector<16xi32>
    %add3A_117 = arith.addi %mul3A_116, %get3A_113 : vector<16xi32>
    %swap3A_118 = arith.constant 1 : i32
    %swap3A_119 = arith.index_cast %swap3A_118 : i32 to index
    %swap3A_120 = arith.constant 0 : index
    %swap3A_121 = tpu.vector_load %arg14[%swap3A_119, %swap3A_120] {strides = array<i32>} : memref<5x128xi32, #tpu.memory_space<vmem>>, vector<16xi32>,
    tpu.vector_store %arg14[%swap3A_119, %swap3A_120], %add3A_117 {strides = array<i32>} : memref<5x128xi32, #tpu.memory_space<vmem>>, vector<16xi32>,
    %mul3A_122 = arith.constant 8192 : i32
    %mul3A_123 = vector.broadcast %mul3A_122 : i32 to vector<16xi32>
    %mul3A_124 = arith.muli %get3A_84, %mul3A_123 : vector<16xi32>
    %add3A_125 = arith.addi %mul3A_124, %get3A_113 : vector<16xi32>
    %swap3A_126 = arith.constant 1 : i32
    %swap3A_127 = arith.index_cast %swap3A_126 : i32 to index
    %swap3A_128 = arith.constant 0 : index
    %swap3A_129 = tpu.vector_load %arg15[%swap3A_127, %swap3A_128] {strides = array<i32>} : memref<5x128xi32, #tpu.memory_space<vmem>>, vector<16xi32>,
    tpu.vector_store %arg15[%swap3A_127, %swap3A_128], %add3A_125 {strides = array<i32>} : memref<5x128xi32, #tpu.memory_space<vmem>>, vector<16xi32>,
    %get3A_130 = arith.constant 2 : i32
    %get3A_131 = arith.index_cast %get3A_130 : i32 to index
    %get3A_132 = arith.constant 0 : index
    %get3A_133 = tpu.vector_load %arg12[%get3A_131, %get3A_132] {strides = array<i32>} : memref<5x128xi32, #tpu.memory_space<vmem>>, vector<16xi32>,
    %mul3A_134 = arith.constant 8192 : i32
    %mul3A_135 = vector.broadcast %mul3A_134 : i32 to vector<16xi32>
    %mul3A_136 = arith.muli %get3A_82, %mul3A_135 : vector<16xi32>
    %add3A_137 = arith.addi %mul3A_136, %get3A_133 : vector<16xi32>
    %swap3A_138 = arith.constant 2 : i32
    %swap3A_139 = arith.index_cast %swap3A_138 : i32 to index
    %swap3A_140 = arith.constant 0 : index
    %swap3A_141 = tpu.vector_load %arg14[%swap3A_139, %swap3A_140] {strides = array<i32>} : memref<5x128xi32, #tpu.memory_space<vmem>>, vector<16xi32>,
    tpu.vector_store %arg14[%swap3A_139, %swap3A_140], %add3A_137 {strides = array<i32>} : memref<5x128xi32, #tpu.memory_space<vmem>>, vector<16xi32>,
    %mul3A_142 = arith.constant 8192 : i32
    %mul3A_143 = vector.broadcast %mul3A_142 : i32 to vector<16xi32>
    %mul3A_144 = arith.muli %get3A_84, %mul3A_143 : vector<16xi32>
    %add3A_145 = arith.addi %mul3A_144, %get3A_133 : vector<16xi32>
    %swap3A_146 = arith.constant 2 : i32
    %swap3A_147 = arith.index_cast %swap3A_146 : i32 to index
    %swap3A_148 = arith.constant 0 : index
    %swap3A_149 = tpu.vector_load %arg15[%swap3A_147, %swap3A_148] {strides = array<i32>} : memref<5x128xi32, #tpu.memory_space<vmem>>, vector<16xi32>,
    tpu.vector_store %arg15[%swap3A_147, %swap3A_148], %add3A_145 {strides = array<i32>} : memref<5x128xi32, #tpu.memory_space<vmem>>, vector<16xi32>,
    %get3A_150 = arith.constant 3 : i32
    %get3A_151 = arith.index_cast %get3A_150 : i32 to index
    %get3A_152 = arith.constant 0 : index
    %get3A_153 = tpu.vector_load %arg12[%get3A_151, %get3A_152] {strides = array<i32>} : memref<5x128xi32, #tpu.memory_space<vmem>>, vector<16xi32>,
    %mul3A_154 = arith.constant 8192 : i32
    %mul3A_155 = vector.broadcast %mul3A_154 : i32 to vector<16xi32>
    %mul3A_156 = arith.muli %get3A_82, %mul3A_155 : vector<16xi32>
    %add3A_157 = arith.addi %mul3A_156, %get3A_153 : vector<16xi32>
    %swap3A_158 = arith.constant 3 : i32
    %swap3A_159 = arith.index_cast %swap3A_158 : i32 to index
    %swap3A_160 = arith.constant 0 : index
    %swap3A_161 = tpu.vector_load %arg14[%swap3A_159, %swap3A_160] {strides = array<i32>} : memref<5x128xi32, #tpu.memory_space<vmem>>, vector<16xi32>,
    tpu.vector_store %arg14[%swap3A_159, %swap3A_160], %add3A_157 {strides = array<i32>} : memref<5x128xi32, #tpu.memory_space<vmem>>, vector<16xi32>,
    %mul3A_162 = arith.constant 8192 : i32
    %mul3A_163 = vector.broadcast %mul3A_162 : i32 to vector<16xi32>
    %mul3A_164 = arith.muli %get3A_84, %mul3A_163 : vector<16xi32>
    %add3A_165 = arith.addi %mul3A_164, %get3A_153 : vector<16xi32>
    %swap3A_166 = arith.constant 3 : i32
    %swap3A_167 = arith.index_cast %swap3A_166 : i32 to index
    %swap3A_168 = arith.constant 0 : index
    %swap3A_169 = tpu.vector_load %arg15[%swap3A_167, %swap3A_168] {strides = array<i32>} : memref<5x128xi32, #tpu.memory_space<vmem>>, vector<16xi32>,
    tpu.vector_store %arg15[%swap3A_167, %swap3A_168], %add3A_165 {strides = array<i32>} : memref<5x128xi32, #tpu.memory_space<vmem>>, vector<16xi32>,
    %get3A_170 = arith.constant 4 : i32
    %get3A_171 = arith.index_cast %get3A_170 : i32 to index
    %get3A_172 = arith.constant 0 : index
    %get3A_173 = tpu.vector_load %arg12[%get3A_171, %get3A_172] {strides = array<i32>} : memref<5x128xi32, #tpu.memory_space<vmem>>, vector<16xi32>,
    %mul3A_174 = arith.constant 8192 : i32
    %mul3A_175 = vector.broadcast %mul3A_174 : i32 to vector<16xi32>
    %mul3A_176 = arith.muli %get3A_82, %mul3A_175 : vector<16xi32>
    %add3A_177 = arith.addi %mul3A_176, %get3A_173 : vector<16xi32>
    %swap3A_178 = arith.constant 4 : i32
    %swap3A_179 = arith.index_cast %swap3A_178 : i32 to index
    %swap3A_180 = arith.constant 0 : index
    %swap3A_181 = tpu.vector_load %arg14[%swap3A_179, %swap3A_180] {strides = array<i32>} : memref<5x128xi32, #tpu.memory_space<vmem>>, vector<16xi32>,
    tpu.vector_store %arg14[%swap3A_179, %swap3A_180], %add3A_177 {strides = array<i32>} : memref<5x128xi32, #tpu.memory_space<vmem>>, vector<16xi32>,
    %mul3A_182 = arith.constant 8192 : i32
    %mul3A_183 = vector.broadcast %mul3A_182 : i32 to vector<16xi32>
    %mul3A_184 = arith.muli %get3A_84, %mul3A_183 : vector<16xi32>
    %add3A_185 = arith.addi %mul3A_184, %get3A_173 : vector<16xi32>
    %swap3A_186 = arith.constant 4 : i32
    %swap3A_187 = arith.index_cast %swap3A_186 : i32 to index
    %swap3A_188 = arith.constant 0 : index
    %swap3A_189 = tpu.vector_load %arg15[%swap3A_187, %swap3A_188] {strides = array<i32>} : memref<5x128xi32, #tpu.memory_space<vmem>>, vector<16xi32>,
    tpu.vector_store %arg15[%swap3A_187, %swap3A_188], %add3A_185 {strides = array<i32>} : memref<5x128xi32, #tpu.memory_space<vmem>>, vector<16xi32>,
    %get3A_190 = arith.constant 16 : index
    %get3A_191 = tpu.vector_load %arg10[%get3A_190] {strides = array<i32>} : memref<128xi32, #tpu.memory_space<vmem>>, vector<16xi32>,
    %get3A_192 = arith.constant 16 : index
    %get3A_193 = tpu.vector_load %arg11[%get3A_192] {strides = array<i32>} : memref<128xi32, #tpu.memory_space<vmem>>, vector<16xi32>,
    %mul3A_194 = arith.constant 8192 : i32
    %mul3A_195 = vector.broadcast %mul3A_194 : i32 to vector<16xi32>
    %mul3A_196 = arith.muli %get3A_191, %mul3A_195 : vector<16xi32>
    %add3A_197 = arith.addi %mul3A_196, %get3A_193 : vector<16xi32>
    %swap3A_198 = arith.constant 16 : index
    %swap3A_199 = tpu.vector_load %arg13[%swap3A_198] {strides = array<i32>} : memref<128xi32, #tpu.memory_space<vmem>>, vector<16xi32>,
    tpu.vector_store %arg13[%swap3A_198], %add3A_197 {strides = array<i32>} : memref<128xi32, #tpu.memory_space<vmem>>, vector<16xi32>,
    %get3A_200 = arith.constant 0 : i32
    %get3A_201 = arith.index_cast %get3A_200 : i32 to index
    %get3A_202 = arith.constant 16 : index
    %get3A_203 = tpu.vector_load %arg12[%get3A_201, %get3A_202] {strides = array<i32>} : memref<5x128xi32, #tpu.memory_space<vmem>>, vector<16xi32>,
    %mul3A_204 = arith.constant 8192 : i32
    %mul3A_205 = vector.broadcast %mul3A_204 : i32 to vector<16xi32>
    %mul3A_206 = arith.muli %get3A_191, %mul3A_205 : vector<16xi32>
    %add3A_207 = arith.addi %mul3A_206, %get3A_203 : vector<16xi32>
    %swap3A_208 = arith.constant 0 : i32
    %swap3A_209 = arith.index_cast %swap3A_208 : i32 to index
    %swap3A_210 = arith.constant 16 : index
    %swap3A_211 = tpu.vector_load %arg14[%swap3A_209, %swap3A_210] {strides = array<i32>} : memref<5x128xi32, #tpu.memory_space<vmem>>, vector<16xi32>,
    tpu.vector_store %arg14[%swap3A_209, %swap3A_210], %add3A_207 {strides = array<i32>} : memref<5x128xi32, #tpu.memory_space<vmem>>, vector<16xi32>,
    %mul3A_212 = arith.constant 8192 : i32
    %mul3A_213 = vector.broadcast %mul3A_212 : i32 to vector<16xi32>
    %mul3A_214 = arith.muli %get3A_193, %mul3A_213 : vector<16xi32>
    %add3A_215 = arith.addi %mul3A_214, %get3A_203 : vector<16xi32>
    %swap3A_216 = arith.constant 0 : i32
    %swap3A_217 = arith.index_cast %swap3A_216 : i32 to index
    %swap3A_218 = arith.constant 16 : index
    %swap3A_219 = tpu.vector_load %arg15[%swap3A_217, %swap3A_218] {strides = array<i32>} : memref<5x128xi32, #tpu.memory_space<vmem>>, vector<16xi32>,
    tpu.vector_store %arg15[%swap3A_217, %swap3A_218], %add3A_215 {strides = array<i32>} : memref<5x128xi32, #tpu.memory_space<vmem>>, vector<16xi32>,
    %get3A_220 = arith.constant 1 : i32
    %get3A_221 = arith.index_cast %get3A_220 : i32 to index
    %get3A_222 = arith.constant 16 : index
    %get3A_223 = tpu.vector_load %arg12[%get3A_221, %get3A_222] {strides = array<i32>} : memref<5x128xi32, #tpu.memory_space<vmem>>, vector<16xi32>,
    %mul3A_224 = arith.constant 8192 : i32
    %mul3A_225 = vector.broadcast %mul3A_224 : i32 to vector<16xi32>
    %mul3A_226 = arith.muli %get3A_191, %mul3A_225 : vector<16xi32>
    %add3A_227 = arith.addi %mul3A_226, %get3A_223 : vector<16xi32>
    %swap3A_228 = arith.constant 1 : i32
    %swap3A_229 = arith.index_cast %swap3A_228 : i32 to index
    %swap3A_230 = arith.constant 16 : index
    %swap3A_231 = tpu.vector_load %arg14[%swap3A_229, %swap3A_230] {strides = array<i32>} : memref<5x128xi32, #tpu.memory_space<vmem>>, vector<16xi32>,
    tpu.vector_store %arg14[%swap3A_229, %swap3A_230], %add3A_227 {strides = array<i32>} : memref<5x128xi32, #tpu.memory_space<vmem>>, vector<16xi32>,
    %mul3A_232 = arith.constant 8192 : i32
    %mul3A_233 = vector.broadcast %mul3A_232 : i32 to vector<16xi32>
    %mul3A_234 = arith.muli %get3A_193, %mul3A_233 : vector<16xi32>
    %add3A_235 = arith.addi %mul3A_234, %get3A_223 : vector<16xi32>
    %swap3A_236 = arith.constant 1 : i32
    %swap3A_237 = arith.index_cast %swap3A_236 : i32 to index
    %swap3A_238 = arith.constant 16 : index
    %swap3A_239 = tpu.vector_load %arg15[%swap3A_237, %swap3A_238] {strides = array<i32>} : memref<5x128xi32, #tpu.memory_space<vmem>>, vector<16xi32>,
    tpu.vector_store %arg15[%swap3A_237, %swap3A_238], %add3A_235 {strides = array<i32>} : memref<5x128xi32, #tpu.memory_space<vmem>>, vector<16xi32>,
    %get3A_240 = arith.constant 2 : i32
    %get3A_241 = arith.index_cast %get3A_240 : i32 to index
    %get3A_242 = arith.constant 16 : index
    %get3A_243 = tpu.vector_load %arg12[%get3A_241, %get3A_242] {strides = array<i32>} : memref<5x128xi32, #tpu.memory_space<vmem>>, vector<16xi32>,
    %mul3A_244 = arith.constant 8192 : i32
    %mul3A_245 = vector.broadcast %mul3A_244 : i32 to vector<16xi32>
    %mul3A_246 = arith.muli %get3A_191, %mul3A_245 : vector<16xi32>
    %add3A_247 = arith.addi %mul3A_246, %get3A_243 : vector<16xi32>
    %swap3A_248 = arith.constant 2 : i32
    %swap3A_249 = arith.index_cast %swap3A_248 : i32 to index
    %swap3A_250 = arith.constant 16 : index
    %swap3A_251 = tpu.vector_load %arg14[%swap3A_249, %swap3A_250] {strides = array<i32>} : memref<5x128xi32, #tpu.memory_space<vmem>>, vector<16xi32>,
    tpu.vector_store %arg14[%swap3A_249, %swap3A_250], %add3A_247 {strides = array<i32>} : memref<5x128xi32, #tpu.memory_space<vmem>>, vector<16xi32>,
    %mul3A_252 = arith.constant 8192 : i32
    %mul3A_253 = vector.broadcast %mul3A_252 : i32 to vector<16xi32>
    %mul3A_254 = arith.muli %get3A_193, %mul3A_253 : vector<16xi32>
    %add3A_255 = arith.addi %mul3A_254, %get3A_243 : vector<16xi32>
    %swap3A_256 = arith.constant 2 : i32
    %swap3A_257 = arith.index_cast %swap3A_256 : i32 to index
    %swap3A_258 = arith.constant 16 : index
    %swap3A_259 = tpu.vector_load %arg15[%swap3A_257, %swap3A_258] {strides = array<i32>} : memref<5x128xi32, #tpu.memory_space<vmem>>, vector<16xi32>,
    tpu.vector_store %arg15[%swap3A_257, %swap3A_258], %add3A_255 {strides = array<i32>} : memref<5x128xi32, #tpu.memory_space<vmem>>, vector<16xi32>,
    %get3A_260 = arith.constant 3 : i32
    %get3A_261 = arith.index_cast %get3A_260 : i32 to index
    %get3A_262 = arith.constant 16 : index
    %get3A_263 = tpu.vector_load %arg12[%get3A_261, %get3A_262] {strides = array<i32>} : memref<5x128xi32, #tpu.memory_space<vmem>>, vector<16xi32>,
    %mul3A_264 = arith.constant 8192 : i32
    %mul3A_265 = vector.broadcast %mul3A_264 : i32 to vector<16xi32>
    %mul3A_266 = arith.muli %get3A_191, %mul3A_265 : vector<16xi32>
    %add3A_267 = arith.addi %mul3A_266, %get3A_263 : vector<16xi32>
    %swap3A_268 = arith.constant 3 : i32
    %swap3A_269 = arith.index_cast %swap3A_268 : i32 to index
    %swap3A_270 = arith.constant 16 : index
    %swap3A_271 = tpu.vector_load %arg14[%swap3A_269, %swap3A_270] {strides = array<i32>} : memref<5x128xi32, #tpu.memory_space<vmem>>, vector<16xi32>,
    tpu.vector_store %arg14[%swap3A_269, %swap3A_270], %add3A_267 {strides = array<i32>} : memref<5x128xi32, #tpu.memory_space<vmem>>, vector<16xi32>,
    %mul3A_272 = arith.constant 8192 : i32
    %mul3A_273 = vector.broadcast %mul3A_272 : i32 to vector<16xi32>
    %mul3A_274 = arith.muli %get3A_193, %mul3A_273 : vector<16xi32>
    %add3A_275 = arith.addi %mul3A_274, %get3A_263 : vector<16xi32>
    %swap3A_276 = arith.constant 3 : i32
    %swap3A_277 = arith.index_cast %swap3A_276 : i32 to index
    %swap3A_278 = arith.constant 16 : index
    %swap3A_279 = tpu.vector_load %arg15[%swap3A_277, %swap3A_278] {strides = array<i32>} : memref<5x128xi32, #tpu.memory_space<vmem>>, vector<16xi32>,
    tpu.vector_store %arg15[%swap3A_277, %swap3A_278], %add3A_275 {strides = array<i32>} : memref<5x128xi32, #tpu.memory_space<vmem>>, vector<16xi32>,
    %get3A_280 = arith.constant 4 : i32
    %get3A_281 = arith.index_cast %get3A_280 : i32 to index
    %get3A_282 = arith.constant 16 : index
    %get3A_283 = tpu.vector_load %arg12[%get3A_281, %get3A_282] {strides = array<i32>} : memref<5x128xi32, #tpu.memory_space<vmem>>, vector<16xi32>,
    %mul3A_284 = arith.constant 8192 : i32
    %mul3A_285 = vector.broadcast %mul3A_284 : i32 to vector<16xi32>
    %mul3A_286 = arith.muli %get3A_191, %mul3A_285 : vector<16xi32>
    %add3A_287 = arith.addi %mul3A_286, %get3A_283 : vector<16xi32>
    %swap3A_288 = arith.constant 4 : i32
    %swap3A_289 = arith.index_cast %swap3A_288 : i32 to index
    %swap3A_290 = arith.constant 16 : index
    %swap3A_291 = tpu.vector_load %arg14[%swap3A_289, %swap3A_290] {strides = array<i32>} : memref<5x128xi32, #tpu.memory_space<vmem>>, vector<16xi32>,
    tpu.vector_store %arg14[%swap3A_289, %swap3A_290], %add3A_287 {strides = array<i32>} : memref<5x128xi32, #tpu.memory_space<vmem>>, vector<16xi32>,
    %mul3A_292 = arith.constant 8192 : i32
    %mul3A_293 = vector.broadcast %mul3A_292 : i32 to vector<16xi32>
    %mul3A_294 = arith.muli %get3A_193, %mul3A_293 : vector<16xi32>
    %add3A_295 = arith.addi %mul3A_294, %get3A_283 : vector<16xi32>
    %swap3A_296 = arith.constant 4 : i32
    %swap3A_297 = arith.index_cast %swap3A_296 : i32 to index
    %swap3A_298 = arith.constant 16 : index
    %swap3A_299 = tpu.vector_load %arg15[%swap3A_297, %swap3A_298] {strides = array<i32>} : memref<5x128xi32, #tpu.memory_space<vmem>>, vector<16xi32>,
    tpu.vector_store %arg15[%swap3A_297, %swap3A_298], %add3A_295 {strides = array<i32>} : memref<5x128xi32, #tpu.memory_space<vmem>>, vector<16xi32>,
    %get3A_300 = arith.constant 32 : index
    %get3A_301 = tpu.vector_load %arg10[%get3A_300] {strides = array<i32>} : memref<128xi32, #tpu.memory_space<vmem>>, vector<16xi32>,
    %get3A_302 = arith.constant 32 : index
    %get3A_303 = tpu.vector_load %arg11[%get3A_302] {strides = array<i32>} : memref<128xi32, #tpu.memory_space<vmem>>, vector<16xi32>,
    %mul3A_304 = arith.constant 8192 : i32
    %mul3A_305 = vector.broadcast %mul3A_304 : i32 to vector<16xi32>
    %mul3A_306 = arith.muli %get3A_301, %mul3A_305 : vector<16xi32>
    %add3A_307 = arith.addi %mul3A_306, %get3A_303 : vector<16xi32>
    %swap3A_308 = arith.constant 32 : index
    %swap3A_309 = tpu.vector_load %arg13[%swap3A_308] {strides = array<i32>} : memref<128xi32, #tpu.memory_space<vmem>>, vector<16xi32>,
    tpu.vector_store %arg13[%swap3A_308], %add3A_307 {strides = array<i32>} : memref<128xi32, #tpu.memory_space<vmem>>, vector<16xi32>,
    %get3A_310 = arith.constant 0 : i32
    %get3A_311 = arith.index_cast %get3A_310 : i32 to index
    %get3A_312 = arith.constant 32 : index
    %get3A_313 = tpu.vector_load %arg12[%get3A_311, %get3A_312] {strides = array<i32>} : memref<5x128xi32, #tpu.memory_space<vmem>>, vector<16xi32>,
    %mul3A_314 = arith.constant 8192 : i32
    %mul3A_315 = vector.broadcast %mul3A_314 : i32 to vector<16xi32>
    %mul3A_316 = arith.muli %get3A_301, %mul3A_315 : vector<16xi32>
    %add3A_317 = arith.addi %mul3A_316, %get3A_313 : vector<16xi32>
    %swap3A_318 = arith.constant 0 : i32
    %swap3A_319 = arith.index_cast %swap3A_318 : i32 to index
    %swap3A_320 = arith.constant 32 : index
    %swap3A_321 = tpu.vector_load %arg14[%swap3A_319, %swap3A_320] {strides = array<i32>} : memref<5x128xi32, #tpu.memory_space<vmem>>, vector<16xi32>,
    tpu.vector_store %arg14[%swap3A_319, %swap3A_320], %add3A_317 {strides = array<i32>} : memref<5x128xi32, #tpu.memory_space<vmem>>, vector<16xi32>,
    %mul3A_322 = arith.constant 8192 : i32
    %mul3A_323 = vector.broadcast %mul3A_322 : i32 to vector<16xi32>
    %mul3A_324 = arith.muli %get3A_303, %mul3A_323 : vector<16xi32>
    %add3A_325 = arith.addi %mul3A_324, %get3A_313 : vector<16xi32>
    %swap3A_326 = arith.constant 0 : i32
    %swap3A_327 = arith.index_cast %swap3A_326 : i32 to index
    %swap3A_328 = arith.constant 32 : index
    %swap3A_329 = tpu.vector_load %arg15[%swap3A_327, %swap3A_328] {strides = array<i32>} : memref<5x128xi32, #tpu.memory_space<vmem>>, vector<16xi32>,
    tpu.vector_store %arg15[%swap3A_327, %swap3A_328], %add3A_325 {strides = array<i32>} : memref<5x128xi32, #tpu.memory_space<vmem>>, vector<16xi32>,
    %get3A_330 = arith.constant 1 : i32
    %get3A_331 = arith.index_cast %get3A_330 : i32 to index
    %get3A_332 = arith.constant 32 : index
    %get3A_333 = tpu.vector_load %arg12[%get3A_331, %get3A_332] {strides = array<i32>} : memref<5x128xi32, #tpu.memory_space<vmem>>, vector<16xi32>,
    %mul3A_334 = arith.constant 8192 : i32
    %mul3A_335 = vector.broadcast %mul3A_334 : i32 to vector<16xi32>
    %mul3A_336 = arith.muli %get3A_301, %mul3A_335 : vector<16xi32>
    %add3A_337 = arith.addi %mul3A_336, %get3A_333 : vector<16xi32>
    %swap3A_338 = arith.constant 1 : i32
    %swap3A_339 = arith.index_cast %swap3A_338 : i32 to index
    %swap3A_340 = arith.constant 32 : index
    %swap3A_341 = tpu.vector_load %arg14[%swap3A_339, %swap3A_340] {strides = array<i32>} : memref<5x128xi32, #tpu.memory_space<vmem>>, vector<16xi32>,
    tpu.vector_store %arg14[%swap3A_339, %swap3A_340], %add3A_337 {strides = array<i32>} : memref<5x128xi32, #tpu.memory_space<vmem>>, vector<16xi32>,
    %mul3A_342 = arith.constant 8192 : i32
    %mul3A_343 = vector.broadcast %mul3A_342 : i32 to vector<16xi32>
    %mul3A_344 = arith.muli %get3A_303, %mul3A_343 : vector<16xi32>
    %add3A_345 = arith.addi %mul3A_344, %get3A_333 : vector<16xi32>
    %swap3A_346 = arith.constant 1 : i32
    %swap3A_347 = arith.index_cast %swap3A_346 : i32 to index
    %swap3A_348 = arith.constant 32 : index
    %swap3A_349 = tpu.vector_load %arg15[%swap3A_347, %swap3A_348] {strides = array<i32>} : memref<5x128xi32, #tpu.memory_space<vmem>>, vector<16xi32>,
    tpu.vector_store %arg15[%swap3A_347, %swap3A_348], %add3A_345 {strides = array<i32>} : memref<5x128xi32, #tpu.memory_space<vmem>>, vector<16xi32>,
    %get3A_350 = arith.constant 2 : i32
    %get3A_351 = arith.index_cast %get3A_350 : i32 to index
    %get3A_352 = arith.constant 32 : index
    %get3A_353 = tpu.vector_load %arg12[%get3A_351, %get3A_352] {strides = array<i32>} : memref<5x128xi32, #tpu.memory_space<vmem>>, vector<16xi32>,
    %mul3A_354 = arith.constant 8192 : i32
    %mul3A_355 = vector.broadcast %mul3A_354 : i32 to vector<16xi32>
    %mul3A_356 = arith.muli %get3A_301, %mul3A_355 : vector<16xi32>
    %add3A_357 = arith.addi %mul3A_356, %get3A_353 : vector<16xi32>
    %swap3A_358 = arith.constant 2 : i32
    %swap3A_359 = arith.index_cast %swap3A_358 : i32 to index
    %swap3A_360 = arith.constant 32 : index
    %swap3A_361 = tpu.vector_load %arg14[%swap3A_359, %swap3A_360] {strides = array<i32>} : memref<5x128xi32, #tpu.memory_space<vmem>>, vector<16xi32>,
    tpu.vector_store %arg14[%swap3A_359, %swap3A_360], %add3A_357 {strides = array<i32>} : memref<5x128xi32, #tpu.memory_space<vmem>>, vector<16xi32>,
    %mul3A_362 = arith.constant 8192 : i32
    %mul3A_363 = vector.broadcast %mul3A_362 : i32 to vector<16xi32>
    %mul3A_364 = arith.muli %get3A_303, %mul3A_363 : vector<16xi32>
    %add3A_365 = arith.addi %mul3A_364, %get3A_353 : vector<16xi32>
    %swap3A_366 = arith.constant 2 : i32
    %swap3A_367 = arith.index_cast %swap3A_366 : i32 to index
    %swap3A_368 = arith.constant 32 : index
    %swap3A_369 = tpu.vector_load %arg15[%swap3A_367, %swap3A_368] {strides = array<i32>} : memref<5x128xi32, #tpu.memory_space<vmem>>, vector<16xi32>,
    tpu.vector_store %arg15[%swap3A_367, %swap3A_368], %add3A_365 {strides = array<i32>} : memref<5x128xi32, #tpu.memory_space<vmem>>, vector<16xi32>,
    %get3A_370 = arith.constant 3 : i32
    %get3A_371 = arith.index_cast %get3A_370 : i32 to index
    %get3A_372 = arith.constant 32 : index
    %get3A_373 = tpu.vector_load %arg12[%get3A_371, %get3A_372] {strides = array<i32>} : memref<5x128xi32, #tpu.memory_space<vmem>>, vector<16xi32>,
    %mul3A_374 = arith.constant 8192 : i32
    %mul3A_375 = vector.broadcast %mul3A_374 : i32 to vector<16xi32>
    %mul3A_376 = arith.muli %get3A_301, %mul3A_375 : vector<16xi32>
    %add3A_377 = arith.addi %mul3A_376, %get3A_373 : vector<16xi32>
    %swap3A_378 = arith.constant 3 : i32
    %swap3A_379 = arith.index_cast %swap3A_378 : i32 to index
    %swap3A_380 = arith.constant 32 : index
    %swap3A_381 = tpu.vector_load %arg14[%swap3A_379, %swap3A_380] {strides = array<i32>} : memref<5x128xi32, #tpu.memory_space<vmem>>, vector<16xi32>,
    tpu.vector_store %arg14[%swap3A_379, %swap3A_380], %add3A_377 {strides = array<i32>} : memref<5x128xi32, #tpu.memory_space<vmem>>, vector<16xi32>,
    %mul3A_382 = arith.constant 8192 : i32
    %mul3A_383 = vector.broadcast %mul3A_382 : i32 to vector<16xi32>
    %mul3A_384 = arith.muli %get3A_303, %mul3A_383 : vector<16xi32>
    %add3A_385 = arith.addi %mul3A_384, %get3A_373 : vector<16xi32>
    %swap3A_386 = arith.constant 3 : i32
    %swap3A_387 = arith.index_cast %swap3A_386 : i32 to index
    %swap3A_388 = arith.constant 32 : index
    %swap3A_389 = tpu.vector_load %arg15[%swap3A_387, %swap3A_388] {strides = array<i32>} : memref<5x128xi32, #tpu.memory_space<vmem>>, vector<16xi32>,
    tpu.vector_store %arg15[%swap3A_387, %swap3A_388], %add3A_385 {strides = array<i32>} : memref<5x128xi32, #tpu.memory_space<vmem>>, vector<16xi32>,
    %get3A_390 = arith.constant 4 : i32
    %get3A_391 = arith.index_cast %get3A_390 : i32 to index
    %get3A_392 = arith.constant 32 : index
    %get3A_393 = tpu.vector_load %arg12[%get3A_391, %get3A_392] {strides = array<i32>} : memref<5x128xi32, #tpu.memory_space<vmem>>, vector<16xi32>,
    %mul3A_394 = arith.constant 8192 : i32
    %mul3A_395 = vector.broadcast %mul3A_394 : i32 to vector<16xi32>
    %mul3A_396 = arith.muli %get3A_301, %mul3A_395 : vector<16xi32>
    %add3A_397 = arith.addi %mul3A_396, %get3A_393 : vector<16xi32>
    %swap3A_398 = arith.constant 4 : i32
    %swap3A_399 = arith.index_cast %swap3A_398 : i32 to index
    %swap3A_400 = arith.constant 32 : index
    %swap3A_401 = tpu.vector_load %arg14[%swap3A_399, %swap3A_400] {strides = array<i32>} : memref<5x128xi32, #tpu.memory_space<vmem>>, vector<16xi32>,
    tpu.vector_store %arg14[%swap3A_399, %swap3A_400], %add3A_397 {strides = array<i32>} : memref<5x128xi32, #tpu.memory_space<vmem>>, vector<16xi32>,
    %mul3A_402 = arith.constant 8192 : i32
    %mul3A_403 = vector.broadcast %mul3A_402 : i32 to vector<16xi32>
    %mul3A_404 = arith.muli %get3A_303, %mul3A_403 : vector<16xi32>
    %add3A_405 = arith.addi %mul3A_404, %get3A_393 : vector<16xi32>
    %swap3A_406 = arith.constant 4 : i32
    %swap3A_407 = arith.index_cast %swap3A_406 : i32 to index
    %swap3A_408 = arith.constant 32 : index
    %swap3A_409 = tpu.vector_load %arg15[%swap3A_407, %swap3A_408] {strides = array<i32>} : memref<5x128xi32, #tpu.memory_space<vmem>>, vector<16xi32>,
    tpu.vector_store %arg15[%swap3A_407, %swap3A_408], %add3A_405 {strides = array<i32>} : memref<5x128xi32, #tpu.memory_space<vmem>>, vector<16xi32>,
    %get3A_410 = arith.constant 48 : index
    %get3A_411 = tpu.vector_load %arg10[%get3A_410] {strides = array<i32>} : memref<128xi32, #tpu.memory_space<vmem>>, vector<16xi32>,
    %get3A_412 = arith.constant 48 : index
    %get3A_413 = tpu.vector_load %arg11[%get3A_412] {strides = array<i32>} : memref<128xi32, #tpu.memory_space<vmem>>, vector<16xi32>,
    %mul3A_414 = arith.constant 8192 : i32
    %mul3A_415 = vector.broadcast %mul3A_414 : i32 to vector<16xi32>
    %mul3A_416 = arith.muli %get3A_411, %mul3A_415 : vector<16xi32>
    %add3A_417 = arith.addi %mul3A_416, %get3A_413 : vector<16xi32>
    %swap3A_418 = arith.constant 48 : index
    %swap3A_419 = tpu.vector_load %arg13[%swap3A_418] {strides = array<i32>} : memref<128xi32, #tpu.memory_space<vmem>>, vector<16xi32>,
    tpu.vector_store %arg13[%swap3A_418], %add3A_417 {strides = array<i32>} : memref<128xi32, #tpu.memory_space<vmem>>, vector<16xi32>,
    %get3A_420 = arith.constant 0 : i32
    %get3A_421 = arith.index_cast %get3A_420 : i32 to index
    %get3A_422 = arith.constant 48 : index
    %get3A_423 = tpu.vector_load %arg12[%get3A_421, %get3A_422] {strides = array<i32>} : memref<5x128xi32, #tpu.memory_space<vmem>>, vector<16xi32>,
    %mul3A_424 = arith.constant 8192 : i32
    %mul3A_425 = vector.broadcast %mul3A_424 : i32 to vector<16xi32>
    %mul3A_426 = arith.muli %get3A_411, %mul3A_425 : vector<16xi32>
    %add3A_427 = arith.addi %mul3A_426, %get3A_423 : vector<16xi32>
    %swap3A_428 = arith.constant 0 : i32
    %swap3A_429 = arith.index_cast %swap3A_428 : i32 to index
    %swap3A_430 = arith.constant 48 : index
    %swap3A_431 = tpu.vector_load %arg14[%swap3A_429, %swap3A_430] {strides = array<i32>} : memref<5x128xi32, #tpu.memory_space<vmem>>, vector<16xi32>,
    tpu.vector_store %arg14[%swap3A_429, %swap3A_430], %add3A_427 {strides = array<i32>} : memref<5x128xi32, #tpu.memory_space<vmem>>, vector<16xi32>,
    %mul3A_432 = arith.constant 8192 : i32
    %mul3A_433 = vector.broadcast %mul3A_432 : i32 to vector<16xi32>
    %mul3A_434 = arith.muli %get3A_413, %mul3A_433 : vector<16xi32>
    %add3A_435 = arith.addi %mul3A_434, %get3A_423 : vector<16xi32>
    %swap3A_436 = arith.constant 0 : i32
    %swap3A_437 = arith.index_cast %swap3A_436 : i32 to index
    %swap3A_438 = arith.constant 48 : index
    %swap3A_439 = tpu.vector_load %arg15[%swap3A_437, %swap3A_438] {strides = array<i32>} : memref<5x128xi32, #tpu.memory_space<vmem>>, vector<16xi32>,
    tpu.vector_store %arg15[%swap3A_437, %swap3A_438], %add3A_435 {strides = array<i32>} : memref<5x128xi32, #tpu.memory_space<vmem>>, vector<16xi32>,
    %get3A_440 = arith.constant 1 : i32
    %get3A_441 = arith.index_cast %get3A_440 : i32 to index
    %get3A_442 = arith.constant 48 : index
    %get3A_443 = tpu.vector_load %arg12[%get3A_441, %get3A_442] {strides = array<i32>} : memref<5x128xi32, #tpu.memory_space<vmem>>, vector<16xi32>,
    %mul3A_444 = arith.constant 8192 : i32
    %mul3A_445 = vector.broadcast %mul3A_444 : i32 to vector<16xi32>
    %mul3A_446 = arith.muli %get3A_411, %mul3A_445 : vector<16xi32>
    %add3A_447 = arith.addi %mul3A_446, %get3A_443 : vector<16xi32>
    %swap3A_448 = arith.constant 1 : i32
    %swap3A_449 = arith.index_cast %swap3A_448 : i32 to index
    %swap3A_450 = arith.constant 48 : index
    %swap3A_451 = tpu.vector_load %arg14[%swap3A_449, %swap3A_450] {strides = array<i32>} : memref<5x128xi32, #tpu.memory_space<vmem>>, vector<16xi32>,
    tpu.vector_store %arg14[%swap3A_449, %swap3A_450], %add3A_447 {strides = array<i32>} : memref<5x128xi32, #tpu.memory_space<vmem>>, vector<16xi32>,
    %mul3A_452 = arith.constant 8192 : i32
    %mul3A_453 = vector.broadcast %mul3A_452 : i32 to vector<16xi32>
    %mul3A_454 = arith.muli %get3A_413, %mul3A_453 : vector<16xi32>
    %add3A_455 = arith.addi %mul3A_454, %get3A_443 : vector<16xi32>
    %swap3A_456 = arith.constant 1 : i32
    %swap3A_457 = arith.index_cast %swap3A_456 : i32 to index
    %swap3A_458 = arith.constant 48 : index
    %swap3A_459 = tpu.vector_load %arg15[%swap3A_457, %swap3A_458] {strides = array<i32>} : memref<5x128xi32, #tpu.memory_space<vmem>>, vector<16xi32>,
    tpu.vector_store %arg15[%swap3A_457, %swap3A_458], %add3A_455 {strides = array<i32>} : memref<5x128xi32, #tpu.memory_space<vmem>>, vector<16xi32>,
    %get3A_460 = arith.constant 2 : i32
    %get3A_461 = arith.index_cast %get3A_460 : i32 to index
    %get3A_462 = arith.constant 48 : index
    %get3A_463 = tpu.vector_load %arg12[%get3A_461, %get3A_462] {strides = array<i32>} : memref<5x128xi32, #tpu.memory_space<vmem>>, vector<16xi32>,
    %mul3A_464 = arith.constant 8192 : i32
    %mul3A_465 = vector.broadcast %mul3A_464 : i32 to vector<16xi32>
    %mul3A_466 = arith.muli %get3A_411, %mul3A_465 : vector<16xi32>
    %add3A_467 = arith.addi %mul3A_466, %get3A_463 : vector<16xi32>
    %swap3A_468 = arith.constant 2 : i32
    %swap3A_469 = arith.index_cast %swap3A_468 : i32 to index
    %swap3A_470 = arith.constant 48 : index
    %swap3A_471 = tpu.vector_load %arg14[%swap3A_469, %swap3A_470] {strides = array<i32>} : memref<5x128xi32, #tpu.memory_space<vmem>>, vector<16xi32>,
    tpu.vector_store %arg14[%swap3A_469, %swap3A_470], %add3A_467 {strides = array<i32>} : memref<5x128xi32, #tpu.memory_space<vmem>>, vector<16xi32>,
    %mul3A_472 = arith.constant 8192 : i32
    %mul3A_473 = vector.broadcast %mul3A_472 : i32 to vector<16xi32>
    %mul3A_474 = arith.muli %get3A_413, %mul3A_473 : vector<16xi32>
    %add3A_475 = arith.addi %mul3A_474, %get3A_463 : vector<16xi32>
    %swap3A_476 = arith.constant 2 : i32
    %swap3A_477 = arith.index_cast %swap3A_476 : i32 to index
    %swap3A_478 = arith.constant 48 : index
    %swap3A_479 = tpu.vector_load %arg15[%swap3A_477, %swap3A_478] {strides = array<i32>} : memref<5x128xi32, #tpu.memory_space<vmem>>, vector<16xi32>,
    tpu.vector_store %arg15[%swap3A_477, %swap3A_478], %add3A_475 {strides = array<i32>} : memref<5x128xi32, #tpu.memory_space<vmem>>, vector<16xi32>,
    %get3A_480 = arith.constant 3 : i32
    %get3A_481 = arith.index_cast %get3A_480 : i32 to index
    %get3A_482 = arith.constant 48 : index
    %get3A_483 = tpu.vector_load %arg12[%get3A_481, %get3A_482] {strides = array<i32>} : memref<5x128xi32, #tpu.memory_space<vmem>>, vector<16xi32>,
    %mul3A_484 = arith.constant 8192 : i32
    %mul3A_485 = vector.broadcast %mul3A_484 : i32 to vector<16xi32>
    %mul3A_486 = arith.muli %get3A_411, %mul3A_485 : vector<16xi32>
    %add3A_487 = arith.addi %mul3A_486, %get3A_483 : vector<16xi32>
    %swap3A_488 = arith.constant 3 : i32
    %swap3A_489 = arith.index_cast %swap3A_488 : i32 to index
    %swap3A_490 = arith.constant 48 : index
    %swap3A_491 = tpu.vector_load %arg14[%swap3A_489, %swap3A_490] {strides = array<i32>} : memref<5x128xi32, #tpu.memory_space<vmem>>, vector<16xi32>,
    tpu.vector_store %arg14[%swap3A_489, %swap3A_490], %add3A_487 {strides = array<i32>} : memref<5x128xi32, #tpu.memory_space<vmem>>, vector<16xi32>,
    %mul3A_492 = arith.constant 8192 : i32
    %mul3A_493 = vector.broadcast %mul3A_492 : i32 to vector<16xi32>
    %mul3A_494 = arith.muli %get3A_413, %mul3A_493 : vector<16xi32>
    %add3A_495 = arith.addi %mul3A_494, %get3A_483 : vector<16xi32>
    %swap3A_496 = arith.constant 3 : i32
    %swap3A_497 = arith.index_cast %swap3A_496 : i32 to index
    %swap3A_498 = arith.constant 48 : index
    %swap3A_499 = tpu.vector_load %arg15[%swap3A_497, %swap3A_498] {strides = array<i32>} : memref<5x128xi32, #tpu.memory_space<vmem>>, vector<16xi32>,
    tpu.vector_store %arg15[%swap3A_497, %swap3A_498], %add3A_495 {strides = array<i32>} : memref<5x128xi32, #tpu.memory_space<vmem>>, vector<16xi32>,
    %get3A_500 = arith.constant 4 : i32
    %get3A_501 = arith.index_cast %get3A_500 : i32 to index
    %get3A_502 = arith.constant 48 : index
    %get3A_503 = tpu.vector_load %arg12[%get3A_501, %get3A_502] {strides = array<i32>} : memref<5x128xi32, #tpu.memory_space<vmem>>, vector<16xi32>,
    %mul3A_504 = arith.constant 8192 : i32
    %mul3A_505 = vector.broadcast %mul3A_504 : i32 to vector<16xi32>
    %mul3A_506 = arith.muli %get3A_411, %mul3A_505 : vector<16xi32>
    %add3A_507 = arith.addi %mul3A_506, %get3A_503 : vector<16xi32>
    %swap3A_508 = arith.constant 4 : i32
    %swap3A_509 = arith.index_cast %swap3A_508 : i32 to index
    %swap3A_510 = arith.constant 48 : index
    %swap3A_511 = tpu.vector_load %arg14[%swap3A_509, %swap3A_510] {strides = array<i32>} : memref<5x128xi32, #tpu.memory_space<vmem>>, vector<16xi32>,
    tpu.vector_store %arg14[%swap3A_509, %swap3A_510], %add3A_507 {strides = array<i32>} : memref<5x128xi32, #tpu.memory_space<vmem>>, vector<16xi32>,
    %mul3A_512 = arith.constant 8192 : i32
    %mul3A_513 = vector.broadcast %mul3A_512 : i32 to vector<16xi32>
    %mul3A_514 = arith.muli %get3A_413, %mul3A_513 : vector<16xi32>
    %add3A_515 = arith.addi %mul3A_514, %get3A_503 : vector<16xi32>
    %swap3A_516 = arith.constant 4 : i32
    %swap3A_517 = arith.index_cast %swap3A_516 : i32 to index
    %swap3A_518 = arith.constant 48 : index
    %swap3A_519 = tpu.vector_load %arg15[%swap3A_517, %swap3A_518] {strides = array<i32>} : memref<5x128xi32, #tpu.memory_space<vmem>>, vector<16xi32>,
    tpu.vector_store %arg15[%swap3A_517, %swap3A_518], %add3A_515 {strides = array<i32>} : memref<5x128xi32, #tpu.memory_space<vmem>>, vector<16xi32>,
    %get3A_520 = arith.constant 64 : index
    %get3A_521 = tpu.vector_load %arg10[%get3A_520] {strides = array<i32>} : memref<128xi32, #tpu.memory_space<vmem>>, vector<16xi32>,
    %get3A_522 = arith.constant 64 : index
    %get3A_523 = tpu.vector_load %arg11[%get3A_522] {strides = array<i32>} : memref<128xi32, #tpu.memory_space<vmem>>, vector<16xi32>,
    %mul3A_524 = arith.constant 8192 : i32
    %mul3A_525 = vector.broadcast %mul3A_524 : i32 to vector<16xi32>
    %mul3A_526 = arith.muli %get3A_521, %mul3A_525 : vector<16xi32>
    %add3A_527 = arith.addi %mul3A_526, %get3A_523 : vector<16xi32>
    %swap3A_528 = arith.constant 64 : index
    %swap3A_529 = tpu.vector_load %arg13[%swap3A_528] {strides = array<i32>} : memref<128xi32, #tpu.memory_space<vmem>>, vector<16xi32>,
    tpu.vector_store %arg13[%swap3A_528], %add3A_527 {strides = array<i32>} : memref<128xi32, #tpu.memory_space<vmem>>, vector<16xi32>,
    %get3A_530 = arith.constant 0 : i32
    %get3A_531 = arith.index_cast %get3A_530 : i32 to index
    %get3A_532 = arith.constant 64 : index
    %get3A_533 = tpu.vector_load %arg12[%get3A_531, %get3A_532] {strides = array<i32>} : memref<5x128xi32, #tpu.memory_space<vmem>>, vector<16xi32>,
    %mul3A_534 = arith.constant 8192 : i32
    %mul3A_535 = vector.broadcast %mul3A_534 : i32 to vector<16xi32>
    %mul3A_536 = arith.muli %get3A_521, %mul3A_535 : vector<16xi32>
    %add3A_537 = arith.addi %mul3A_536, %get3A_533 : vector<16xi32>
    %swap3A_538 = arith.constant 0 : i32
    %swap3A_539 = arith.index_cast %swap3A_538 : i32 to index
    %swap3A_540 = arith.constant 64 : index
    %swap3A_541 = tpu.vector_load %arg14[%swap3A_539, %swap3A_540] {strides = array<i32>} : memref<5x128xi32, #tpu.memory_space<vmem>>, vector<16xi32>,
    tpu.vector_store %arg14[%swap3A_539, %swap3A_540], %add3A_537 {strides = array<i32>} : memref<5x128xi32, #tpu.memory_space<vmem>>, vector<16xi32>,
    %mul3A_542 = arith.constant 8192 : i32
    %mul3A_543 = vector.broadcast %mul3A_542 : i32 to vector<16xi32>
    %mul3A_544 = arith.muli %get3A_523, %mul3A_543 : vector<16xi32>
    %add3A_545 = arith.addi %mul3A_544, %get3A_533 : vector<16xi32>
    %swap3A_546 = arith.constant 0 : i32
    %swap3A_547 = arith.index_cast %swap3A_546 : i32 to index
    %swap3A_548 = arith.constant 64 : index
    %swap3A_549 = tpu.vector_load %arg15[%swap3A_547, %swap3A_548] {strides = array<i32>} : memref<5x128xi32, #tpu.memory_space<vmem>>, vector<16xi32>,
    tpu.vector_store %arg15[%swap3A_547, %swap3A_548], %add3A_545 {strides = array<i32>} : memref<5x128xi32, #tpu.memory_space<vmem>>, vector<16xi32>,
    %get3A_550 = arith.constant 1 : i32
    %get3A_551 = arith.index_cast %get3A_550 : i32 to index
    %get3A_552 = arith.constant 64 : index
    %get3A_553 = tpu.vector_load %arg12[%get3A_551, %get3A_552] {strides = array<i32>} : memref<5x128xi32, #tpu.memory_space<vmem>>, vector<16xi32>,
    %mul3A_554 = arith.constant 8192 : i32
    %mul3A_555 = vector.broadcast %mul3A_554 : i32 to vector<16xi32>
    %mul3A_556 = arith.muli %get3A_521, %mul3A_555 : vector<16xi32>
    %add3A_557 = arith.addi %mul3A_556, %get3A_553 : vector<16xi32>
    %swap3A_558 = arith.constant 1 : i32
    %swap3A_559 = arith.index_cast %swap3A_558 : i32 to index
    %swap3A_560 = arith.constant 64 : index
    %swap3A_561 = tpu.vector_load %arg14[%swap3A_559, %swap3A_560] {strides = array<i32>} : memref<5x128xi32, #tpu.memory_space<vmem>>, vector<16xi32>,
    tpu.vector_store %arg14[%swap3A_559, %swap3A_560], %add3A_557 {strides = array<i32>} : memref<5x128xi32, #tpu.memory_space<vmem>>, vector<16xi32>,
    %mul3A_562 = arith.constant 8192 : i32
    %mul3A_563 = vector.broadcast %mul3A_562 : i32 to vector<16xi32>
    %mul3A_564 = arith.muli %get3A_523, %mul3A_563 : vector<16xi32>
    %add3A_565 = arith.addi %mul3A_564, %get3A_553 : vector<16xi32>
    %swap3A_566 = arith.constant 1 : i32
    %swap3A_567 = arith.index_cast %swap3A_566 : i32 to index
    %swap3A_568 = arith.constant 64 : index
    %swap3A_569 = tpu.vector_load %arg15[%swap3A_567, %swap3A_568] {strides = array<i32>} : memref<5x128xi32, #tpu.memory_space<vmem>>, vector<16xi32>,
    tpu.vector_store %arg15[%swap3A_567, %swap3A_568], %add3A_565 {strides = array<i32>} : memref<5x128xi32, #tpu.memory_space<vmem>>, vector<16xi32>,
    %get3A_570 = arith.constant 2 : i32
    %get3A_571 = arith.index_cast %get3A_570 : i32 to index
    %get3A_572 = arith.constant 64 : index
    %get3A_573 = tpu.vector_load %arg12[%get3A_571, %get3A_572] {strides = array<i32>} : memref<5x128xi32, #tpu.memory_space<vmem>>, vector<16xi32>,
    %mul3A_574 = arith.constant 8192 : i32
    %mul3A_575 = vector.broadcast %mul3A_574 : i32 to vector<16xi32>
    %mul3A_576 = arith.muli %get3A_521, %mul3A_575 : vector<16xi32>
    %add3A_577 = arith.addi %mul3A_576, %get3A_573 : vector<16xi32>
    %swap3A_578 = arith.constant 2 : i32
    %swap3A_579 = arith.index_cast %swap3A_578 : i32 to index
    %swap3A_580 = arith.constant 64 : index
    %swap3A_581 = tpu.vector_load %arg14[%swap3A_579, %swap3A_580] {strides = array<i32>} : memref<5x128xi32, #tpu.memory_space<vmem>>, vector<16xi32>,
    tpu.vector_store %arg14[%swap3A_579, %swap3A_580], %add3A_577 {strides = array<i32>} : memref<5x128xi32, #tpu.memory_space<vmem>>, vector<16xi32>,
    %mul3A_582 = arith.constant 8192 : i32
    %mul3A_583 = vector.broadcast %mul3A_582 : i32 to vector<16xi32>
    %mul3A_584 = arith.muli %get3A_523, %mul3A_583 : vector<16xi32>
    %add3A_585 = arith.addi %mul3A_584, %get3A_573 : vector<16xi32>
    %swap3A_586 = arith.constant 2 : i32
    %swap3A_587 = arith.index_cast %swap3A_586 : i32 to index
    %swap3A_588 = arith.constant 64 : index
    %swap3A_589 = tpu.vector_load %arg15[%swap3A_587, %swap3A_588] {strides = array<i32>} : memref<5x128xi32, #tpu.memory_space<vmem>>, vector<16xi32>,
    tpu.vector_store %arg15[%swap3A_587, %swap3A_588], %add3A_585 {strides = array<i32>} : memref<5x128xi32, #tpu.memory_space<vmem>>, vector<16xi32>,
    %get3A_590 = arith.constant 3 : i32
    %get3A_591 = arith.index_cast %get3A_590 : i32 to index
    %get3A_592 = arith.constant 64 : index
    %get3A_593 = tpu.vector_load %arg12[%get3A_591, %get3A_592] {strides = array<i32>} : memref<5x128xi32, #tpu.memory_space<vmem>>, vector<16xi32>,
    %mul3A_594 = arith.constant 8192 : i32
    %mul3A_595 = vector.broadcast %mul3A_594 : i32 to vector<16xi32>
    %mul3A_596 = arith.muli %get3A_521, %mul3A_595 : vector<16xi32>
    %add3A_597 = arith.addi %mul3A_596, %get3A_593 : vector<16xi32>
    %swap3A_598 = arith.constant 3 : i32
    %swap3A_599 = arith.index_cast %swap3A_598 : i32 to index
    %swap3A_600 = arith.constant 64 : index
    %swap3A_601 = tpu.vector_load %arg14[%swap3A_599, %swap3A_600] {strides = array<i32>} : memref<5x128xi32, #tpu.memory_space<vmem>>, vector<16xi32>,
    tpu.vector_store %arg14[%swap3A_599, %swap3A_600], %add3A_597 {strides = array<i32>} : memref<5x128xi32, #tpu.memory_space<vmem>>, vector<16xi32>,
    %mul3A_602 = arith.constant 8192 : i32
    %mul3A_603 = vector.broadcast %mul3A_602 : i32 to vector<16xi32>
    %mul3A_604 = arith.muli %get3A_523, %mul3A_603 : vector<16xi32>
    %add3A_605 = arith.addi %mul3A_604, %get3A_593 : vector<16xi32>
    %swap3A_606 = arith.constant 3 : i32
    %swap3A_607 = arith.index_cast %swap3A_606 : i32 to index
    %swap3A_608 = arith.constant 64 : index
    %swap3A_609 = tpu.vector_load %arg15[%swap3A_607, %swap3A_608] {strides = array<i32>} : memref<5x128xi32, #tpu.memory_space<vmem>>, vector<16xi32>,
    tpu.vector_store %arg15[%swap3A_607, %swap3A_608], %add3A_605 {strides = array<i32>} : memref<5x128xi32, #tpu.memory_space<vmem>>, vector<16xi32>,
    %get3A_610 = arith.constant 4 : i32
    %get3A_611 = arith.index_cast %get3A_610 : i32 to index
    %get3A_612 = arith.constant 64 : index
    %get3A_613 = tpu.vector_load %arg12[%get3A_611, %get3A_612] {strides = array<i32>} : memref<5x128xi32, #tpu.memory_space<vmem>>, vector<16xi32>,
    %mul3A_614 = arith.constant 8192 : i32
    %mul3A_615 = vector.broadcast %mul3A_614 : i32 to vector<16xi32>
    %mul3A_616 = arith.muli %get3A_521, %mul3A_615 : vector<16xi32>
    %add3A_617 = arith.addi %mul3A_616, %get3A_613 : vector<16xi32>
    %swap3A_618 = arith.constant 4 : i32
    %swap3A_619 = arith.index_cast %swap3A_618 : i32 to index
    %swap3A_620 = arith.constant 64 : index
    %swap3A_621 = tpu.vector_load %arg14[%swap3A_619, %swap3A_620] {strides = array<i32>} : memref<5x128xi32, #tpu.memory_space<vmem>>, vector<16xi32>,
    tpu.vector_store %arg14[%swap3A_619, %swap3A_620], %add3A_617 {strides = array<i32>} : memref<5x128xi32, #tpu.memory_space<vmem>>, vector<16xi32>,
    %mul3A_622 = arith.constant 8192 : i32
    %mul3A_623 = vector.broadcast %mul3A_622 : i32 to vector<16xi32>
    %mul3A_624 = arith.muli %get3A_523, %mul3A_623 : vector<16xi32>
    %add3A_625 = arith.addi %mul3A_624, %get3A_613 : vector<16xi32>
    %swap3A_626 = arith.constant 4 : i32
    %swap3A_627 = arith.index_cast %swap3A_626 : i32 to index
    %swap3A_628 = arith.constant 64 : index
    %swap3A_629 = tpu.vector_load %arg15[%swap3A_627, %swap3A_628] {strides = array<i32>} : memref<5x128xi32, #tpu.memory_space<vmem>>, vector<16xi32>,
    tpu.vector_store %arg15[%swap3A_627, %swap3A_628], %add3A_625 {strides = array<i32>} : memref<5x128xi32, #tpu.memory_space<vmem>>, vector<16xi32>,
    %get3A_630 = arith.constant 80 : index
    %get3A_631 = tpu.vector_load %arg10[%get3A_630] {strides = array<i32>} : memref<128xi32, #tpu.memory_space<vmem>>, vector<16xi32>,
    %get3A_632 = arith.constant 80 : index
    %get3A_633 = tpu.vector_load %arg11[%get3A_632] {strides = array<i32>} : memref<128xi32, #tpu.memory_space<vmem>>, vector<16xi32>,
    %mul3A_634 = arith.constant 8192 : i32
    %mul3A_635 = vector.broadcast %mul3A_634 : i32 to vector<16xi32>
    %mul3A_636 = arith.muli %get3A_631, %mul3A_635 : vector<16xi32>
    %add3A_637 = arith.addi %mul3A_636, %get3A_633 : vector<16xi32>
    %swap3A_638 = arith.constant 80 : index
    %swap3A_639 = tpu.vector_load %arg13[%swap3A_638] {strides = array<i32>} : memref<128xi32, #tpu.memory_space<vmem>>, vector<16xi32>,
    tpu.vector_store %arg13[%swap3A_638], %add3A_637 {strides = array<i32>} : memref<128xi32, #tpu.memory_space<vmem>>, vector<16xi32>,
    %get3A_640 = arith.constant 0 : i32
    %get3A_641 = arith.index_cast %get3A_640 : i32 to index
    %get3A_642 = arith.constant 80 : index
    %get3A_643 = tpu.vector_load %arg12[%get3A_641, %get3A_642] {strides = array<i32>} : memref<5x128xi32, #tpu.memory_space<vmem>>, vector<16xi32>,
    %mul3A_644 = arith.constant 8192 : i32
    %mul3A_645 = vector.broadcast %mul3A_644 : i32 to vector<16xi32>
    %mul3A_646 = arith.muli %get3A_631, %mul3A_645 : vector<16xi32>
    %add3A_647 = arith.addi %mul3A_646, %get3A_643 : vector<16xi32>
    %swap3A_648 = arith.constant 0 : i32
    %swap3A_649 = arith.index_cast %swap3A_648 : i32 to index
    %swap3A_650 = arith.constant 80 : index
    %swap3A_651 = tpu.vector_load %arg14[%swap3A_649, %swap3A_650] {strides = array<i32>} : memref<5x128xi32, #tpu.memory_space<vmem>>, vector<16xi32>,
    tpu.vector_store %arg14[%swap3A_649, %swap3A_650], %add3A_647 {strides = array<i32>} : memref<5x128xi32, #tpu.memory_space<vmem>>, vector<16xi32>,
    %mul3A_652 = arith.constant 8192 : i32
    %mul3A_653 = vector.broadcast %mul3A_652 : i32 to vector<16xi32>
    %mul3A_654 = arith.muli %get3A_633, %mul3A_653 : vector<16xi32>
    %add3A_655 = arith.addi %mul3A_654, %get3A_643 : vector<16xi32>
    %swap3A_656 = arith.constant 0 : i32
    %swap3A_657 = arith.index_cast %swap3A_656 : i32 to index
    %swap3A_658 = arith.constant 80 : index
    %swap3A_659 = tpu.vector_load %arg15[%swap3A_657, %swap3A_658] {strides = array<i32>} : memref<5x128xi32, #tpu.memory_space<vmem>>, vector<16xi32>,
    tpu.vector_store %arg15[%swap3A_657, %swap3A_658], %add3A_655 {strides = array<i32>} : memref<5x128xi32, #tpu.memory_space<vmem>>, vector<16xi32>,
    %get3A_660 = arith.constant 1 : i32
    %get3A_661 = arith.index_cast %get3A_660 : i32 to index
    %get3A_662 = arith.constant 80 : index
    %get3A_663 = tpu.vector_load %arg12[%get3A_661, %get3A_662] {strides = array<i32>} : memref<5x128xi32, #tpu.memory_space<vmem>>, vector<16xi32>,
    %mul3A_664 = arith.constant 8192 : i32
    %mul3A_665 = vector.broadcast %mul3A_664 : i32 to vector<16xi32>
    %mul3A_666 = arith.muli %get3A_631, %mul3A_665 : vector<16xi32>
    %add3A_667 = arith.addi %mul3A_666, %get3A_663 : vector<16xi32>
    %swap3A_668 = arith.constant 1 : i32
    %swap3A_669 = arith.index_cast %swap3A_668 : i32 to index
    %swap3A_670 = arith.constant 80 : index
    %swap3A_671 = tpu.vector_load %arg14[%swap3A_669, %swap3A_670] {strides = array<i32>} : memref<5x128xi32, #tpu.memory_space<vmem>>, vector<16xi32>,
    tpu.vector_store %arg14[%swap3A_669, %swap3A_670], %add3A_667 {strides = array<i32>} : memref<5x128xi32, #tpu.memory_space<vmem>>, vector<16xi32>,
    %mul3A_672 = arith.constant 8192 : i32
    %mul3A_673 = vector.broadcast %mul3A_672 : i32 to vector<16xi32>
    %mul3A_674 = arith.muli %get3A_633, %mul3A_673 : vector<16xi32>
    %add3A_675 = arith.addi %mul3A_674, %get3A_663 : vector<16xi32>
    %swap3A_676 = arith.constant 1 : i32
    %swap3A_677 = arith.index_cast %swap3A_676 : i32 to index
    %swap3A_678 = arith.constant 80 : index
    %swap3A_679 = tpu.vector_load %arg15[%swap3A_677, %swap3A_678] {strides = array<i32>} : memref<5x128xi32, #tpu.memory_space<vmem>>, vector<16xi32>,
    tpu.vector_store %arg15[%swap3A_677, %swap3A_678], %add3A_675 {strides = array<i32>} : memref<5x128xi32, #tpu.memory_space<vmem>>, vector<16xi32>,
    %get3A_680 = arith.constant 2 : i32
    %get3A_681 = arith.index_cast %get3A_680 : i32 to index
    %get3A_682 = arith.constant 80 : index
    %get3A_683 = tpu.vector_load %arg12[%get3A_681, %get3A_682] {strides = array<i32>} : memref<5x128xi32, #tpu.memory_space<vmem>>, vector<16xi32>,
    %mul3A_684 = arith.constant 8192 : i32
    %mul3A_685 = vector.broadcast %mul3A_684 : i32 to vector<16xi32>
    %mul3A_686 = arith.muli %get3A_631, %mul3A_685 : vector<16xi32>
    %add3A_687 = arith.addi %mul3A_686, %get3A_683 : vector<16xi32>
    %swap3A_688 = arith.constant 2 : i32
    %swap3A_689 = arith.index_cast %swap3A_688 : i32 to index
    %swap3A_690 = arith.constant 80 : index
    %swap3A_691 = tpu.vector_load %arg14[%swap3A_689, %swap3A_690] {strides = array<i32>} : memref<5x128xi32, #tpu.memory_space<vmem>>, vector<16xi32>,
    tpu.vector_store %arg14[%swap3A_689, %swap3A_690], %add3A_687 {strides = array<i32>} : memref<5x128xi32, #tpu.memory_space<vmem>>, vector<16xi32>,
    %mul3A_692 = arith.constant 8192 : i32
    %mul3A_693 = vector.broadcast %mul3A_692 : i32 to vector<16xi32>
    %mul3A_694 = arith.muli %get3A_633, %mul3A_693 : vector<16xi32>
    %add3A_695 = arith.addi %mul3A_694, %get3A_683 : vector<16xi32>
    %swap3A_696 = arith.constant 2 : i32
    %swap3A_697 = arith.index_cast %swap3A_696 : i32 to index
    %swap3A_698 = arith.constant 80 : index
    %swap3A_699 = tpu.vector_load %arg15[%swap3A_697, %swap3A_698] {strides = array<i32>} : memref<5x128xi32, #tpu.memory_space<vmem>>, vector<16xi32>,
    tpu.vector_store %arg15[%swap3A_697, %swap3A_698], %add3A_695 {strides = array<i32>} : memref<5x128xi32, #tpu.memory_space<vmem>>, vector<16xi32>,
    %get3A_700 = arith.constant 3 : i32
    %get3A_701 = arith.index_cast %get3A_700 : i32 to index
    %get3A_702 = arith.constant 80 : index
    %get3A_703 = tpu.vector_load %arg12[%get3A_701, %get3A_702] {strides = array<i32>} : memref<5x128xi32, #tpu.memory_space<vmem>>, vector<16xi32>,
    %mul3A_704 = arith.constant 8192 : i32
    %mul3A_705 = vector.broadcast %mul3A_704 : i32 to vector<16xi32>
    %mul3A_706 = arith.muli %get3A_631, %mul3A_705 : vector<16xi32>
    %add3A_707 = arith.addi %mul3A_706, %get3A_703 : vector<16xi32>
    %swap3A_708 = arith.constant 3 : i32
    %swap3A_709 = arith.index_cast %swap3A_708 : i32 to index
    %swap3A_710 = arith.constant 80 : index
    %swap3A_711 = tpu.vector_load %arg14[%swap3A_709, %swap3A_710] {strides = array<i32>} : memref<5x128xi32, #tpu.memory_space<vmem>>, vector<16xi32>,
    tpu.vector_store %arg14[%swap3A_709, %swap3A_710], %add3A_707 {strides = array<i32>} : memref<5x128xi32, #tpu.memory_space<vmem>>, vector<16xi32>,
    %mul3A_712 = arith.constant 8192 : i32
    %mul3A_713 = vector.broadcast %mul3A_712 : i32 to vector<16xi32>
    %mul3A_714 = arith.muli %get3A_633, %mul3A_713 : vector<16xi32>
    %add3A_715 = arith.addi %mul3A_714, %get3A_703 : vector<16xi32>
    %swap3A_716 = arith.constant 3 : i32
    %swap3A_717 = arith.index_cast %swap3A_716 : i32 to index
    %swap3A_718 = arith.constant 80 : index
    %swap3A_719 = tpu.vector_load %arg15[%swap3A_717, %swap3A_718] {strides = array<i32>} : memref<5x128xi32, #tpu.memory_space<vmem>>, vector<16xi32>,
    tpu.vector_store %arg15[%swap3A_717, %swap3A_718], %add3A_715 {strides = array<i32>} : memref<5x128xi32, #tpu.memory_space<vmem>>, vector<16xi32>,
    %get3A_720 = arith.constant 4 : i32
    %get3A_721 = arith.index_cast %get3A_720 : i32 to index
    %get3A_722 = arith.constant 80 : index
    %get3A_723 = tpu.vector_load %arg12[%get3A_721, %get3A_722] {strides = array<i32>} : memref<5x128xi32, #tpu.memory_space<vmem>>, vector<16xi32>,
    %mul3A_724 = arith.constant 8192 : i32
    %mul3A_725 = vector.broadcast %mul3A_724 : i32 to vector<16xi32>
    %mul3A_726 = arith.muli %get3A_631, %mul3A_725 : vector<16xi32>
    %add3A_727 = arith.addi %mul3A_726, %get3A_723 : vector<16xi32>
    %swap3A_728 = arith.constant 4 : i32
    %swap3A_729 = arith.index_cast %swap3A_728 : i32 to index
    %swap3A_730 = arith.constant 80 : index
    %swap3A_731 = tpu.vector_load %arg14[%swap3A_729, %swap3A_730] {strides = array<i32>} : memref<5x128xi32, #tpu.memory_space<vmem>>, vector<16xi32>,
    tpu.vector_store %arg14[%swap3A_729, %swap3A_730], %add3A_727 {strides = array<i32>} : memref<5x128xi32, #tpu.memory_space<vmem>>, vector<16xi32>,
    %mul3A_732 = arith.constant 8192 : i32
    %mul3A_733 = vector.broadcast %mul3A_732 : i32 to vector<16xi32>
    %mul3A_734 = arith.muli %get3A_633, %mul3A_733 : vector<16xi32>
    %add3A_735 = arith.addi %mul3A_734, %get3A_723 : vector<16xi32>
    %swap3A_736 = arith.constant 4 : i32
    %swap3A_737 = arith.index_cast %swap3A_736 : i32 to index
    %swap3A_738 = arith.constant 80 : index
    %swap3A_739 = tpu.vector_load %arg15[%swap3A_737, %swap3A_738] {strides = array<i32>} : memref<5x128xi32, #tpu.memory_space<vmem>>, vector<16xi32>,
    tpu.vector_store %arg15[%swap3A_737, %swap3A_738], %add3A_735 {strides = array<i32>} : memref<5x128xi32, #tpu.memory_space<vmem>>, vector<16xi32>,
    %get3A_740 = arith.constant 96 : index
    %get3A_741 = tpu.vector_load %arg10[%get3A_740] {strides = array<i32>} : memref<128xi32, #tpu.memory_space<vmem>>, vector<16xi32>,
    %get3A_742 = arith.constant 96 : index
    %get3A_743 = tpu.vector_load %arg11[%get3A_742] {strides = array<i32>} : memref<128xi32, #tpu.memory_space<vmem>>, vector<16xi32>,
    %mul3A_744 = arith.constant 8192 : i32
    %mul3A_745 = vector.broadcast %mul3A_744 : i32 to vector<16xi32>
    %mul3A_746 = arith.muli %get3A_741, %mul3A_745 : vector<16xi32>
    %add3A_747 = arith.addi %mul3A_746, %get3A_743 : vector<16xi32>
    %swap3A_748 = arith.constant 96 : index
    %swap3A_749 = tpu.vector_load %arg13[%swap3A_748] {strides = array<i32>} : memref<128xi32, #tpu.memory_space<vmem>>, vector<16xi32>,
    tpu.vector_store %arg13[%swap3A_748], %add3A_747 {strides = array<i32>} : memref<128xi32, #tpu.memory_space<vmem>>, vector<16xi32>,
    %get3A_750 = arith.constant 0 : i32
    %get3A_751 = arith.index_cast %get3A_750 : i32 to index
    %get3A_752 = arith.constant 96 : index
    %get3A_753 = tpu.vector_load %arg12[%get3A_751, %get3A_752] {strides = array<i32>} : memref<5x128xi32, #tpu.memory_space<vmem>>, vector<16xi32>,
    %mul3A_754 = arith.constant 8192 : i32
    %mul3A_755 = vector.broadcast %mul3A_754 : i32 to vector<16xi32>
    %mul3A_756 = arith.muli %get3A_741, %mul3A_755 : vector<16xi32>
    %add3A_757 = arith.addi %mul3A_756, %get3A_753 : vector<16xi32>
    %swap3A_758 = arith.constant 0 : i32
    %swap3A_759 = arith.index_cast %swap3A_758 : i32 to index
    %swap3A_760 = arith.constant 96 : index
    %swap3A_761 = tpu.vector_load %arg14[%swap3A_759, %swap3A_760] {strides = array<i32>} : memref<5x128xi32, #tpu.memory_space<vmem>>, vector<16xi32>,
    tpu.vector_store %arg14[%swap3A_759, %swap3A_760], %add3A_757 {strides = array<i32>} : memref<5x128xi32, #tpu.memory_space<vmem>>, vector<16xi32>,
    %mul3A_762 = arith.constant 8192 : i32
    %mul3A_763 = vector.broadcast %mul3A_762 : i32 to vector<16xi32>
    %mul3A_764 = arith.muli %get3A_743, %mul3A_763 : vector<16xi32>
    %add3A_765 = arith.addi %mul3A_764, %get3A_753 : vector<16xi32>
    %swap3A_766 = arith.constant 0 : i32
    %swap3A_767 = arith.index_cast %swap3A_766 : i32 to index
    %swap3A_768 = arith.constant 96 : index
    %swap3A_769 = tpu.vector_load %arg15[%swap3A_767, %swap3A_768] {strides = array<i32>} : memref<5x128xi32, #tpu.memory_space<vmem>>, vector<16xi32>,
    tpu.vector_store %arg15[%swap3A_767, %swap3A_768], %add3A_765 {strides = array<i32>} : memref<5x128xi32, #tpu.memory_space<vmem>>, vector<16xi32>,
    %get3A_770 = arith.constant 1 : i32
    %get3A_771 = arith.index_cast %get3A_770 : i32 to index
    %get3A_772 = arith.constant 96 : index
    %get3A_773 = tpu.vector_load %arg12[%get3A_771, %get3A_772] {strides = array<i32>} : memref<5x128xi32, #tpu.memory_space<vmem>>, vector<16xi32>,
    %mul3A_774 = arith.constant 8192 : i32
    %mul3A_775 = vector.broadcast %mul3A_774 : i32 to vector<16xi32>
    %mul3A_776 = arith.muli %get3A_741, %mul3A_775 : vector<16xi32>
    %add3A_777 = arith.addi %mul3A_776, %get3A_773 : vector<16xi32>
    %swap3A_778 = arith.constant 1 : i32
    %swap3A_779 = arith.index_cast %swap3A_778 : i32 to index
    %swap3A_780 = arith.constant 96 : index
    %swap3A_781 = tpu.vector_load %arg14[%swap3A_779, %swap3A_780] {strides = array<i32>} : memref<5x128xi32, #tpu.memory_space<vmem>>, vector<16xi32>,
    tpu.vector_store %arg14[%swap3A_779, %swap3A_780], %add3A_777 {strides = array<i32>} : memref<5x128xi32, #tpu.memory_space<vmem>>, vector<16xi32>,
    %mul3A_782 = arith.constant 8192 : i32
    %mul3A_783 = vector.broadcast %mul3A_782 : i32 to vector<16xi32>
    %mul3A_784 = arith.muli %get3A_743, %mul3A_783 : vector<16xi32>
    %add3A_785 = arith.addi %mul3A_784, %get3A_773 : vector<16xi32>
    %swap3A_786 = arith.constant 1 : i32
    %swap3A_787 = arith.index_cast %swap3A_786 : i32 to index
    %swap3A_788 = arith.constant 96 : index
    %swap3A_789 = tpu.vector_load %arg15[%swap3A_787, %swap3A_788] {strides = array<i32>} : memref<5x128xi32, #tpu.memory_space<vmem>>, vector<16xi32>,
    tpu.vector_store %arg15[%swap3A_787, %swap3A_788], %add3A_785 {strides = array<i32>} : memref<5x128xi32, #tpu.memory_space<vmem>>, vector<16xi32>,
    %get3A_790 = arith.constant 2 : i32
    %get3A_791 = arith.index_cast %get3A_790 : i32 to index
    %get3A_792 = arith.constant 96 : index
    %get3A_793 = tpu.vector_load %arg12[%get3A_791, %get3A_792] {strides = array<i32>} : memref<5x128xi32, #tpu.memory_space<vmem>>, vector<16xi32>,
    %mul3A_794 = arith.constant 8192 : i32
    %mul3A_795 = vector.broadcast %mul3A_794 : i32 to vector<16xi32>
    %mul3A_796 = arith.muli %get3A_741, %mul3A_795 : vector<16xi32>
    %add3A_797 = arith.addi %mul3A_796, %get3A_793 : vector<16xi32>
    %swap3A_798 = arith.constant 2 : i32
    %swap3A_799 = arith.index_cast %swap3A_798 : i32 to index
    %swap3A_800 = arith.constant 96 : index
    %swap3A_801 = tpu.vector_load %arg14[%swap3A_799, %swap3A_800] {strides = array<i32>} : memref<5x128xi32, #tpu.memory_space<vmem>>, vector<16xi32>,
    tpu.vector_store %arg14[%swap3A_799, %swap3A_800], %add3A_797 {strides = array<i32>} : memref<5x128xi32, #tpu.memory_space<vmem>>, vector<16xi32>,
    %mul3A_802 = arith.constant 8192 : i32
    %mul3A_803 = vector.broadcast %mul3A_802 : i32 to vector<16xi32>
    %mul3A_804 = arith.muli %get3A_743, %mul3A_803 : vector<16xi32>
    %add3A_805 = arith.addi %mul3A_804, %get3A_793 : vector<16xi32>
    %swap3A_806 = arith.constant 2 : i32
    %swap3A_807 = arith.index_cast %swap3A_806 : i32 to index
    %swap3A_808 = arith.constant 96 : index
    %swap3A_809 = tpu.vector_load %arg15[%swap3A_807, %swap3A_808] {strides = array<i32>} : memref<5x128xi32, #tpu.memory_space<vmem>>, vector<16xi32>,
    tpu.vector_store %arg15[%swap3A_807, %swap3A_808], %add3A_805 {strides = array<i32>} : memref<5x128xi32, #tpu.memory_space<vmem>>, vector<16xi32>,
    %get3A_810 = arith.constant 3 : i32
    %get3A_811 = arith.index_cast %get3A_810 : i32 to index
    %get3A_812 = arith.constant 96 : index
    %get3A_813 = tpu.vector_load %arg12[%get3A_811, %get3A_812] {strides = array<i32>} : memref<5x128xi32, #tpu.memory_space<vmem>>, vector<16xi32>,
    %mul3A_814 = arith.constant 8192 : i32
    %mul3A_815 = vector.broadcast %mul3A_814 : i32 to vector<16xi32>
    %mul3A_816 = arith.muli %get3A_741, %mul3A_815 : vector<16xi32>
    %add3A_817 = arith.addi %mul3A_816, %get3A_813 : vector<16xi32>
    %swap3A_818 = arith.constant 3 : i32
    %swap3A_819 = arith.index_cast %swap3A_818 : i32 to index
    %swap3A_820 = arith.constant 96 : index
    %swap3A_821 = tpu.vector_load %arg14[%swap3A_819, %swap3A_820] {strides = array<i32>} : memref<5x128xi32, #tpu.memory_space<vmem>>, vector<16xi32>,
    tpu.vector_store %arg14[%swap3A_819, %swap3A_820], %add3A_817 {strides = array<i32>} : memref<5x128xi32, #tpu.memory_space<vmem>>, vector<16xi32>,
    %mul3A_822 = arith.constant 8192 : i32
    %mul3A_823 = vector.broadcast %mul3A_822 : i32 to vector<16xi32>
    %mul3A_824 = arith.muli %get3A_743, %mul3A_823 : vector<16xi32>
    %add3A_825 = arith.addi %mul3A_824, %get3A_813 : vector<16xi32>
    %swap3A_826 = arith.constant 3 : i32
    %swap3A_827 = arith.index_cast %swap3A_826 : i32 to index
    %swap3A_828 = arith.constant 96 : index
    %swap3A_829 = tpu.vector_load %arg15[%swap3A_827, %swap3A_828] {strides = array<i32>} : memref<5x128xi32, #tpu.memory_space<vmem>>, vector<16xi32>,
    tpu.vector_store %arg15[%swap3A_827, %swap3A_828], %add3A_825 {strides = array<i32>} : memref<5x128xi32, #tpu.memory_space<vmem>>, vector<16xi32>,
    %get3A_830 = arith.constant 4 : i32
    %get3A_831 = arith.index_cast %get3A_830 : i32 to index
    %get3A_832 = arith.constant 96 : index
    %get3A_833 = tpu.vector_load %arg12[%get3A_831, %get3A_832] {strides = array<i32>} : memref<5x128xi32, #tpu.memory_space<vmem>>, vector<16xi32>,
    %mul3A_834 = arith.constant 8192 : i32
    %mul3A_835 = vector.broadcast %mul3A_834 : i32 to vector<16xi32>
    %mul3A_836 = arith.muli %get3A_741, %mul3A_835 : vector<16xi32>
    %add3A_837 = arith.addi %mul3A_836, %get3A_833 : vector<16xi32>
    %swap3A_838 = arith.constant 4 : i32
    %swap3A_839 = arith.index_cast %swap3A_838 : i32 to index
    %swap3A_840 = arith.constant 96 : index
    %swap3A_841 = tpu.vector_load %arg14[%swap3A_839, %swap3A_840] {strides = array<i32>} : memref<5x128xi32, #tpu.memory_space<vmem>>, vector<16xi32>,
    tpu.vector_store %arg14[%swap3A_839, %swap3A_840], %add3A_837 {strides = array<i32>} : memref<5x128xi32, #tpu.memory_space<vmem>>, vector<16xi32>,
    %mul3A_842 = arith.constant 8192 : i32
    %mul3A_843 = vector.broadcast %mul3A_842 : i32 to vector<16xi32>
    %mul3A_844 = arith.muli %get3A_743, %mul3A_843 : vector<16xi32>
    %add3A_845 = arith.addi %mul3A_844, %get3A_833 : vector<16xi32>
    %swap3A_846 = arith.constant 4 : i32
    %swap3A_847 = arith.index_cast %swap3A_846 : i32 to index
    %swap3A_848 = arith.constant 96 : index
    %swap3A_849 = tpu.vector_load %arg15[%swap3A_847, %swap3A_848] {strides = array<i32>} : memref<5x128xi32, #tpu.memory_space<vmem>>, vector<16xi32>,
    tpu.vector_store %arg15[%swap3A_847, %swap3A_848], %add3A_845 {strides = array<i32>} : memref<5x128xi32, #tpu.memory_space<vmem>>, vector<16xi32>,
    %get3A_850 = arith.constant 112 : index
    %get3A_851 = tpu.vector_load %arg10[%get3A_850] {strides = array<i32>} : memref<128xi32, #tpu.memory_space<vmem>>, vector<16xi32>,
    %get3A_852 = arith.constant 112 : index
    %get3A_853 = tpu.vector_load %arg11[%get3A_852] {strides = array<i32>} : memref<128xi32, #tpu.memory_space<vmem>>, vector<16xi32>,
    %mul3A_854 = arith.constant 8192 : i32
    %mul3A_855 = vector.broadcast %mul3A_854 : i32 to vector<16xi32>
    %mul3A_856 = arith.muli %get3A_851, %mul3A_855 : vector<16xi32>
    %add3A_857 = arith.addi %mul3A_856, %get3A_853 : vector<16xi32>
    %swap3A_858 = arith.constant 112 : index
    %swap3A_859 = tpu.vector_load %arg13[%swap3A_858] {strides = array<i32>} : memref<128xi32, #tpu.memory_space<vmem>>, vector<16xi32>,
    tpu.vector_store %arg13[%swap3A_858], %add3A_857 {strides = array<i32>} : memref<128xi32, #tpu.memory_space<vmem>>, vector<16xi32>,
    %get3A_860 = arith.constant 0 : i32
    %get3A_861 = arith.index_cast %get3A_860 : i32 to index
    %get3A_862 = arith.constant 112 : index
    %get3A_863 = tpu.vector_load %arg12[%get3A_861, %get3A_862] {strides = array<i32>} : memref<5x128xi32, #tpu.memory_space<vmem>>, vector<16xi32>,
    %mul3A_864 = arith.constant 8192 : i32
    %mul3A_865 = vector.broadcast %mul3A_864 : i32 to vector<16xi32>
    %mul3A_866 = arith.muli %get3A_851, %mul3A_865 : vector<16xi32>
    %add3A_867 = arith.addi %mul3A_866, %get3A_863 : vector<16xi32>
    %swap3A_868 = arith.constant 0 : i32
    %swap3A_869 = arith.index_cast %swap3A_868 : i32 to index
    %swap3A_870 = arith.constant 112 : index
    %swap3A_871 = tpu.vector_load %arg14[%swap3A_869, %swap3A_870] {strides = array<i32>} : memref<5x128xi32, #tpu.memory_space<vmem>>, vector<16xi32>,
    tpu.vector_store %arg14[%swap3A_869, %swap3A_870], %add3A_867 {strides = array<i32>} : memref<5x128xi32, #tpu.memory_space<vmem>>, vector<16xi32>,
    %mul3A_872 = arith.constant 8192 : i32
    %mul3A_873 = vector.broadcast %mul3A_872 : i32 to vector<16xi32>
    %mul3A_874 = arith.muli %get3A_853, %mul3A_873 : vector<16xi32>
    %add3A_875 = arith.addi %mul3A_874, %get3A_863 : vector<16xi32>
    %swap3A_876 = arith.constant 0 : i32
    %swap3A_877 = arith.index_cast %swap3A_876 : i32 to index
    %swap3A_878 = arith.constant 112 : index
    %swap3A_879 = tpu.vector_load %arg15[%swap3A_877, %swap3A_878] {strides = array<i32>} : memref<5x128xi32, #tpu.memory_space<vmem>>, vector<16xi32>,
    tpu.vector_store %arg15[%swap3A_877, %swap3A_878], %add3A_875 {strides = array<i32>} : memref<5x128xi32, #tpu.memory_space<vmem>>, vector<16xi32>,
    %get3A_880 = arith.constant 1 : i32
    %get3A_881 = arith.index_cast %get3A_880 : i32 to index
    %get3A_882 = arith.constant 112 : index
    %get3A_883 = tpu.vector_load %arg12[%get3A_881, %get3A_882] {strides = array<i32>} : memref<5x128xi32, #tpu.memory_space<vmem>>, vector<16xi32>,
    %mul3A_884 = arith.constant 8192 : i32
    %mul3A_885 = vector.broadcast %mul3A_884 : i32 to vector<16xi32>
    %mul3A_886 = arith.muli %get3A_851, %mul3A_885 : vector<16xi32>
    %add3A_887 = arith.addi %mul3A_886, %get3A_883 : vector<16xi32>
    %swap3A_888 = arith.constant 1 : i32
    %swap3A_889 = arith.index_cast %swap3A_888 : i32 to index
    %swap3A_890 = arith.constant 112 : index
    %swap3A_891 = tpu.vector_load %arg14[%swap3A_889, %swap3A_890] {strides = array<i32>} : memref<5x128xi32, #tpu.memory_space<vmem>>, vector<16xi32>,
    tpu.vector_store %arg14[%swap3A_889, %swap3A_890], %add3A_887 {strides = array<i32>} : memref<5x128xi32, #tpu.memory_space<vmem>>, vector<16xi32>,
    %mul3A_892 = arith.constant 8192 : i32
    %mul3A_893 = vector.broadcast %mul3A_892 : i32 to vector<16xi32>
    %mul3A_894 = arith.muli %get3A_853, %mul3A_893 : vector<16xi32>
    %add3A_895 = arith.addi %mul3A_894, %get3A_883 : vector<16xi32>
    %swap3A_896 = arith.constant 1 : i32
    %swap3A_897 = arith.index_cast %swap3A_896 : i32 to index
    %swap3A_898 = arith.constant 112 : index
    %swap3A_899 = tpu.vector_load %arg15[%swap3A_897, %swap3A_898] {strides = array<i32>} : memref<5x128xi32, #tpu.memory_space<vmem>>, vector<16xi32>,
    tpu.vector_store %arg15[%swap3A_897, %swap3A_898], %add3A_895 {strides = array<i32>} : memref<5x128xi32, #tpu.memory_space<vmem>>, vector<16xi32>,
    %get3A_900 = arith.constant 2 : i32
    %get3A_901 = arith.index_cast %get3A_900 : i32 to index
    %get3A_902 = arith.constant 112 : index
    %get3A_903 = tpu.vector_load %arg12[%get3A_901, %get3A_902] {strides = array<i32>} : memref<5x128xi32, #tpu.memory_space<vmem>>, vector<16xi32>,
    %mul3A_904 = arith.constant 8192 : i32
    %mul3A_905 = vector.broadcast %mul3A_904 : i32 to vector<16xi32>
    %mul3A_906 = arith.muli %get3A_851, %mul3A_905 : vector<16xi32>
    %add3A_907 = arith.addi %mul3A_906, %get3A_903 : vector<16xi32>
    %swap3A_908 = arith.constant 2 : i32
    %swap3A_909 = arith.index_cast %swap3A_908 : i32 to index
    %swap3A_910 = arith.constant 112 : index
    %swap3A_911 = tpu.vector_load %arg14[%swap3A_909, %swap3A_910] {strides = array<i32>} : memref<5x128xi32, #tpu.memory_space<vmem>>, vector<16xi32>,
    tpu.vector_store %arg14[%swap3A_909, %swap3A_910], %add3A_907 {strides = array<i32>} : memref<5x128xi32, #tpu.memory_space<vmem>>, vector<16xi32>,
    %mul3A_912 = arith.constant 8192 : i32
    %mul3A_913 = vector.broadcast %mul3A_912 : i32 to vector<16xi32>
    %mul3A_914 = arith.muli %get3A_853, %mul3A_913 : vector<16xi32>
    %add3A_915 = arith.addi %mul3A_914, %get3A_903 : vector<16xi32>
    %swap3A_916 = arith.constant 2 : i32
    %swap3A_917 = arith.index_cast %swap3A_916 : i32 to index
    %swap3A_918 = arith.constant 112 : index
    %swap3A_919 = tpu.vector_load %arg15[%swap3A_917, %swap3A_918] {strides = array<i32>} : memref<5x128xi32, #tpu.memory_space<vmem>>, vector<16xi32>,
    tpu.vector_store %arg15[%swap3A_917, %swap3A_918], %add3A_915 {strides = array<i32>} : memref<5x128xi32, #tpu.memory_space<vmem>>, vector<16xi32>,
    %get3A_920 = arith.constant 3 : i32
    %get3A_921 = arith.index_cast %get3A_920 : i32 to index
    %get3A_922 = arith.constant 112 : index
    %get3A_923 = tpu.vector_load %arg12[%get3A_921, %get3A_922] {strides = array<i32>} : memref<5x128xi32, #tpu.memory_space<vmem>>, vector<16xi32>,
    %mul3A_924 = arith.constant 8192 : i32
    %mul3A_925 = vector.broadcast %mul3A_924 : i32 to vector<16xi32>
    %mul3A_926 = arith.muli %get3A_851, %mul3A_925 : vector<16xi32>
    %add3A_927 = arith.addi %mul3A_926, %get3A_923 : vector<16xi32>
    %swap3A_928 = arith.constant 3 : i32
    %swap3A_929 = arith.index_cast %swap3A_928 : i32 to index
    %swap3A_930 = arith.constant 112 : index
    %swap3A_931 = tpu.vector_load %arg14[%swap3A_929, %swap3A_930] {strides = array<i32>} : memref<5x128xi32, #tpu.memory_space<vmem>>, vector<16xi32>,
    tpu.vector_store %arg14[%swap3A_929, %swap3A_930], %add3A_927 {strides = array<i32>} : memref<5x128xi32, #tpu.memory_space<vmem>>, vector<16xi32>,
    %mul3A_932 = arith.constant 8192 : i32
    %mul3A_933 = vector.broadcast %mul3A_932 : i32 to vector<16xi32>
    %mul3A_934 = arith.muli %get3A_853, %mul3A_933 : vector<16xi32>
    %add3A_935 = arith.addi %mul3A_934, %get3A_923 : vector<16xi32>
    %swap3A_936 = arith.constant 3 : i32
    %swap3A_937 = arith.index_cast %swap3A_936 : i32 to index
    %swap3A_938 = arith.constant 112 : index
    %swap3A_939 = tpu.vector_load %arg15[%swap3A_937, %swap3A_938] {strides = array<i32>} : memref<5x128xi32, #tpu.memory_space<vmem>>, vector<16xi32>,
    tpu.vector_store %arg15[%swap3A_937, %swap3A_938], %add3A_935 {strides = array<i32>} : memref<5x128xi32, #tpu.memory_space<vmem>>, vector<16xi32>,
    %get3A_940 = arith.constant 4 : i32
    %get3A_941 = arith.index_cast %get3A_940 : i32 to index
    %get3A_942 = arith.constant 112 : index
    %get3A_943 = tpu.vector_load %arg12[%get3A_941, %get3A_942] {strides = array<i32>} : memref<5x128xi32, #tpu.memory_space<vmem>>, vector<16xi32>,
    %mul3A_944 = arith.constant 8192 : i32
    %mul3A_945 = vector.broadcast %mul3A_944 : i32 to vector<16xi32>
    %mul3A_946 = arith.muli %get3A_851, %mul3A_945 : vector<16xi32>
    %add3A_947 = arith.addi %mul3A_946, %get3A_943 : vector<16xi32>
    %swap3A_948 = arith.constant 4 : i32
    %swap3A_949 = arith.index_cast %swap3A_948 : i32 to index
    %swap3A_950 = arith.constant 112 : index
    %swap3A_951 = tpu.vector_load %arg14[%swap3A_949, %swap3A_950] {strides = array<i32>} : memref<5x128xi32, #tpu.memory_space<vmem>>, vector<16xi32>,
    tpu.vector_store %arg14[%swap3A_949, %swap3A_950], %add3A_947 {strides = array<i32>} : memref<5x128xi32, #tpu.memory_space<vmem>>, vector<16xi32>,
    %mul3A_952 = arith.constant 8192 : i32
    %mul3A_953 = vector.broadcast %mul3A_952 : i32 to vector<16xi32>
    %mul3A_954 = arith.muli %get3A_853, %mul3A_953 : vector<16xi32>
    %add3A_955 = arith.addi %mul3A_954, %get3A_943 : vector<16xi32>
    %swap3A_956 = arith.constant 4 : i32
    %swap3A_957 = arith.index_cast %swap3A_956 : i32 to index
    %swap3A_958 = arith.constant 112 : index
    %swap3A_959 = tpu.vector_load %arg15[%swap3A_957, %swap3A_958] {strides = array<i32>} : memref<5x128xi32, #tpu.memory_space<vmem>>, vector<16xi32>,
    tpu.vector_store %arg15[%swap3A_957, %swap3A_958], %add3A_955 {strides = array<i32>} : memref<5x128xi32, #tpu.memory_space<vmem>>, vector<16xi32>,
    %dma_start3A_960 = arith.constant 0 : i32
    %dma_start3A_961 = tpu.memref_slice %arg7[%dma_start3A_960] : memref<67108864xf32, #tpu.memory_space<hbm>> -> memref<67108864xf32, #tpu.memory_space<hbm>>
    tpu.enqueue_indirect_dma source(%dma_start3A_961 : memref<67108864xf32, #tpu.memory_space<hbm>>) target(%arg19 : memref<128xf32, #tpu.memory_space<vmem>>) offsets(%arg13 : memref<128xi32, #tpu.memory_space<vmem>>) semaphore(%arg23 : memref<!tpu.dma_semaphore, #tpu.memory_space<semaphore_mem>>)
    %dma_start3A_962 = arith.constant 0 : i32
    %dma_start3A_963 = arith.constant 0 : i32
    %dma_start3A_964 = arith.constant 0 : i32
    %dma_start3A_965 = tpu.memref_slice %arg20[%dma_start3A_963, %dma_start3A_964] : memref<5x128xf32, #tpu.memory_space<vmem>> -> memref<1x128xf32, #tpu.memory_space<vmem>>
    %dma_start3A_966 = tpu.memref_squeeze %dma_start3A_965 : memref<1x128xf32, #tpu.memory_space<vmem>> -> memref<128xf32, #tpu.memory_space<vmem>>
    %dma_start3A_967 = arith.constant 0 : i32
    %dma_start3A_968 = tpu.memref_slice %arg14[%dma_start3A_962, %dma_start3A_967] : memref<5x128xi32, #tpu.memory_space<vmem>> -> memref<1x128xi32, #tpu.memory_space<vmem>>
    %dma_start3A_969 = tpu.memref_squeeze %dma_start3A_968 : memref<1x128xi32, #tpu.memory_space<vmem>> -> memref<128xi32, #tpu.memory_space<vmem>>
    %dma_start3A_970 = arith.constant 0 : i32
    %dma_start3A_971 = tpu.memref_slice %arg7[%dma_start3A_970] : memref<67108864xf32, #tpu.memory_space<hbm>> -> memref<67108864xf32, #tpu.memory_space<hbm>>
    tpu.enqueue_indirect_dma source(%dma_start3A_971 : memref<67108864xf32, #tpu.memory_space<hbm>>) target(%dma_start3A_966 : memref<128xf32, #tpu.memory_space<vmem>>) offsets(%dma_start3A_969 : memref<128xi32, #tpu.memory_space<vmem>>) semaphore(%arg23 : memref<!tpu.dma_semaphore, #tpu.memory_space<semaphore_mem>>)
    %dma_start3A_972 = arith.constant 0 : i32
    %dma_start3A_973 = arith.constant 0 : i32
    %dma_start3A_974 = arith.constant 0 : i32
    %dma_start3A_975 = tpu.memref_slice %arg21[%dma_start3A_973, %dma_start3A_974] : memref<5x128xf32, #tpu.memory_space<vmem>> -> memref<1x128xf32, #tpu.memory_space<vmem>>
    %dma_start3A_976 = tpu.memref_squeeze %dma_start3A_975 : memref<1x128xf32, #tpu.memory_space<vmem>> -> memref<128xf32, #tpu.memory_space<vmem>>
    %dma_start3A_977 = arith.constant 0 : i32
    %dma_start3A_978 = tpu.memref_slice %arg15[%dma_start3A_972, %dma_start3A_977] : memref<5x128xi32, #tpu.memory_space<vmem>> -> memref<1x128xi32, #tpu.memory_space<vmem>>
    %dma_start3A_979 = tpu.memref_squeeze %dma_start3A_978 : memref<1x128xi32, #tpu.memory_space<vmem>> -> memref<128xi32, #tpu.memory_space<vmem>>
    %dma_start3A_980 = arith.constant 0 : i32
    %dma_start3A_981 = tpu.memref_slice %arg8[%dma_start3A_980] : memref<67108864xf32, #tpu.memory_space<hbm>> -> memref<67108864xf32, #tpu.memory_space<hbm>>
    tpu.enqueue_indirect_dma source(%dma_start3A_981 : memref<67108864xf32, #tpu.memory_space<hbm>>) target(%dma_start3A_976 : memref<128xf32, #tpu.memory_space<vmem>>) offsets(%dma_start3A_979 : memref<128xi32, #tpu.memory_space<vmem>>) semaphore(%arg23 : memref<!tpu.dma_semaphore, #tpu.memory_space<semaphore_mem>>)
    %dma_start3A_982 = arith.constant 1 : i32
    %dma_start3A_983 = arith.constant 1 : i32
    %dma_start3A_984 = arith.constant 0 : i32
    %dma_start3A_985 = tpu.memref_slice %arg20[%dma_start3A_983, %dma_start3A_984] : memref<5x128xf32, #tpu.memory_space<vmem>> -> memref<1x128xf32, #tpu.memory_space<vmem>>
    %dma_start3A_986 = tpu.memref_squeeze %dma_start3A_985 : memref<1x128xf32, #tpu.memory_space<vmem>> -> memref<128xf32, #tpu.memory_space<vmem>>
    %dma_start3A_987 = arith.constant 0 : i32
    %dma_start3A_988 = tpu.memref_slice %arg14[%dma_start3A_982, %dma_start3A_987] : memref<5x128xi32, #tpu.memory_space<vmem>> -> memref<1x128xi32, #tpu.memory_space<vmem>>
    %dma_start3A_989 = tpu.memref_squeeze %dma_start3A_988 : memref<1x128xi32, #tpu.memory_space<vmem>> -> memref<128xi32, #tpu.memory_space<vmem>>
    %dma_start3A_990 = arith.constant 0 : i32
    %dma_start3A_991 = tpu.memref_slice %arg7[%dma_start3A_990] : memref<67108864xf32, #tpu.memory_space<hbm>> -> memref<67108864xf32, #tpu.memory_space<hbm>>
    tpu.enqueue_indirect_dma source(%dma_start3A_991 : memref<67108864xf32, #tpu.memory_space<hbm>>) target(%dma_start3A_986 : memref<128xf32, #tpu.memory_space<vmem>>) offsets(%dma_start3A_989 : memref<128xi32, #tpu.memory_space<vmem>>) semaphore(%arg23 : memref<!tpu.dma_semaphore, #tpu.memory_space<semaphore_mem>>)
    %dma_start3A_992 = arith.constant 1 : i32
    %dma_start3A_993 = arith.constant 1 : i32
    %dma_start3A_994 = arith.constant 0 : i32
    %dma_start3A_995 = tpu.memref_slice %arg21[%dma_start3A_993, %dma_start3A_994] : memref<5x128xf32, #tpu.memory_space<vmem>> -> memref<1x128xf32, #tpu.memory_space<vmem>>
    %dma_start3A_996 = tpu.memref_squeeze %dma_start3A_995 : memref<1x128xf32, #tpu.memory_space<vmem>> -> memref<128xf32, #tpu.memory_space<vmem>>
    %dma_start3A_997 = arith.constant 0 : i32
    %dma_start3A_998 = tpu.memref_slice %arg15[%dma_start3A_992, %dma_start3A_997] : memref<5x128xi32, #tpu.memory_space<vmem>> -> memref<1x128xi32, #tpu.memory_space<vmem>>
    %dma_start3A_999 = tpu.memref_squeeze %dma_start3A_998 : memref<1x128xi32, #tpu.memory_space<vmem>> -> memref<128xi32, #tpu.memory_space<vmem>>
    %dma_start3A_1000 = arith.constant 0 : i32
    %dma_start3A_1001 = tpu.memref_slice %arg8[%dma_start3A_1000] : memref<67108864xf32, #tpu.memory_space<hbm>> -> memref<67108864xf32, #tpu.memory_space<hbm>>
    tpu.enqueue_indirect_dma source(%dma_start3A_1001 : memref<67108864xf32, #tpu.memory_space<hbm>>) target(%dma_start3A_996 : memref<128xf32, #tpu.memory_space<vmem>>) offsets(%dma_start3A_999 : memref<128xi32, #tpu.memory_space<vmem>>) semaphore(%arg23 : memref<!tpu.dma_semaphore, #tpu.memory_space<semaphore_mem>>)
    %dma_start3A_1002 = arith.constant 2 : i32
    %dma_start3A_1003 = arith.constant 2 : i32
    %dma_start3A_1004 = arith.constant 0 : i32
    %dma_start3A_1005 = tpu.memref_slice %arg20[%dma_start3A_1003, %dma_start3A_1004] : memref<5x128xf32, #tpu.memory_space<vmem>> -> memref<1x128xf32, #tpu.memory_space<vmem>>
    %dma_start3A_1006 = tpu.memref_squeeze %dma_start3A_1005 : memref<1x128xf32, #tpu.memory_space<vmem>> -> memref<128xf32, #tpu.memory_space<vmem>>
    %dma_start3A_1007 = arith.constant 0 : i32
    %dma_start3A_1008 = tpu.memref_slice %arg14[%dma_start3A_1002, %dma_start3A_1007] : memref<5x128xi32, #tpu.memory_space<vmem>> -> memref<1x128xi32, #tpu.memory_space<vmem>>
    %dma_start3A_1009 = tpu.memref_squeeze %dma_start3A_1008 : memref<1x128xi32, #tpu.memory_space<vmem>> -> memref<128xi32, #tpu.memory_space<vmem>>
    %dma_start3A_1010 = arith.constant 0 : i32
    %dma_start3A_1011 = tpu.memref_slice %arg7[%dma_start3A_1010] : memref<67108864xf32, #tpu.memory_space<hbm>> -> memref<67108864xf32, #tpu.memory_space<hbm>>
    tpu.enqueue_indirect_dma source(%dma_start3A_1011 : memref<67108864xf32, #tpu.memory_space<hbm>>) target(%dma_start3A_1006 : memref<128xf32, #tpu.memory_space<vmem>>) offsets(%dma_start3A_1009 : memref<128xi32, #tpu.memory_space<vmem>>) semaphore(%arg23 : memref<!tpu.dma_semaphore, #tpu.memory_space<semaphore_mem>>)
    %dma_start3A_1012 = arith.constant 2 : i32
    %dma_start3A_1013 = arith.constant 2 : i32
    %dma_start3A_1014 = arith.constant 0 : i32
    %dma_start3A_1015 = tpu.memref_slice %arg21[%dma_start3A_1013, %dma_start3A_1014] : memref<5x128xf32, #tpu.memory_space<vmem>> -> memref<1x128xf32, #tpu.memory_space<vmem>>
    %dma_start3A_1016 = tpu.memref_squeeze %dma_start3A_1015 : memref<1x128xf32, #tpu.memory_space<vmem>> -> memref<128xf32, #tpu.memory_space<vmem>>
    %dma_start3A_1017 = arith.constant 0 : i32
    %dma_start3A_1018 = tpu.memref_slice %arg15[%dma_start3A_1012, %dma_start3A_1017] : memref<5x128xi32, #tpu.memory_space<vmem>> -> memref<1x128xi32, #tpu.memory_space<vmem>>
    %dma_start3A_1019 = tpu.memref_squeeze %dma_start3A_1018 : memref<1x128xi32, #tpu.memory_space<vmem>> -> memref<128xi32, #tpu.memory_space<vmem>>
    %dma_start3A_1020 = arith.constant 0 : i32
    %dma_start3A_1021 = tpu.memref_slice %arg8[%dma_start3A_1020] : memref<67108864xf32, #tpu.memory_space<hbm>> -> memref<67108864xf32, #tpu.memory_space<hbm>>
    tpu.enqueue_indirect_dma source(%dma_start3A_1021 : memref<67108864xf32, #tpu.memory_space<hbm>>) target(%dma_start3A_1016 : memref<128xf32, #tpu.memory_space<vmem>>) offsets(%dma_start3A_1019 : memref<128xi32, #tpu.memory_space<vmem>>) semaphore(%arg23 : memref<!tpu.dma_semaphore, #tpu.memory_space<semaphore_mem>>)
    %dma_start3A_1022 = arith.constant 3 : i32
    %dma_start3A_1023 = arith.constant 3 : i32
    %dma_start3A_1024 = arith.constant 0 : i32
    %dma_start3A_1025 = tpu.memref_slice %arg20[%dma_start3A_1023, %dma_start3A_1024] : memref<5x128xf32, #tpu.memory_space<vmem>> -> memref<1x128xf32, #tpu.memory_space<vmem>>
    %dma_start3A_1026 = tpu.memref_squeeze %dma_start3A_1025 : memref<1x128xf32, #tpu.memory_space<vmem>> -> memref<128xf32, #tpu.memory_space<vmem>>
    %dma_start3A_1027 = arith.constant 0 : i32
    %dma_start3A_1028 = tpu.memref_slice %arg14[%dma_start3A_1022, %dma_start3A_1027] : memref<5x128xi32, #tpu.memory_space<vmem>> -> memref<1x128xi32, #tpu.memory_space<vmem>>
    %dma_start3A_1029 = tpu.memref_squeeze %dma_start3A_1028 : memref<1x128xi32, #tpu.memory_space<vmem>> -> memref<128xi32, #tpu.memory_space<vmem>>
    %dma_start3A_1030 = arith.constant 0 : i32
    %dma_start3A_1031 = tpu.memref_slice %arg7[%dma_start3A_1030] : memref<67108864xf32, #tpu.memory_space<hbm>> -> memref<67108864xf32, #tpu.memory_space<hbm>>
    tpu.enqueue_indirect_dma source(%dma_start3A_1031 : memref<67108864xf32, #tpu.memory_space<hbm>>) target(%dma_start3A_1026 : memref<128xf32, #tpu.memory_space<vmem>>) offsets(%dma_start3A_1029 : memref<128xi32, #tpu.memory_space<vmem>>) semaphore(%arg23 : memref<!tpu.dma_semaphore, #tpu.memory_space<semaphore_mem>>)
    %dma_start3A_1032 = arith.constant 3 : i32
    %dma_start3A_1033 = arith.constant 3 : i32
    %dma_start3A_1034 = arith.constant 0 : i32
    %dma_start3A_1035 = tpu.memref_slice %arg21[%dma_start3A_1033, %dma_start3A_1034] : memref<5x128xf32, #tpu.memory_space<vmem>> -> memref<1x128xf32, #tpu.memory_space<vmem>>
    %dma_start3A_1036 = tpu.memref_squeeze %dma_start3A_1035 : memref<1x128xf32, #tpu.memory_space<vmem>> -> memref<128xf32, #tpu.memory_space<vmem>>
    %dma_start3A_1037 = arith.constant 0 : i32
    %dma_start3A_1038 = tpu.memref_slice %arg15[%dma_start3A_1032, %dma_start3A_1037] : memref<5x128xi32, #tpu.memory_space<vmem>> -> memref<1x128xi32, #tpu.memory_space<vmem>>
    %dma_start3A_1039 = tpu.memref_squeeze %dma_start3A_1038 : memref<1x128xi32, #tpu.memory_space<vmem>> -> memref<128xi32, #tpu.memory_space<vmem>>
    %dma_start3A_1040 = arith.constant 0 : i32
    %dma_start3A_1041 = tpu.memref_slice %arg8[%dma_start3A_1040] : memref<67108864xf32, #tpu.memory_space<hbm>> -> memref<67108864xf32, #tpu.memory_space<hbm>>
    tpu.enqueue_indirect_dma source(%dma_start3A_1041 : memref<67108864xf32, #tpu.memory_space<hbm>>) target(%dma_start3A_1036 : memref<128xf32, #tpu.memory_space<vmem>>) offsets(%dma_start3A_1039 : memref<128xi32, #tpu.memory_space<vmem>>) semaphore(%arg23 : memref<!tpu.dma_semaphore, #tpu.memory_space<semaphore_mem>>)
    %dma_start3A_1042 = arith.constant 4 : i32
    %dma_start3A_1043 = arith.constant 4 : i32
    %dma_start3A_1044 = arith.constant 0 : i32
    %dma_start3A_1045 = tpu.memref_slice %arg20[%dma_start3A_1043, %dma_start3A_1044] : memref<5x128xf32, #tpu.memory_space<vmem>> -> memref<1x128xf32, #tpu.memory_space<vmem>>
    %dma_start3A_1046 = tpu.memref_squeeze %dma_start3A_1045 : memref<1x128xf32, #tpu.memory_space<vmem>> -> memref<128xf32, #tpu.memory_space<vmem>>
    %dma_start3A_1047 = arith.constant 0 : i32
    %dma_start3A_1048 = tpu.memref_slice %arg14[%dma_start3A_1042, %dma_start3A_1047] : memref<5x128xi32, #tpu.memory_space<vmem>> -> memref<1x128xi32, #tpu.memory_space<vmem>>
    %dma_start3A_1049 = tpu.memref_squeeze %dma_start3A_1048 : memref<1x128xi32, #tpu.memory_space<vmem>> -> memref<128xi32, #tpu.memory_space<vmem>>
    %dma_start3A_1050 = arith.constant 0 : i32
    %dma_start3A_1051 = tpu.memref_slice %arg7[%dma_start3A_1050] : memref<67108864xf32, #tpu.memory_space<hbm>> -> memref<67108864xf32, #tpu.memory_space<hbm>>
    tpu.enqueue_indirect_dma source(%dma_start3A_1051 : memref<67108864xf32, #tpu.memory_space<hbm>>) target(%dma_start3A_1046 : memref<128xf32, #tpu.memory_space<vmem>>) offsets(%dma_start3A_1049 : memref<128xi32, #tpu.memory_space<vmem>>) semaphore(%arg23 : memref<!tpu.dma_semaphore, #tpu.memory_space<semaphore_mem>>)
    %dma_start3A_1052 = arith.constant 4 : i32
    %dma_start3A_1053 = arith.constant 4 : i32
    %dma_start3A_1054 = arith.constant 0 : i32
    %dma_start3A_1055 = tpu.memref_slice %arg21[%dma_start3A_1053, %dma_start3A_1054] : memref<5x128xf32, #tpu.memory_space<vmem>> -> memref<1x128xf32, #tpu.memory_space<vmem>>
    %dma_start3A_1056 = tpu.memref_squeeze %dma_start3A_1055 : memref<1x128xf32, #tpu.memory_space<vmem>> -> memref<128xf32, #tpu.memory_space<vmem>>
    %dma_start3A_1057 = arith.constant 0 : i32
    %dma_start3A_1058 = tpu.memref_slice %arg15[%dma_start3A_1052, %dma_start3A_1057] : memref<5x128xi32, #tpu.memory_space<vmem>> -> memref<1x128xi32, #tpu.memory_space<vmem>>
    %dma_start3A_1059 = tpu.memref_squeeze %dma_start3A_1058 : memref<1x128xi32, #tpu.memory_space<vmem>> -> memref<128xi32, #tpu.memory_space<vmem>>
    %dma_start3A_1060 = arith.constant 0 : i32
    %dma_start3A_1061 = tpu.memref_slice %arg8[%dma_start3A_1060] : memref<67108864xf32, #tpu.memory_space<hbm>> -> memref<67108864xf32, #tpu.memory_space<hbm>>
    tpu.enqueue_indirect_dma source(%dma_start3A_1061 : memref<67108864xf32, #tpu.memory_space<hbm>>) target(%dma_start3A_1056 : memref<128xf32, #tpu.memory_space<vmem>>) offsets(%dma_start3A_1059 : memref<128xi32, #tpu.memory_space<vmem>>) semaphore(%arg23 : memref<!tpu.dma_semaphore, #tpu.memory_space<semaphore_mem>>)
    %dma_wait3A = arith.constant 0 : i32
    %dma_wait3A_1062 = arith.constant 0 : i32
    %dma_wait3A_1063 = tpu.memref_slice %arg5[%dma_wait3A, %dma_wait3A_1062] : memref<8192x128xf32, #tpu.memory_space<hbm>> -> memref<8192x128xf32, #tpu.memory_space<hbm>>
    tpu.wait_indirect_dma semaphore(%arg23 : memref<!tpu.dma_semaphore, #tpu.memory_space<semaphore_mem>>) src(%dma_wait3A_1063 : memref<8192x128xf32, #tpu.memory_space<hbm>>) dst(%arg16 : memref<128x128xf32, #tpu.memory_space<vmem>>)
    %dma_wait3A_1064 = arith.constant 0 : i32
    %dma_wait3A_1065 = arith.constant 0 : i32
    %dma_wait3A_1066 = tpu.memref_slice %arg6[%dma_wait3A_1064, %dma_wait3A_1065] : memref<8192x128xf32, #tpu.memory_space<hbm>> -> memref<8192x128xf32, #tpu.memory_space<hbm>>
    tpu.wait_indirect_dma semaphore(%arg23 : memref<!tpu.dma_semaphore, #tpu.memory_space<semaphore_mem>>) src(%dma_wait3A_1066 : memref<8192x128xf32, #tpu.memory_space<hbm>>) dst(%arg17 : memref<128x128xf32, #tpu.memory_space<vmem>>)
    %dma_wait3A_1067 = arith.constant 0 : i32
    %dma_wait3A_1068 = arith.constant 0 : i32
    %dma_wait3A_1069 = arith.constant 0 : i32
    %dma_wait3A_1070 = arith.constant 0 : i32
    %dma_wait3A_1071 = tpu.memref_slice %arg18[%dma_wait3A_1068, %dma_wait3A_1069, %dma_wait3A_1070] : memref<5x128x128xf32, #tpu.memory_space<vmem>> -> memref<1x128x128xf32, #tpu.memory_space<vmem>>
    %dma_wait3A_1072 = tpu.memref_squeeze %dma_wait3A_1071 : memref<1x128x128xf32, #tpu.memory_space<vmem>> -> memref<128x128xf32, #tpu.memory_space<vmem>>
    %dma_wait3A_1073 = arith.constant 0 : i32
    %dma_wait3A_1074 = tpu.memref_slice %arg12[%dma_wait3A_1067, %dma_wait3A_1073] : memref<5x128xi32, #tpu.memory_space<vmem>> -> memref<1x128xi32, #tpu.memory_space<vmem>>
    %dma_wait3A_1075 = tpu.memref_squeeze %dma_wait3A_1074 : memref<1x128xi32, #tpu.memory_space<vmem>> -> memref<128xi32, #tpu.memory_space<vmem>>
    %dma_wait3A_1076 = arith.constant 0 : i32
    %dma_wait3A_1077 = arith.constant 0 : i32
    %dma_wait3A_1078 = tpu.memref_slice %arg6[%dma_wait3A_1076, %dma_wait3A_1077] : memref<8192x128xf32, #tpu.memory_space<hbm>> -> memref<8192x128xf32, #tpu.memory_space<hbm>>
    tpu.wait_indirect_dma semaphore(%arg23 : memref<!tpu.dma_semaphore, #tpu.memory_space<semaphore_mem>>) src(%dma_wait3A_1078 : memref<8192x128xf32, #tpu.memory_space<hbm>>) dst(%dma_wait3A_1072 : memref<128x128xf32, #tpu.memory_space<vmem>>)
    %dma_wait3A_1079 = arith.constant 1 : i32
    %dma_wait3A_1080 = arith.constant 1 : i32
    %dma_wait3A_1081 = arith.constant 0 : i32
    %dma_wait3A_1082 = arith.constant 0 : i32
    %dma_wait3A_1083 = tpu.memref_slice %arg18[%dma_wait3A_1080, %dma_wait3A_1081, %dma_wait3A_1082] : memref<5x128x128xf32, #tpu.memory_space<vmem>> -> memref<1x128x128xf32, #tpu.memory_space<vmem>>
    %dma_wait3A_1084 = tpu.memref_squeeze %dma_wait3A_1083 : memref<1x128x128xf32, #tpu.memory_space<vmem>> -> memref<128x128xf32, #tpu.memory_space<vmem>>
    %dma_wait3A_1085 = arith.constant 0 : i32
    %dma_wait3A_1086 = tpu.memref_slice %arg12[%dma_wait3A_1079, %dma_wait3A_1085] : memref<5x128xi32, #tpu.memory_space<vmem>> -> memref<1x128xi32, #tpu.memory_space<vmem>>
    %dma_wait3A_1087 = tpu.memref_squeeze %dma_wait3A_1086 : memref<1x128xi32, #tpu.memory_space<vmem>> -> memref<128xi32, #tpu.memory_space<vmem>>
    %dma_wait3A_1088 = arith.constant 0 : i32
    %dma_wait3A_1089 = arith.constant 0 : i32
    %dma_wait3A_1090 = tpu.memref_slice %arg6[%dma_wait3A_1088, %dma_wait3A_1089] : memref<8192x128xf32, #tpu.memory_space<hbm>> -> memref<8192x128xf32, #tpu.memory_space<hbm>>
    tpu.wait_indirect_dma semaphore(%arg23 : memref<!tpu.dma_semaphore, #tpu.memory_space<semaphore_mem>>) src(%dma_wait3A_1090 : memref<8192x128xf32, #tpu.memory_space<hbm>>) dst(%dma_wait3A_1084 : memref<128x128xf32, #tpu.memory_space<vmem>>)
    %dma_wait3A_1091 = arith.constant 2 : i32
    %dma_wait3A_1092 = arith.constant 2 : i32
    %dma_wait3A_1093 = arith.constant 0 : i32
    %dma_wait3A_1094 = arith.constant 0 : i32
    %dma_wait3A_1095 = tpu.memref_slice %arg18[%dma_wait3A_1092, %dma_wait3A_1093, %dma_wait3A_1094] : memref<5x128x128xf32, #tpu.memory_space<vmem>> -> memref<1x128x128xf32, #tpu.memory_space<vmem>>
    %dma_wait3A_1096 = tpu.memref_squeeze %dma_wait3A_1095 : memref<1x128x128xf32, #tpu.memory_space<vmem>> -> memref<128x128xf32, #tpu.memory_space<vmem>>
    %dma_wait3A_1097 = arith.constant 0 : i32
    %dma_wait3A_1098 = tpu.memref_slice %arg12[%dma_wait3A_1091, %dma_wait3A_1097] : memref<5x128xi32, #tpu.memory_space<vmem>> -> memref<1x128xi32, #tpu.memory_space<vmem>>
    %dma_wait3A_1099 = tpu.memref_squeeze %dma_wait3A_1098 : memref<1x128xi32, #tpu.memory_space<vmem>> -> memref<128xi32, #tpu.memory_space<vmem>>
    %dma_wait3A_1100 = arith.constant 0 : i32
    %dma_wait3A_1101 = arith.constant 0 : i32
    %dma_wait3A_1102 = tpu.memref_slice %arg6[%dma_wait3A_1100, %dma_wait3A_1101] : memref<8192x128xf32, #tpu.memory_space<hbm>> -> memref<8192x128xf32, #tpu.memory_space<hbm>>
    tpu.wait_indirect_dma semaphore(%arg23 : memref<!tpu.dma_semaphore, #tpu.memory_space<semaphore_mem>>) src(%dma_wait3A_1102 : memref<8192x128xf32, #tpu.memory_space<hbm>>) dst(%dma_wait3A_1096 : memref<128x128xf32, #tpu.memory_space<vmem>>)
    %dma_wait3A_1103 = arith.constant 3 : i32
    %dma_wait3A_1104 = arith.constant 3 : i32
    %dma_wait3A_1105 = arith.constant 0 : i32
    %dma_wait3A_1106 = arith.constant 0 : i32
    %dma_wait3A_1107 = tpu.memref_slice %arg18[%dma_wait3A_1104, %dma_wait3A_1105, %dma_wait3A_1106] : memref<5x128x128xf32, #tpu.memory_space<vmem>> -> memref<1x128x128xf32, #tpu.memory_space<vmem>>
    %dma_wait3A_1108 = tpu.memref_squeeze %dma_wait3A_1107 : memref<1x128x128xf32, #tpu.memory_space<vmem>> -> memref<128x128xf32, #tpu.memory_space<vmem>>
    %dma_wait3A_1109 = arith.constant 0 : i32
    %dma_wait3A_1110 = tpu.memref_slice %arg12[%dma_wait3A_1103, %dma_wait3A_1109] : memref<5x128xi32, #tpu.memory_space<vmem>> -> memref<1x128xi32, #tpu.memory_space<vmem>>
    %dma_wait3A_1111 = tpu.memref_squeeze %dma_wait3A_1110 : memref<1x128xi32, #tpu.memory_space<vmem>> -> memref<128xi32, #tpu.memory_space<vmem>>
    %dma_wait3A_1112 = arith.constant 0 : i32
    %dma_wait3A_1113 = arith.constant 0 : i32
    %dma_wait3A_1114 = tpu.memref_slice %arg6[%dma_wait3A_1112, %dma_wait3A_1113] : memref<8192x128xf32, #tpu.memory_space<hbm>> -> memref<8192x128xf32, #tpu.memory_space<hbm>>
    tpu.wait_indirect_dma semaphore(%arg23 : memref<!tpu.dma_semaphore, #tpu.memory_space<semaphore_mem>>) src(%dma_wait3A_1114 : memref<8192x128xf32, #tpu.memory_space<hbm>>) dst(%dma_wait3A_1108 : memref<128x128xf32, #tpu.memory_space<vmem>>)
    %dma_wait3A_1115 = arith.constant 4 : i32
    %dma_wait3A_1116 = arith.constant 4 : i32
    %dma_wait3A_1117 = arith.constant 0 : i32
    %dma_wait3A_1118 = arith.constant 0 : i32
    %dma_wait3A_1119 = tpu.memref_slice %arg18[%dma_wait3A_1116, %dma_wait3A_1117, %dma_wait3A_1118] : memref<5x128x128xf32, #tpu.memory_space<vmem>> -> memref<1x128x128xf32, #tpu.memory_space<vmem>>
    %dma_wait3A_1120 = tpu.memref_squeeze %dma_wait3A_1119 : memref<1x128x128xf32, #tpu.memory_space<vmem>> -> memref<128x128xf32, #tpu.memory_space<vmem>>
    %dma_wait3A_1121 = arith.constant 0 : i32
    %dma_wait3A_1122 = tpu.memref_slice %arg12[%dma_wait3A_1115, %dma_wait3A_1121] : memref<5x128xi32, #tpu.memory_space<vmem>> -> memref<1x128xi32, #tpu.memory_space<vmem>>
    %dma_wait3A_1123 = tpu.memref_squeeze %dma_wait3A_1122 : memref<1x128xi32, #tpu.memory_space<vmem>> -> memref<128xi32, #tpu.memory_space<vmem>>
    %dma_wait3A_1124 = arith.constant 0 : i32
    %dma_wait3A_1125 = arith.constant 0 : i32
    %dma_wait3A_1126 = tpu.memref_slice %arg6[%dma_wait3A_1124, %dma_wait3A_1125] : memref<8192x128xf32, #tpu.memory_space<hbm>> -> memref<8192x128xf32, #tpu.memory_space<hbm>>
    tpu.wait_indirect_dma semaphore(%arg23 : memref<!tpu.dma_semaphore, #tpu.memory_space<semaphore_mem>>) src(%dma_wait3A_1126 : memref<8192x128xf32, #tpu.memory_space<hbm>>) dst(%dma_wait3A_1120 : memref<128x128xf32, #tpu.memory_space<vmem>>)
    %dma_wait3A_1127 = arith.constant 0 : i32
    %dma_wait3A_1128 = tpu.memref_slice %arg7[%dma_wait3A_1127] : memref<67108864xf32, #tpu.memory_space<hbm>> -> memref<67108864xf32, #tpu.memory_space<hbm>>
    tpu.wait_indirect_dma semaphore(%arg23 : memref<!tpu.dma_semaphore, #tpu.memory_space<semaphore_mem>>) src(%dma_wait3A_1128 : memref<67108864xf32, #tpu.memory_space<hbm>>) dst(%arg19 : memref<128xf32, #tpu.memory_space<vmem>>)
    %dma_wait3A_1129 = arith.constant 0 : i32
    %dma_wait3A_1130 = arith.constant 0 : i32
    %dma_wait3A_1131 = arith.constant 0 : i32
    %dma_wait3A_1132 = tpu.memref_slice %arg20[%dma_wait3A_1130, %dma_wait3A_1131] : memref<5x128xf32, #tpu.memory_space<vmem>> -> memref<1x128xf32, #tpu.memory_space<vmem>>
    %dma_wait3A_1133 = tpu.memref_squeeze %dma_wait3A_1132 : memref<1x128xf32, #tpu.memory_space<vmem>> -> memref<128xf32, #tpu.memory_space<vmem>>
    %dma_wait3A_1134 = arith.constant 0 : i32
    %dma_wait3A_1135 = tpu.memref_slice %arg14[%dma_wait3A_1129, %dma_wait3A_1134] : memref<5x128xi32, #tpu.memory_space<vmem>> -> memref<1x128xi32, #tpu.memory_space<vmem>>
    %dma_wait3A_1136 = tpu.memref_squeeze %dma_wait3A_1135 : memref<1x128xi32, #tpu.memory_space<vmem>> -> memref<128xi32, #tpu.memory_space<vmem>>
    %dma_wait3A_1137 = arith.constant 0 : i32
    %dma_wait3A_1138 = tpu.memref_slice %arg7[%dma_wait3A_1137] : memref<67108864xf32, #tpu.memory_space<hbm>> -> memref<67108864xf32, #tpu.memory_space<hbm>>
    tpu.wait_indirect_dma semaphore(%arg23 : memref<!tpu.dma_semaphore, #tpu.memory_space<semaphore_mem>>) src(%dma_wait3A_1138 : memref<67108864xf32, #tpu.memory_space<hbm>>) dst(%dma_wait3A_1133 : memref<128xf32, #tpu.memory_space<vmem>>)
    %dma_wait3A_1139 = arith.constant 0 : i32
    %dma_wait3A_1140 = arith.constant 0 : i32
    %dma_wait3A_1141 = arith.constant 0 : i32
    %dma_wait3A_1142 = tpu.memref_slice %arg21[%dma_wait3A_1140, %dma_wait3A_1141] : memref<5x128xf32, #tpu.memory_space<vmem>> -> memref<1x128xf32, #tpu.memory_space<vmem>>
    %dma_wait3A_1143 = tpu.memref_squeeze %dma_wait3A_1142 : memref<1x128xf32, #tpu.memory_space<vmem>> -> memref<128xf32, #tpu.memory_space<vmem>>
    %dma_wait3A_1144 = arith.constant 0 : i32
    %dma_wait3A_1145 = tpu.memref_slice %arg15[%dma_wait3A_1139, %dma_wait3A_1144] : memref<5x128xi32, #tpu.memory_space<vmem>> -> memref<1x128xi32, #tpu.memory_space<vmem>>
    %dma_wait3A_1146 = tpu.memref_squeeze %dma_wait3A_1145 : memref<1x128xi32, #tpu.memory_space<vmem>> -> memref<128xi32, #tpu.memory_space<vmem>>
    %dma_wait3A_1147 = arith.constant 0 : i32
    %dma_wait3A_1148 = tpu.memref_slice %arg8[%dma_wait3A_1147] : memref<67108864xf32, #tpu.memory_space<hbm>> -> memref<67108864xf32, #tpu.memory_space<hbm>>
    tpu.wait_indirect_dma semaphore(%arg23 : memref<!tpu.dma_semaphore, #tpu.memory_space<semaphore_mem>>) src(%dma_wait3A_1148 : memref<67108864xf32, #tpu.memory_space<hbm>>) dst(%dma_wait3A_1143 : memref<128xf32, #tpu.memory_space<vmem>>)
    %dma_wait3A_1149 = arith.constant 1 : i32
    %dma_wait3A_1150 = arith.constant 1 : i32
    %dma_wait3A_1151 = arith.constant 0 : i32
    %dma_wait3A_1152 = tpu.memref_slice %arg20[%dma_wait3A_1150, %dma_wait3A_1151] : memref<5x128xf32, #tpu.memory_space<vmem>> -> memref<1x128xf32, #tpu.memory_space<vmem>>
    %dma_wait3A_1153 = tpu.memref_squeeze %dma_wait3A_1152 : memref<1x128xf32, #tpu.memory_space<vmem>> -> memref<128xf32, #tpu.memory_space<vmem>>
    %dma_wait3A_1154 = arith.constant 0 : i32
    %dma_wait3A_1155 = tpu.memref_slice %arg14[%dma_wait3A_1149, %dma_wait3A_1154] : memref<5x128xi32, #tpu.memory_space<vmem>> -> memref<1x128xi32, #tpu.memory_space<vmem>>
    %dma_wait3A_1156 = tpu.memref_squeeze %dma_wait3A_1155 : memref<1x128xi32, #tpu.memory_space<vmem>> -> memref<128xi32, #tpu.memory_space<vmem>>
    %dma_wait3A_1157 = arith.constant 0 : i32
    %dma_wait3A_1158 = tpu.memref_slice %arg7[%dma_wait3A_1157] : memref<67108864xf32, #tpu.memory_space<hbm>> -> memref<67108864xf32, #tpu.memory_space<hbm>>
    tpu.wait_indirect_dma semaphore(%arg23 : memref<!tpu.dma_semaphore, #tpu.memory_space<semaphore_mem>>) src(%dma_wait3A_1158 : memref<67108864xf32, #tpu.memory_space<hbm>>) dst(%dma_wait3A_1153 : memref<128xf32, #tpu.memory_space<vmem>>)
    %dma_wait3A_1159 = arith.constant 1 : i32
    %dma_wait3A_1160 = arith.constant 1 : i32
    %dma_wait3A_1161 = arith.constant 0 : i32
    %dma_wait3A_1162 = tpu.memref_slice %arg21[%dma_wait3A_1160, %dma_wait3A_1161] : memref<5x128xf32, #tpu.memory_space<vmem>> -> memref<1x128xf32, #tpu.memory_space<vmem>>
    %dma_wait3A_1163 = tpu.memref_squeeze %dma_wait3A_1162 : memref<1x128xf32, #tpu.memory_space<vmem>> -> memref<128xf32, #tpu.memory_space<vmem>>
    %dma_wait3A_1164 = arith.constant 0 : i32
    %dma_wait3A_1165 = tpu.memref_slice %arg15[%dma_wait3A_1159, %dma_wait3A_1164] : memref<5x128xi32, #tpu.memory_space<vmem>> -> memref<1x128xi32, #tpu.memory_space<vmem>>
    %dma_wait3A_1166 = tpu.memref_squeeze %dma_wait3A_1165 : memref<1x128xi32, #tpu.memory_space<vmem>> -> memref<128xi32, #tpu.memory_space<vmem>>
    %dma_wait3A_1167 = arith.constant 0 : i32
    %dma_wait3A_1168 = tpu.memref_slice %arg8[%dma_wait3A_1167] : memref<67108864xf32, #tpu.memory_space<hbm>> -> memref<67108864xf32, #tpu.memory_space<hbm>>
    tpu.wait_indirect_dma semaphore(%arg23 : memref<!tpu.dma_semaphore, #tpu.memory_space<semaphore_mem>>) src(%dma_wait3A_1168 : memref<67108864xf32, #tpu.memory_space<hbm>>) dst(%dma_wait3A_1163 : memref<128xf32, #tpu.memory_space<vmem>>)
    %dma_wait3A_1169 = arith.constant 2 : i32
    %dma_wait3A_1170 = arith.constant 2 : i32
    %dma_wait3A_1171 = arith.constant 0 : i32
    %dma_wait3A_1172 = tpu.memref_slice %arg20[%dma_wait3A_1170, %dma_wait3A_1171] : memref<5x128xf32, #tpu.memory_space<vmem>> -> memref<1x128xf32, #tpu.memory_space<vmem>>
    %dma_wait3A_1173 = tpu.memref_squeeze %dma_wait3A_1172 : memref<1x128xf32, #tpu.memory_space<vmem>> -> memref<128xf32, #tpu.memory_space<vmem>>
    %dma_wait3A_1174 = arith.constant 0 : i32
    %dma_wait3A_1175 = tpu.memref_slice %arg14[%dma_wait3A_1169, %dma_wait3A_1174] : memref<5x128xi32, #tpu.memory_space<vmem>> -> memref<1x128xi32, #tpu.memory_space<vmem>>
    %dma_wait3A_1176 = tpu.memref_squeeze %dma_wait3A_1175 : memref<1x128xi32, #tpu.memory_space<vmem>> -> memref<128xi32, #tpu.memory_space<vmem>>
    %dma_wait3A_1177 = arith.constant 0 : i32
    %dma_wait3A_1178 = tpu.memref_slice %arg7[%dma_wait3A_1177] : memref<67108864xf32, #tpu.memory_space<hbm>> -> memref<67108864xf32, #tpu.memory_space<hbm>>
    tpu.wait_indirect_dma semaphore(%arg23 : memref<!tpu.dma_semaphore, #tpu.memory_space<semaphore_mem>>) src(%dma_wait3A_1178 : memref<67108864xf32, #tpu.memory_space<hbm>>) dst(%dma_wait3A_1173 : memref<128xf32, #tpu.memory_space<vmem>>)
    %dma_wait3A_1179 = arith.constant 2 : i32
    %dma_wait3A_1180 = arith.constant 2 : i32
    %dma_wait3A_1181 = arith.constant 0 : i32
    %dma_wait3A_1182 = tpu.memref_slice %arg21[%dma_wait3A_1180, %dma_wait3A_1181] : memref<5x128xf32, #tpu.memory_space<vmem>> -> memref<1x128xf32, #tpu.memory_space<vmem>>
    %dma_wait3A_1183 = tpu.memref_squeeze %dma_wait3A_1182 : memref<1x128xf32, #tpu.memory_space<vmem>> -> memref<128xf32, #tpu.memory_space<vmem>>
    %dma_wait3A_1184 = arith.constant 0 : i32
    %dma_wait3A_1185 = tpu.memref_slice %arg15[%dma_wait3A_1179, %dma_wait3A_1184] : memref<5x128xi32, #tpu.memory_space<vmem>> -> memref<1x128xi32, #tpu.memory_space<vmem>>
    %dma_wait3A_1186 = tpu.memref_squeeze %dma_wait3A_1185 : memref<1x128xi32, #tpu.memory_space<vmem>> -> memref<128xi32, #tpu.memory_space<vmem>>
    %dma_wait3A_1187 = arith.constant 0 : i32
    %dma_wait3A_1188 = tpu.memref_slice %arg8[%dma_wait3A_1187] : memref<67108864xf32, #tpu.memory_space<hbm>> -> memref<67108864xf32, #tpu.memory_space<hbm>>
    tpu.wait_indirect_dma semaphore(%arg23 : memref<!tpu.dma_semaphore, #tpu.memory_space<semaphore_mem>>) src(%dma_wait3A_1188 : memref<67108864xf32, #tpu.memory_space<hbm>>) dst(%dma_wait3A_1183 : memref<128xf32, #tpu.memory_space<vmem>>)
    %dma_wait3A_1189 = arith.constant 3 : i32
    %dma_wait3A_1190 = arith.constant 3 : i32
    %dma_wait3A_1191 = arith.constant 0 : i32
    %dma_wait3A_1192 = tpu.memref_slice %arg20[%dma_wait3A_1190, %dma_wait3A_1191] : memref<5x128xf32, #tpu.memory_space<vmem>> -> memref<1x128xf32, #tpu.memory_space<vmem>>
    %dma_wait3A_1193 = tpu.memref_squeeze %dma_wait3A_1192 : memref<1x128xf32, #tpu.memory_space<vmem>> -> memref<128xf32, #tpu.memory_space<vmem>>
    %dma_wait3A_1194 = arith.constant 0 : i32
    %dma_wait3A_1195 = tpu.memref_slice %arg14[%dma_wait3A_1189, %dma_wait3A_1194] : memref<5x128xi32, #tpu.memory_space<vmem>> -> memref<1x128xi32, #tpu.memory_space<vmem>>
    %dma_wait3A_1196 = tpu.memref_squeeze %dma_wait3A_1195 : memref<1x128xi32, #tpu.memory_space<vmem>> -> memref<128xi32, #tpu.memory_space<vmem>>
    %dma_wait3A_1197 = arith.constant 0 : i32
    %dma_wait3A_1198 = tpu.memref_slice %arg7[%dma_wait3A_1197] : memref<67108864xf32, #tpu.memory_space<hbm>> -> memref<67108864xf32, #tpu.memory_space<hbm>>
    tpu.wait_indirect_dma semaphore(%arg23 : memref<!tpu.dma_semaphore, #tpu.memory_space<semaphore_mem>>) src(%dma_wait3A_1198 : memref<67108864xf32, #tpu.memory_space<hbm>>) dst(%dma_wait3A_1193 : memref<128xf32, #tpu.memory_space<vmem>>)
    %dma_wait3A_1199 = arith.constant 3 : i32
    %dma_wait3A_1200 = arith.constant 3 : i32
    %dma_wait3A_1201 = arith.constant 0 : i32
    %dma_wait3A_1202 = tpu.memref_slice %arg21[%dma_wait3A_1200, %dma_wait3A_1201] : memref<5x128xf32, #tpu.memory_space<vmem>> -> memref<1x128xf32, #tpu.memory_space<vmem>>
    %dma_wait3A_1203 = tpu.memref_squeeze %dma_wait3A_1202 : memref<1x128xf32, #tpu.memory_space<vmem>> -> memref<128xf32, #tpu.memory_space<vmem>>
    %dma_wait3A_1204 = arith.constant 0 : i32
    %dma_wait3A_1205 = tpu.memref_slice %arg15[%dma_wait3A_1199, %dma_wait3A_1204] : memref<5x128xi32, #tpu.memory_space<vmem>> -> memref<1x128xi32, #tpu.memory_space<vmem>>
    %dma_wait3A_1206 = tpu.memref_squeeze %dma_wait3A_1205 : memref<1x128xi32, #tpu.memory_space<vmem>> -> memref<128xi32, #tpu.memory_space<vmem>>
    %dma_wait3A_1207 = arith.constant 0 : i32
    %dma_wait3A_1208 = tpu.memref_slice %arg8[%dma_wait3A_1207] : memref<67108864xf32, #tpu.memory_space<hbm>> -> memref<67108864xf32, #tpu.memory_space<hbm>>
    tpu.wait_indirect_dma semaphore(%arg23 : memref<!tpu.dma_semaphore, #tpu.memory_space<semaphore_mem>>) src(%dma_wait3A_1208 : memref<67108864xf32, #tpu.memory_space<hbm>>) dst(%dma_wait3A_1203 : memref<128xf32, #tpu.memory_space<vmem>>)
    %dma_wait3A_1209 = arith.constant 4 : i32
    %dma_wait3A_1210 = arith.constant 4 : i32
    %dma_wait3A_1211 = arith.constant 0 : i32
    %dma_wait3A_1212 = tpu.memref_slice %arg20[%dma_wait3A_1210, %dma_wait3A_1211] : memref<5x128xf32, #tpu.memory_space<vmem>> -> memref<1x128xf32, #tpu.memory_space<vmem>>
    %dma_wait3A_1213 = tpu.memref_squeeze %dma_wait3A_1212 : memref<1x128xf32, #tpu.memory_space<vmem>> -> memref<128xf32, #tpu.memory_space<vmem>>
    %dma_wait3A_1214 = arith.constant 0 : i32
    %dma_wait3A_1215 = tpu.memref_slice %arg14[%dma_wait3A_1209, %dma_wait3A_1214] : memref<5x128xi32, #tpu.memory_space<vmem>> -> memref<1x128xi32, #tpu.memory_space<vmem>>
    %dma_wait3A_1216 = tpu.memref_squeeze %dma_wait3A_1215 : memref<1x128xi32, #tpu.memory_space<vmem>> -> memref<128xi32, #tpu.memory_space<vmem>>
    %dma_wait3A_1217 = arith.constant 0 : i32
    %dma_wait3A_1218 = tpu.memref_slice %arg7[%dma_wait3A_1217] : memref<67108864xf32, #tpu.memory_space<hbm>> -> memref<67108864xf32, #tpu.memory_space<hbm>>
    tpu.wait_indirect_dma semaphore(%arg23 : memref<!tpu.dma_semaphore, #tpu.memory_space<semaphore_mem>>) src(%dma_wait3A_1218 : memref<67108864xf32, #tpu.memory_space<hbm>>) dst(%dma_wait3A_1213 : memref<128xf32, #tpu.memory_space<vmem>>)
    %dma_wait3A_1219 = arith.constant 4 : i32
    %dma_wait3A_1220 = arith.constant 4 : i32
    %dma_wait3A_1221 = arith.constant 0 : i32
    %dma_wait3A_1222 = tpu.memref_slice %arg21[%dma_wait3A_1220, %dma_wait3A_1221] : memref<5x128xf32, #tpu.memory_space<vmem>> -> memref<1x128xf32, #tpu.memory_space<vmem>>
    %dma_wait3A_1223 = tpu.memref_squeeze %dma_wait3A_1222 : memref<1x128xf32, #tpu.memory_space<vmem>> -> memref<128xf32, #tpu.memory_space<vmem>>
    %dma_wait3A_1224 = arith.constant 0 : i32
    %dma_wait3A_1225 = tpu.memref_slice %arg15[%dma_wait3A_1219, %dma_wait3A_1224] : memref<5x128xi32, #tpu.memory_space<vmem>> -> memref<1x128xi32, #tpu.memory_space<vmem>>
    %dma_wait3A_1226 = tpu.memref_squeeze %dma_wait3A_1225 : memref<1x128xi32, #tpu.memory_space<vmem>> -> memref<128xi32, #tpu.memory_space<vmem>>
    %dma_wait3A_1227 = arith.constant 0 : i32
    %dma_wait3A_1228 = tpu.memref_slice %arg8[%dma_wait3A_1227] : memref<67108864xf32, #tpu.memory_space<hbm>> -> memref<67108864xf32, #tpu.memory_space<hbm>>
    tpu.wait_indirect_dma semaphore(%arg23 : memref<!tpu.dma_semaphore, #tpu.memory_space<semaphore_mem>>) src(%dma_wait3A_1228 : memref<67108864xf32, #tpu.memory_space<hbm>>) dst(%dma_wait3A_1223 : memref<128xf32, #tpu.memory_space<vmem>>)
    %iota3A = tpu.iota {dimensions = array<i32: 0>} : vector<16xi32>
    %broadcast_in_dim3A = arith.constant 0.000000e+00 : f32
    %broadcast_in_dim3A_1229 = vector.broadcast %broadcast_in_dim3A : f32 to vector<16xf32>
    %add3A_1230 = arith.constant 0 : i32
    %add3A_1231 = vector.broadcast %add3A_1230 : i32 to vector<16xi32>
    %add3A_1232 = arith.addi %add3A_1231, %iota3A : vector<16xi32>
    %scan3A = arith.constant 0 : i32
    %scan3A_1233 = arith.constant 128 : i32
    %scan3A_1234 = arith.addi %scan3A, %scan3A_1233 : i32
    %scan3A_1235 = arith.constant 1 : i32
    %scan3A_1236:11 = scf.for %scan3A_1948 = %scan3A to %scan3A_1234 step %scan3A_1235 iter_args(%scan3A_1949 = %broadcast_in_dim3A_1229, %scan3A_1950 = %broadcast_in_dim3A_1229, %scan3A_1951 = %broadcast_in_dim3A_1229, %scan3A_1952 = %broadcast_in_dim3A_1229, %scan3A_1953 = %broadcast_in_dim3A_1229, %scan3A_1954 = %broadcast_in_dim3A_1229, %scan3A_1955 = %broadcast_in_dim3A_1229, %scan3A_1956 = %broadcast_in_dim3A_1229, %scan3A_1957 = %broadcast_in_dim3A_1229, %scan3A_1958 = %broadcast_in_dim3A_1229, %scan3A_1959 = %broadcast_in_dim3A_1229) -> (vector<16xf32>, vector<16xf32>, vector<16xf32>, vector<16xf32>, vector<16xf32>, vector<16xf32>, vector<16xf32>, vector<16xf32>, vector<16xf32>, vector<16xf32>, vector<16xf32>)  : i32 {
      %broadcast_in_dim3A_1960 = vector.broadcast %scan3A_1948 : i32 to vector<16xi32>
      %gather3A = tpu.vector_load_idx %arg16[%add3A_1232, %broadcast_in_dim3A_1960] : memref<128x128xf32, #tpu.memory_space<vmem>>[vector<16xi32>, vector<16xi32>], vector<16xf32>,
      %gather3A_1961 = tpu.vector_load_idx %arg17[%add3A_1232, %broadcast_in_dim3A_1960] : memref<128x128xf32, #tpu.memory_space<vmem>>[vector<16xi32>, vector<16xi32>], vector<16xf32>,
      %mul3A_1962 = arith.mulf %gather3A, %gather3A_1961 : vector<16xf32>
      %add3A_1963 = arith.addf %scan3A_1949, %mul3A_1962 : vector<16xf32>
      %broadcast_in_dim3A_1964 = arith.constant 0 : i32
      %broadcast_in_dim3A_1965 = vector.broadcast %broadcast_in_dim3A_1964 : i32 to vector<16xi32>
      %gather3A_1966 = tpu.vector_load_idx %arg18[%broadcast_in_dim3A_1965, %add3A_1232, %broadcast_in_dim3A_1960] : memref<5x128x128xf32, #tpu.memory_space<vmem>>[vector<16xi32>, vector<16xi32>, vector<16xi32>], vector<16xf32>,
      %mul3A_1967 = arith.mulf %gather3A, %gather3A_1966 : vector<16xf32>
      %add3A_1968 = arith.addf %scan3A_1950, %mul3A_1967 : vector<16xf32>
      %mul3A_1969 = arith.mulf %gather3A_1961, %gather3A_1966 : vector<16xf32>
      %add3A_1970 = arith.addf %scan3A_1951, %mul3A_1969 : vector<16xf32>
      %broadcast_in_dim3A_1971 = arith.constant 1 : i32
      %broadcast_in_dim3A_1972 = vector.broadcast %broadcast_in_dim3A_1971 : i32 to vector<16xi32>
      %gather3A_1973 = tpu.vector_load_idx %arg18[%broadcast_in_dim3A_1972, %add3A_1232, %broadcast_in_dim3A_1960] : memref<5x128x128xf32, #tpu.memory_space<vmem>>[vector<16xi32>, vector<16xi32>, vector<16xi32>], vector<16xf32>,
      %mul3A_1974 = arith.mulf %gather3A, %gather3A_1973 : vector<16xf32>
      %add3A_1975 = arith.addf %scan3A_1952, %mul3A_1974 : vector<16xf32>
      %mul3A_1976 = arith.mulf %gather3A_1961, %gather3A_1973 : vector<16xf32>
      %add3A_1977 = arith.addf %scan3A_1953, %mul3A_1976 : vector<16xf32>
      %broadcast_in_dim3A_1978 = arith.constant 2 : i32
      %broadcast_in_dim3A_1979 = vector.broadcast %broadcast_in_dim3A_1978 : i32 to vector<16xi32>
      %gather3A_1980 = tpu.vector_load_idx %arg18[%broadcast_in_dim3A_1979, %add3A_1232, %broadcast_in_dim3A_1960] : memref<5x128x128xf32, #tpu.memory_space<vmem>>[vector<16xi32>, vector<16xi32>, vector<16xi32>], vector<16xf32>,
      %mul3A_1981 = arith.mulf %gather3A, %gather3A_1980 : vector<16xf32>
      %add3A_1982 = arith.addf %scan3A_1954, %mul3A_1981 : vector<16xf32>
      %mul3A_1983 = arith.mulf %gather3A_1961, %gather3A_1980 : vector<16xf32>
      %add3A_1984 = arith.addf %scan3A_1955, %mul3A_1983 : vector<16xf32>
      %broadcast_in_dim3A_1985 = arith.constant 3 : i32
      %broadcast_in_dim3A_1986 = vector.broadcast %broadcast_in_dim3A_1985 : i32 to vector<16xi32>
      %gather3A_1987 = tpu.vector_load_idx %arg18[%broadcast_in_dim3A_1986, %add3A_1232, %broadcast_in_dim3A_1960] : memref<5x128x128xf32, #tpu.memory_space<vmem>>[vector<16xi32>, vector<16xi32>, vector<16xi32>], vector<16xf32>,
      %mul3A_1988 = arith.mulf %gather3A, %gather3A_1987 : vector<16xf32>
      %add3A_1989 = arith.addf %scan3A_1956, %mul3A_1988 : vector<16xf32>
      %mul3A_1990 = arith.mulf %gather3A_1961, %gather3A_1987 : vector<16xf32>
      %add3A_1991 = arith.addf %scan3A_1957, %mul3A_1990 : vector<16xf32>
      %broadcast_in_dim3A_1992 = arith.constant 4 : i32
      %broadcast_in_dim3A_1993 = vector.broadcast %broadcast_in_dim3A_1992 : i32 to vector<16xi32>
      %gather3A_1994 = tpu.vector_load_idx %arg18[%broadcast_in_dim3A_1993, %add3A_1232, %broadcast_in_dim3A_1960] : memref<5x128x128xf32, #tpu.memory_space<vmem>>[vector<16xi32>, vector<16xi32>, vector<16xi32>], vector<16xf32>,
      %mul3A_1995 = arith.mulf %gather3A, %gather3A_1994 : vector<16xf32>
      %add3A_1996 = arith.addf %scan3A_1958, %mul3A_1995 : vector<16xf32>
      %mul3A_1997 = arith.mulf %gather3A_1961, %gather3A_1994 : vector<16xf32>
      %add3A_1998 = arith.addf %scan3A_1959, %mul3A_1997 : vector<16xf32>
      scf.yield %add3A_1963, %add3A_1968, %add3A_1970, %add3A_1975, %add3A_1977, %add3A_1982, %add3A_1984, %add3A_1989, %add3A_1991, %add3A_1996, %add3A_1998 : vector<16xf32>, vector<16xf32>, vector<16xf32>, vector<16xf32>, vector<16xf32>, vector<16xf32>, vector<16xf32>, vector<16xf32>, vector<16xf32>, vector<16xf32>, vector<16xf32>
    }
    %scan3A_1237 = arith.constant 128 : i32
    %get3A_1238 = arith.constant 0 : index
    %get3A_1239 = tpu.vector_load %arg19[%get3A_1238] {strides = array<i32>} : memref<128xf32, #tpu.memory_space<vmem>>, vector<16xf32>,
    %mul3A_1240 = arith.mulf %scan3A_1236#0, %scan3A_1236#0 : vector<16xf32>
    %add3A_1241 = arith.addf %broadcast_in_dim3A_1229, %mul3A_1240 : vector<16xf32>
    %add3A_1242 = arith.addf %broadcast_in_dim3A_1229, %scan3A_1236#0 : vector<16xf32>
    %add3A_1243 = arith.addf %broadcast_in_dim3A_1229, %get3A_1239 : vector<16xf32>
    %mul3A_1244 = arith.mulf %get3A_1239, %get3A_1239 : vector<16xf32>
    %add3A_1245 = arith.addf %broadcast_in_dim3A_1229, %mul3A_1244 : vector<16xf32>
    %get3A_1246 = arith.constant 0 : i32
    %get3A_1247 = arith.index_cast %get3A_1246 : i32 to index
    %get3A_1248 = arith.constant 0 : index
    %get3A_1249 = tpu.vector_load %arg20[%get3A_1247, %get3A_1248] {strides = array<i32>} : memref<5x128xf32, #tpu.memory_space<vmem>>, vector<16xf32>,
    %sub3A = arith.subf %scan3A_1236#1, %get3A_1249 : vector<16xf32>
    %mul3A_1250 = arith.mulf %sub3A, %sub3A : vector<16xf32>
    %add3A_1251 = arith.addf %broadcast_in_dim3A_1229, %mul3A_1250 : vector<16xf32>
    %get3A_1252 = arith.constant 0 : i32
    %get3A_1253 = arith.index_cast %get3A_1252 : i32 to index
    %get3A_1254 = arith.constant 0 : index
    %get3A_1255 = tpu.vector_load %arg21[%get3A_1253, %get3A_1254] {strides = array<i32>} : memref<5x128xf32, #tpu.memory_space<vmem>>, vector<16xf32>,
    %sub3A_1256 = arith.subf %scan3A_1236#2, %get3A_1255 : vector<16xf32>
    %mul3A_1257 = arith.mulf %sub3A_1256, %sub3A_1256 : vector<16xf32>
    %add3A_1258 = arith.addf %broadcast_in_dim3A_1229, %mul3A_1257 : vector<16xf32>
    %get3A_1259 = arith.constant 1 : i32
    %get3A_1260 = arith.index_cast %get3A_1259 : i32 to index
    %get3A_1261 = arith.constant 0 : index
    %get3A_1262 = tpu.vector_load %arg20[%get3A_1260, %get3A_1261] {strides = array<i32>} : memref<5x128xf32, #tpu.memory_space<vmem>>, vector<16xf32>,
    %sub3A_1263 = arith.subf %scan3A_1236#3, %get3A_1262 : vector<16xf32>
    %mul3A_1264 = arith.mulf %sub3A_1263, %sub3A_1263 : vector<16xf32>
    %add3A_1265 = arith.addf %add3A_1251, %mul3A_1264 : vector<16xf32>
    %get3A_1266 = arith.constant 1 : i32
    %get3A_1267 = arith.index_cast %get3A_1266 : i32 to index
    %get3A_1268 = arith.constant 0 : index
    %get3A_1269 = tpu.vector_load %arg21[%get3A_1267, %get3A_1268] {strides = array<i32>} : memref<5x128xf32, #tpu.memory_space<vmem>>, vector<16xf32>,
    %sub3A_1270 = arith.subf %scan3A_1236#4, %get3A_1269 : vector<16xf32>
    %mul3A_1271 = arith.mulf %sub3A_1270, %sub3A_1270 : vector<16xf32>
    %add3A_1272 = arith.addf %add3A_1258, %mul3A_1271 : vector<16xf32>
    %get3A_1273 = arith.constant 2 : i32
    %get3A_1274 = arith.index_cast %get3A_1273 : i32 to index
    %get3A_1275 = arith.constant 0 : index
    %get3A_1276 = tpu.vector_load %arg20[%get3A_1274, %get3A_1275] {strides = array<i32>} : memref<5x128xf32, #tpu.memory_space<vmem>>, vector<16xf32>,
    %sub3A_1277 = arith.subf %scan3A_1236#5, %get3A_1276 : vector<16xf32>
    %mul3A_1278 = arith.mulf %sub3A_1277, %sub3A_1277 : vector<16xf32>
    %add3A_1279 = arith.addf %add3A_1265, %mul3A_1278 : vector<16xf32>
    %get3A_1280 = arith.constant 2 : i32
    %get3A_1281 = arith.index_cast %get3A_1280 : i32 to index
    %get3A_1282 = arith.constant 0 : index
    %get3A_1283 = tpu.vector_load %arg21[%get3A_1281, %get3A_1282] {strides = array<i32>} : memref<5x128xf32, #tpu.memory_space<vmem>>, vector<16xf32>,
    %sub3A_1284 = arith.subf %scan3A_1236#6, %get3A_1283 : vector<16xf32>
    %mul3A_1285 = arith.mulf %sub3A_1284, %sub3A_1284 : vector<16xf32>
    %add3A_1286 = arith.addf %add3A_1272, %mul3A_1285 : vector<16xf32>
    %get3A_1287 = arith.constant 3 : i32
    %get3A_1288 = arith.index_cast %get3A_1287 : i32 to index
    %get3A_1289 = arith.constant 0 : index
    %get3A_1290 = tpu.vector_load %arg20[%get3A_1288, %get3A_1289] {strides = array<i32>} : memref<5x128xf32, #tpu.memory_space<vmem>>, vector<16xf32>,
    %sub3A_1291 = arith.subf %scan3A_1236#7, %get3A_1290 : vector<16xf32>
    %mul3A_1292 = arith.mulf %sub3A_1291, %sub3A_1291 : vector<16xf32>
    %add3A_1293 = arith.addf %add3A_1279, %mul3A_1292 : vector<16xf32>
    %get3A_1294 = arith.constant 3 : i32
    %get3A_1295 = arith.index_cast %get3A_1294 : i32 to index
    %get3A_1296 = arith.constant 0 : index
    %get3A_1297 = tpu.vector_load %arg21[%get3A_1295, %get3A_1296] {strides = array<i32>} : memref<5x128xf32, #tpu.memory_space<vmem>>, vector<16xf32>,
    %sub3A_1298 = arith.subf %scan3A_1236#8, %get3A_1297 : vector<16xf32>
    %mul3A_1299 = arith.mulf %sub3A_1298, %sub3A_1298 : vector<16xf32>
    %add3A_1300 = arith.addf %add3A_1286, %mul3A_1299 : vector<16xf32>
    %get3A_1301 = arith.constant 4 : i32
    %get3A_1302 = arith.index_cast %get3A_1301 : i32 to index
    %get3A_1303 = arith.constant 0 : index
    %get3A_1304 = tpu.vector_load %arg20[%get3A_1302, %get3A_1303] {strides = array<i32>} : memref<5x128xf32, #tpu.memory_space<vmem>>, vector<16xf32>,
    %sub3A_1305 = arith.subf %scan3A_1236#9, %get3A_1304 : vector<16xf32>
    %mul3A_1306 = arith.mulf %sub3A_1305, %sub3A_1305 : vector<16xf32>
    %add3A_1307 = arith.addf %add3A_1293, %mul3A_1306 : vector<16xf32>
    %get3A_1308 = arith.constant 4 : i32
    %get3A_1309 = arith.index_cast %get3A_1308 : i32 to index
    %get3A_1310 = arith.constant 0 : index
    %get3A_1311 = tpu.vector_load %arg21[%get3A_1309, %get3A_1310] {strides = array<i32>} : memref<5x128xf32, #tpu.memory_space<vmem>>, vector<16xf32>,
    %sub3A_1312 = arith.subf %scan3A_1236#10, %get3A_1311 : vector<16xf32>
    %mul3A_1313 = arith.mulf %sub3A_1312, %sub3A_1312 : vector<16xf32>
    %add3A_1314 = arith.addf %add3A_1300, %mul3A_1313 : vector<16xf32>
    %add3A_1315 = arith.constant 16 : i32
    %add3A_1316 = vector.broadcast %add3A_1315 : i32 to vector<16xi32>
    %add3A_1317 = arith.addi %add3A_1316, %iota3A : vector<16xi32>
    %scan3A_1318 = arith.constant 0 : i32
    %scan3A_1319 = arith.constant 128 : i32
    %scan3A_1320 = arith.addi %scan3A_1318, %scan3A_1319 : i32
    %scan3A_1321 = arith.constant 1 : i32
    %scan3A_1322:11 = scf.for %scan3A_1948 = %scan3A_1318 to %scan3A_1320 step %scan3A_1321 iter_args(%scan3A_1949 = %broadcast_in_dim3A_1229, %scan3A_1950 = %broadcast_in_dim3A_1229, %scan3A_1951 = %broadcast_in_dim3A_1229, %scan3A_1952 = %broadcast_in_dim3A_1229, %scan3A_1953 = %broadcast_in_dim3A_1229, %scan3A_1954 = %broadcast_in_dim3A_1229, %scan3A_1955 = %broadcast_in_dim3A_1229, %scan3A_1956 = %broadcast_in_dim3A_1229, %scan3A_1957 = %broadcast_in_dim3A_1229, %scan3A_1958 = %broadcast_in_dim3A_1229, %scan3A_1959 = %broadcast_in_dim3A_1229) -> (vector<16xf32>, vector<16xf32>, vector<16xf32>, vector<16xf32>, vector<16xf32>, vector<16xf32>, vector<16xf32>, vector<16xf32>, vector<16xf32>, vector<16xf32>, vector<16xf32>)  : i32 {
      %broadcast_in_dim3A_1960 = vector.broadcast %scan3A_1948 : i32 to vector<16xi32>
      %gather3A = tpu.vector_load_idx %arg16[%add3A_1317, %broadcast_in_dim3A_1960] : memref<128x128xf32, #tpu.memory_space<vmem>>[vector<16xi32>, vector<16xi32>], vector<16xf32>,
      %gather3A_1961 = tpu.vector_load_idx %arg17[%add3A_1317, %broadcast_in_dim3A_1960] : memref<128x128xf32, #tpu.memory_space<vmem>>[vector<16xi32>, vector<16xi32>], vector<16xf32>,
      %mul3A_1962 = arith.mulf %gather3A, %gather3A_1961 : vector<16xf32>
      %add3A_1963 = arith.addf %scan3A_1949, %mul3A_1962 : vector<16xf32>
      %broadcast_in_dim3A_1964 = arith.constant 0 : i32
      %broadcast_in_dim3A_1965 = vector.broadcast %broadcast_in_dim3A_1964 : i32 to vector<16xi32>
      %gather3A_1966 = tpu.vector_load_idx %arg18[%broadcast_in_dim3A_1965, %add3A_1317, %broadcast_in_dim3A_1960] : memref<5x128x128xf32, #tpu.memory_space<vmem>>[vector<16xi32>, vector<16xi32>, vector<16xi32>], vector<16xf32>,
      %mul3A_1967 = arith.mulf %gather3A, %gather3A_1966 : vector<16xf32>
      %add3A_1968 = arith.addf %scan3A_1950, %mul3A_1967 : vector<16xf32>
      %mul3A_1969 = arith.mulf %gather3A_1961, %gather3A_1966 : vector<16xf32>
      %add3A_1970 = arith.addf %scan3A_1951, %mul3A_1969 : vector<16xf32>
      %broadcast_in_dim3A_1971 = arith.constant 1 : i32
      %broadcast_in_dim3A_1972 = vector.broadcast %broadcast_in_dim3A_1971 : i32 to vector<16xi32>
      %gather3A_1973 = tpu.vector_load_idx %arg18[%broadcast_in_dim3A_1972, %add3A_1317, %broadcast_in_dim3A_1960] : memref<5x128x128xf32, #tpu.memory_space<vmem>>[vector<16xi32>, vector<16xi32>, vector<16xi32>], vector<16xf32>,
      %mul3A_1974 = arith.mulf %gather3A, %gather3A_1973 : vector<16xf32>
      %add3A_1975 = arith.addf %scan3A_1952, %mul3A_1974 : vector<16xf32>
      %mul3A_1976 = arith.mulf %gather3A_1961, %gather3A_1973 : vector<16xf32>
      %add3A_1977 = arith.addf %scan3A_1953, %mul3A_1976 : vector<16xf32>
      %broadcast_in_dim3A_1978 = arith.constant 2 : i32
      %broadcast_in_dim3A_1979 = vector.broadcast %broadcast_in_dim3A_1978 : i32 to vector<16xi32>
      %gather3A_1980 = tpu.vector_load_idx %arg18[%broadcast_in_dim3A_1979, %add3A_1317, %broadcast_in_dim3A_1960] : memref<5x128x128xf32, #tpu.memory_space<vmem>>[vector<16xi32>, vector<16xi32>, vector<16xi32>], vector<16xf32>,
      %mul3A_1981 = arith.mulf %gather3A, %gather3A_1980 : vector<16xf32>
      %add3A_1982 = arith.addf %scan3A_1954, %mul3A_1981 : vector<16xf32>
      %mul3A_1983 = arith.mulf %gather3A_1961, %gather3A_1980 : vector<16xf32>
      %add3A_1984 = arith.addf %scan3A_1955, %mul3A_1983 : vector<16xf32>
      %broadcast_in_dim3A_1985 = arith.constant 3 : i32
      %broadcast_in_dim3A_1986 = vector.broadcast %broadcast_in_dim3A_1985 : i32 to vector<16xi32>
      %gather3A_1987 = tpu.vector_load_idx %arg18[%broadcast_in_dim3A_1986, %add3A_1317, %broadcast_in_dim3A_1960] : memref<5x128x128xf32, #tpu.memory_space<vmem>>[vector<16xi32>, vector<16xi32>, vector<16xi32>], vector<16xf32>,
      %mul3A_1988 = arith.mulf %gather3A, %gather3A_1987 : vector<16xf32>
      %add3A_1989 = arith.addf %scan3A_1956, %mul3A_1988 : vector<16xf32>
      %mul3A_1990 = arith.mulf %gather3A_1961, %gather3A_1987 : vector<16xf32>
      %add3A_1991 = arith.addf %scan3A_1957, %mul3A_1990 : vector<16xf32>
      %broadcast_in_dim3A_1992 = arith.constant 4 : i32
      %broadcast_in_dim3A_1993 = vector.broadcast %broadcast_in_dim3A_1992 : i32 to vector<16xi32>
      %gather3A_1994 = tpu.vector_load_idx %arg18[%broadcast_in_dim3A_1993, %add3A_1317, %broadcast_in_dim3A_1960] : memref<5x128x128xf32, #tpu.memory_space<vmem>>[vector<16xi32>, vector<16xi32>, vector<16xi32>], vector<16xf32>,
      %mul3A_1995 = arith.mulf %gather3A, %gather3A_1994 : vector<16xf32>
      %add3A_1996 = arith.addf %scan3A_1958, %mul3A_1995 : vector<16xf32>
      %mul3A_1997 = arith.mulf %gather3A_1961, %gather3A_1994 : vector<16xf32>
      %add3A_1998 = arith.addf %scan3A_1959, %mul3A_1997 : vector<16xf32>
      scf.yield %add3A_1963, %add3A_1968, %add3A_1970, %add3A_1975, %add3A_1977, %add3A_1982, %add3A_1984, %add3A_1989, %add3A_1991, %add3A_1996, %add3A_1998 : vector<16xf32>, vector<16xf32>, vector<16xf32>, vector<16xf32>, vector<16xf32>, vector<16xf32>, vector<16xf32>, vector<16xf32>, vector<16xf32>, vector<16xf32>, vector<16xf32>
    }
    %scan3A_1323 = arith.constant 128 : i32
    %get3A_1324 = arith.constant 16 : index
    %get3A_1325 = tpu.vector_load %arg19[%get3A_1324] {strides = array<i32>} : memref<128xf32, #tpu.memory_space<vmem>>, vector<16xf32>,
    %mul3A_1326 = arith.mulf %scan3A_1322#0, %scan3A_1322#0 : vector<16xf32>
    %add3A_1327 = arith.addf %add3A_1241, %mul3A_1326 : vector<16xf32>
    %add3A_1328 = arith.addf %add3A_1242, %scan3A_1322#0 : vector<16xf32>
    %add3A_1329 = arith.addf %add3A_1243, %get3A_1325 : vector<16xf32>
    %mul3A_1330 = arith.mulf %get3A_1325, %get3A_1325 : vector<16xf32>
    %add3A_1331 = arith.addf %add3A_1245, %mul3A_1330 : vector<16xf32>
    %get3A_1332 = arith.constant 0 : i32
    %get3A_1333 = arith.index_cast %get3A_1332 : i32 to index
    %get3A_1334 = arith.constant 16 : index
    %get3A_1335 = tpu.vector_load %arg20[%get3A_1333, %get3A_1334] {strides = array<i32>} : memref<5x128xf32, #tpu.memory_space<vmem>>, vector<16xf32>,
    %sub3A_1336 = arith.subf %scan3A_1322#1, %get3A_1335 : vector<16xf32>
    %mul3A_1337 = arith.mulf %sub3A_1336, %sub3A_1336 : vector<16xf32>
    %add3A_1338 = arith.addf %add3A_1307, %mul3A_1337 : vector<16xf32>
    %get3A_1339 = arith.constant 0 : i32
    %get3A_1340 = arith.index_cast %get3A_1339 : i32 to index
    %get3A_1341 = arith.constant 16 : index
    %get3A_1342 = tpu.vector_load %arg21[%get3A_1340, %get3A_1341] {strides = array<i32>} : memref<5x128xf32, #tpu.memory_space<vmem>>, vector<16xf32>,
    %sub3A_1343 = arith.subf %scan3A_1322#2, %get3A_1342 : vector<16xf32>
    %mul3A_1344 = arith.mulf %sub3A_1343, %sub3A_1343 : vector<16xf32>
    %add3A_1345 = arith.addf %add3A_1314, %mul3A_1344 : vector<16xf32>
    %get3A_1346 = arith.constant 1 : i32
    %get3A_1347 = arith.index_cast %get3A_1346 : i32 to index
    %get3A_1348 = arith.constant 16 : index
    %get3A_1349 = tpu.vector_load %arg20[%get3A_1347, %get3A_1348] {strides = array<i32>} : memref<5x128xf32, #tpu.memory_space<vmem>>, vector<16xf32>,
    %sub3A_1350 = arith.subf %scan3A_1322#3, %get3A_1349 : vector<16xf32>
    %mul3A_1351 = arith.mulf %sub3A_1350, %sub3A_1350 : vector<16xf32>
    %add3A_1352 = arith.addf %add3A_1338, %mul3A_1351 : vector<16xf32>
    %get3A_1353 = arith.constant 1 : i32
    %get3A_1354 = arith.index_cast %get3A_1353 : i32 to index
    %get3A_1355 = arith.constant 16 : index
    %get3A_1356 = tpu.vector_load %arg21[%get3A_1354, %get3A_1355] {strides = array<i32>} : memref<5x128xf32, #tpu.memory_space<vmem>>, vector<16xf32>,
    %sub3A_1357 = arith.subf %scan3A_1322#4, %get3A_1356 : vector<16xf32>
    %mul3A_1358 = arith.mulf %sub3A_1357, %sub3A_1357 : vector<16xf32>
    %add3A_1359 = arith.addf %add3A_1345, %mul3A_1358 : vector<16xf32>
    %get3A_1360 = arith.constant 2 : i32
    %get3A_1361 = arith.index_cast %get3A_1360 : i32 to index
    %get3A_1362 = arith.constant 16 : index
    %get3A_1363 = tpu.vector_load %arg20[%get3A_1361, %get3A_1362] {strides = array<i32>} : memref<5x128xf32, #tpu.memory_space<vmem>>, vector<16xf32>,
    %sub3A_1364 = arith.subf %scan3A_1322#5, %get3A_1363 : vector<16xf32>
    %mul3A_1365 = arith.mulf %sub3A_1364, %sub3A_1364 : vector<16xf32>
    %add3A_1366 = arith.addf %add3A_1352, %mul3A_1365 : vector<16xf32>
    %get3A_1367 = arith.constant 2 : i32
    %get3A_1368 = arith.index_cast %get3A_1367 : i32 to index
    %get3A_1369 = arith.constant 16 : index
    %get3A_1370 = tpu.vector_load %arg21[%get3A_1368, %get3A_1369] {strides = array<i32>} : memref<5x128xf32, #tpu.memory_space<vmem>>, vector<16xf32>,
    %sub3A_1371 = arith.subf %scan3A_1322#6, %get3A_1370 : vector<16xf32>
    %mul3A_1372 = arith.mulf %sub3A_1371, %sub3A_1371 : vector<16xf32>
    %add3A_1373 = arith.addf %add3A_1359, %mul3A_1372 : vector<16xf32>
    %get3A_1374 = arith.constant 3 : i32
    %get3A_1375 = arith.index_cast %get3A_1374 : i32 to index
    %get3A_1376 = arith.constant 16 : index
    %get3A_1377 = tpu.vector_load %arg20[%get3A_1375, %get3A_1376] {strides = array<i32>} : memref<5x128xf32, #tpu.memory_space<vmem>>, vector<16xf32>,
    %sub3A_1378 = arith.subf %scan3A_1322#7, %get3A_1377 : vector<16xf32>
    %mul3A_1379 = arith.mulf %sub3A_1378, %sub3A_1378 : vector<16xf32>
    %add3A_1380 = arith.addf %add3A_1366, %mul3A_1379 : vector<16xf32>
    %get3A_1381 = arith.constant 3 : i32
    %get3A_1382 = arith.index_cast %get3A_1381 : i32 to index
    %get3A_1383 = arith.constant 16 : index
    %get3A_1384 = tpu.vector_load %arg21[%get3A_1382, %get3A_1383] {strides = array<i32>} : memref<5x128xf32, #tpu.memory_space<vmem>>, vector<16xf32>,
    %sub3A_1385 = arith.subf %scan3A_1322#8, %get3A_1384 : vector<16xf32>
    %mul3A_1386 = arith.mulf %sub3A_1385, %sub3A_1385 : vector<16xf32>
    %add3A_1387 = arith.addf %add3A_1373, %mul3A_1386 : vector<16xf32>
    %get3A_1388 = arith.constant 4 : i32
    %get3A_1389 = arith.index_cast %get3A_1388 : i32 to index
    %get3A_1390 = arith.constant 16 : index
    %get3A_1391 = tpu.vector_load %arg20[%get3A_1389, %get3A_1390] {strides = array<i32>} : memref<5x128xf32, #tpu.memory_space<vmem>>, vector<16xf32>,
    %sub3A_1392 = arith.subf %scan3A_1322#9, %get3A_1391 : vector<16xf32>
    %mul3A_1393 = arith.mulf %sub3A_1392, %sub3A_1392 : vector<16xf32>
    %add3A_1394 = arith.addf %add3A_1380, %mul3A_1393 : vector<16xf32>
    %get3A_1395 = arith.constant 4 : i32
    %get3A_1396 = arith.index_cast %get3A_1395 : i32 to index
    %get3A_1397 = arith.constant 16 : index
    %get3A_1398 = tpu.vector_load %arg21[%get3A_1396, %get3A_1397] {strides = array<i32>} : memref<5x128xf32, #tpu.memory_space<vmem>>, vector<16xf32>,
    %sub3A_1399 = arith.subf %scan3A_1322#10, %get3A_1398 : vector<16xf32>
    %mul3A_1400 = arith.mulf %sub3A_1399, %sub3A_1399 : vector<16xf32>
    %add3A_1401 = arith.addf %add3A_1387, %mul3A_1400 : vector<16xf32>
    %add3A_1402 = arith.constant 32 : i32
    %add3A_1403 = vector.broadcast %add3A_1402 : i32 to vector<16xi32>
    %add3A_1404 = arith.addi %add3A_1403, %iota3A : vector<16xi32>
    %scan3A_1405 = arith.constant 0 : i32
    %scan3A_1406 = arith.constant 128 : i32
    %scan3A_1407 = arith.addi %scan3A_1405, %scan3A_1406 : i32
    %scan3A_1408 = arith.constant 1 : i32
    %scan3A_1409:11 = scf.for %scan3A_1948 = %scan3A_1405 to %scan3A_1407 step %scan3A_1408 iter_args(%scan3A_1949 = %broadcast_in_dim3A_1229, %scan3A_1950 = %broadcast_in_dim3A_1229, %scan3A_1951 = %broadcast_in_dim3A_1229, %scan3A_1952 = %broadcast_in_dim3A_1229, %scan3A_1953 = %broadcast_in_dim3A_1229, %scan3A_1954 = %broadcast_in_dim3A_1229, %scan3A_1955 = %broadcast_in_dim3A_1229, %scan3A_1956 = %broadcast_in_dim3A_1229, %scan3A_1957 = %broadcast_in_dim3A_1229, %scan3A_1958 = %broadcast_in_dim3A_1229, %scan3A_1959 = %broadcast_in_dim3A_1229) -> (vector<16xf32>, vector<16xf32>, vector<16xf32>, vector<16xf32>, vector<16xf32>, vector<16xf32>, vector<16xf32>, vector<16xf32>, vector<16xf32>, vector<16xf32>, vector<16xf32>)  : i32 {
      %broadcast_in_dim3A_1960 = vector.broadcast %scan3A_1948 : i32 to vector<16xi32>
      %gather3A = tpu.vector_load_idx %arg16[%add3A_1404, %broadcast_in_dim3A_1960] : memref<128x128xf32, #tpu.memory_space<vmem>>[vector<16xi32>, vector<16xi32>], vector<16xf32>,
      %gather3A_1961 = tpu.vector_load_idx %arg17[%add3A_1404, %broadcast_in_dim3A_1960] : memref<128x128xf32, #tpu.memory_space<vmem>>[vector<16xi32>, vector<16xi32>], vector<16xf32>,
      %mul3A_1962 = arith.mulf %gather3A, %gather3A_1961 : vector<16xf32>
      %add3A_1963 = arith.addf %scan3A_1949, %mul3A_1962 : vector<16xf32>
      %broadcast_in_dim3A_1964 = arith.constant 0 : i32
      %broadcast_in_dim3A_1965 = vector.broadcast %broadcast_in_dim3A_1964 : i32 to vector<16xi32>
      %gather3A_1966 = tpu.vector_load_idx %arg18[%broadcast_in_dim3A_1965, %add3A_1404, %broadcast_in_dim3A_1960] : memref<5x128x128xf32, #tpu.memory_space<vmem>>[vector<16xi32>, vector<16xi32>, vector<16xi32>], vector<16xf32>,
      %mul3A_1967 = arith.mulf %gather3A, %gather3A_1966 : vector<16xf32>
      %add3A_1968 = arith.addf %scan3A_1950, %mul3A_1967 : vector<16xf32>
      %mul3A_1969 = arith.mulf %gather3A_1961, %gather3A_1966 : vector<16xf32>
      %add3A_1970 = arith.addf %scan3A_1951, %mul3A_1969 : vector<16xf32>
      %broadcast_in_dim3A_1971 = arith.constant 1 : i32
      %broadcast_in_dim3A_1972 = vector.broadcast %broadcast_in_dim3A_1971 : i32 to vector<16xi32>
      %gather3A_1973 = tpu.vector_load_idx %arg18[%broadcast_in_dim3A_1972, %add3A_1404, %broadcast_in_dim3A_1960] : memref<5x128x128xf32, #tpu.memory_space<vmem>>[vector<16xi32>, vector<16xi32>, vector<16xi32>], vector<16xf32>,
      %mul3A_1974 = arith.mulf %gather3A, %gather3A_1973 : vector<16xf32>
      %add3A_1975 = arith.addf %scan3A_1952, %mul3A_1974 : vector<16xf32>
      %mul3A_1976 = arith.mulf %gather3A_1961, %gather3A_1973 : vector<16xf32>
      %add3A_1977 = arith.addf %scan3A_1953, %mul3A_1976 : vector<16xf32>
      %broadcast_in_dim3A_1978 = arith.constant 2 : i32
      %broadcast_in_dim3A_1979 = vector.broadcast %broadcast_in_dim3A_1978 : i32 to vector<16xi32>
      %gather3A_1980 = tpu.vector_load_idx %arg18[%broadcast_in_dim3A_1979, %add3A_1404, %broadcast_in_dim3A_1960] : memref<5x128x128xf32, #tpu.memory_space<vmem>>[vector<16xi32>, vector<16xi32>, vector<16xi32>], vector<16xf32>,
      %mul3A_1981 = arith.mulf %gather3A, %gather3A_1980 : vector<16xf32>
      %add3A_1982 = arith.addf %scan3A_1954, %mul3A_1981 : vector<16xf32>
      %mul3A_1983 = arith.mulf %gather3A_1961, %gather3A_1980 : vector<16xf32>
      %add3A_1984 = arith.addf %scan3A_1955, %mul3A_1983 : vector<16xf32>
      %broadcast_in_dim3A_1985 = arith.constant 3 : i32
      %broadcast_in_dim3A_1986 = vector.broadcast %broadcast_in_dim3A_1985 : i32 to vector<16xi32>
      %gather3A_1987 = tpu.vector_load_idx %arg18[%broadcast_in_dim3A_1986, %add3A_1404, %broadcast_in_dim3A_1960] : memref<5x128x128xf32, #tpu.memory_space<vmem>>[vector<16xi32>, vector<16xi32>, vector<16xi32>], vector<16xf32>,
      %mul3A_1988 = arith.mulf %gather3A, %gather3A_1987 : vector<16xf32>
      %add3A_1989 = arith.addf %scan3A_1956, %mul3A_1988 : vector<16xf32>
      %mul3A_1990 = arith.mulf %gather3A_1961, %gather3A_1987 : vector<16xf32>
      %add3A_1991 = arith.addf %scan3A_1957, %mul3A_1990 : vector<16xf32>
      %broadcast_in_dim3A_1992 = arith.constant 4 : i32
      %broadcast_in_dim3A_1993 = vector.broadcast %broadcast_in_dim3A_1992 : i32 to vector<16xi32>
      %gather3A_1994 = tpu.vector_load_idx %arg18[%broadcast_in_dim3A_1993, %add3A_1404, %broadcast_in_dim3A_1960] : memref<5x128x128xf32, #tpu.memory_space<vmem>>[vector<16xi32>, vector<16xi32>, vector<16xi32>], vector<16xf32>,
      %mul3A_1995 = arith.mulf %gather3A, %gather3A_1994 : vector<16xf32>
      %add3A_1996 = arith.addf %scan3A_1958, %mul3A_1995 : vector<16xf32>
      %mul3A_1997 = arith.mulf %gather3A_1961, %gather3A_1994 : vector<16xf32>
      %add3A_1998 = arith.addf %scan3A_1959, %mul3A_1997 : vector<16xf32>
      scf.yield %add3A_1963, %add3A_1968, %add3A_1970, %add3A_1975, %add3A_1977, %add3A_1982, %add3A_1984, %add3A_1989, %add3A_1991, %add3A_1996, %add3A_1998 : vector<16xf32>, vector<16xf32>, vector<16xf32>, vector<16xf32>, vector<16xf32>, vector<16xf32>, vector<16xf32>, vector<16xf32>, vector<16xf32>, vector<16xf32>, vector<16xf32>
    }
    %scan3A_1410 = arith.constant 128 : i32
    %get3A_1411 = arith.constant 32 : index
    %get3A_1412 = tpu.vector_load %arg19[%get3A_1411] {strides = array<i32>} : memref<128xf32, #tpu.memory_space<vmem>>, vector<16xf32>,
    %mul3A_1413 = arith.mulf %scan3A_1409#0, %scan3A_1409#0 : vector<16xf32>
    %add3A_1414 = arith.addf %add3A_1327, %mul3A_1413 : vector<16xf32>
    %add3A_1415 = arith.addf %add3A_1328, %scan3A_1409#0 : vector<16xf32>
    %add3A_1416 = arith.addf %add3A_1329, %get3A_1412 : vector<16xf32>
    %mul3A_1417 = arith.mulf %get3A_1412, %get3A_1412 : vector<16xf32>
    %add3A_1418 = arith.addf %add3A_1331, %mul3A_1417 : vector<16xf32>
    %get3A_1419 = arith.constant 0 : i32
    %get3A_1420 = arith.index_cast %get3A_1419 : i32 to index
    %get3A_1421 = arith.constant 32 : index
    %get3A_1422 = tpu.vector_load %arg20[%get3A_1420, %get3A_1421] {strides = array<i32>} : memref<5x128xf32, #tpu.memory_space<vmem>>, vector<16xf32>,
    %sub3A_1423 = arith.subf %scan3A_1409#1, %get3A_1422 : vector<16xf32>
    %mul3A_1424 = arith.mulf %sub3A_1423, %sub3A_1423 : vector<16xf32>
    %add3A_1425 = arith.addf %add3A_1394, %mul3A_1424 : vector<16xf32>
    %get3A_1426 = arith.constant 0 : i32
    %get3A_1427 = arith.index_cast %get3A_1426 : i32 to index
    %get3A_1428 = arith.constant 32 : index
    %get3A_1429 = tpu.vector_load %arg21[%get3A_1427, %get3A_1428] {strides = array<i32>} : memref<5x128xf32, #tpu.memory_space<vmem>>, vector<16xf32>,
    %sub3A_1430 = arith.subf %scan3A_1409#2, %get3A_1429 : vector<16xf32>
    %mul3A_1431 = arith.mulf %sub3A_1430, %sub3A_1430 : vector<16xf32>
    %add3A_1432 = arith.addf %add3A_1401, %mul3A_1431 : vector<16xf32>
    %get3A_1433 = arith.constant 1 : i32
    %get3A_1434 = arith.index_cast %get3A_1433 : i32 to index
    %get3A_1435 = arith.constant 32 : index
    %get3A_1436 = tpu.vector_load %arg20[%get3A_1434, %get3A_1435] {strides = array<i32>} : memref<5x128xf32, #tpu.memory_space<vmem>>, vector<16xf32>,
    %sub3A_1437 = arith.subf %scan3A_1409#3, %get3A_1436 : vector<16xf32>
    %mul3A_1438 = arith.mulf %sub3A_1437, %sub3A_1437 : vector<16xf32>
    %add3A_1439 = arith.addf %add3A_1425, %mul3A_1438 : vector<16xf32>
    %get3A_1440 = arith.constant 1 : i32
    %get3A_1441 = arith.index_cast %get3A_1440 : i32 to index
    %get3A_1442 = arith.constant 32 : index
    %get3A_1443 = tpu.vector_load %arg21[%get3A_1441, %get3A_1442] {strides = array<i32>} : memref<5x128xf32, #tpu.memory_space<vmem>>, vector<16xf32>,
    %sub3A_1444 = arith.subf %scan3A_1409#4, %get3A_1443 : vector<16xf32>
    %mul3A_1445 = arith.mulf %sub3A_1444, %sub3A_1444 : vector<16xf32>
    %add3A_1446 = arith.addf %add3A_1432, %mul3A_1445 : vector<16xf32>
    %get3A_1447 = arith.constant 2 : i32
    %get3A_1448 = arith.index_cast %get3A_1447 : i32 to index
    %get3A_1449 = arith.constant 32 : index
    %get3A_1450 = tpu.vector_load %arg20[%get3A_1448, %get3A_1449] {strides = array<i32>} : memref<5x128xf32, #tpu.memory_space<vmem>>, vector<16xf32>,
    %sub3A_1451 = arith.subf %scan3A_1409#5, %get3A_1450 : vector<16xf32>
    %mul3A_1452 = arith.mulf %sub3A_1451, %sub3A_1451 : vector<16xf32>
    %add3A_1453 = arith.addf %add3A_1439, %mul3A_1452 : vector<16xf32>
    %get3A_1454 = arith.constant 2 : i32
    %get3A_1455 = arith.index_cast %get3A_1454 : i32 to index
    %get3A_1456 = arith.constant 32 : index
    %get3A_1457 = tpu.vector_load %arg21[%get3A_1455, %get3A_1456] {strides = array<i32>} : memref<5x128xf32, #tpu.memory_space<vmem>>, vector<16xf32>,
    %sub3A_1458 = arith.subf %scan3A_1409#6, %get3A_1457 : vector<16xf32>
    %mul3A_1459 = arith.mulf %sub3A_1458, %sub3A_1458 : vector<16xf32>
    %add3A_1460 = arith.addf %add3A_1446, %mul3A_1459 : vector<16xf32>
    %get3A_1461 = arith.constant 3 : i32
    %get3A_1462 = arith.index_cast %get3A_1461 : i32 to index
    %get3A_1463 = arith.constant 32 : index
    %get3A_1464 = tpu.vector_load %arg20[%get3A_1462, %get3A_1463] {strides = array<i32>} : memref<5x128xf32, #tpu.memory_space<vmem>>, vector<16xf32>,
    %sub3A_1465 = arith.subf %scan3A_1409#7, %get3A_1464 : vector<16xf32>
    %mul3A_1466 = arith.mulf %sub3A_1465, %sub3A_1465 : vector<16xf32>
    %add3A_1467 = arith.addf %add3A_1453, %mul3A_1466 : vector<16xf32>
    %get3A_1468 = arith.constant 3 : i32
    %get3A_1469 = arith.index_cast %get3A_1468 : i32 to index
    %get3A_1470 = arith.constant 32 : index
    %get3A_1471 = tpu.vector_load %arg21[%get3A_1469, %get3A_1470] {strides = array<i32>} : memref<5x128xf32, #tpu.memory_space<vmem>>, vector<16xf32>,
    %sub3A_1472 = arith.subf %scan3A_1409#8, %get3A_1471 : vector<16xf32>
    %mul3A_1473 = arith.mulf %sub3A_1472, %sub3A_1472 : vector<16xf32>
    %add3A_1474 = arith.addf %add3A_1460, %mul3A_1473 : vector<16xf32>
    %get3A_1475 = arith.constant 4 : i32
    %get3A_1476 = arith.index_cast %get3A_1475 : i32 to index
    %get3A_1477 = arith.constant 32 : index
    %get3A_1478 = tpu.vector_load %arg20[%get3A_1476, %get3A_1477] {strides = array<i32>} : memref<5x128xf32, #tpu.memory_space<vmem>>, vector<16xf32>,
    %sub3A_1479 = arith.subf %scan3A_1409#9, %get3A_1478 : vector<16xf32>
    %mul3A_1480 = arith.mulf %sub3A_1479, %sub3A_1479 : vector<16xf32>
    %add3A_1481 = arith.addf %add3A_1467, %mul3A_1480 : vector<16xf32>
    %get3A_1482 = arith.constant 4 : i32
    %get3A_1483 = arith.index_cast %get3A_1482 : i32 to index
    %get3A_1484 = arith.constant 32 : index
    %get3A_1485 = tpu.vector_load %arg21[%get3A_1483, %get3A_1484] {strides = array<i32>} : memref<5x128xf32, #tpu.memory_space<vmem>>, vector<16xf32>,
    %sub3A_1486 = arith.subf %scan3A_1409#10, %get3A_1485 : vector<16xf32>
    %mul3A_1487 = arith.mulf %sub3A_1486, %sub3A_1486 : vector<16xf32>
    %add3A_1488 = arith.addf %add3A_1474, %mul3A_1487 : vector<16xf32>
    %add3A_1489 = arith.constant 48 : i32
    %add3A_1490 = vector.broadcast %add3A_1489 : i32 to vector<16xi32>
    %add3A_1491 = arith.addi %add3A_1490, %iota3A : vector<16xi32>
    %scan3A_1492 = arith.constant 0 : i32
    %scan3A_1493 = arith.constant 128 : i32
    %scan3A_1494 = arith.addi %scan3A_1492, %scan3A_1493 : i32
    %scan3A_1495 = arith.constant 1 : i32
    %scan3A_1496:11 = scf.for %scan3A_1948 = %scan3A_1492 to %scan3A_1494 step %scan3A_1495 iter_args(%scan3A_1949 = %broadcast_in_dim3A_1229, %scan3A_1950 = %broadcast_in_dim3A_1229, %scan3A_1951 = %broadcast_in_dim3A_1229, %scan3A_1952 = %broadcast_in_dim3A_1229, %scan3A_1953 = %broadcast_in_dim3A_1229, %scan3A_1954 = %broadcast_in_dim3A_1229, %scan3A_1955 = %broadcast_in_dim3A_1229, %scan3A_1956 = %broadcast_in_dim3A_1229, %scan3A_1957 = %broadcast_in_dim3A_1229, %scan3A_1958 = %broadcast_in_dim3A_1229, %scan3A_1959 = %broadcast_in_dim3A_1229) -> (vector<16xf32>, vector<16xf32>, vector<16xf32>, vector<16xf32>, vector<16xf32>, vector<16xf32>, vector<16xf32>, vector<16xf32>, vector<16xf32>, vector<16xf32>, vector<16xf32>)  : i32 {
      %broadcast_in_dim3A_1960 = vector.broadcast %scan3A_1948 : i32 to vector<16xi32>
      %gather3A = tpu.vector_load_idx %arg16[%add3A_1491, %broadcast_in_dim3A_1960] : memref<128x128xf32, #tpu.memory_space<vmem>>[vector<16xi32>, vector<16xi32>], vector<16xf32>,
      %gather3A_1961 = tpu.vector_load_idx %arg17[%add3A_1491, %broadcast_in_dim3A_1960] : memref<128x128xf32, #tpu.memory_space<vmem>>[vector<16xi32>, vector<16xi32>], vector<16xf32>,
      %mul3A_1962 = arith.mulf %gather3A, %gather3A_1961 : vector<16xf32>
      %add3A_1963 = arith.addf %scan3A_1949, %mul3A_1962 : vector<16xf32>
      %broadcast_in_dim3A_1964 = arith.constant 0 : i32
      %broadcast_in_dim3A_1965 = vector.broadcast %broadcast_in_dim3A_1964 : i32 to vector<16xi32>
      %gather3A_1966 = tpu.vector_load_idx %arg18[%broadcast_in_dim3A_1965, %add3A_1491, %broadcast_in_dim3A_1960] : memref<5x128x128xf32, #tpu.memory_space<vmem>>[vector<16xi32>, vector<16xi32>, vector<16xi32>], vector<16xf32>,
      %mul3A_1967 = arith.mulf %gather3A, %gather3A_1966 : vector<16xf32>
      %add3A_1968 = arith.addf %scan3A_1950, %mul3A_1967 : vector<16xf32>
      %mul3A_1969 = arith.mulf %gather3A_1961, %gather3A_1966 : vector<16xf32>
      %add3A_1970 = arith.addf %scan3A_1951, %mul3A_1969 : vector<16xf32>
      %broadcast_in_dim3A_1971 = arith.constant 1 : i32
      %broadcast_in_dim3A_1972 = vector.broadcast %broadcast_in_dim3A_1971 : i32 to vector<16xi32>
      %gather3A_1973 = tpu.vector_load_idx %arg18[%broadcast_in_dim3A_1972, %add3A_1491, %broadcast_in_dim3A_1960] : memref<5x128x128xf32, #tpu.memory_space<vmem>>[vector<16xi32>, vector<16xi32>, vector<16xi32>], vector<16xf32>,
      %mul3A_1974 = arith.mulf %gather3A, %gather3A_1973 : vector<16xf32>
      %add3A_1975 = arith.addf %scan3A_1952, %mul3A_1974 : vector<16xf32>
      %mul3A_1976 = arith.mulf %gather3A_1961, %gather3A_1973 : vector<16xf32>
      %add3A_1977 = arith.addf %scan3A_1953, %mul3A_1976 : vector<16xf32>
      %broadcast_in_dim3A_1978 = arith.constant 2 : i32
      %broadcast_in_dim3A_1979 = vector.broadcast %broadcast_in_dim3A_1978 : i32 to vector<16xi32>
      %gather3A_1980 = tpu.vector_load_idx %arg18[%broadcast_in_dim3A_1979, %add3A_1491, %broadcast_in_dim3A_1960] : memref<5x128x128xf32, #tpu.memory_space<vmem>>[vector<16xi32>, vector<16xi32>, vector<16xi32>], vector<16xf32>,
      %mul3A_1981 = arith.mulf %gather3A, %gather3A_1980 : vector<16xf32>
      %add3A_1982 = arith.addf %scan3A_1954, %mul3A_1981 : vector<16xf32>
      %mul3A_1983 = arith.mulf %gather3A_1961, %gather3A_1980 : vector<16xf32>
      %add3A_1984 = arith.addf %scan3A_1955, %mul3A_1983 : vector<16xf32>
      %broadcast_in_dim3A_1985 = arith.constant 3 : i32
      %broadcast_in_dim3A_1986 = vector.broadcast %broadcast_in_dim3A_1985 : i32 to vector<16xi32>
      %gather3A_1987 = tpu.vector_load_idx %arg18[%broadcast_in_dim3A_1986, %add3A_1491, %broadcast_in_dim3A_1960] : memref<5x128x128xf32, #tpu.memory_space<vmem>>[vector<16xi32>, vector<16xi32>, vector<16xi32>], vector<16xf32>,
      %mul3A_1988 = arith.mulf %gather3A, %gather3A_1987 : vector<16xf32>
      %add3A_1989 = arith.addf %scan3A_1956, %mul3A_1988 : vector<16xf32>
      %mul3A_1990 = arith.mulf %gather3A_1961, %gather3A_1987 : vector<16xf32>
      %add3A_1991 = arith.addf %scan3A_1957, %mul3A_1990 : vector<16xf32>
      %broadcast_in_dim3A_1992 = arith.constant 4 : i32
      %broadcast_in_dim3A_1993 = vector.broadcast %broadcast_in_dim3A_1992 : i32 to vector<16xi32>
      %gather3A_1994 = tpu.vector_load_idx %arg18[%broadcast_in_dim3A_1993, %add3A_1491, %broadcast_in_dim3A_1960] : memref<5x128x128xf32, #tpu.memory_space<vmem>>[vector<16xi32>, vector<16xi32>, vector<16xi32>], vector<16xf32>,
      %mul3A_1995 = arith.mulf %gather3A, %gather3A_1994 : vector<16xf32>
      %add3A_1996 = arith.addf %scan3A_1958, %mul3A_1995 : vector<16xf32>
      %mul3A_1997 = arith.mulf %gather3A_1961, %gather3A_1994 : vector<16xf32>
      %add3A_1998 = arith.addf %scan3A_1959, %mul3A_1997 : vector<16xf32>
      scf.yield %add3A_1963, %add3A_1968, %add3A_1970, %add3A_1975, %add3A_1977, %add3A_1982, %add3A_1984, %add3A_1989, %add3A_1991, %add3A_1996, %add3A_1998 : vector<16xf32>, vector<16xf32>, vector<16xf32>, vector<16xf32>, vector<16xf32>, vector<16xf32>, vector<16xf32>, vector<16xf32>, vector<16xf32>, vector<16xf32>, vector<16xf32>
    }
    %scan3A_1497 = arith.constant 128 : i32
    %get3A_1498 = arith.constant 48 : index
    %get3A_1499 = tpu.vector_load %arg19[%get3A_1498] {strides = array<i32>} : memref<128xf32, #tpu.memory_space<vmem>>, vector<16xf32>,
    %mul3A_1500 = arith.mulf %scan3A_1496#0, %scan3A_1496#0 : vector<16xf32>
    %add3A_1501 = arith.addf %add3A_1414, %mul3A_1500 : vector<16xf32>
    %add3A_1502 = arith.addf %add3A_1415, %scan3A_1496#0 : vector<16xf32>
    %add3A_1503 = arith.addf %add3A_1416, %get3A_1499 : vector<16xf32>
    %mul3A_1504 = arith.mulf %get3A_1499, %get3A_1499 : vector<16xf32>
    %add3A_1505 = arith.addf %add3A_1418, %mul3A_1504 : vector<16xf32>
    %get3A_1506 = arith.constant 0 : i32
    %get3A_1507 = arith.index_cast %get3A_1506 : i32 to index
    %get3A_1508 = arith.constant 48 : index
    %get3A_1509 = tpu.vector_load %arg20[%get3A_1507, %get3A_1508] {strides = array<i32>} : memref<5x128xf32, #tpu.memory_space<vmem>>, vector<16xf32>,
    %sub3A_1510 = arith.subf %scan3A_1496#1, %get3A_1509 : vector<16xf32>
    %mul3A_1511 = arith.mulf %sub3A_1510, %sub3A_1510 : vector<16xf32>
    %add3A_1512 = arith.addf %add3A_1481, %mul3A_1511 : vector<16xf32>
    %get3A_1513 = arith.constant 0 : i32
    %get3A_1514 = arith.index_cast %get3A_1513 : i32 to index
    %get3A_1515 = arith.constant 48 : index
    %get3A_1516 = tpu.vector_load %arg21[%get3A_1514, %get3A_1515] {strides = array<i32>} : memref<5x128xf32, #tpu.memory_space<vmem>>, vector<16xf32>,
    %sub3A_1517 = arith.subf %scan3A_1496#2, %get3A_1516 : vector<16xf32>
    %mul3A_1518 = arith.mulf %sub3A_1517, %sub3A_1517 : vector<16xf32>
    %add3A_1519 = arith.addf %add3A_1488, %mul3A_1518 : vector<16xf32>
    %get3A_1520 = arith.constant 1 : i32
    %get3A_1521 = arith.index_cast %get3A_1520 : i32 to index
    %get3A_1522 = arith.constant 48 : index
    %get3A_1523 = tpu.vector_load %arg20[%get3A_1521, %get3A_1522] {strides = array<i32>} : memref<5x128xf32, #tpu.memory_space<vmem>>, vector<16xf32>,
    %sub3A_1524 = arith.subf %scan3A_1496#3, %get3A_1523 : vector<16xf32>
    %mul3A_1525 = arith.mulf %sub3A_1524, %sub3A_1524 : vector<16xf32>
    %add3A_1526 = arith.addf %add3A_1512, %mul3A_1525 : vector<16xf32>
    %get3A_1527 = arith.constant 1 : i32
    %get3A_1528 = arith.index_cast %get3A_1527 : i32 to index
    %get3A_1529 = arith.constant 48 : index
    %get3A_1530 = tpu.vector_load %arg21[%get3A_1528, %get3A_1529] {strides = array<i32>} : memref<5x128xf32, #tpu.memory_space<vmem>>, vector<16xf32>,
    %sub3A_1531 = arith.subf %scan3A_1496#4, %get3A_1530 : vector<16xf32>
    %mul3A_1532 = arith.mulf %sub3A_1531, %sub3A_1531 : vector<16xf32>
    %add3A_1533 = arith.addf %add3A_1519, %mul3A_1532 : vector<16xf32>
    %get3A_1534 = arith.constant 2 : i32
    %get3A_1535 = arith.index_cast %get3A_1534 : i32 to index
    %get3A_1536 = arith.constant 48 : index
    %get3A_1537 = tpu.vector_load %arg20[%get3A_1535, %get3A_1536] {strides = array<i32>} : memref<5x128xf32, #tpu.memory_space<vmem>>, vector<16xf32>,
    %sub3A_1538 = arith.subf %scan3A_1496#5, %get3A_1537 : vector<16xf32>
    %mul3A_1539 = arith.mulf %sub3A_1538, %sub3A_1538 : vector<16xf32>
    %add3A_1540 = arith.addf %add3A_1526, %mul3A_1539 : vector<16xf32>
    %get3A_1541 = arith.constant 2 : i32
    %get3A_1542 = arith.index_cast %get3A_1541 : i32 to index
    %get3A_1543 = arith.constant 48 : index
    %get3A_1544 = tpu.vector_load %arg21[%get3A_1542, %get3A_1543] {strides = array<i32>} : memref<5x128xf32, #tpu.memory_space<vmem>>, vector<16xf32>,
    %sub3A_1545 = arith.subf %scan3A_1496#6, %get3A_1544 : vector<16xf32>
    %mul3A_1546 = arith.mulf %sub3A_1545, %sub3A_1545 : vector<16xf32>
    %add3A_1547 = arith.addf %add3A_1533, %mul3A_1546 : vector<16xf32>
    %get3A_1548 = arith.constant 3 : i32
    %get3A_1549 = arith.index_cast %get3A_1548 : i32 to index
    %get3A_1550 = arith.constant 48 : index
    %get3A_1551 = tpu.vector_load %arg20[%get3A_1549, %get3A_1550] {strides = array<i32>} : memref<5x128xf32, #tpu.memory_space<vmem>>, vector<16xf32>,
    %sub3A_1552 = arith.subf %scan3A_1496#7, %get3A_1551 : vector<16xf32>
    %mul3A_1553 = arith.mulf %sub3A_1552, %sub3A_1552 : vector<16xf32>
    %add3A_1554 = arith.addf %add3A_1540, %mul3A_1553 : vector<16xf32>
    %get3A_1555 = arith.constant 3 : i32
    %get3A_1556 = arith.index_cast %get3A_1555 : i32 to index
    %get3A_1557 = arith.constant 48 : index
    %get3A_1558 = tpu.vector_load %arg21[%get3A_1556, %get3A_1557] {strides = array<i32>} : memref<5x128xf32, #tpu.memory_space<vmem>>, vector<16xf32>,
    %sub3A_1559 = arith.subf %scan3A_1496#8, %get3A_1558 : vector<16xf32>
    %mul3A_1560 = arith.mulf %sub3A_1559, %sub3A_1559 : vector<16xf32>
    %add3A_1561 = arith.addf %add3A_1547, %mul3A_1560 : vector<16xf32>
    %get3A_1562 = arith.constant 4 : i32
    %get3A_1563 = arith.index_cast %get3A_1562 : i32 to index
    %get3A_1564 = arith.constant 48 : index
    %get3A_1565 = tpu.vector_load %arg20[%get3A_1563, %get3A_1564] {strides = array<i32>} : memref<5x128xf32, #tpu.memory_space<vmem>>, vector<16xf32>,
    %sub3A_1566 = arith.subf %scan3A_1496#9, %get3A_1565 : vector<16xf32>
    %mul3A_1567 = arith.mulf %sub3A_1566, %sub3A_1566 : vector<16xf32>
    %add3A_1568 = arith.addf %add3A_1554, %mul3A_1567 : vector<16xf32>
    %get3A_1569 = arith.constant 4 : i32
    %get3A_1570 = arith.index_cast %get3A_1569 : i32 to index
    %get3A_1571 = arith.constant 48 : index
    %get3A_1572 = tpu.vector_load %arg21[%get3A_1570, %get3A_1571] {strides = array<i32>} : memref<5x128xf32, #tpu.memory_space<vmem>>, vector<16xf32>,
    %sub3A_1573 = arith.subf %scan3A_1496#10, %get3A_1572 : vector<16xf32>
    %mul3A_1574 = arith.mulf %sub3A_1573, %sub3A_1573 : vector<16xf32>
    %add3A_1575 = arith.addf %add3A_1561, %mul3A_1574 : vector<16xf32>
    %add3A_1576 = arith.constant 64 : i32
    %add3A_1577 = vector.broadcast %add3A_1576 : i32 to vector<16xi32>
    %add3A_1578 = arith.addi %add3A_1577, %iota3A : vector<16xi32>
    %scan3A_1579 = arith.constant 0 : i32
    %scan3A_1580 = arith.constant 128 : i32
    %scan3A_1581 = arith.addi %scan3A_1579, %scan3A_1580 : i32
    %scan3A_1582 = arith.constant 1 : i32
    %scan3A_1583:11 = scf.for %scan3A_1948 = %scan3A_1579 to %scan3A_1581 step %scan3A_1582 iter_args(%scan3A_1949 = %broadcast_in_dim3A_1229, %scan3A_1950 = %broadcast_in_dim3A_1229, %scan3A_1951 = %broadcast_in_dim3A_1229, %scan3A_1952 = %broadcast_in_dim3A_1229, %scan3A_1953 = %broadcast_in_dim3A_1229, %scan3A_1954 = %broadcast_in_dim3A_1229, %scan3A_1955 = %broadcast_in_dim3A_1229, %scan3A_1956 = %broadcast_in_dim3A_1229, %scan3A_1957 = %broadcast_in_dim3A_1229, %scan3A_1958 = %broadcast_in_dim3A_1229, %scan3A_1959 = %broadcast_in_dim3A_1229) -> (vector<16xf32>, vector<16xf32>, vector<16xf32>, vector<16xf32>, vector<16xf32>, vector<16xf32>, vector<16xf32>, vector<16xf32>, vector<16xf32>, vector<16xf32>, vector<16xf32>)  : i32 {
      %broadcast_in_dim3A_1960 = vector.broadcast %scan3A_1948 : i32 to vector<16xi32>
      %gather3A = tpu.vector_load_idx %arg16[%add3A_1578, %broadcast_in_dim3A_1960] : memref<128x128xf32, #tpu.memory_space<vmem>>[vector<16xi32>, vector<16xi32>], vector<16xf32>,
      %gather3A_1961 = tpu.vector_load_idx %arg17[%add3A_1578, %broadcast_in_dim3A_1960] : memref<128x128xf32, #tpu.memory_space<vmem>>[vector<16xi32>, vector<16xi32>], vector<16xf32>,
      %mul3A_1962 = arith.mulf %gather3A, %gather3A_1961 : vector<16xf32>
      %add3A_1963 = arith.addf %scan3A_1949, %mul3A_1962 : vector<16xf32>
      %broadcast_in_dim3A_1964 = arith.constant 0 : i32
      %broadcast_in_dim3A_1965 = vector.broadcast %broadcast_in_dim3A_1964 : i32 to vector<16xi32>
      %gather3A_1966 = tpu.vector_load_idx %arg18[%broadcast_in_dim3A_1965, %add3A_1578, %broadcast_in_dim3A_1960] : memref<5x128x128xf32, #tpu.memory_space<vmem>>[vector<16xi32>, vector<16xi32>, vector<16xi32>], vector<16xf32>,
      %mul3A_1967 = arith.mulf %gather3A, %gather3A_1966 : vector<16xf32>
      %add3A_1968 = arith.addf %scan3A_1950, %mul3A_1967 : vector<16xf32>
      %mul3A_1969 = arith.mulf %gather3A_1961, %gather3A_1966 : vector<16xf32>
      %add3A_1970 = arith.addf %scan3A_1951, %mul3A_1969 : vector<16xf32>
      %broadcast_in_dim3A_1971 = arith.constant 1 : i32
      %broadcast_in_dim3A_1972 = vector.broadcast %broadcast_in_dim3A_1971 : i32 to vector<16xi32>
      %gather3A_1973 = tpu.vector_load_idx %arg18[%broadcast_in_dim3A_1972, %add3A_1578, %broadcast_in_dim3A_1960] : memref<5x128x128xf32, #tpu.memory_space<vmem>>[vector<16xi32>, vector<16xi32>, vector<16xi32>], vector<16xf32>,
      %mul3A_1974 = arith.mulf %gather3A, %gather3A_1973 : vector<16xf32>
      %add3A_1975 = arith.addf %scan3A_1952, %mul3A_1974 : vector<16xf32>
      %mul3A_1976 = arith.mulf %gather3A_1961, %gather3A_1973 : vector<16xf32>
      %add3A_1977 = arith.addf %scan3A_1953, %mul3A_1976 : vector<16xf32>
      %broadcast_in_dim3A_1978 = arith.constant 2 : i32
      %broadcast_in_dim3A_1979 = vector.broadcast %broadcast_in_dim3A_1978 : i32 to vector<16xi32>
      %gather3A_1980 = tpu.vector_load_idx %arg18[%broadcast_in_dim3A_1979, %add3A_1578, %broadcast_in_dim3A_1960] : memref<5x128x128xf32, #tpu.memory_space<vmem>>[vector<16xi32>, vector<16xi32>, vector<16xi32>], vector<16xf32>,
      %mul3A_1981 = arith.mulf %gather3A, %gather3A_1980 : vector<16xf32>
      %add3A_1982 = arith.addf %scan3A_1954, %mul3A_1981 : vector<16xf32>
      %mul3A_1983 = arith.mulf %gather3A_1961, %gather3A_1980 : vector<16xf32>
      %add3A_1984 = arith.addf %scan3A_1955, %mul3A_1983 : vector<16xf32>
      %broadcast_in_dim3A_1985 = arith.constant 3 : i32
      %broadcast_in_dim3A_1986 = vector.broadcast %broadcast_in_dim3A_1985 : i32 to vector<16xi32>
      %gather3A_1987 = tpu.vector_load_idx %arg18[%broadcast_in_dim3A_1986, %add3A_1578, %broadcast_in_dim3A_1960] : memref<5x128x128xf32, #tpu.memory_space<vmem>>[vector<16xi32>, vector<16xi32>, vector<16xi32>], vector<16xf32>,
      %mul3A_1988 = arith.mulf %gather3A, %gather3A_1987 : vector<16xf32>
      %add3A_1989 = arith.addf %scan3A_1956, %mul3A_1988 : vector<16xf32>
      %mul3A_1990 = arith.mulf %gather3A_1961, %gather3A_1987 : vector<16xf32>
      %add3A_1991 = arith.addf %scan3A_1957, %mul3A_1990 : vector<16xf32>
      %broadcast_in_dim3A_1992 = arith.constant 4 : i32
      %broadcast_in_dim3A_1993 = vector.broadcast %broadcast_in_dim3A_1992 : i32 to vector<16xi32>
      %gather3A_1994 = tpu.vector_load_idx %arg18[%broadcast_in_dim3A_1993, %add3A_1578, %broadcast_in_dim3A_1960] : memref<5x128x128xf32, #tpu.memory_space<vmem>>[vector<16xi32>, vector<16xi32>, vector<16xi32>], vector<16xf32>,
      %mul3A_1995 = arith.mulf %gather3A, %gather3A_1994 : vector<16xf32>
      %add3A_1996 = arith.addf %scan3A_1958, %mul3A_1995 : vector<16xf32>
      %mul3A_1997 = arith.mulf %gather3A_1961, %gather3A_1994 : vector<16xf32>
      %add3A_1998 = arith.addf %scan3A_1959, %mul3A_1997 : vector<16xf32>
      scf.yield %add3A_1963, %add3A_1968, %add3A_1970, %add3A_1975, %add3A_1977, %add3A_1982, %add3A_1984, %add3A_1989, %add3A_1991, %add3A_1996, %add3A_1998 : vector<16xf32>, vector<16xf32>, vector<16xf32>, vector<16xf32>, vector<16xf32>, vector<16xf32>, vector<16xf32>, vector<16xf32>, vector<16xf32>, vector<16xf32>, vector<16xf32>
    }
    %scan3A_1584 = arith.constant 128 : i32
    %get3A_1585 = arith.constant 64 : index
    %get3A_1586 = tpu.vector_load %arg19[%get3A_1585] {strides = array<i32>} : memref<128xf32, #tpu.memory_space<vmem>>, vector<16xf32>,
    %mul3A_1587 = arith.mulf %scan3A_1583#0, %scan3A_1583#0 : vector<16xf32>
    %add3A_1588 = arith.addf %add3A_1501, %mul3A_1587 : vector<16xf32>
    %add3A_1589 = arith.addf %add3A_1502, %scan3A_1583#0 : vector<16xf32>
    %add3A_1590 = arith.addf %add3A_1503, %get3A_1586 : vector<16xf32>
    %mul3A_1591 = arith.mulf %get3A_1586, %get3A_1586 : vector<16xf32>
    %add3A_1592 = arith.addf %add3A_1505, %mul3A_1591 : vector<16xf32>
    %get3A_1593 = arith.constant 0 : i32
    %get3A_1594 = arith.index_cast %get3A_1593 : i32 to index
    %get3A_1595 = arith.constant 64 : index
    %get3A_1596 = tpu.vector_load %arg20[%get3A_1594, %get3A_1595] {strides = array<i32>} : memref<5x128xf32, #tpu.memory_space<vmem>>, vector<16xf32>,
    %sub3A_1597 = arith.subf %scan3A_1583#1, %get3A_1596 : vector<16xf32>
    %mul3A_1598 = arith.mulf %sub3A_1597, %sub3A_1597 : vector<16xf32>
    %add3A_1599 = arith.addf %add3A_1568, %mul3A_1598 : vector<16xf32>
    %get3A_1600 = arith.constant 0 : i32
    %get3A_1601 = arith.index_cast %get3A_1600 : i32 to index
    %get3A_1602 = arith.constant 64 : index
    %get3A_1603 = tpu.vector_load %arg21[%get3A_1601, %get3A_1602] {strides = array<i32>} : memref<5x128xf32, #tpu.memory_space<vmem>>, vector<16xf32>,
    %sub3A_1604 = arith.subf %scan3A_1583#2, %get3A_1603 : vector<16xf32>
    %mul3A_1605 = arith.mulf %sub3A_1604, %sub3A_1604 : vector<16xf32>
    %add3A_1606 = arith.addf %add3A_1575, %mul3A_1605 : vector<16xf32>
    %get3A_1607 = arith.constant 1 : i32
    %get3A_1608 = arith.index_cast %get3A_1607 : i32 to index
    %get3A_1609 = arith.constant 64 : index
    %get3A_1610 = tpu.vector_load %arg20[%get3A_1608, %get3A_1609] {strides = array<i32>} : memref<5x128xf32, #tpu.memory_space<vmem>>, vector<16xf32>,
    %sub3A_1611 = arith.subf %scan3A_1583#3, %get3A_1610 : vector<16xf32>
    %mul3A_1612 = arith.mulf %sub3A_1611, %sub3A_1611 : vector<16xf32>
    %add3A_1613 = arith.addf %add3A_1599, %mul3A_1612 : vector<16xf32>
    %get3A_1614 = arith.constant 1 : i32
    %get3A_1615 = arith.index_cast %get3A_1614 : i32 to index
    %get3A_1616 = arith.constant 64 : index
    %get3A_1617 = tpu.vector_load %arg21[%get3A_1615, %get3A_1616] {strides = array<i32>} : memref<5x128xf32, #tpu.memory_space<vmem>>, vector<16xf32>,
    %sub3A_1618 = arith.subf %scan3A_1583#4, %get3A_1617 : vector<16xf32>
    %mul3A_1619 = arith.mulf %sub3A_1618, %sub3A_1618 : vector<16xf32>
    %add3A_1620 = arith.addf %add3A_1606, %mul3A_1619 : vector<16xf32>
    %get3A_1621 = arith.constant 2 : i32
    %get3A_1622 = arith.index_cast %get3A_1621 : i32 to index
    %get3A_1623 = arith.constant 64 : index
    %get3A_1624 = tpu.vector_load %arg20[%get3A_1622, %get3A_1623] {strides = array<i32>} : memref<5x128xf32, #tpu.memory_space<vmem>>, vector<16xf32>,
    %sub3A_1625 = arith.subf %scan3A_1583#5, %get3A_1624 : vector<16xf32>
    %mul3A_1626 = arith.mulf %sub3A_1625, %sub3A_1625 : vector<16xf32>
    %add3A_1627 = arith.addf %add3A_1613, %mul3A_1626 : vector<16xf32>
    %get3A_1628 = arith.constant 2 : i32
    %get3A_1629 = arith.index_cast %get3A_1628 : i32 to index
    %get3A_1630 = arith.constant 64 : index
    %get3A_1631 = tpu.vector_load %arg21[%get3A_1629, %get3A_1630] {strides = array<i32>} : memref<5x128xf32, #tpu.memory_space<vmem>>, vector<16xf32>,
    %sub3A_1632 = arith.subf %scan3A_1583#6, %get3A_1631 : vector<16xf32>
    %mul3A_1633 = arith.mulf %sub3A_1632, %sub3A_1632 : vector<16xf32>
    %add3A_1634 = arith.addf %add3A_1620, %mul3A_1633 : vector<16xf32>
    %get3A_1635 = arith.constant 3 : i32
    %get3A_1636 = arith.index_cast %get3A_1635 : i32 to index
    %get3A_1637 = arith.constant 64 : index
    %get3A_1638 = tpu.vector_load %arg20[%get3A_1636, %get3A_1637] {strides = array<i32>} : memref<5x128xf32, #tpu.memory_space<vmem>>, vector<16xf32>,
    %sub3A_1639 = arith.subf %scan3A_1583#7, %get3A_1638 : vector<16xf32>
    %mul3A_1640 = arith.mulf %sub3A_1639, %sub3A_1639 : vector<16xf32>
    %add3A_1641 = arith.addf %add3A_1627, %mul3A_1640 : vector<16xf32>
    %get3A_1642 = arith.constant 3 : i32
    %get3A_1643 = arith.index_cast %get3A_1642 : i32 to index
    %get3A_1644 = arith.constant 64 : index
    %get3A_1645 = tpu.vector_load %arg21[%get3A_1643, %get3A_1644] {strides = array<i32>} : memref<5x128xf32, #tpu.memory_space<vmem>>, vector<16xf32>,
    %sub3A_1646 = arith.subf %scan3A_1583#8, %get3A_1645 : vector<16xf32>
    %mul3A_1647 = arith.mulf %sub3A_1646, %sub3A_1646 : vector<16xf32>
    %add3A_1648 = arith.addf %add3A_1634, %mul3A_1647 : vector<16xf32>
    %get3A_1649 = arith.constant 4 : i32
    %get3A_1650 = arith.index_cast %get3A_1649 : i32 to index
    %get3A_1651 = arith.constant 64 : index
    %get3A_1652 = tpu.vector_load %arg20[%get3A_1650, %get3A_1651] {strides = array<i32>} : memref<5x128xf32, #tpu.memory_space<vmem>>, vector<16xf32>,
    %sub3A_1653 = arith.subf %scan3A_1583#9, %get3A_1652 : vector<16xf32>
    %mul3A_1654 = arith.mulf %sub3A_1653, %sub3A_1653 : vector<16xf32>
    %add3A_1655 = arith.addf %add3A_1641, %mul3A_1654 : vector<16xf32>
    %get3A_1656 = arith.constant 4 : i32
    %get3A_1657 = arith.index_cast %get3A_1656 : i32 to index
    %get3A_1658 = arith.constant 64 : index
    %get3A_1659 = tpu.vector_load %arg21[%get3A_1657, %get3A_1658] {strides = array<i32>} : memref<5x128xf32, #tpu.memory_space<vmem>>, vector<16xf32>,
    %sub3A_1660 = arith.subf %scan3A_1583#10, %get3A_1659 : vector<16xf32>
    %mul3A_1661 = arith.mulf %sub3A_1660, %sub3A_1660 : vector<16xf32>
    %add3A_1662 = arith.addf %add3A_1648, %mul3A_1661 : vector<16xf32>
    %add3A_1663 = arith.constant 80 : i32
    %add3A_1664 = vector.broadcast %add3A_1663 : i32 to vector<16xi32>
    %add3A_1665 = arith.addi %add3A_1664, %iota3A : vector<16xi32>
    %scan3A_1666 = arith.constant 0 : i32
    %scan3A_1667 = arith.constant 128 : i32
    %scan3A_1668 = arith.addi %scan3A_1666, %scan3A_1667 : i32
    %scan3A_1669 = arith.constant 1 : i32
    %scan3A_1670:11 = scf.for %scan3A_1948 = %scan3A_1666 to %scan3A_1668 step %scan3A_1669 iter_args(%scan3A_1949 = %broadcast_in_dim3A_1229, %scan3A_1950 = %broadcast_in_dim3A_1229, %scan3A_1951 = %broadcast_in_dim3A_1229, %scan3A_1952 = %broadcast_in_dim3A_1229, %scan3A_1953 = %broadcast_in_dim3A_1229, %scan3A_1954 = %broadcast_in_dim3A_1229, %scan3A_1955 = %broadcast_in_dim3A_1229, %scan3A_1956 = %broadcast_in_dim3A_1229, %scan3A_1957 = %broadcast_in_dim3A_1229, %scan3A_1958 = %broadcast_in_dim3A_1229, %scan3A_1959 = %broadcast_in_dim3A_1229) -> (vector<16xf32>, vector<16xf32>, vector<16xf32>, vector<16xf32>, vector<16xf32>, vector<16xf32>, vector<16xf32>, vector<16xf32>, vector<16xf32>, vector<16xf32>, vector<16xf32>)  : i32 {
      %broadcast_in_dim3A_1960 = vector.broadcast %scan3A_1948 : i32 to vector<16xi32>
      %gather3A = tpu.vector_load_idx %arg16[%add3A_1665, %broadcast_in_dim3A_1960] : memref<128x128xf32, #tpu.memory_space<vmem>>[vector<16xi32>, vector<16xi32>], vector<16xf32>,
      %gather3A_1961 = tpu.vector_load_idx %arg17[%add3A_1665, %broadcast_in_dim3A_1960] : memref<128x128xf32, #tpu.memory_space<vmem>>[vector<16xi32>, vector<16xi32>], vector<16xf32>,
      %mul3A_1962 = arith.mulf %gather3A, %gather3A_1961 : vector<16xf32>
      %add3A_1963 = arith.addf %scan3A_1949, %mul3A_1962 : vector<16xf32>
      %broadcast_in_dim3A_1964 = arith.constant 0 : i32
      %broadcast_in_dim3A_1965 = vector.broadcast %broadcast_in_dim3A_1964 : i32 to vector<16xi32>
      %gather3A_1966 = tpu.vector_load_idx %arg18[%broadcast_in_dim3A_1965, %add3A_1665, %broadcast_in_dim3A_1960] : memref<5x128x128xf32, #tpu.memory_space<vmem>>[vector<16xi32>, vector<16xi32>, vector<16xi32>], vector<16xf32>,
      %mul3A_1967 = arith.mulf %gather3A, %gather3A_1966 : vector<16xf32>
      %add3A_1968 = arith.addf %scan3A_1950, %mul3A_1967 : vector<16xf32>
      %mul3A_1969 = arith.mulf %gather3A_1961, %gather3A_1966 : vector<16xf32>
      %add3A_1970 = arith.addf %scan3A_1951, %mul3A_1969 : vector<16xf32>
      %broadcast_in_dim3A_1971 = arith.constant 1 : i32
      %broadcast_in_dim3A_1972 = vector.broadcast %broadcast_in_dim3A_1971 : i32 to vector<16xi32>
      %gather3A_1973 = tpu.vector_load_idx %arg18[%broadcast_in_dim3A_1972, %add3A_1665, %broadcast_in_dim3A_1960] : memref<5x128x128xf32, #tpu.memory_space<vmem>>[vector<16xi32>, vector<16xi32>, vector<16xi32>], vector<16xf32>,
      %mul3A_1974 = arith.mulf %gather3A, %gather3A_1973 : vector<16xf32>
      %add3A_1975 = arith.addf %scan3A_1952, %mul3A_1974 : vector<16xf32>
      %mul3A_1976 = arith.mulf %gather3A_1961, %gather3A_1973 : vector<16xf32>
      %add3A_1977 = arith.addf %scan3A_1953, %mul3A_1976 : vector<16xf32>
      %broadcast_in_dim3A_1978 = arith.constant 2 : i32
      %broadcast_in_dim3A_1979 = vector.broadcast %broadcast_in_dim3A_1978 : i32 to vector<16xi32>
      %gather3A_1980 = tpu.vector_load_idx %arg18[%broadcast_in_dim3A_1979, %add3A_1665, %broadcast_in_dim3A_1960] : memref<5x128x128xf32, #tpu.memory_space<vmem>>[vector<16xi32>, vector<16xi32>, vector<16xi32>], vector<16xf32>,
      %mul3A_1981 = arith.mulf %gather3A, %gather3A_1980 : vector<16xf32>
      %add3A_1982 = arith.addf %scan3A_1954, %mul3A_1981 : vector<16xf32>
      %mul3A_1983 = arith.mulf %gather3A_1961, %gather3A_1980 : vector<16xf32>
      %add3A_1984 = arith.addf %scan3A_1955, %mul3A_1983 : vector<16xf32>
      %broadcast_in_dim3A_1985 = arith.constant 3 : i32
      %broadcast_in_dim3A_1986 = vector.broadcast %broadcast_in_dim3A_1985 : i32 to vector<16xi32>
      %gather3A_1987 = tpu.vector_load_idx %arg18[%broadcast_in_dim3A_1986, %add3A_1665, %broadcast_in_dim3A_1960] : memref<5x128x128xf32, #tpu.memory_space<vmem>>[vector<16xi32>, vector<16xi32>, vector<16xi32>], vector<16xf32>,
      %mul3A_1988 = arith.mulf %gather3A, %gather3A_1987 : vector<16xf32>
      %add3A_1989 = arith.addf %scan3A_1956, %mul3A_1988 : vector<16xf32>
      %mul3A_1990 = arith.mulf %gather3A_1961, %gather3A_1987 : vector<16xf32>
      %add3A_1991 = arith.addf %scan3A_1957, %mul3A_1990 : vector<16xf32>
      %broadcast_in_dim3A_1992 = arith.constant 4 : i32
      %broadcast_in_dim3A_1993 = vector.broadcast %broadcast_in_dim3A_1992 : i32 to vector<16xi32>
      %gather3A_1994 = tpu.vector_load_idx %arg18[%broadcast_in_dim3A_1993, %add3A_1665, %broadcast_in_dim3A_1960] : memref<5x128x128xf32, #tpu.memory_space<vmem>>[vector<16xi32>, vector<16xi32>, vector<16xi32>], vector<16xf32>,
      %mul3A_1995 = arith.mulf %gather3A, %gather3A_1994 : vector<16xf32>
      %add3A_1996 = arith.addf %scan3A_1958, %mul3A_1995 : vector<16xf32>
      %mul3A_1997 = arith.mulf %gather3A_1961, %gather3A_1994 : vector<16xf32>
      %add3A_1998 = arith.addf %scan3A_1959, %mul3A_1997 : vector<16xf32>
      scf.yield %add3A_1963, %add3A_1968, %add3A_1970, %add3A_1975, %add3A_1977, %add3A_1982, %add3A_1984, %add3A_1989, %add3A_1991, %add3A_1996, %add3A_1998 : vector<16xf32>, vector<16xf32>, vector<16xf32>, vector<16xf32>, vector<16xf32>, vector<16xf32>, vector<16xf32>, vector<16xf32>, vector<16xf32>, vector<16xf32>, vector<16xf32>
    }
    %scan3A_1671 = arith.constant 128 : i32
    %get3A_1672 = arith.constant 80 : index
    %get3A_1673 = tpu.vector_load %arg19[%get3A_1672] {strides = array<i32>} : memref<128xf32, #tpu.memory_space<vmem>>, vector<16xf32>,
    %mul3A_1674 = arith.mulf %scan3A_1670#0, %scan3A_1670#0 : vector<16xf32>
    %add3A_1675 = arith.addf %add3A_1588, %mul3A_1674 : vector<16xf32>
    %add3A_1676 = arith.addf %add3A_1589, %scan3A_1670#0 : vector<16xf32>
    %add3A_1677 = arith.addf %add3A_1590, %get3A_1673 : vector<16xf32>
    %mul3A_1678 = arith.mulf %get3A_1673, %get3A_1673 : vector<16xf32>
    %add3A_1679 = arith.addf %add3A_1592, %mul3A_1678 : vector<16xf32>
    %get3A_1680 = arith.constant 0 : i32
    %get3A_1681 = arith.index_cast %get3A_1680 : i32 to index
    %get3A_1682 = arith.constant 80 : index
    %get3A_1683 = tpu.vector_load %arg20[%get3A_1681, %get3A_1682] {strides = array<i32>} : memref<5x128xf32, #tpu.memory_space<vmem>>, vector<16xf32>,
    %sub3A_1684 = arith.subf %scan3A_1670#1, %get3A_1683 : vector<16xf32>
    %mul3A_1685 = arith.mulf %sub3A_1684, %sub3A_1684 : vector<16xf32>
    %add3A_1686 = arith.addf %add3A_1655, %mul3A_1685 : vector<16xf32>
    %get3A_1687 = arith.constant 0 : i32
    %get3A_1688 = arith.index_cast %get3A_1687 : i32 to index
    %get3A_1689 = arith.constant 80 : index
    %get3A_1690 = tpu.vector_load %arg21[%get3A_1688, %get3A_1689] {strides = array<i32>} : memref<5x128xf32, #tpu.memory_space<vmem>>, vector<16xf32>,
    %sub3A_1691 = arith.subf %scan3A_1670#2, %get3A_1690 : vector<16xf32>
    %mul3A_1692 = arith.mulf %sub3A_1691, %sub3A_1691 : vector<16xf32>
    %add3A_1693 = arith.addf %add3A_1662, %mul3A_1692 : vector<16xf32>
    %get3A_1694 = arith.constant 1 : i32
    %get3A_1695 = arith.index_cast %get3A_1694 : i32 to index
    %get3A_1696 = arith.constant 80 : index
    %get3A_1697 = tpu.vector_load %arg20[%get3A_1695, %get3A_1696] {strides = array<i32>} : memref<5x128xf32, #tpu.memory_space<vmem>>, vector<16xf32>,
    %sub3A_1698 = arith.subf %scan3A_1670#3, %get3A_1697 : vector<16xf32>
    %mul3A_1699 = arith.mulf %sub3A_1698, %sub3A_1698 : vector<16xf32>
    %add3A_1700 = arith.addf %add3A_1686, %mul3A_1699 : vector<16xf32>
    %get3A_1701 = arith.constant 1 : i32
    %get3A_1702 = arith.index_cast %get3A_1701 : i32 to index
    %get3A_1703 = arith.constant 80 : index
    %get3A_1704 = tpu.vector_load %arg21[%get3A_1702, %get3A_1703] {strides = array<i32>} : memref<5x128xf32, #tpu.memory_space<vmem>>, vector<16xf32>,
    %sub3A_1705 = arith.subf %scan3A_1670#4, %get3A_1704 : vector<16xf32>
    %mul3A_1706 = arith.mulf %sub3A_1705, %sub3A_1705 : vector<16xf32>
    %add3A_1707 = arith.addf %add3A_1693, %mul3A_1706 : vector<16xf32>
    %get3A_1708 = arith.constant 2 : i32
    %get3A_1709 = arith.index_cast %get3A_1708 : i32 to index
    %get3A_1710 = arith.constant 80 : index
    %get3A_1711 = tpu.vector_load %arg20[%get3A_1709, %get3A_1710] {strides = array<i32>} : memref<5x128xf32, #tpu.memory_space<vmem>>, vector<16xf32>,
    %sub3A_1712 = arith.subf %scan3A_1670#5, %get3A_1711 : vector<16xf32>
    %mul3A_1713 = arith.mulf %sub3A_1712, %sub3A_1712 : vector<16xf32>
    %add3A_1714 = arith.addf %add3A_1700, %mul3A_1713 : vector<16xf32>
    %get3A_1715 = arith.constant 2 : i32
    %get3A_1716 = arith.index_cast %get3A_1715 : i32 to index
    %get3A_1717 = arith.constant 80 : index
    %get3A_1718 = tpu.vector_load %arg21[%get3A_1716, %get3A_1717] {strides = array<i32>} : memref<5x128xf32, #tpu.memory_space<vmem>>, vector<16xf32>,
    %sub3A_1719 = arith.subf %scan3A_1670#6, %get3A_1718 : vector<16xf32>
    %mul3A_1720 = arith.mulf %sub3A_1719, %sub3A_1719 : vector<16xf32>
    %add3A_1721 = arith.addf %add3A_1707, %mul3A_1720 : vector<16xf32>
    %get3A_1722 = arith.constant 3 : i32
    %get3A_1723 = arith.index_cast %get3A_1722 : i32 to index
    %get3A_1724 = arith.constant 80 : index
    %get3A_1725 = tpu.vector_load %arg20[%get3A_1723, %get3A_1724] {strides = array<i32>} : memref<5x128xf32, #tpu.memory_space<vmem>>, vector<16xf32>,
    %sub3A_1726 = arith.subf %scan3A_1670#7, %get3A_1725 : vector<16xf32>
    %mul3A_1727 = arith.mulf %sub3A_1726, %sub3A_1726 : vector<16xf32>
    %add3A_1728 = arith.addf %add3A_1714, %mul3A_1727 : vector<16xf32>
    %get3A_1729 = arith.constant 3 : i32
    %get3A_1730 = arith.index_cast %get3A_1729 : i32 to index
    %get3A_1731 = arith.constant 80 : index
    %get3A_1732 = tpu.vector_load %arg21[%get3A_1730, %get3A_1731] {strides = array<i32>} : memref<5x128xf32, #tpu.memory_space<vmem>>, vector<16xf32>,
    %sub3A_1733 = arith.subf %scan3A_1670#8, %get3A_1732 : vector<16xf32>
    %mul3A_1734 = arith.mulf %sub3A_1733, %sub3A_1733 : vector<16xf32>
    %add3A_1735 = arith.addf %add3A_1721, %mul3A_1734 : vector<16xf32>
    %get3A_1736 = arith.constant 4 : i32
    %get3A_1737 = arith.index_cast %get3A_1736 : i32 to index
    %get3A_1738 = arith.constant 80 : index
    %get3A_1739 = tpu.vector_load %arg20[%get3A_1737, %get3A_1738] {strides = array<i32>} : memref<5x128xf32, #tpu.memory_space<vmem>>, vector<16xf32>,
    %sub3A_1740 = arith.subf %scan3A_1670#9, %get3A_1739 : vector<16xf32>
    %mul3A_1741 = arith.mulf %sub3A_1740, %sub3A_1740 : vector<16xf32>
    %add3A_1742 = arith.addf %add3A_1728, %mul3A_1741 : vector<16xf32>
    %get3A_1743 = arith.constant 4 : i32
    %get3A_1744 = arith.index_cast %get3A_1743 : i32 to index
    %get3A_1745 = arith.constant 80 : index
    %get3A_1746 = tpu.vector_load %arg21[%get3A_1744, %get3A_1745] {strides = array<i32>} : memref<5x128xf32, #tpu.memory_space<vmem>>, vector<16xf32>,
    %sub3A_1747 = arith.subf %scan3A_1670#10, %get3A_1746 : vector<16xf32>
    %mul3A_1748 = arith.mulf %sub3A_1747, %sub3A_1747 : vector<16xf32>
    %add3A_1749 = arith.addf %add3A_1735, %mul3A_1748 : vector<16xf32>
    %add3A_1750 = arith.constant 96 : i32
    %add3A_1751 = vector.broadcast %add3A_1750 : i32 to vector<16xi32>
    %add3A_1752 = arith.addi %add3A_1751, %iota3A : vector<16xi32>
    %scan3A_1753 = arith.constant 0 : i32
    %scan3A_1754 = arith.constant 128 : i32
    %scan3A_1755 = arith.addi %scan3A_1753, %scan3A_1754 : i32
    %scan3A_1756 = arith.constant 1 : i32
    %scan3A_1757:11 = scf.for %scan3A_1948 = %scan3A_1753 to %scan3A_1755 step %scan3A_1756 iter_args(%scan3A_1949 = %broadcast_in_dim3A_1229, %scan3A_1950 = %broadcast_in_dim3A_1229, %scan3A_1951 = %broadcast_in_dim3A_1229, %scan3A_1952 = %broadcast_in_dim3A_1229, %scan3A_1953 = %broadcast_in_dim3A_1229, %scan3A_1954 = %broadcast_in_dim3A_1229, %scan3A_1955 = %broadcast_in_dim3A_1229, %scan3A_1956 = %broadcast_in_dim3A_1229, %scan3A_1957 = %broadcast_in_dim3A_1229, %scan3A_1958 = %broadcast_in_dim3A_1229, %scan3A_1959 = %broadcast_in_dim3A_1229) -> (vector<16xf32>, vector<16xf32>, vector<16xf32>, vector<16xf32>, vector<16xf32>, vector<16xf32>, vector<16xf32>, vector<16xf32>, vector<16xf32>, vector<16xf32>, vector<16xf32>)  : i32 {
      %broadcast_in_dim3A_1960 = vector.broadcast %scan3A_1948 : i32 to vector<16xi32>
      %gather3A = tpu.vector_load_idx %arg16[%add3A_1752, %broadcast_in_dim3A_1960] : memref<128x128xf32, #tpu.memory_space<vmem>>[vector<16xi32>, vector<16xi32>], vector<16xf32>,
      %gather3A_1961 = tpu.vector_load_idx %arg17[%add3A_1752, %broadcast_in_dim3A_1960] : memref<128x128xf32, #tpu.memory_space<vmem>>[vector<16xi32>, vector<16xi32>], vector<16xf32>,
      %mul3A_1962 = arith.mulf %gather3A, %gather3A_1961 : vector<16xf32>
      %add3A_1963 = arith.addf %scan3A_1949, %mul3A_1962 : vector<16xf32>
      %broadcast_in_dim3A_1964 = arith.constant 0 : i32
      %broadcast_in_dim3A_1965 = vector.broadcast %broadcast_in_dim3A_1964 : i32 to vector<16xi32>
      %gather3A_1966 = tpu.vector_load_idx %arg18[%broadcast_in_dim3A_1965, %add3A_1752, %broadcast_in_dim3A_1960] : memref<5x128x128xf32, #tpu.memory_space<vmem>>[vector<16xi32>, vector<16xi32>, vector<16xi32>], vector<16xf32>,
      %mul3A_1967 = arith.mulf %gather3A, %gather3A_1966 : vector<16xf32>
      %add3A_1968 = arith.addf %scan3A_1950, %mul3A_1967 : vector<16xf32>
      %mul3A_1969 = arith.mulf %gather3A_1961, %gather3A_1966 : vector<16xf32>
      %add3A_1970 = arith.addf %scan3A_1951, %mul3A_1969 : vector<16xf32>
      %broadcast_in_dim3A_1971 = arith.constant 1 : i32
      %broadcast_in_dim3A_1972 = vector.broadcast %broadcast_in_dim3A_1971 : i32 to vector<16xi32>
      %gather3A_1973 = tpu.vector_load_idx %arg18[%broadcast_in_dim3A_1972, %add3A_1752, %broadcast_in_dim3A_1960] : memref<5x128x128xf32, #tpu.memory_space<vmem>>[vector<16xi32>, vector<16xi32>, vector<16xi32>], vector<16xf32>,
      %mul3A_1974 = arith.mulf %gather3A, %gather3A_1973 : vector<16xf32>
      %add3A_1975 = arith.addf %scan3A_1952, %mul3A_1974 : vector<16xf32>
      %mul3A_1976 = arith.mulf %gather3A_1961, %gather3A_1973 : vector<16xf32>
      %add3A_1977 = arith.addf %scan3A_1953, %mul3A_1976 : vector<16xf32>
      %broadcast_in_dim3A_1978 = arith.constant 2 : i32
      %broadcast_in_dim3A_1979 = vector.broadcast %broadcast_in_dim3A_1978 : i32 to vector<16xi32>
      %gather3A_1980 = tpu.vector_load_idx %arg18[%broadcast_in_dim3A_1979, %add3A_1752, %broadcast_in_dim3A_1960] : memref<5x128x128xf32, #tpu.memory_space<vmem>>[vector<16xi32>, vector<16xi32>, vector<16xi32>], vector<16xf32>,
      %mul3A_1981 = arith.mulf %gather3A, %gather3A_1980 : vector<16xf32>
      %add3A_1982 = arith.addf %scan3A_1954, %mul3A_1981 : vector<16xf32>
      %mul3A_1983 = arith.mulf %gather3A_1961, %gather3A_1980 : vector<16xf32>
      %add3A_1984 = arith.addf %scan3A_1955, %mul3A_1983 : vector<16xf32>
      %broadcast_in_dim3A_1985 = arith.constant 3 : i32
      %broadcast_in_dim3A_1986 = vector.broadcast %broadcast_in_dim3A_1985 : i32 to vector<16xi32>
      %gather3A_1987 = tpu.vector_load_idx %arg18[%broadcast_in_dim3A_1986, %add3A_1752, %broadcast_in_dim3A_1960] : memref<5x128x128xf32, #tpu.memory_space<vmem>>[vector<16xi32>, vector<16xi32>, vector<16xi32>], vector<16xf32>,
      %mul3A_1988 = arith.mulf %gather3A, %gather3A_1987 : vector<16xf32>
      %add3A_1989 = arith.addf %scan3A_1956, %mul3A_1988 : vector<16xf32>
      %mul3A_1990 = arith.mulf %gather3A_1961, %gather3A_1987 : vector<16xf32>
      %add3A_1991 = arith.addf %scan3A_1957, %mul3A_1990 : vector<16xf32>
      %broadcast_in_dim3A_1992 = arith.constant 4 : i32
      %broadcast_in_dim3A_1993 = vector.broadcast %broadcast_in_dim3A_1992 : i32 to vector<16xi32>
      %gather3A_1994 = tpu.vector_load_idx %arg18[%broadcast_in_dim3A_1993, %add3A_1752, %broadcast_in_dim3A_1960] : memref<5x128x128xf32, #tpu.memory_space<vmem>>[vector<16xi32>, vector<16xi32>, vector<16xi32>], vector<16xf32>,
      %mul3A_1995 = arith.mulf %gather3A, %gather3A_1994 : vector<16xf32>
      %add3A_1996 = arith.addf %scan3A_1958, %mul3A_1995 : vector<16xf32>
      %mul3A_1997 = arith.mulf %gather3A_1961, %gather3A_1994 : vector<16xf32>
      %add3A_1998 = arith.addf %scan3A_1959, %mul3A_1997 : vector<16xf32>
      scf.yield %add3A_1963, %add3A_1968, %add3A_1970, %add3A_1975, %add3A_1977, %add3A_1982, %add3A_1984, %add3A_1989, %add3A_1991, %add3A_1996, %add3A_1998 : vector<16xf32>, vector<16xf32>, vector<16xf32>, vector<16xf32>, vector<16xf32>, vector<16xf32>, vector<16xf32>, vector<16xf32>, vector<16xf32>, vector<16xf32>, vector<16xf32>
    }
    %scan3A_1758 = arith.constant 128 : i32
    %get3A_1759 = arith.constant 96 : index
    %get3A_1760 = tpu.vector_load %arg19[%get3A_1759] {strides = array<i32>} : memref<128xf32, #tpu.memory_space<vmem>>, vector<16xf32>,
    %mul3A_1761 = arith.mulf %scan3A_1757#0, %scan3A_1757#0 : vector<16xf32>
    %add3A_1762 = arith.addf %add3A_1675, %mul3A_1761 : vector<16xf32>
    %add3A_1763 = arith.addf %add3A_1676, %scan3A_1757#0 : vector<16xf32>
    %add3A_1764 = arith.addf %add3A_1677, %get3A_1760 : vector<16xf32>
    %mul3A_1765 = arith.mulf %get3A_1760, %get3A_1760 : vector<16xf32>
    %add3A_1766 = arith.addf %add3A_1679, %mul3A_1765 : vector<16xf32>
    %get3A_1767 = arith.constant 0 : i32
    %get3A_1768 = arith.index_cast %get3A_1767 : i32 to index
    %get3A_1769 = arith.constant 96 : index
    %get3A_1770 = tpu.vector_load %arg20[%get3A_1768, %get3A_1769] {strides = array<i32>} : memref<5x128xf32, #tpu.memory_space<vmem>>, vector<16xf32>,
    %sub3A_1771 = arith.subf %scan3A_1757#1, %get3A_1770 : vector<16xf32>
    %mul3A_1772 = arith.mulf %sub3A_1771, %sub3A_1771 : vector<16xf32>
    %add3A_1773 = arith.addf %add3A_1742, %mul3A_1772 : vector<16xf32>
    %get3A_1774 = arith.constant 0 : i32
    %get3A_1775 = arith.index_cast %get3A_1774 : i32 to index
    %get3A_1776 = arith.constant 96 : index
    %get3A_1777 = tpu.vector_load %arg21[%get3A_1775, %get3A_1776] {strides = array<i32>} : memref<5x128xf32, #tpu.memory_space<vmem>>, vector<16xf32>,
    %sub3A_1778 = arith.subf %scan3A_1757#2, %get3A_1777 : vector<16xf32>
    %mul3A_1779 = arith.mulf %sub3A_1778, %sub3A_1778 : vector<16xf32>
    %add3A_1780 = arith.addf %add3A_1749, %mul3A_1779 : vector<16xf32>
    %get3A_1781 = arith.constant 1 : i32
    %get3A_1782 = arith.index_cast %get3A_1781 : i32 to index
    %get3A_1783 = arith.constant 96 : index
    %get3A_1784 = tpu.vector_load %arg20[%get3A_1782, %get3A_1783] {strides = array<i32>} : memref<5x128xf32, #tpu.memory_space<vmem>>, vector<16xf32>,
    %sub3A_1785 = arith.subf %scan3A_1757#3, %get3A_1784 : vector<16xf32>
    %mul3A_1786 = arith.mulf %sub3A_1785, %sub3A_1785 : vector<16xf32>
    %add3A_1787 = arith.addf %add3A_1773, %mul3A_1786 : vector<16xf32>
    %get3A_1788 = arith.constant 1 : i32
    %get3A_1789 = arith.index_cast %get3A_1788 : i32 to index
    %get3A_1790 = arith.constant 96 : index
    %get3A_1791 = tpu.vector_load %arg21[%get3A_1789, %get3A_1790] {strides = array<i32>} : memref<5x128xf32, #tpu.memory_space<vmem>>, vector<16xf32>,
    %sub3A_1792 = arith.subf %scan3A_1757#4, %get3A_1791 : vector<16xf32>
    %mul3A_1793 = arith.mulf %sub3A_1792, %sub3A_1792 : vector<16xf32>
    %add3A_1794 = arith.addf %add3A_1780, %mul3A_1793 : vector<16xf32>
    %get3A_1795 = arith.constant 2 : i32
    %get3A_1796 = arith.index_cast %get3A_1795 : i32 to index
    %get3A_1797 = arith.constant 96 : index
    %get3A_1798 = tpu.vector_load %arg20[%get3A_1796, %get3A_1797] {strides = array<i32>} : memref<5x128xf32, #tpu.memory_space<vmem>>, vector<16xf32>,
    %sub3A_1799 = arith.subf %scan3A_1757#5, %get3A_1798 : vector<16xf32>
    %mul3A_1800 = arith.mulf %sub3A_1799, %sub3A_1799 : vector<16xf32>
    %add3A_1801 = arith.addf %add3A_1787, %mul3A_1800 : vector<16xf32>
    %get3A_1802 = arith.constant 2 : i32
    %get3A_1803 = arith.index_cast %get3A_1802 : i32 to index
    %get3A_1804 = arith.constant 96 : index
    %get3A_1805 = tpu.vector_load %arg21[%get3A_1803, %get3A_1804] {strides = array<i32>} : memref<5x128xf32, #tpu.memory_space<vmem>>, vector<16xf32>,
    %sub3A_1806 = arith.subf %scan3A_1757#6, %get3A_1805 : vector<16xf32>
    %mul3A_1807 = arith.mulf %sub3A_1806, %sub3A_1806 : vector<16xf32>
    %add3A_1808 = arith.addf %add3A_1794, %mul3A_1807 : vector<16xf32>
    %get3A_1809 = arith.constant 3 : i32
    %get3A_1810 = arith.index_cast %get3A_1809 : i32 to index
    %get3A_1811 = arith.constant 96 : index
    %get3A_1812 = tpu.vector_load %arg20[%get3A_1810, %get3A_1811] {strides = array<i32>} : memref<5x128xf32, #tpu.memory_space<vmem>>, vector<16xf32>,
    %sub3A_1813 = arith.subf %scan3A_1757#7, %get3A_1812 : vector<16xf32>
    %mul3A_1814 = arith.mulf %sub3A_1813, %sub3A_1813 : vector<16xf32>
    %add3A_1815 = arith.addf %add3A_1801, %mul3A_1814 : vector<16xf32>
    %get3A_1816 = arith.constant 3 : i32
    %get3A_1817 = arith.index_cast %get3A_1816 : i32 to index
    %get3A_1818 = arith.constant 96 : index
    %get3A_1819 = tpu.vector_load %arg21[%get3A_1817, %get3A_1818] {strides = array<i32>} : memref<5x128xf32, #tpu.memory_space<vmem>>, vector<16xf32>,
    %sub3A_1820 = arith.subf %scan3A_1757#8, %get3A_1819 : vector<16xf32>
    %mul3A_1821 = arith.mulf %sub3A_1820, %sub3A_1820 : vector<16xf32>
    %add3A_1822 = arith.addf %add3A_1808, %mul3A_1821 : vector<16xf32>
    %get3A_1823 = arith.constant 4 : i32
    %get3A_1824 = arith.index_cast %get3A_1823 : i32 to index
    %get3A_1825 = arith.constant 96 : index
    %get3A_1826 = tpu.vector_load %arg20[%get3A_1824, %get3A_1825] {strides = array<i32>} : memref<5x128xf32, #tpu.memory_space<vmem>>, vector<16xf32>,
    %sub3A_1827 = arith.subf %scan3A_1757#9, %get3A_1826 : vector<16xf32>
    %mul3A_1828 = arith.mulf %sub3A_1827, %sub3A_1827 : vector<16xf32>
    %add3A_1829 = arith.addf %add3A_1815, %mul3A_1828 : vector<16xf32>
    %get3A_1830 = arith.constant 4 : i32
    %get3A_1831 = arith.index_cast %get3A_1830 : i32 to index
    %get3A_1832 = arith.constant 96 : index
    %get3A_1833 = tpu.vector_load %arg21[%get3A_1831, %get3A_1832] {strides = array<i32>} : memref<5x128xf32, #tpu.memory_space<vmem>>, vector<16xf32>,
    %sub3A_1834 = arith.subf %scan3A_1757#10, %get3A_1833 : vector<16xf32>
    %mul3A_1835 = arith.mulf %sub3A_1834, %sub3A_1834 : vector<16xf32>
    %add3A_1836 = arith.addf %add3A_1822, %mul3A_1835 : vector<16xf32>
    %add3A_1837 = arith.constant 112 : i32
    %add3A_1838 = vector.broadcast %add3A_1837 : i32 to vector<16xi32>
    %add3A_1839 = arith.addi %add3A_1838, %iota3A : vector<16xi32>
    %scan3A_1840 = arith.constant 0 : i32
    %scan3A_1841 = arith.constant 128 : i32
    %scan3A_1842 = arith.addi %scan3A_1840, %scan3A_1841 : i32
    %scan3A_1843 = arith.constant 1 : i32
    %scan3A_1844:11 = scf.for %scan3A_1948 = %scan3A_1840 to %scan3A_1842 step %scan3A_1843 iter_args(%scan3A_1949 = %broadcast_in_dim3A_1229, %scan3A_1950 = %broadcast_in_dim3A_1229, %scan3A_1951 = %broadcast_in_dim3A_1229, %scan3A_1952 = %broadcast_in_dim3A_1229, %scan3A_1953 = %broadcast_in_dim3A_1229, %scan3A_1954 = %broadcast_in_dim3A_1229, %scan3A_1955 = %broadcast_in_dim3A_1229, %scan3A_1956 = %broadcast_in_dim3A_1229, %scan3A_1957 = %broadcast_in_dim3A_1229, %scan3A_1958 = %broadcast_in_dim3A_1229, %scan3A_1959 = %broadcast_in_dim3A_1229) -> (vector<16xf32>, vector<16xf32>, vector<16xf32>, vector<16xf32>, vector<16xf32>, vector<16xf32>, vector<16xf32>, vector<16xf32>, vector<16xf32>, vector<16xf32>, vector<16xf32>)  : i32 {
      %broadcast_in_dim3A_1960 = vector.broadcast %scan3A_1948 : i32 to vector<16xi32>
      %gather3A = tpu.vector_load_idx %arg16[%add3A_1839, %broadcast_in_dim3A_1960] : memref<128x128xf32, #tpu.memory_space<vmem>>[vector<16xi32>, vector<16xi32>], vector<16xf32>,
      %gather3A_1961 = tpu.vector_load_idx %arg17[%add3A_1839, %broadcast_in_dim3A_1960] : memref<128x128xf32, #tpu.memory_space<vmem>>[vector<16xi32>, vector<16xi32>], vector<16xf32>,
      %mul3A_1962 = arith.mulf %gather3A, %gather3A_1961 : vector<16xf32>
      %add3A_1963 = arith.addf %scan3A_1949, %mul3A_1962 : vector<16xf32>
      %broadcast_in_dim3A_1964 = arith.constant 0 : i32
      %broadcast_in_dim3A_1965 = vector.broadcast %broadcast_in_dim3A_1964 : i32 to vector<16xi32>
      %gather3A_1966 = tpu.vector_load_idx %arg18[%broadcast_in_dim3A_1965, %add3A_1839, %broadcast_in_dim3A_1960] : memref<5x128x128xf32, #tpu.memory_space<vmem>>[vector<16xi32>, vector<16xi32>, vector<16xi32>], vector<16xf32>,
      %mul3A_1967 = arith.mulf %gather3A, %gather3A_1966 : vector<16xf32>
      %add3A_1968 = arith.addf %scan3A_1950, %mul3A_1967 : vector<16xf32>
      %mul3A_1969 = arith.mulf %gather3A_1961, %gather3A_1966 : vector<16xf32>
      %add3A_1970 = arith.addf %scan3A_1951, %mul3A_1969 : vector<16xf32>
      %broadcast_in_dim3A_1971 = arith.constant 1 : i32
      %broadcast_in_dim3A_1972 = vector.broadcast %broadcast_in_dim3A_1971 : i32 to vector<16xi32>
      %gather3A_1973 = tpu.vector_load_idx %arg18[%broadcast_in_dim3A_1972, %add3A_1839, %broadcast_in_dim3A_1960] : memref<5x128x128xf32, #tpu.memory_space<vmem>>[vector<16xi32>, vector<16xi32>, vector<16xi32>], vector<16xf32>,
      %mul3A_1974 = arith.mulf %gather3A, %gather3A_1973 : vector<16xf32>
      %add3A_1975 = arith.addf %scan3A_1952, %mul3A_1974 : vector<16xf32>
      %mul3A_1976 = arith.mulf %gather3A_1961, %gather3A_1973 : vector<16xf32>
      %add3A_1977 = arith.addf %scan3A_1953, %mul3A_1976 : vector<16xf32>
      %broadcast_in_dim3A_1978 = arith.constant 2 : i32
      %broadcast_in_dim3A_1979 = vector.broadcast %broadcast_in_dim3A_1978 : i32 to vector<16xi32>
      %gather3A_1980 = tpu.vector_load_idx %arg18[%broadcast_in_dim3A_1979, %add3A_1839, %broadcast_in_dim3A_1960] : memref<5x128x128xf32, #tpu.memory_space<vmem>>[vector<16xi32>, vector<16xi32>, vector<16xi32>], vector<16xf32>,
      %mul3A_1981 = arith.mulf %gather3A, %gather3A_1980 : vector<16xf32>
      %add3A_1982 = arith.addf %scan3A_1954, %mul3A_1981 : vector<16xf32>
      %mul3A_1983 = arith.mulf %gather3A_1961, %gather3A_1980 : vector<16xf32>
      %add3A_1984 = arith.addf %scan3A_1955, %mul3A_1983 : vector<16xf32>
      %broadcast_in_dim3A_1985 = arith.constant 3 : i32
      %broadcast_in_dim3A_1986 = vector.broadcast %broadcast_in_dim3A_1985 : i32 to vector<16xi32>
      %gather3A_1987 = tpu.vector_load_idx %arg18[%broadcast_in_dim3A_1986, %add3A_1839, %broadcast_in_dim3A_1960] : memref<5x128x128xf32, #tpu.memory_space<vmem>>[vector<16xi32>, vector<16xi32>, vector<16xi32>], vector<16xf32>,
      %mul3A_1988 = arith.mulf %gather3A, %gather3A_1987 : vector<16xf32>
      %add3A_1989 = arith.addf %scan3A_1956, %mul3A_1988 : vector<16xf32>
      %mul3A_1990 = arith.mulf %gather3A_1961, %gather3A_1987 : vector<16xf32>
      %add3A_1991 = arith.addf %scan3A_1957, %mul3A_1990 : vector<16xf32>
      %broadcast_in_dim3A_1992 = arith.constant 4 : i32
      %broadcast_in_dim3A_1993 = vector.broadcast %broadcast_in_dim3A_1992 : i32 to vector<16xi32>
      %gather3A_1994 = tpu.vector_load_idx %arg18[%broadcast_in_dim3A_1993, %add3A_1839, %broadcast_in_dim3A_1960] : memref<5x128x128xf32, #tpu.memory_space<vmem>>[vector<16xi32>, vector<16xi32>, vector<16xi32>], vector<16xf32>,
      %mul3A_1995 = arith.mulf %gather3A, %gather3A_1994 : vector<16xf32>
      %add3A_1996 = arith.addf %scan3A_1958, %mul3A_1995 : vector<16xf32>
      %mul3A_1997 = arith.mulf %gather3A_1961, %gather3A_1994 : vector<16xf32>
      %add3A_1998 = arith.addf %scan3A_1959, %mul3A_1997 : vector<16xf32>
      scf.yield %add3A_1963, %add3A_1968, %add3A_1970, %add3A_1975, %add3A_1977, %add3A_1982, %add3A_1984, %add3A_1989, %add3A_1991, %add3A_1996, %add3A_1998 : vector<16xf32>, vector<16xf32>, vector<16xf32>, vector<16xf32>, vector<16xf32>, vector<16xf32>, vector<16xf32>, vector<16xf32>, vector<16xf32>, vector<16xf32>, vector<16xf32>
    }
    %scan3A_1845 = arith.constant 128 : i32
    %get3A_1846 = arith.constant 112 : index
    %get3A_1847 = tpu.vector_load %arg19[%get3A_1846] {strides = array<i32>} : memref<128xf32, #tpu.memory_space<vmem>>, vector<16xf32>,
    %mul3A_1848 = arith.mulf %scan3A_1844#0, %scan3A_1844#0 : vector<16xf32>
    %add3A_1849 = arith.addf %add3A_1762, %mul3A_1848 : vector<16xf32>
    %add3A_1850 = arith.addf %add3A_1763, %scan3A_1844#0 : vector<16xf32>
    %add3A_1851 = arith.addf %add3A_1764, %get3A_1847 : vector<16xf32>
    %mul3A_1852 = arith.mulf %get3A_1847, %get3A_1847 : vector<16xf32>
    %add3A_1853 = arith.addf %add3A_1766, %mul3A_1852 : vector<16xf32>
    %get3A_1854 = arith.constant 0 : i32
    %get3A_1855 = arith.index_cast %get3A_1854 : i32 to index
    %get3A_1856 = arith.constant 112 : index
    %get3A_1857 = tpu.vector_load %arg20[%get3A_1855, %get3A_1856] {strides = array<i32>} : memref<5x128xf32, #tpu.memory_space<vmem>>, vector<16xf32>,
    %sub3A_1858 = arith.subf %scan3A_1844#1, %get3A_1857 : vector<16xf32>
    %mul3A_1859 = arith.mulf %sub3A_1858, %sub3A_1858 : vector<16xf32>
    %add3A_1860 = arith.addf %add3A_1829, %mul3A_1859 : vector<16xf32>
    %get3A_1861 = arith.constant 0 : i32
    %get3A_1862 = arith.index_cast %get3A_1861 : i32 to index
    %get3A_1863 = arith.constant 112 : index
    %get3A_1864 = tpu.vector_load %arg21[%get3A_1862, %get3A_1863] {strides = array<i32>} : memref<5x128xf32, #tpu.memory_space<vmem>>, vector<16xf32>,
    %sub3A_1865 = arith.subf %scan3A_1844#2, %get3A_1864 : vector<16xf32>
    %mul3A_1866 = arith.mulf %sub3A_1865, %sub3A_1865 : vector<16xf32>
    %add3A_1867 = arith.addf %add3A_1836, %mul3A_1866 : vector<16xf32>
    %get3A_1868 = arith.constant 1 : i32
    %get3A_1869 = arith.index_cast %get3A_1868 : i32 to index
    %get3A_1870 = arith.constant 112 : index
    %get3A_1871 = tpu.vector_load %arg20[%get3A_1869, %get3A_1870] {strides = array<i32>} : memref<5x128xf32, #tpu.memory_space<vmem>>, vector<16xf32>,
    %sub3A_1872 = arith.subf %scan3A_1844#3, %get3A_1871 : vector<16xf32>
    %mul3A_1873 = arith.mulf %sub3A_1872, %sub3A_1872 : vector<16xf32>
    %add3A_1874 = arith.addf %add3A_1860, %mul3A_1873 : vector<16xf32>
    %get3A_1875 = arith.constant 1 : i32
    %get3A_1876 = arith.index_cast %get3A_1875 : i32 to index
    %get3A_1877 = arith.constant 112 : index
    %get3A_1878 = tpu.vector_load %arg21[%get3A_1876, %get3A_1877] {strides = array<i32>} : memref<5x128xf32, #tpu.memory_space<vmem>>, vector<16xf32>,
    %sub3A_1879 = arith.subf %scan3A_1844#4, %get3A_1878 : vector<16xf32>
    %mul3A_1880 = arith.mulf %sub3A_1879, %sub3A_1879 : vector<16xf32>
    %add3A_1881 = arith.addf %add3A_1867, %mul3A_1880 : vector<16xf32>
    %get3A_1882 = arith.constant 2 : i32
    %get3A_1883 = arith.index_cast %get3A_1882 : i32 to index
    %get3A_1884 = arith.constant 112 : index
    %get3A_1885 = tpu.vector_load %arg20[%get3A_1883, %get3A_1884] {strides = array<i32>} : memref<5x128xf32, #tpu.memory_space<vmem>>, vector<16xf32>,
    %sub3A_1886 = arith.subf %scan3A_1844#5, %get3A_1885 : vector<16xf32>
    %mul3A_1887 = arith.mulf %sub3A_1886, %sub3A_1886 : vector<16xf32>
    %add3A_1888 = arith.addf %add3A_1874, %mul3A_1887 : vector<16xf32>
    %get3A_1889 = arith.constant 2 : i32
    %get3A_1890 = arith.index_cast %get3A_1889 : i32 to index
    %get3A_1891 = arith.constant 112 : index
    %get3A_1892 = tpu.vector_load %arg21[%get3A_1890, %get3A_1891] {strides = array<i32>} : memref<5x128xf32, #tpu.memory_space<vmem>>, vector<16xf32>,
    %sub3A_1893 = arith.subf %scan3A_1844#6, %get3A_1892 : vector<16xf32>
    %mul3A_1894 = arith.mulf %sub3A_1893, %sub3A_1893 : vector<16xf32>
    %add3A_1895 = arith.addf %add3A_1881, %mul3A_1894 : vector<16xf32>
    %get3A_1896 = arith.constant 3 : i32
    %get3A_1897 = arith.index_cast %get3A_1896 : i32 to index
    %get3A_1898 = arith.constant 112 : index
    %get3A_1899 = tpu.vector_load %arg20[%get3A_1897, %get3A_1898] {strides = array<i32>} : memref<5x128xf32, #tpu.memory_space<vmem>>, vector<16xf32>,
    %sub3A_1900 = arith.subf %scan3A_1844#7, %get3A_1899 : vector<16xf32>
    %mul3A_1901 = arith.mulf %sub3A_1900, %sub3A_1900 : vector<16xf32>
    %add3A_1902 = arith.addf %add3A_1888, %mul3A_1901 : vector<16xf32>
    %get3A_1903 = arith.constant 3 : i32
    %get3A_1904 = arith.index_cast %get3A_1903 : i32 to index
    %get3A_1905 = arith.constant 112 : index
    %get3A_1906 = tpu.vector_load %arg21[%get3A_1904, %get3A_1905] {strides = array<i32>} : memref<5x128xf32, #tpu.memory_space<vmem>>, vector<16xf32>,
    %sub3A_1907 = arith.subf %scan3A_1844#8, %get3A_1906 : vector<16xf32>
    %mul3A_1908 = arith.mulf %sub3A_1907, %sub3A_1907 : vector<16xf32>
    %add3A_1909 = arith.addf %add3A_1895, %mul3A_1908 : vector<16xf32>
    %get3A_1910 = arith.constant 4 : i32
    %get3A_1911 = arith.index_cast %get3A_1910 : i32 to index
    %get3A_1912 = arith.constant 112 : index
    %get3A_1913 = tpu.vector_load %arg20[%get3A_1911, %get3A_1912] {strides = array<i32>} : memref<5x128xf32, #tpu.memory_space<vmem>>, vector<16xf32>,
    %sub3A_1914 = arith.subf %scan3A_1844#9, %get3A_1913 : vector<16xf32>
    %mul3A_1915 = arith.mulf %sub3A_1914, %sub3A_1914 : vector<16xf32>
    %add3A_1916 = arith.addf %add3A_1902, %mul3A_1915 : vector<16xf32>
    %get3A_1917 = arith.constant 4 : i32
    %get3A_1918 = arith.index_cast %get3A_1917 : i32 to index
    %get3A_1919 = arith.constant 112 : index
    %get3A_1920 = tpu.vector_load %arg21[%get3A_1918, %get3A_1919] {strides = array<i32>} : memref<5x128xf32, #tpu.memory_space<vmem>>, vector<16xf32>,
    %sub3A_1921 = arith.subf %scan3A_1844#10, %get3A_1920 : vector<16xf32>
    %mul3A_1922 = arith.mulf %sub3A_1921, %sub3A_1921 : vector<16xf32>
    %add3A_1923 = arith.addf %add3A_1909, %mul3A_1922 : vector<16xf32>
    %swap3A_1924 = arith.constant 0 : i32
    %swap3A_1925 = arith.index_cast %swap3A_1924 : i32 to index
    %swap3A_1926 = arith.constant 0 : index
    %swap3A_1927 = tpu.vector_load %arg22[%swap3A_1925, %swap3A_1926] {strides = array<i32>} : memref<6x16xf32, #tpu.memory_space<vmem>>, vector<16xf32>,
    tpu.vector_store %arg22[%swap3A_1925, %swap3A_1926], %add3A_1849 {strides = array<i32>} : memref<6x16xf32, #tpu.memory_space<vmem>>, vector<16xf32>,
    %swap3A_1928 = arith.constant 1 : i32
    %swap3A_1929 = arith.index_cast %swap3A_1928 : i32 to index
    %swap3A_1930 = arith.constant 0 : index
    %swap3A_1931 = tpu.vector_load %arg22[%swap3A_1929, %swap3A_1930] {strides = array<i32>} : memref<6x16xf32, #tpu.memory_space<vmem>>, vector<16xf32>,
    tpu.vector_store %arg22[%swap3A_1929, %swap3A_1930], %add3A_1850 {strides = array<i32>} : memref<6x16xf32, #tpu.memory_space<vmem>>, vector<16xf32>,
    %swap3A_1932 = arith.constant 2 : i32
    %swap3A_1933 = arith.index_cast %swap3A_1932 : i32 to index
    %swap3A_1934 = arith.constant 0 : index
    %swap3A_1935 = tpu.vector_load %arg22[%swap3A_1933, %swap3A_1934] {strides = array<i32>} : memref<6x16xf32, #tpu.memory_space<vmem>>, vector<16xf32>,
    tpu.vector_store %arg22[%swap3A_1933, %swap3A_1934], %add3A_1851 {strides = array<i32>} : memref<6x16xf32, #tpu.memory_space<vmem>>, vector<16xf32>,
    %swap3A_1936 = arith.constant 3 : i32
    %swap3A_1937 = arith.index_cast %swap3A_1936 : i32 to index
    %swap3A_1938 = arith.constant 0 : index
    %swap3A_1939 = tpu.vector_load %arg22[%swap3A_1937, %swap3A_1938] {strides = array<i32>} : memref<6x16xf32, #tpu.memory_space<vmem>>, vector<16xf32>,
    tpu.vector_store %arg22[%swap3A_1937, %swap3A_1938], %add3A_1853 {strides = array<i32>} : memref<6x16xf32, #tpu.memory_space<vmem>>, vector<16xf32>,
    %swap3A_1940 = arith.constant 4 : i32
    %swap3A_1941 = arith.index_cast %swap3A_1940 : i32 to index
    %swap3A_1942 = arith.constant 0 : index
    %swap3A_1943 = tpu.vector_load %arg22[%swap3A_1941, %swap3A_1942] {strides = array<i32>} : memref<6x16xf32, #tpu.memory_space<vmem>>, vector<16xf32>,
    tpu.vector_store %arg22[%swap3A_1941, %swap3A_1942], %add3A_1916 {strides = array<i32>} : memref<6x16xf32, #tpu.memory_space<vmem>>, vector<16xf32>,
    %swap3A_1944 = arith.constant 5 : i32
    %swap3A_1945 = arith.index_cast %swap3A_1944 : i32 to index
    %swap3A_1946 = arith.constant 0 : index
    %swap3A_1947 = tpu.vector_load %arg22[%swap3A_1945, %swap3A_1946] {strides = array<i32>} : memref<6x16xf32, #tpu.memory_space<vmem>>, vector<16xf32>,
    tpu.vector_store %arg22[%swap3A_1945, %swap3A_1946], %add3A_1923 {strides = array<i32>} : memref<6x16xf32, #tpu.memory_space<vmem>>, vector<16xf32>,
    "tpu.region"() ({
      %run_scoped3A_1948 = tpu.sem_alloc : memref<!tpu.dma_semaphore, #tpu.memory_space<semaphore_mem>>
      %dma_start3A_1949 = arith.constant 0 : i32
      %dma_start3A_1950 = arith.constant 0 : i32
      %dma_start3A_1951 = tpu.memref_slice %arg9[%add3A, %dma_start3A_1949, %dma_start3A_1950] : memref<32x6x16xf32, #tpu.memory_space<hbm>> -> memref<1x6x16xf32, #tpu.memory_space<hbm>>
      %dma_start3A_1952 = tpu.memref_squeeze %dma_start3A_1951 : memref<1x6x16xf32, #tpu.memory_space<hbm>> -> memref<6x16xf32, #tpu.memory_space<hbm>>
      %dma_start3A_1953 = arith.constant 0 : i32
      %dma_start3A_1954 = arith.constant 0 : i32
      %dma_start3A_1955 = tpu.memref_slice %arg9[%add3A, %dma_start3A_1953, %dma_start3A_1954] : memref<32x6x16xf32, #tpu.memory_space<hbm>> -> memref<1x6x16xf32, #tpu.memory_space<hbm>>
      %dma_start3A_1956 = tpu.memref_squeeze %dma_start3A_1955 : memref<1x6x16xf32, #tpu.memory_space<hbm>> -> memref<6x16xf32, #tpu.memory_space<hbm>>
      tpu.enqueue_dma source(%arg22 : memref<6x16xf32, #tpu.memory_space<vmem>>) target(%dma_start3A_1956 : memref<6x16xf32, #tpu.memory_space<hbm>>) target_semaphore(%run_scoped3A_1948 : memref<!tpu.dma_semaphore, #tpu.memory_space<semaphore_mem>>)
      %dma_wait3A_1957 = arith.constant 0 : i32
      %dma_wait3A_1958 = arith.constant 0 : i32
      %dma_wait3A_1959 = tpu.memref_slice %arg9[%add3A, %dma_wait3A_1957, %dma_wait3A_1958] : memref<32x6x16xf32, #tpu.memory_space<hbm>> -> memref<1x6x16xf32, #tpu.memory_space<hbm>>
      %dma_wait3A_1960 = tpu.memref_squeeze %dma_wait3A_1959 : memref<1x6x16xf32, #tpu.memory_space<hbm>> -> memref<6x16xf32, #tpu.memory_space<hbm>>
      %dma_wait3A_1961 = arith.constant 0 : i32
      %dma_wait3A_1962 = arith.constant 0 : i32
      %dma_wait3A_1963 = tpu.memref_slice %arg9[%add3A, %dma_wait3A_1961, %dma_wait3A_1962] : memref<32x6x16xf32, #tpu.memory_space<hbm>> -> memref<1x6x16xf32, #tpu.memory_space<hbm>>
      %dma_wait3A_1964 = tpu.memref_squeeze %dma_wait3A_1963 : memref<1x6x16xf32, #tpu.memory_space<hbm>> -> memref<6x16xf32, #tpu.memory_space<hbm>>
      tpu.wait_dma2 semaphore(%run_scoped3A_1948 : memref<!tpu.dma_semaphore, #tpu.memory_space<semaphore_mem>>) src(%arg22 : memref<6x16xf32, #tpu.memory_space<vmem>>) dst(%dma_wait3A_1964 : memref<6x16xf32, #tpu.memory_space<hbm>>)
      tpu.yield
    }) : () -> ()
    return
  }
}

</mosaic_0001>

<sc_bundles>
// kernel: kernel.3.cloned.1.call-start
scs
__scs_entry_jumppad:
0x0: {  	(pc) =	sbr.rel $0x88, $3  }
0x1: {  	(tag) =	ssettag $0x0;
	lr =	simm.s32 $0x1  }
0x2: {  	[smem:$0x3F9B] =	sst lr;
	_ =	strace $0xD0000000  }
0x3: {  	_ = 	snop  }
0x4: {  	_ = 	snop  }
0x5: {  	_ = 	snop  }
0x6: {  	_ = 	snop  }
0x7: {  	_ = 	snop  }
__scs_overlays_trampoline_lowered:
0x8: {  	[smem:$0x3FAA] =	sst s0  }
0x9: {  	[smem:$0x3FAB] =	sst s1  }
0xa: {  	[smem:$0x3FAC] =	sst s2  }
0xb: {  	[smem:$0x3FAD] =	sst s3  }
0xc: {  	[smem:$0x3FAE] =	sst s4  }
0xd: {  	[smem:$0x3FAF] =	sst s5  }
0xe: {  	[smem:$0x3FB0] =	sst s6  }
0xf: {  	[smem:$0x3FB1] =	sst s7  }
0x10: {  	[smem:$0x3FB2] =	sst s8  }
0x11: {  	[smem:$0x3FB3] =	sst s9;
	s0 =	simm.s32 @!p0 $0x0  }
0x12: {  	s1 =	sld [smem:$0x3F99];
	s0 =	simm.s32 @p0 $0x1  }
0x13: {  	[smem:$0x3FB4] =	sst s0;
	s0 =	simm.s32 @!p1 $0x0  }
0x14: {  	s2 =	sld [smem:$0x3F98];
	s0 =	simm.s32 @p1 $0x1  }
0x15: {  	[smem:$0x3FB5] =	sst s0;
	s0 =	simm.s32 @!p2 $0x0  }
0x16: {  	s3 =	sld [smem:$0x3FDB];
	s0 =	simm.s32 @p2 $0x1  }
0x17: {  	s4 =	simm.s32 $0x1BF5;
	[smem:$0x3FB7] =	sst s0  }
0x18: {  	s0 =	sld [smem:$0x3F9A];
	_ =	swait.ge [sflag:s4], $0x0  }
0x19: {  	s7 =	sld [smem:$0x3F9B]  }
0x1a: {  	s8 =	sadd.s32 $0xFFFFE003, lr  }
0x1b: {  	s9 =	sadd.s32 $0xFFFFFEF7, lr;
	s5 =	simm.s32 $0xFFFFFFFF;
	p2 =	slt.u32 s8, $0xFFFFF086  }
0x1c: {  	p1 =	slt.u32 s9, $0xF7A;
	s5 =	simm.s32 @!p2 $0x0  }
0x1d: {  	s5 =	simm.s32 @p1 $0x1;
	p0 =	seq.s32 s7, s2  }
0x1e: {  	s7 =	smul.u32 @!p0 $0xF7A, s2;
	p2 =	seq.s32 @!p0 s5, $0x0  }
0x1f: {  	s9 =	smul.u32 $0xF7A, s1;
	s8 =	simm.s32 @!p0 $0x1BF5;
	p2 =	por !p2, p0  }
0x20: {  	[sflag:s8] =	ssyncset.s32 @!p0 $0xFFFFF086;
	s6 =	sadd.s32 @!p0 s3, s7;
	s7 =	simm.s32 @!p0 $0x108  }
0x21: {  	s3 =	sadd.s32 s3, s9;
	s6 =	sadd.s32 @!p0 $0x88, s6;
	s7 =	simm.s32 @p2 $0x1082  }
0x22: {  	[simem:s7], [sflag:s8] =	dma.local @!p0 [hbm:s6], $0xF7A  }
0x23: {  	s9 =	sor.u32 $0xD0000000, s2;
	s6 =	simm.s32 $0x108;
	_ =	swait.ge @!p0 [sflag:s8], $0x0  }
0x24: {  	s3 =	sadd.s32 $0x88, s3;
	s6 =	simm.s32 @!p1 $0x1082;
	[sflag:s4] =	ssyncset.s32 $0xFFFFF086  }
0x25: {  	[simem:s6], [sflag:s4] =	dma.local [hbm:s3], $0xF7A  }
0x26: {  	[smem:$0x3F9B] =	sst s1;
	(tag) =	ssettag s2;
	_ =	strace s9  }
0x27: {  	s1 =	sld [smem:$0x3FAB]  }
0x28: {  	s2 =	sld [smem:$0x3FAC]  }
0x29: {  	s4 =	sld [smem:$0x3FAE]  }
0x2a: {  	p0 =	seq.s32 s5, $0x0;
	s5 =	sld [smem:$0x3FAF]  }
0x2b: {  	s6 =	sld [smem:$0x3FB0]  }
0x2c: {  	s7 =	sld [smem:$0x3FB1]  }
0x2d: {  	s3 =	simm.s32 $0x108;
	s8 =	sld [smem:$0x3FB2]  }
0x2e: {  	s3 =	simm.s32 @!p0 $0x1082;
	s9 =	sld [smem:$0x3FB3]  }
0x2f: {  	lr =	sadd.s32 s0, s3;
	s0 =	sld [smem:$0x3FAA]  }
0x30: {  	s3 =	sld [smem:$0x3FAD]  }
0x31: {  	[smem:$0x3FB6] =	sst s10  }
0x32: {  	s10 =	sld [smem:$0x3FB4];
	_ =	sdelay $0x3  }
0x33: {  	p0 =	seq.s32 s10, $0x1;
	s10 =	sld [smem:$0x3FB6];
	_ =	sdelay $0x3  }
0x34: {  	[smem:$0x3FB6] =	sst s10  }
0x35: {  	s10 =	sld [smem:$0x3FB5];
	_ =	sdelay $0x3  }
0x36: {  	p1 =	seq.s32 s10, $0x1;
	s10 =	sld [smem:$0x3FB6];
	_ =	sdelay $0x3  }
0x37: {  	[smem:$0x3FB6] =	sst s10  }
0x38: {  	s10 =	sld [smem:$0x3FB7]  }
0x39: {  	_ = 	snop;
	(pc) =	sbr.ind lr, $3  }
0x3a: {  	_ = 	snop  }
0x3b: {  	_ = 	snop  }
0x3c: {  	p2 =	seq.s32 s10, $0x1;
	s10 =	sld [smem:$0x3FB6]  }
0x3d: {  	_ =	shalt  }
0x3e: {  	_ =	shalt  }
0x3f: {  	_ =	shalt  }
0x40: {  	_ =	shalt  }
0x41: {  	_ =	shalt  }
0x42: {  	_ =	shalt  }
0x43: {  	_ =	shalt  }
0x44: {  	_ =	shalt  }
0x45: {  	_ =	shalt  }
0x46: {  	_ =	shalt  }
0x47: {  	_ =	shalt  }
0x48: {  	_ =	shalt  }
0x49: {  	_ =	shalt  }
0x4a: {  	_ =	shalt  }
0x4b: {  	_ =	shalt  }
0x4c: {  	_ =	shalt  }
0x4d: {  	_ =	shalt  }
0x4e: {  	_ =	shalt  }
0x4f: {  	_ =	shalt  }
0x50: {  	_ =	shalt  }
0x51: {  	_ =	shalt  }
0x52: {  	_ =	shalt  }
0x53: {  	_ =	shalt  }
0x54: {  	_ =	shalt  }
0x55: {  	_ =	shalt  }
0x56: {  	_ =	shalt  }
0x57: {  	_ =	shalt  }
0x58: {  	_ =	shalt  }
0x59: {  	_ =	shalt  }
0x5a: {  	_ =	shalt  }
0x5b: {  	_ =	shalt  }
0x5c: {  	_ =	shalt  }
0x5d: {  	_ =	shalt  }
0x5e: {  	_ =	shalt  }
0x5f: {  	_ =	shalt  }
0x60: {  	_ =	shalt  }
0x61: {  	_ =	shalt  }
0x62: {  	_ =	shalt  }
0x63: {  	_ =	shalt  }
0x64: {  	_ =	shalt  }
0x65: {  	_ =	shalt  }
0x66: {  	_ =	shalt  }
0x67: {  	_ =	shalt  }
0x68: {  	_ =	shalt  }
0x69: {  	_ =	shalt  }
0x6a: {  	_ =	shalt  }
0x6b: {  	_ =	shalt  }
0x6c: {  	_ =	shalt  }
0x6d: {  	_ =	shalt  }
0x6e: {  	_ =	shalt  }
0x6f: {  	_ =	shalt  }
0x70: {  	_ =	shalt  }
0x71: {  	_ =	shalt  }
0x72: {  	_ =	shalt  }
0x73: {  	_ =	shalt  }
0x74: {  	_ =	shalt  }
0x75: {  	_ =	shalt  }
0x76: {  	_ =	shalt  }
0x77: {  	_ =	shalt  }
0x78: {  	_ =	shalt  }
0x79: {  	_ =	shalt  }
0x7a: {  	_ =	shalt  }
0x7b: {  	_ =	shalt  }
0x7c: {  	_ =	shalt  }
0x7d: {  	_ =	shalt  }
0x7e: {  	_ =	shalt  }
0x7f: {  	_ =	shalt  }
0x80: {  	_ =	shalt  }
0x81: {  	_ =	shalt  }
0x82: {  	_ =	shalt  }
0x83: {  	_ =	shalt  }
0x84: {  	_ =	shalt  }
0x85: {  	_ =	shalt  }
0x86: {  	_ =	shalt  }
0x87: {  	_ =	shalt  }
.Lfunc_end0:
.L_simem_size_0:
called_computation.2_lowered:
.L_overlay_start_0:
0x88: {  	s2 =	sld [smem:$0x3FD9]  }
0x89: {  	s3 =	sld [smem:$0x3FFE];
	_ =	sdelay $0x1  }
0x8a: {  	s1 =	srdreg.scid  }
0x8b: {  	s0 =	sand.u32 $0x1, s1  }
0x8c: {  	s17 =	sshll.u32 s0, $0xA;
	s2 =	sadd.s32 s3, s2  }
0x8d: {  	s2 =	sadd.s32 s2, s17  }
0x8e: {  	[smem:$0x3FC2] =	sst s2  }
0x8f: {  	_ = 	snop  }
0x90: {  	s2 =	sld [smem:$0x3FC9]  }
0x91: {  	s18 =	sld [smem:$0x3FC8]  }
0x92: {  	s4 =	sld [smem:$0x3FC7]  }
0x93: {  	s5 =	sld [smem:$0x3FC6];
	(tm) =	ssettm $0x1  }
0x94: {  	s6 =	sld [smem:$0x3FFB];
	_ =	sdelay $0x3  }
0x95: {  	_ =	strace s6  }
0x96: {  	s6 =	sld [smem:$0x3FFC];
	_ =	sdelay $0x3  }
0x97: {  	_ =	strace s6  }
0x98: {  	s6 =	sld [smem:$0x3FFD];
	_ =	sdelay $0x3  }
0x99: {  	_ =	strace s6  }
0x9a: {  	_ =	strace $0x8FFFFFFF  }
0x9b: {  	s19 =	sld [smem:$0x3FDB];
	_ =	sdelay $0x1  }
0x9c: {  	s7 =	simm.s32 $_scs_section_size  }
0x9d: {  	s8 =	simm.s32 $_size__tile_overlayer_lowered;
	s9 =	simm.s32 $_tile_overlayer_lowered  }
0x9e: {  	s22 =	simm.s32 $0x1BFF;
	s21 =	sshll.u32 s9, $0x1;
	s6 =	sadd.s32 s7, s19  }
0x9f: {  	s10 =	simm.s32 $0x0;
	s20 =	sshll.u32 s8, $0x1;
	s8 =	sadd.s32 s21, s6  }
0xa0: {  	[timem:s10], [sflag:s22] =	dma.local [hbm:s8], s20  }
0xa1: {  	_ =	swait.ge [sflag:s22], s20  }
0xa2: {  	s7 =	ssub.s32 $0x0, s20;
	[sflag:s22] =	ssyncset.done $0x0  }
0xa3: {  	[sflag:s22] =	ssyncadd.s32 s7;
	_ =	sdelay $0x1  }
0xa4: {  	s23 =	simm.s32 $0x1B8B  }
0xa5: {  	_ =	swait.ge [sflag:s23], $0x1  }
0xa6: {  	[sflag:s23] =	ssyncset.done $0x0  }
0xa7: {  	s25 =	simm.s32 $0x1B8E;
	s24 =	sld [smem:$0x3FFE];
	[sflag:s23] =	ssyncadd.s32 $0xFFFFFFFF  }
0xa8: {  	s26 =	simm.s32 $execute0_lowered;
	[smem:$0x3FD2] =	sst s25  }
0xa9: {  	s8 =	sshll.u32 s26, $0x1;
	_ =	strace $0x8000004C;
	[dreg:$0x1] =	wrdreg $0xFFFFFFFF  }
0xaa: {  	s28 =	simm.s32 $_size_execute0_lowered;
	s6 =	sadd.s32 s6, s8;
	[dreg:$0x0] =	wrdreg $0x0  }
0xab: {  	s8 =	sshll.u32 s28, $0x1;
	[dreg:$0x2] =	wrdreg s6  }
0xac: {  	[dreg:$0x3] =	wrdreg s8  }
0xad: {  	[dreg:$0x4] =	wrdreg $0xC0  }
0xae: {  	_ =	task [dreg:s10], $0x5FFFF  }
0xaf: {  	[dreg:$0x1] =	wrdreg $0xFFFFFFFF  }
0xb0: {  	[dreg:$0x0] =	wrdreg $0x60  }
0xb1: {  	[dreg:$0x2] =	wrdreg s4  }
0xb2: {  	[dreg:$0x3] =	wrdreg s5  }
0xb3: {  	[dreg:$0x4] =	wrdreg s24  }
0xb4: {  	[dreg:$0x5] =	wrdreg s2  }
0xb5: {  	[dreg:$0x6] =	wrdreg s18  }
0xb6: {  	[dreg:$0x7] =	wrdreg $0x9  }
0xb7: {  	_ =	task.clear_ibuf [dreg:s10], $0x8FFFF;
	_ =	strace $0x9000004C  }
0xb8: {  	s29 =	simm.s32 $0x9;
	_ =	strace $0x8000004E  }
0xb9: {  	_ =	swait.ge [sflag:s29], $0x1  }
0xba: {  	[sflag:s29] =	ssyncadd.s32 $0xFFFFFFFF  }
0xbb: {  	_ =	strace $0x9000004E  }
0xbc: {  	_ =	sfence  }
0xbd: {  	s30 =	sld [smem:$0x0];
	_ =	sdelay $0x2  }
0xbe: {  	s31 =	sshll.u32 s1, $0xD;
	s1 =	sshrl.u32 s1, $0x2  }
0xbf: {  	s3 =	sand.u32 $0x4000, s31;
	s1 =	sadd.s32 s1, s30  }
0xc0: {  	s0 =	sor.u32 s3, s0;
	s1 =	sshll.u32 s1, $0x11  }
0xc1: {  	s0 =	sor.u32 s1, s0  }
0xc2: {  	s0 =	sadd.s32 $0x8F2B, s0  }
0xc3: {  	[sflag:s0] =	ssyncadd.remote.s32 $0x1  }
0xc4: {  	_ =	sfence.sel $0xFFFF  }
0xc5: {  	[dreg:$0x0] =	wrdreg $0xFFFFFFFF;
	(pc) =	sbr.abs _section_cstart, $3  }
0xc6: {  	[dreg:$0x1] =	wrdreg $0xFFFFFFFF  }
0xc7: {  	_ =	task.clear_ibuf [dreg:s10], $0x2FFFF;
	_ =	strace $0x9FFFFFFF  }
0xc8: {  	(tm) =	ssettm $0x7FFFFFFF  }
0xc9: {  	_ =	shalt  }
tec
execute0_lowered:
.L_overlay_start_1:
0x0: {  	(tag) =	ssettag $0x1  }
0x1: {  	s0 =	rddreg [dreg:$0x0]  }
0x2: {  	s1 =	rddreg [dreg:$0x1]  }
0x3: {  	s2 =	rddreg [dreg:$0x2];
	s4 =	srdreg.scid  }
0x4: {  	s6 =	stileid.u32;
	s3 =	rddreg [dreg:$0x4];
	s16 =	simm.s32 $0x2  }
0x5: {  	s17 =	simm.s32 $0x80;
	s18 =	simm.s32 $0x100;
	s19 =	simm.s32 $0x180  }
0x6: {  	s20 =	simm.s32 $0x200;
	s21 =	simm.s32 $0x280;
	s22 =	simm.s32 $0x300  }
0x7: {  	s23 =	simm.s32 $0xD80;
	s24 =	simm.s32 $0x4D80;
	s25 =	simm.s32 $0x8D80  }
0x8: {  	s26 =	simm.s32 $0xB80;
	s28 =	simm.s32 $0x1D400;
	s29 =	simm.s32 $0x1  }
0x9: {  	s30 =	simm.s32 $0x1D600;
	s5 =	sand.u32 $0x1, s4;
	s6 =	sshll.u32 s6, $0x1  }
0xa: {  	s31 =	simm.s32 $0x0;
	s4 =	simm.s32 $0x0;
	s6 =	sor.u32 s5, s6  }
0xb: {  	[smem:$0x7FF] =	sst s4;
	s7 =	ssub.s32 $0x2, s5;
	s5 =	sadd.s32 $0xE00, s2  }
0xc: {  	s10 =	sshll.u32 s6, $0x4;
	_ =	strace $0x8000004D;
	s8 =	sshll.u32 s6, $0x7  }
0xd: {  	s9 =	sshrl.u32 s7, $0x1;
	s6 =	sadd.s32 $0x800E00, s2;
	s13 =	sadd.s32 s10, s2  }
0xe: {  	s2 =	sadd.s32 s8, s2;
	s15 =	ssub.s32 s7, s9;
	s8 =	sadd.s32 $0x1000E00, s13  }
0xf: {  	s7 =	sadd.s32 s0, s10;
	s9 =	sadd.s32 $0x1001000, s13;
	s11 =	sadd.s32 $0x1001200, s13  }
0x10: {  	v0 =	vlaneseq.u32;
	s10 =	sadd.s32 s1, s10;
	s12 =	sadd.s32 $0x1001400, s13;
	s13 =	sadd.s32 $0x1001600, s13  }
0x11: {  	v0 =	vmul.u32 $0x80, v0;
	s14 =	sadd.s32 $0x1001800, s2;
	s15 =	smax.u32 s15, $0x1;
	s2 =	simm.s32 $0x1D000  }
.LBB2_1:
0x12: {  	[tilespmem:s4], [sflag:$0x2] =	stream.linear.gather [hbm4b:s7+s4], $0x80, $0x38;
	[tilespmem:$0x1DA00] =	vst v63  }
0x13: {  	_ =	swait.ge [sflag:s16], $0x80  }
0x14: {  	[sflag:s16] =	ssyncset.done $0x0  }
0x15: {  	[sflag:s16] =	ssyncadd.s32 $0xFFFFFF80  }
0x16: {  	[tilespmem:s17], [sflag:$0x2] =	stream.linear.gather [hbm4b:s10+s4], $0x80, $0x38;
	[tilespmem:$0x1DA00] =	vst v63  }
0x17: {  	_ =	swait.ge [sflag:s16], $0x80  }
0x18: {  	[sflag:s16] =	ssyncset.done $0x0  }
0x19: {  	[sflag:s16] =	ssyncadd.s32 $0xFFFFFF80  }
0x1a: {  	[tilespmem:s18], [sflag:$0x2] =	stream.linear.gather [hbm4b:s8+s4], $0x80, $0x38;
	[tilespmem:$0x1DA00] =	vst v63  }
0x1b: {  	_ =	swait.ge [sflag:s16], $0x80  }
0x1c: {  	[sflag:s16] =	ssyncset.done $0x0  }
0x1d: {  	[sflag:s16] =	ssyncadd.s32 $0xFFFFFF80  }
0x1e: {  	[tilespmem:s19], [sflag:$0x2] =	stream.linear.gather [hbm4b:s9+s4], $0x80, $0x38;
	[tilespmem:$0x1DA00] =	vst v63  }
0x1f: {  	_ =	swait.ge [sflag:s16], $0x80  }
0x20: {  	[sflag:s16] =	ssyncset.done $0x0  }
0x21: {  	[sflag:s16] =	ssyncadd.s32 $0xFFFFFF80  }
0x22: {  	[tilespmem:s20], [sflag:$0x2] =	stream.linear.gather [hbm4b:s11+s4], $0x80, $0x38;
	[tilespmem:$0x1DA00] =	vst v63  }
0x23: {  	_ =	swait.ge [sflag:s16], $0x80  }
0x24: {  	[sflag:s16] =	ssyncset.done $0x0  }
0x25: {  	[sflag:s16] =	ssyncadd.s32 $0xFFFFFF80  }
0x26: {  	[tilespmem:s21], [sflag:$0x2] =	stream.linear.gather [hbm4b:s12+s4], $0x80, $0x38;
	[tilespmem:$0x1DA00] =	vst v63  }
0x27: {  	_ =	swait.ge [sflag:s16], $0x80  }
0x28: {  	[sflag:s16] =	ssyncset.done $0x0  }
0x29: {  	[sflag:s16] =	ssyncadd.s32 $0xFFFFFF80  }
0x2a: {  	[tilespmem:s22], [sflag:$0x2] =	stream.linear.gather [hbm4b:s13+s4], $0x80, $0x38;
	[tilespmem:$0x1DA00] =	vst v63  }
0x2b: {  	_ =	swait.ge [sflag:s16], $0x80  }
0x2c: {  	[sflag:s16] =	ssyncset.done $0x0  }
0x2d: {  	[sflag:s16] =	ssyncadd.s32 $0xFFFFFF80  }
0x2e: {  	s1 =	rddreg [dreg:$0x3]  }
0x2f: {  	[tilespmem:s23], [sflag:$0x1] =	stream.indirect.gather [hbm4b:s1+s17], $0x80, s4, s17, $0xb8;
	[tilespmem:$0x1DA00] =	vst v63  }
0x30: {  	_ = 	snop  }
0x31: {  	[tilespmem:s24], [sflag:$0x1] =	stream.indirect.gather [hbm4b:s3+s17], $0x80, s17, s17, $0xb8;
	[tilespmem:$0x1DA00] =	vst v63  }
0x32: {  	_ = 	snop  }
0x33: {  	[tilespmem:s25], [sflag:$0x1] =	stream.indirect.gather [hbm4b:s3+s17], $0x80, s18, s17, $0xb8;
	[tilespmem:$0x1DA00] =	vst v63  }
0x34: {  	s0 =	simm.s32 $0xCD80  }
0x35: {  	[tilespmem:s0], [sflag:$0x1] =	stream.indirect.gather [hbm4b:s3+s17], $0x80, s19, s17, $0xb8;
	[tilespmem:$0x1DA00] =	vst v63  }
0x36: {  	s0 =	simm.s32 $0x10D80  }
0x37: {  	[tilespmem:s0], [sflag:$0x1] =	stream.indirect.gather [hbm4b:s3+s17], $0x80, s20, s17, $0xb8;
	[tilespmem:$0x1DA00] =	vst v63  }
0x38: {  	s0 =	simm.s32 $0x14D80  }
0x39: {  	[tilespmem:s0], [sflag:$0x1] =	stream.indirect.gather [hbm4b:s3+s17], $0x80, s21, s17, $0xb8;
	[tilespmem:$0x1DA00] =	vst v63  }
0x3a: {  	s0 =	simm.s32 $0x18D80  }
0x3b: {  	[tilespmem:s0], [sflag:$0x1] =	stream.indirect.gather [hbm4b:s3+s17], $0x80, s22, s17, $0xb8;
	[tilespmem:$0x1DA00] =	vst v63  }
0x3c: {  	v1 =	vld [tilespmem:$0x0]  }
0x3d: {  	v2 =	vld [tilespmem:$0x80]  }
0x3e: {  	v3 =	vld [tilespmem:$0x100];
	_ =	sdelay $0x1  }
0x3f: {  	v4 =	vld [tilespmem:$0x180]  }
0x40: {  	v1 =	vshll.u32 v1, $0xD  }
0x41: {  	v6 =	vld [tilespmem:$0x200];
	v5 =	vadd.s32 v2, v1  }
0x42: {  	v2 =	vshll.u32 v2, $0xD;
	[tilespmem:$0x500] =	vst v5;
	v5 =	vadd.s32 v1, v3  }
0x43: {  	v3 =	vadd.s32 v2, v3;
	[tilespmem:$0x580] =	vst v5;
	v5 =	vld [tilespmem:$0x280]  }
0x44: {  	[tilespmem:$0x980] =	vst v3;
	v3 =	vadd.s32 v1, v4  }
0x45: {  	[tilespmem:$0x600] =	vst v3;
	v3 =	vadd.s32 v2, v4;
	v4 =	vld [tilespmem:$0x300]  }
0x46: {  	v7 =	vld [tilespmem:$0x10];
	[tilespmem:$0xA00] =	vst v3;
	v3 =	vadd.s32 v1, v6  }
0x47: {  	[tilespmem:$0x680] =	vst v3;
	v3 =	vadd.s32 v2, v6;
	v6 =	vld [tilespmem:$0x90]  }
0x48: {  	v8 =	vld [tilespmem:$0x110];
	[tilespmem:$0xA80] =	vst v3;
	v3 =	vadd.s32 v1, v5  }
0x49: {  	[tilespmem:$0x700] =	vst v3;
	v3 =	vadd.s32 v2, v5  }
0x4a: {  	v1 =	vadd.s32 v1, v4;
	[tilespmem:$0xB00] =	vst v3;
	v3 =	vld [tilespmem:$0x190]  }
0x4b: {  	[tilespmem:$0x780] =	vst v1;
	v1 =	vadd.s32 v2, v4;
	v2 =	vshll.u32 v7, $0xD  }
0x4c: {  	v4 =	vld [tilespmem:$0x210];
	[tilespmem:$0xB80] =	vst v1;
	v1 =	vadd.s32 v6, v2  }
0x4d: {  	v5 =	vshll.u32 v6, $0xD;
	[tilespmem:$0x510] =	vst v1;
	v1 =	vadd.s32 v2, v8  }
0x4e: {  	v6 =	vld [tilespmem:$0x290];
	[tilespmem:$0x590] =	vst v1;
	v1 =	vadd.s32 v5, v8  }
0x4f: {  	[tilespmem:$0x990] =	vst v1;
	v1 =	vadd.s32 v2, v3  }
0x50: {  	[tilespmem:$0x610] =	vst v1;
	v1 =	vadd.s32 v5, v3;
	v3 =	vld [tilespmem:$0x310]  }
0x51: {  	v7 =	vld [tilespmem:$0x20];
	[tilespmem:$0xA10] =	vst v1;
	v1 =	vadd.s32 v2, v4  }
0x52: {  	[tilespmem:$0x690] =	vst v1;
	v1 =	vadd.s32 v5, v4;
	v4 =	vld [tilespmem:$0xA0]  }
0x53: {  	v8 =	vld [tilespmem:$0x120];
	[tilespmem:$0xA90] =	vst v1;
	v1 =	vadd.s32 v2, v6  }
0x54: {  	[tilespmem:$0x710] =	vst v1;
	v1 =	vadd.s32 v5, v6  }
0x55: {  	[tilespmem:$0xB10] =	vst v1;
	v1 =	vadd.s32 v2, v3;
	v2 =	vld [tilespmem:$0x1A0]  }
0x56: {  	[tilespmem:$0x790] =	vst v1;
	v1 =	vadd.s32 v5, v3;
	v3 =	vshll.u32 v7, $0xD  }
0x57: {  	v5 =	vld [tilespmem:$0x220];
	[tilespmem:$0xB90] =	vst v1;
	v1 =	vadd.s32 v4, v3  }
0x58: {  	v4 =	vshll.u32 v4, $0xD;
	[tilespmem:$0x520] =	vst v1;
	v1 =	vadd.s32 v3, v8  }
0x59: {  	v6 =	vld [tilespmem:$0x2A0];
	[tilespmem:$0x5A0] =	vst v1;
	v1 =	vadd.s32 v4, v8  }
0x5a: {  	[tilespmem:$0x9A0] =	vst v1;
	v1 =	vadd.s32 v3, v2  }
0x5b: {  	[tilespmem:$0x620] =	vst v1;
	v1 =	vadd.s32 v4, v2;
	v2 =	vld [tilespmem:$0x320]  }
0x5c: {  	v7 =	vld [tilespmem:$0x30];
	[tilespmem:$0xA20] =	vst v1;
	v1 =	vadd.s32 v3, v5  }
0x5d: {  	[tilespmem:$0x6A0] =	vst v1;
	v1 =	vadd.s32 v4, v5;
	v5 =	vld [tilespmem:$0xB0]  }
0x5e: {  	v8 =	vld [tilespmem:$0x130];
	[tilespmem:$0xAA0] =	vst v1;
	v1 =	vadd.s32 v3, v6  }
0x5f: {  	[tilespmem:$0x720] =	vst v1;
	v1 =	vadd.s32 v4, v6  }
0x60: {  	[tilespmem:$0xB20] =	vst v1;
	v1 =	vadd.s32 v3, v2;
	v3 =	vld [tilespmem:$0x1B0]  }
0x61: {  	[tilespmem:$0x7A0] =	vst v1;
	v1 =	vadd.s32 v4, v2;
	v2 =	vshll.u32 v7, $0xD  }
0x62: {  	v4 =	vld [tilespmem:$0x230];
	[tilespmem:$0xBA0] =	vst v1;
	v1 =	vadd.s32 v5, v2  }
0x63: {  	v5 =	vshll.u32 v5, $0xD;
	[tilespmem:$0x530] =	vst v1;
	v1 =	vadd.s32 v2, v8  }
0x64: {  	v6 =	vld [tilespmem:$0x2B0];
	[tilespmem:$0x5B0] =	vst v1;
	v1 =	vadd.s32 v5, v8  }
0x65: {  	[tilespmem:$0x9B0] =	vst v1;
	v1 =	vadd.s32 v2, v3  }
0x66: {  	[tilespmem:$0x630] =	vst v1;
	v1 =	vadd.s32 v5, v3;
	v3 =	vld [tilespmem:$0x330]  }
0x67: {  	v7 =	vld [tilespmem:$0x40];
	[tilespmem:$0xA30] =	vst v1;
	v1 =	vadd.s32 v2, v4  }
0x68: {  	[tilespmem:$0x6B0] =	vst v1;
	v1 =	vadd.s32 v5, v4;
	v4 =	vld [tilespmem:$0xC0]  }
0x69: {  	v8 =	vld [tilespmem:$0x140];
	[tilespmem:$0xAB0] =	vst v1;
	v1 =	vadd.s32 v2, v6  }
0x6a: {  	[tilespmem:$0x730] =	vst v1;
	v1 =	vadd.s32 v5, v6  }
0x6b: {  	[tilespmem:$0xB30] =	vst v1;
	v1 =	vadd.s32 v2, v3;
	v2 =	vld [tilespmem:$0x1C0]  }
0x6c: {  	[tilespmem:$0x7B0] =	vst v1;
	v1 =	vadd.s32 v5, v3;
	v3 =	vshll.u32 v7, $0xD  }
0x6d: {  	v5 =	vld [tilespmem:$0x240];
	[tilespmem:$0xBB0] =	vst v1;
	v1 =	vadd.s32 v4, v3  }
0x6e: {  	v4 =	vshll.u32 v4, $0xD;
	[tilespmem:$0x540] =	vst v1;
	v1 =	vadd.s32 v3, v8  }
0x6f: {  	v6 =	vld [tilespmem:$0x2C0];
	[tilespmem:$0x5C0] =	vst v1;
	v1 =	vadd.s32 v4, v8  }
0x70: {  	[tilespmem:$0x9C0] =	vst v1;
	v1 =	vadd.s32 v3, v2  }
0x71: {  	[tilespmem:$0x640] =	vst v1;
	v1 =	vadd.s32 v4, v2;
	v2 =	vld [tilespmem:$0x340]  }
0x72: {  	v7 =	vld [tilespmem:$0x50];
	[tilespmem:$0xA40] =	vst v1;
	v1 =	vadd.s32 v3, v5  }
0x73: {  	[tilespmem:$0x6C0] =	vst v1;
	v1 =	vadd.s32 v4, v5;
	v5 =	vld [tilespmem:$0xD0]  }
0x74: {  	v8 =	vld [tilespmem:$0x150];
	[tilespmem:$0xAC0] =	vst v1;
	v1 =	vadd.s32 v3, v6  }
0x75: {  	[tilespmem:$0x740] =	vst v1;
	v1 =	vadd.s32 v4, v6  }
0x76: {  	[tilespmem:$0xB40] =	vst v1;
	v1 =	vadd.s32 v3, v2;
	v3 =	vld [tilespmem:$0x1D0]  }
0x77: {  	[tilespmem:$0x7C0] =	vst v1;
	v1 =	vadd.s32 v4, v2;
	v2 =	vshll.u32 v7, $0xD  }
0x78: {  	v4 =	vld [tilespmem:$0x250];
	[tilespmem:$0xBC0] =	vst v1;
	v1 =	vadd.s32 v5, v2  }
0x79: {  	v5 =	vshll.u32 v5, $0xD;
	[tilespmem:$0x550] =	vst v1;
	v1 =	vadd.s32 v2, v8  }
0x7a: {  	v6 =	vld [tilespmem:$0x2D0];
	[tilespmem:$0x5D0] =	vst v1;
	v1 =	vadd.s32 v5, v8  }
0x7b: {  	[tilespmem:$0x9D0] =	vst v1;
	v1 =	vadd.s32 v2, v3  }
0x7c: {  	[tilespmem:$0x650] =	vst v1;
	v1 =	vadd.s32 v5, v3;
	v3 =	vld [tilespmem:$0x350]  }
0x7d: {  	v7 =	vld [tilespmem:$0x60];
	[tilespmem:$0xA50] =	vst v1;
	v1 =	vadd.s32 v2, v4  }
0x7e: {  	[tilespmem:$0x6D0] =	vst v1;
	v1 =	vadd.s32 v5, v4;
	v4 =	vld [tilespmem:$0xE0]  }
0x7f: {  	v8 =	vld [tilespmem:$0x160];
	[tilespmem:$0xAD0] =	vst v1;
	v1 =	vadd.s32 v2, v6  }
0x80: {  	[tilespmem:$0x750] =	vst v1;
	v1 =	vadd.s32 v5, v6  }
0x81: {  	[tilespmem:$0xB50] =	vst v1;
	v1 =	vadd.s32 v2, v3;
	v2 =	vld [tilespmem:$0x1E0]  }
0x82: {  	[tilespmem:$0x7D0] =	vst v1;
	v1 =	vadd.s32 v5, v3;
	v3 =	vshll.u32 v7, $0xD  }
0x83: {  	v5 =	vld [tilespmem:$0x260];
	[tilespmem:$0xBD0] =	vst v1;
	v1 =	vadd.s32 v4, v3  }
0x84: {  	v4 =	vshll.u32 v4, $0xD;
	[tilespmem:$0x560] =	vst v1;
	v1 =	vadd.s32 v3, v8  }
0x85: {  	v6 =	vld [tilespmem:$0x2E0];
	[tilespmem:$0x5E0] =	vst v1;
	v1 =	vadd.s32 v4, v8  }
0x86: {  	[tilespmem:$0x9E0] =	vst v1;
	v1 =	vadd.s32 v3, v2  }
0x87: {  	[tilespmem:$0x660] =	vst v1;
	v1 =	vadd.s32 v4, v2;
	v2 =	vld [tilespmem:$0x360]  }
0x88: {  	v7 =	vld [tilespmem:$0x70];
	[tilespmem:$0xA60] =	vst v1;
	v1 =	vadd.s32 v3, v5  }
0x89: {  	[tilespmem:$0x6E0] =	vst v1;
	v1 =	vadd.s32 v4, v5;
	v5 =	vld [tilespmem:$0xF0]  }
0x8a: {  	v8 =	vld [tilespmem:$0x170];
	[tilespmem:$0xAE0] =	vst v1;
	v1 =	vadd.s32 v3, v6  }
0x8b: {  	[tilespmem:$0x760] =	vst v1;
	v1 =	vadd.s32 v4, v6  }
0x8c: {  	[tilespmem:$0xB60] =	vst v1;
	v1 =	vadd.s32 v3, v2;
	v3 =	vld [tilespmem:$0x1F0]  }
0x8d: {  	[tilespmem:$0x7E0] =	vst v1;
	v1 =	vadd.s32 v4, v2;
	v2 =	vshll.u32 v7, $0xD  }
0x8e: {  	v4 =	vld [tilespmem:$0x270];
	[tilespmem:$0xBE0] =	vst v1;
	v1 =	vadd.s32 v5, v2  }
0x8f: {  	v5 =	vshll.u32 v5, $0xD;
	[tilespmem:$0x570] =	vst v1;
	v1 =	vadd.s32 v2, v8  }
0x90: {  	v6 =	vld [tilespmem:$0x2F0];
	[tilespmem:$0x5F0] =	vst v1;
	v1 =	vadd.s32 v5, v8  }
0x91: {  	[tilespmem:$0x9F0] =	vst v1;
	v1 =	vadd.s32 v2, v3  }
0x92: {  	[tilespmem:$0x670] =	vst v1;
	v1 =	vadd.s32 v5, v3;
	v3 =	vld [tilespmem:$0x370]  }
0x93: {  	[tilespmem:$0xA70] =	vst v1;
	v1 =	vadd.s32 v2, v4  }
0x94: {  	[tilespmem:$0x6F0] =	vst v1;
	v1 =	vadd.s32 v5, v4  }
0x95: {  	[tilespmem:$0xAF0] =	vst v1;
	v1 =	vadd.s32 v2, v6  }
0x96: {  	[tilespmem:$0x770] =	vst v1;
	v1 =	vadd.s32 v5, v6  }
0x97: {  	[tilespmem:$0xB70] =	vst v1;
	v1 =	vadd.s32 v2, v3  }
0x98: {  	[tilespmem:$0x7F0] =	vst v1;
	v1 =	vadd.s32 v5, v3  }
0x99: {  	s1 =	simm.s32 $0x500;
	s0 =	simm.s32 $0x1CD80;
	[tilespmem:$0xBF0] =	vst v1  }
0x9a: {  	[tilespmem:s0], [sflag:$0x1] =	stream.indirect.gather [hbm4b:s5+s17], $0x1, s1, s17, $0xb8;
	[tilespmem:$0x1DA00] =	vst v63  }
0x9b: {  	s0 =	simm.s32 $0x580;
	s1 =	simm.s32 $0x1CE00  }
0x9c: {  	[tilespmem:s1], [sflag:$0x1] =	stream.indirect.gather [hbm4b:s5+s17], $0x1, s0, s17, $0xb8;
	[tilespmem:$0x1DA00] =	vst v63  }
0x9d: {  	s0 =	simm.s32 $0x980;
	s1 =	simm.s32 $0x1D200  }
0x9e: {  	[tilespmem:s1], [sflag:$0x1] =	stream.indirect.gather [hbm4b:s6+s17], $0x1, s0, s17, $0xb8;
	[tilespmem:$0x1DA00] =	vst v63  }
0x9f: {  	s0 =	simm.s32 $0x600;
	s1 =	simm.s32 $0x1CE80  }
0xa0: {  	[tilespmem:s1], [sflag:$0x1] =	stream.indirect.gather [hbm4b:s5+s17], $0x1, s0, s17, $0xb8;
	[tilespmem:$0x1DA00] =	vst v63  }
0xa1: {  	s0 =	simm.s32 $0xA00;
	s1 =	simm.s32 $0x1D280  }
0xa2: {  	[tilespmem:s1], [sflag:$0x1] =	stream.indirect.gather [hbm4b:s6+s17], $0x1, s0, s17, $0xb8;
	[tilespmem:$0x1DA00] =	vst v63  }
0xa3: {  	s0 =	simm.s32 $0x680;
	s1 =	simm.s32 $0x1CF00  }
0xa4: {  	[tilespmem:s1], [sflag:$0x1] =	stream.indirect.gather [hbm4b:s5+s17], $0x1, s0, s17, $0xb8;
	[tilespmem:$0x1DA00] =	vst v63  }
0xa5: {  	s0 =	simm.s32 $0xA80;
	s1 =	simm.s32 $0x1D300  }
0xa6: {  	[tilespmem:s1], [sflag:$0x1] =	stream.indirect.gather [hbm4b:s6+s17], $0x1, s0, s17, $0xb8;
	[tilespmem:$0x1DA00] =	vst v63  }
0xa7: {  	s0 =	simm.s32 $0x700;
	s1 =	simm.s32 $0x1CF80  }
0xa8: {  	[tilespmem:s1], [sflag:$0x1] =	stream.indirect.gather [hbm4b:s5+s17], $0x1, s0, s17, $0xb8;
	[tilespmem:$0x1DA00] =	vst v63  }
0xa9: {  	s0 =	simm.s32 $0xB00;
	s1 =	simm.s32 $0x1D380  }
0xaa: {  	[tilespmem:s1], [sflag:$0x1] =	stream.indirect.gather [hbm4b:s6+s17], $0x1, s0, s17, $0xb8;
	[tilespmem:$0x1DA00] =	vst v63  }
0xab: {  	s1 =	simm.s32 $0x780  }
0xac: {  	[tilespmem:s2], [sflag:$0x1] =	stream.indirect.gather [hbm4b:s5+s17], $0x1, s1, s17, $0xb8;
	[tilespmem:$0x1DA00] =	vst v63  }
0xad: {  	_ = 	snop  }
0xae: {  	[tilespmem:s28], [sflag:$0x1] =	stream.indirect.gather [hbm4b:s6+s17], $0x1, s26, s17, $0xb8;
	[tilespmem:$0x1DA00] =	vst v63  }
0xaf: {  	_ =	swait.ge [sflag:s29], $0x4000  }
0xb0: {  	[sflag:s29] =	ssyncset.done $0x0  }
0xb1: {  	[sflag:s29] =	ssyncadd.s32 $0xFFFFC000  }
0xb2: {  	_ =	swait.ge [sflag:s29], $0x4000  }
0xb3: {  	[sflag:s29] =	ssyncset.done $0x0  }
0xb4: {  	[sflag:s29] =	ssyncadd.s32 $0xFFFFC000  }
0xb5: {  	_ =	swait.ge [sflag:s29], $0x4000  }
0xb6: {  	[sflag:s29] =	ssyncset.done $0x0  }
0xb7: {  	[sflag:s29] =	ssyncadd.s32 $0xFFFFC000  }
0xb8: {  	_ =	swait.ge [sflag:s29], $0x4000  }
0xb9: {  	[sflag:s29] =	ssyncset.done $0x0  }
0xba: {  	[sflag:s29] =	ssyncadd.s32 $0xFFFFC000  }
0xbb: {  	_ =	swait.ge [sflag:s29], $0x4000  }
0xbc: {  	[sflag:s29] =	ssyncset.done $0x0  }
0xbd: {  	[sflag:s29] =	ssyncadd.s32 $0xFFFFC000  }
0xbe: {  	_ =	swait.ge [sflag:s29], $0x4000  }
0xbf: {  	[sflag:s29] =	ssyncset.done $0x0  }
0xc0: {  	[sflag:s29] =	ssyncadd.s32 $0xFFFFC000  }
0xc1: {  	_ =	swait.ge [sflag:s29], $0x4000  }
0xc2: {  	[sflag:s29] =	ssyncset.done $0x0  }
0xc3: {  	[sflag:s29] =	ssyncadd.s32 $0xFFFFC000  }
0xc4: {  	_ =	swait.ge [sflag:s29], $0x80  }
0xc5: {  	[sflag:s29] =	ssyncset.done $0x0  }
0xc6: {  	[sflag:s29] =	ssyncadd.s32 $0xFFFFFF80  }
0xc7: {  	_ =	swait.ge [sflag:s29], $0x80  }
0xc8: {  	[sflag:s29] =	ssyncset.done $0x0  }
0xc9: {  	[sflag:s29] =	ssyncadd.s32 $0xFFFFFF80  }
0xca: {  	_ =	swait.ge [sflag:s29], $0x80  }
0xcb: {  	[sflag:s29] =	ssyncset.done $0x0  }
0xcc: {  	[sflag:s29] =	ssyncadd.s32 $0xFFFFFF80  }
0xcd: {  	_ =	swait.ge [sflag:s29], $0x80  }
0xce: {  	[sflag:s29] =	ssyncset.done $0x0  }
0xcf: {  	[sflag:s29] =	ssyncadd.s32 $0xFFFFFF80  }
0xd0: {  	_ =	swait.ge [sflag:s29], $0x80  }
0xd1: {  	[sflag:s29] =	ssyncset.done $0x0  }
0xd2: {  	[sflag:s29] =	ssyncadd.s32 $0xFFFFFF80  }
0xd3: {  	_ =	swait.ge [sflag:s29], $0x80  }
0xd4: {  	[sflag:s29] =	ssyncset.done $0x0  }
0xd5: {  	[sflag:s29] =	ssyncadd.s32 $0xFFFFFF80  }
0xd6: {  	_ =	swait.ge [sflag:s29], $0x80  }
0xd7: {  	[sflag:s29] =	ssyncset.done $0x0  }
0xd8: {  	[sflag:s29] =	ssyncadd.s32 $0xFFFFFF80  }
0xd9: {  	_ =	swait.ge [sflag:s29], $0x80  }
0xda: {  	[sflag:s29] =	ssyncset.done $0x0  }
0xdb: {  	[sflag:s29] =	ssyncadd.s32 $0xFFFFFF80  }
0xdc: {  	v1 =	vmov s4;
	_ =	swait.ge [sflag:s29], $0x80  }
0xdd: {  	v1 =	vand.u32 $0x7F, v1;
	[sflag:s29] =	ssyncset.done $0x0  }
0xde: {  	v5 =	vbroadcast v1, $0x0;
	[sflag:s29] =	ssyncadd.s32 $0xFFFFFF80  }
0xdf: {  	_ =	swait.ge [sflag:s29], $0x80  }
0xe0: {  	v3 =	vor.u32 $0x10000, v0;
	v6 =	vor.u32 v0, v5;
	[sflag:s29] =	ssyncset.done $0x0  }
0xe1: {  	v7 =	vor.u32 v3, v5;
	[sflag:s29] =	ssyncadd.s32 $0xFFFFFF80  }
0xe2: {  	_ =	swait.ge [sflag:s29], $0x80  }
0xe3: {  	v1 =	vor.u32 $0x4000, v0;
	[sflag:s29] =	ssyncset.done $0x0  }
0xe4: {  	v2 =	vor.u32 $0x8000, v0;
	v8 =	vor.u32 v1, v5;
	[sflag:s29] =	ssyncadd.s32 $0xFFFFFF80  }
0xe5: {  	v4 =	vor.u32 $0xC000, v0;
	v9 =	vor.u32 v2, v5;
	v11 =	vld.idx.msk [tilespmem:v6+s24+$0x0], $0xffff  }
0xe6: {  	v10 =	vor.u32 v4, v5;
	s0 =	simm.s32 $0x1;
	v12 =	vld.idx.msk [tilespmem:v7+s25+$0x0], $0xffff  }
0xe7: {  	v5 =	vmov s0;
	v14 =	vld.idx.msk [tilespmem:v6+s23+$0x0], $0xffff  }
0xe8: {  	v5 =	vand.u32 $0x7F, v5;
	v6 =	vld.idx.msk [tilespmem:v6+s25+$0x0], $0xffff  }
0xe9: {  	v7 =	vbroadcast v5, $0x0;
	v13 =	vld.idx.msk [tilespmem:v8+s25+$0x0], $0xffff  }
0xea: {  	v15 =	vld.idx.msk [tilespmem:v9+s25+$0x0], $0xffff  }
0xeb: {  	v5 =	vimm.f32 $0.0e+00;
	v21 =	vld.idx.msk [tilespmem:v10+s25+$0x0], $0xffff;
	v16 =	vor.u32 v0, v7  }
0xec: {  	v10 =	vor.u32 v3, v7;
	v8 =	vmul.f32 v12, v11;
	v9 =	vmul.f32 v11, v14  }
0xed: {  	v22 =	vor.u32 v1, v7;
	v18 =	vmul.f32 v6, v14;
	v6 =	vmul.f32 v6, v11  }
0xee: {  	v20 =	vor.u32 v2, v7;
	v23 =	vmul.f32 v13, v14;
	v24 =	vmul.f32 v13, v11  }
0xef: {  	v19 =	vor.u32 v4, v7;
	v25 =	vmul.f32 v15, v14;
	v26 =	vmul.f32 v15, v11  }
0xf0: {  	v27 =	vmul.f32 v21, v14;
	v7 =	vadd.f32 v8, v5;
	v8 =	vadd.f32 v9, v5;
	v17 =	vld.idx.msk [tilespmem:v16+s24+$0x0], $0xffff  }
0xf1: {  	v28 =	vmul.f32 v21, v11;
	v9 =	vadd.f32 v18, v5;
	v18 =	vld.idx.msk [tilespmem:v10+s25+$0x0], $0xffff;
	v10 =	vadd.f32 v6, v5  }
0xf2: {  	s0 =	simm.s32 $0x2;
	v6 =	vld.idx.msk [tilespmem:v16+s23+$0x0], $0xffff;
	v13 =	vadd.f32 v23, v5;
	v11 =	vadd.f32 v24, v5;
	v23 =	vmul.f32 v12, v14  }
0xf3: {  	v14 =	vmov s0;
	v21 =	vld.idx.msk [tilespmem:v16+s25+$0x0], $0xffff;
	v15 =	vadd.f32 v25, v5;
	v12 =	vadd.f32 v26, v5  }
0xf4: {  	s1 =	simm.s32 $0x3;
	v22 =	vld.idx.msk [tilespmem:v22+s25+$0x0], $0xffff;
	v16 =	vadd.f32 v27, v5;
	v24 =	vand.u32 $0x7F, v14;
	v14 =	vadd.f32 v28, v5  }
.LBB2_2:
0xf5: {  	p0 =	sne.s32 s1, $0x7F;
	v24 =	vbroadcast v24, $0x0;
	v25 =	vld.idx.msk [tilespmem:v20+s25+$0x0], $0xffff;
	v5 =	vadd.f32 v23, v5  }
0xf6: {  	v26 =	vmov v17;
	v23 =	vld.idx.msk [tilespmem:v19+s25+$0x0], $0xffff  }
0xf7: {  	v17 =	vmul.f32 v18, v26;
	v28 =	vmov v18;
	v27 =	vor.u32 v0, v24  }
0xf8: {  	v29 =	vor.u32 v1, v24;
	v20 =	vor.u32 v2, v24;
	v18 =	vor.u32 v3, v24  }
0xf9: {  	v19 =	vor.u32 v4, v24;
	v24 =	vmul.f32 v26, v6;
	v7 =	vadd.f32 v17, v7  }
0xfa: {  	v30 =	vmul.f32 v21, v6;
	v21 =	vmul.f32 v21, v26  }
0xfb: {  	v8 =	vadd.f32 v24, v8;
	v24 =	vmul.f32 v22, v6;
	v22 =	vmul.f32 v22, v26  }
.Ltmp0:
0xfc: {  	v9 =	vadd.f32 v30, v9;
	v30 =	vmul.f32 v25, v6;
	v25 =	vmul.f32 v25, v26;
	v17 =	vld.idx.msk [tilespmem:v27+s24+$0x0], $0xffff;
	(pc) =	sbr.rel @p0 .LBB2_2-.Ltmp0, $4  }
0xfd: {  	v10 =	vadd.f32 v21, v10;
	v31 =	vmul.f32 v23, v6;
	v26 =	vmul.f32 v23, v26;
	v18 =	vld.idx.msk [tilespmem:v18+s25+$0x0], $0xffff  }
0xfe: {  	v13 =	vadd.f32 v24, v13;
	v11 =	vadd.f32 v22, v11;
	v23 =	vmul.f32 v28, v6;
	v6 =	vld.idx.msk [tilespmem:v27+s23+$0x0], $0xffff  }
0xff: {  	v22 =	vmov s1;
	v15 =	vadd.f32 v30, v15;
	v12 =	vadd.f32 v25, v12;
	v21 =	vld.idx.msk [tilespmem:v27+s25+$0x0], $0xffff  }
0x100: {  	s1 =	sadd.s32 $0x1, s1;
	v24 =	vand.u32 $0x7F, v22;
	v16 =	vadd.f32 v31, v16;
	v14 =	vadd.f32 v26, v14;
	v22 =	vld.idx.msk [tilespmem:v29+s25+$0x0], $0xffff  }
0x101: {  	_ =	sdelay $0x2  }
0x102: {  	v24 =	vbroadcast v24, $0x0  }
0x103: {  	v20 =	vld.idx.msk [tilespmem:v20+s25+$0x0], $0xffff  }
0x104: {  	v3 =	vor.u32 v3, v24  }
0x105: {  	v5 =	vadd.f32 v23, v5;
	v19 =	vld.idx.msk [tilespmem:v19+s25+$0x0], $0xffff;
	v23 =	vmul.f32 v18, v17  }
0x106: {  	v25 =	vor.u32 v0, v24;
	v1 =	vor.u32 v1, v24;
	v26 =	vmul.f32 v17, v6  }
0x107: {  	v2 =	vor.u32 v2, v24;
	v4 =	vor.u32 v4, v24;
	v24 =	vmul.f32 v21, v6  }
0x108: {  	v21 =	vmul.f32 v21, v17;
	v8 =	vadd.f32 v26, v8;
	v26 =	vmul.f32 v20, v6  }
0x109: {  	v7 =	vadd.f32 v23, v7;
	v20 =	vmul.f32 v20, v17;
	v23 =	vld.idx.msk [tilespmem:v3+s25+$0x0], $0xffff;
	v3 =	vmul.f32 v22, v6  }
0x10a: {  	v22 =	vmul.f32 v22, v17;
	v17 =	vmul.f32 v19, v17;
	_ =	sdelay $0x1  }
0x10b: {  	v14 =	vadd.f32 v17, v14;
	v17 =	vld [tilespmem:$0x1CD80]  }
0x10c: {  	v27 =	vld.idx.msk [tilespmem:v25+s24+$0x0], $0xffff  }
0x10d: {  	v9 =	vadd.f32 v24, v9;
	v24 =	vld.idx.msk [tilespmem:v25+s23+$0x0], $0xffff  }
0x10e: {  	v13 =	vadd.f32 v3, v13;
	v3 =	vld.idx.msk [tilespmem:v1+s25+$0x0], $0xffff;
	v1 =	vmul.f32 v18, v6  }
0x10f: {  	v10 =	vadd.f32 v21, v10;
	v21 =	vld.idx.msk [tilespmem:v25+s25+$0x0], $0xffff  }
0x110: {  	[tilespmem:$0x1FEA0] =	vst v17;
	v17 =	vadd.f32 v1, v5;
	v1 =	vld [tilespmem:$0x1CE00];
	_ =	sdelay $0x2  }
0x111: {  	s1 =	simm.s32 $0x0;
	v18 =	vld.idx.msk [tilespmem:v4+s25+$0x0], $0xffff;
	v4 =	vmul.f32 v23, v27  }
0x112: {  	v25 =	vmul.f32 v19, v6;
	v6 =	vadd.f32 v26, v15;
	v15 =	vld.idx.msk [tilespmem:v2+s25+$0x0], $0xffff;
	v2 =	vmov s1  }
0x113: {  	v5 =	vmul.f32 v27, v24;
	[tilespmem:$0x1FEB0] =	vst v1;
	v1 =	vadd.f32 v4, v7;
	v4 =	vmul.f32 v21, v24  }
0x114: {  	v11 =	vadd.f32 v22, v11;
	v2 =	vand.u32 $0x7F, v2;
	v22 =	vmul.f32 v3, v27  }
0x115: {  	v5 =	vadd.f32 v5, v8;
	v8 =	vmul.f32 v3, v24;
	v3 =	vadd.f32 v4, v9  }
0x116: {  	v19 =	vbroadcast v2, $0x0;
	v2 =	vld [tilespmem:$0x1CE80]  }
0x117: {  	[tilespmem:$0x1FF10] =	vst v3;
	v3 =	vld [tilespmem:$0x1CF00]  }
0x118: {  	[tilespmem:$0x1FEF0] =	vst v5;
	v5 =	vld [tilespmem:$0x1D280];
	_ =	sdelay $0x1  }
0x119: {  	v7 =	vmul.f32 v21, v27;
	[tilespmem:$0x1FEC0] =	vst v1;
	v1 =	vld [tilespmem:$0x1D200]  }
0x11a: {  	[tilespmem:$0x1FEE0] =	vst v2  }
0x11b: {  	v9 =	vmul.f32 v15, v24;
	v4 =	vld [tilespmem:$0x1CF80];
	[tilespmem:$0x1FF20] =	vst v3;
	v3 =	vadd.f32 v7, v10  }
0x11c: {  	v12 =	vadd.f32 v20, v12;
	[tilespmem:$0x1FF00] =	vst v5  }
0x11d: {  	v2 =	vor.u32 $0x10800, v0;
	v15 =	vmul.f32 v15, v27;
	v6 =	vadd.f32 v9, v6;
	[tilespmem:$0x1FF30] =	vst v3;
	v3 =	vld [tilespmem:$0x1D300]  }
0x11e: {  	v21 =	vor.u32 v2, v19;
	[tilespmem:$0x1FED0] =	vst v1;
	v1 =	vor.u32 $0x800, v0  }
0x11f: {  	v16 =	vadd.f32 v25, v16;
	[tilespmem:$0x1FF80] =	vst v6;
	v6 =	vadd.f32 v15, v12;
	v20 =	vor.u32 v1, v19  }
0x120: {  	v11 =	vadd.f32 v22, v11;
	[tilespmem:$0x1FF50] =	vst v4;
	v4 =	vor.u32 $0x8800, v0;
	v7 =	vmul.f32 v18, v24  }
0x121: {  	v8 =	vadd.f32 v8, v13;
	v5 =	vor.u32 $0xC800, v0;
	v25 =	vor.u32 v4, v19;
	[tilespmem:$0x1FF90] =	vst v6  }
0x122: {  	s0 =	simm.s32 $0x1;
	v18 =	vmul.f32 v18, v27;
	v6 =	vadd.f32 v7, v16;
	[tilespmem:$0x1FF40] =	vst v3;
	v3 =	vor.u32 $0x4800, v0  }
0x123: {  	[tilespmem:$0x1FF60] =	vst v8;
	v8 =	vor.u32 v5, v19;
	v13 =	vld.idx.msk [tilespmem:v21+s25+$0x0], $0xffff;
	v10 =	vor.u32 v3, v19;
	v19 =	vmov s0  }
0x124: {  	v26 =	vld.idx.msk [tilespmem:v20+s24+$0x0], $0xffff;
	[tilespmem:$0x1FFA0] =	vst v6;
	v6 =	vadd.f32 v18, v14;
	v19 =	vand.u32 $0x7F, v19  }
0x125: {  	[tilespmem:$0x1FF70] =	vst v11;
	v11 =	vmul.f32 v23, v24;
	v22 =	vld.idx.msk [tilespmem:v20+s23+$0x0], $0xffff;
	v12 =	vbroadcast v19, $0x0  }
0x126: {  	v9 =	vld.idx.msk [tilespmem:v20+s25+$0x0], $0xffff;
	[tilespmem:$0x1FFB0] =	vst v6  }
0x127: {  	v6 =	vadd.f32 v11, v17;
	v11 =	vld.idx.msk [tilespmem:v25+s25+$0x0], $0xffff;
	v15 =	vor.u32 v1, v12;
	v17 =	vor.u32 v3, v12  }
0x128: {  	v16 =	vor.u32 v2, v12;
	v21 =	vor.u32 v4, v12;
	v19 =	vor.u32 v5, v12;
	v12 =	vld [tilespmem:$0x1D000]  }
0x129: {  	v7 =	vld.idx.msk [tilespmem:v10+s25+$0x0], $0xffff  }
0x12a: {  	v10 =	vld [tilespmem:$0x1D380]  }
0x12b: {  	v14 =	vld.idx.msk [tilespmem:v8+s25+$0x0], $0xffff  }
0x12c: {  	v8 =	vmul.f32 v13, v26  }
0x12d: {  	[tilespmem:$0x1FFC0] =	vst v6;
	v6 =	vimm.f32 $0.0e+00;
	v23 =	vmul.f32 v9, v26;
	v27 =	vmul.f32 v11, v22  }
0x12e: {  	v8 =	vadd.f32 v8, v6;
	v28 =	vmul.f32 v11, v26;
	[tilespmem:$0x1FFE0] =	vst v12;
	v12 =	vmul.f32 v9, v22;
	v9 =	vld [tilespmem:$0x1D400]  }
0x12f: {  	v18 =	vld.idx.msk [tilespmem:v15+s24+$0x0], $0xffff;
	[tilespmem:$0x1FFD0] =	vst v10;
	v10 =	vmul.f32 v26, v22;
	v24 =	vmul.f32 v7, v22  }
0x130: {  	v11 =	vadd.f32 v23, v6;
	v20 =	vld.idx.msk [tilespmem:v16+s25+$0x0], $0xffff;
	v25 =	vmul.f32 v7, v26;
	v26 =	vmul.f32 v14, v26  }
0x131: {  	v29 =	vmul.f32 v14, v22;
	v16 =	vadd.f32 v27, v6;
	v7 =	vld.idx.msk [tilespmem:v15+s23+$0x0], $0xffff;
	v14 =	vadd.f32 v24, v6  }
0x132: {  	s0 =	simm.s32 $0x2;
	v24 =	vmul.f32 v13, v22;
	v22 =	vld.idx.msk [tilespmem:v15+s25+$0x0], $0xffff;
	v13 =	vadd.f32 v28, v6;
	v15 =	vadd.f32 v26, v6  }
0x133: {  	v23 =	vmov s0;
	[tilespmem:$0x1FFF0] =	vst v9;
	v9 =	vadd.f32 v10, v6;
	v10 =	vadd.f32 v12, v6  }
0x134: {  	s1 =	simm.s32 $0x3;
	v12 =	vadd.f32 v25, v6;
	v25 =	vand.u32 $0x7F, v23;
	v23 =	vld.idx.msk [tilespmem:v17+s25+$0x0], $0xffff;
	v17 =	vadd.f32 v29, v6  }
.LBB2_4:
0x135: {  	p0 =	sne.s32 s1, $0x7F;
	v25 =	vbroadcast v25, $0x0;
	v26 =	vld.idx.msk [tilespmem:v21+s25+$0x0], $0xffff;
	v6 =	vadd.f32 v24, v6  }
0x136: {  	v27 =	vmov v18;
	v24 =	vld.idx.msk [tilespmem:v19+s25+$0x0], $0xffff  }
0x137: {  	v18 =	vmul.f32 v20, v27;
	v29 =	vmov v20;
	v28 =	vor.u32 v1, v25  }
0x138: {  	v30 =	vor.u32 v3, v25;
	v21 =	vor.u32 v4, v25;
	v20 =	vor.u32 v2, v25  }
0x139: {  	v19 =	vor.u32 v5, v25;
	v25 =	vmul.f32 v27, v7;
	v8 =	vadd.f32 v18, v8  }
0x13a: {  	v31 =	vmul.f32 v22, v7;
	v22 =	vmul.f32 v22, v27  }
0x13b: {  	v9 =	vadd.f32 v25, v9;
	v25 =	vmul.f32 v23, v7;
	v23 =	vmul.f32 v23, v27  }
.Ltmp1:
0x13c: {  	v10 =	vadd.f32 v31, v10;
	v31 =	vmul.f32 v26, v7;
	v26 =	vmul.f32 v26, v27;
	v18 =	vld.idx.msk [tilespmem:v28+s24+$0x0], $0xffff;
	(pc) =	sbr.rel @p0 .LBB2_4-.Ltmp1, $4  }
0x13d: {  	v11 =	vadd.f32 v22, v11;
	v32 =	vmul.f32 v24, v7;
	v27 =	vmul.f32 v24, v27;
	v20 =	vld.idx.msk [tilespmem:v20+s25+$0x0], $0xffff  }
0x13e: {  	v14 =	vadd.f32 v25, v14;
	v12 =	vadd.f32 v23, v12;
	v24 =	vmul.f32 v29, v7;
	v7 =	vld.idx.msk [tilespmem:v28+s23+$0x0], $0xffff  }
0x13f: {  	v23 =	vmov s1;
	v16 =	vadd.f32 v31, v16;
	v13 =	vadd.f32 v26, v13;
	v22 =	vld.idx.msk [tilespmem:v28+s25+$0x0], $0xffff  }
0x140: {  	s1 =	sadd.s32 $0x1, s1;
	v25 =	vand.u32 $0x7F, v23;
	v17 =	vadd.f32 v32, v17;
	v15 =	vadd.f32 v27, v15;
	v23 =	vld.idx.msk [tilespmem:v30+s25+$0x0], $0xffff  }
0x141: {  	_ =	sdelay $0x2  }
0x142: {  	v25 =	vbroadcast v25, $0x0  }
0x143: {  	v21 =	vld.idx.msk [tilespmem:v21+s25+$0x0], $0xffff  }
0x144: {  	v2 =	vor.u32 v2, v25  }
0x145: {  	v6 =	vadd.f32 v24, v6;
	v19 =	vld.idx.msk [tilespmem:v19+s25+$0x0], $0xffff;
	v1 =	vor.u32 v1, v25  }
0x146: {  	v24 =	vmul.f32 v20, v18;
	v3 =	vor.u32 v3, v25;
	v26 =	vmul.f32 v18, v7  }
0x147: {  	v4 =	vor.u32 v4, v25;
	v5 =	vor.u32 v5, v25;
	v25 =	vmul.f32 v22, v7  }
0x148: {  	v22 =	vmul.f32 v22, v18;
	v9 =	vadd.f32 v26, v9;
	v26 =	vmul.f32 v21, v7  }
0x149: {  	v8 =	vadd.f32 v24, v8;
	v21 =	vmul.f32 v21, v18;
	v24 =	vld.idx.msk [tilespmem:v2+s25+$0x0], $0xffff;
	v2 =	vmul.f32 v23, v7  }
0x14a: {  	v27 =	vld.idx.msk [tilespmem:v1+s24+$0x0], $0xffff;
	v23 =	vmul.f32 v23, v18;
	v18 =	vmul.f32 v19, v18  }
0x14b: {  	v10 =	vadd.f32 v25, v10;
	v25 =	vld.idx.msk [tilespmem:v1+s23+$0x0], $0xffff  }
0x14c: {  	v15 =	vadd.f32 v18, v15;
	v18 =	vld [tilespmem:$0x1CD90];
	_ =	sdelay $0x1  }
0x14d: {  	v11 =	vadd.f32 v22, v11;
	v22 =	vld.idx.msk [tilespmem:v1+s25+$0x0], $0xffff;
	v1 =	vmul.f32 v19, v7  }
0x14e: {  	s1 =	simm.s32 $0x0;
	v14 =	vadd.f32 v2, v14;
	v2 =	vmul.f32 v20, v7;
	v7 =	vadd.f32 v26, v16  }
0x14f: {  	v3 =	vld.idx.msk [tilespmem:v3+s25+$0x0], $0xffff;
	v16 =	vadd.f32 v1, v17;
	v1 =	vmov s1;
	v17 =	vmul.f32 v24, v27  }
0x150: {  	v1 =	vand.u32 $0x7F, v1;
	v6 =	vadd.f32 v2, v6;
	v2 =	vld [tilespmem:$0x1CE10];
	[tilespmem:$0x1FD40] =	vst v18;
	v18 =	vmul.f32 v27, v25  }
0x151: {  	v19 =	vbroadcast v1, $0x0;
	v1 =	vadd.f32 v17, v8  }
0x152: {  	v8 =	vmul.f32 v22, v25;
	v9 =	vadd.f32 v18, v9  }
0x153: {  	v4 =	vld.idx.msk [tilespmem:v4+s25+$0x0], $0xffff;
	v13 =	vadd.f32 v21, v13;
	v12 =	vadd.f32 v23, v12;
	[tilespmem:$0x1FD60] =	vst v1  }
0x154: {  	v21 =	vmul.f32 v3, v27;
	v1 =	vld [tilespmem:$0x1D210];
	[tilespmem:$0x1FD90] =	vst v9;
	v9 =	vmul.f32 v3, v25;
	v3 =	vadd.f32 v8, v10  }
0x155: {  	[tilespmem:$0x1FD50] =	vst v2;
	v2 =	vld [tilespmem:$0x1CE90]  }
0x156: {  	v12 =	vadd.f32 v21, v12;
	[tilespmem:$0x1FDB0] =	vst v3;
	v3 =	vld [tilespmem:$0x1CF10]  }
0x157: {  	v18 =	vld [tilespmem:$0x1D290]  }
0x158: {  	[tilespmem:$0x1FE10] =	vst v12  }
0x159: {  	v17 =	vmul.f32 v22, v27;
	[tilespmem:$0x1FD70] =	vst v1  }
0x15a: {  	v5 =	vld.idx.msk [tilespmem:v5+s25+$0x0], $0xffff;
	v8 =	vmul.f32 v4, v25;
	v10 =	vmul.f32 v4, v27;
	v1 =	vor.u32 $0x1000, v0;
	[tilespmem:$0x1FD80] =	vst v2  }
0x15b: {  	v4 =	vld [tilespmem:$0x1CF90];
	v2 =	vor.u32 $0x11000, v0;
	v20 =	vor.u32 v1, v19;
	[tilespmem:$0x1FDC0] =	vst v3;
	v3 =	vadd.f32 v17, v11  }
0x15c: {  	s0 =	simm.s32 $0x1;
	v9 =	vadd.f32 v9, v14;
	[tilespmem:$0x1FDA0] =	vst v18;
	v18 =	vor.u32 v2, v19  }
0x15d: {  	v14 =	vmov s0;
	v7 =	vadd.f32 v8, v7;
	[tilespmem:$0x1FDD0] =	vst v3;
	v3 =	vld [tilespmem:$0x1D310]  }
0x15e: {  	v14 =	vand.u32 $0x7F, v14;
	[tilespmem:$0x1FE00] =	vst v9  }
0x15f: {  	v22 =	vmul.f32 v5, v27;
	[tilespmem:$0x1FE20] =	vst v7;
	v7 =	vadd.f32 v10, v13;
	v8 =	vbroadcast v14, $0x0  }
0x160: {  	v12 =	vmul.f32 v24, v25;
	[tilespmem:$0x1FDF0] =	vst v4;
	v4 =	vor.u32 $0x9000, v0;
	v11 =	vmul.f32 v5, v25;
	v26 =	vld.idx.msk [tilespmem:v20+s24+$0x0], $0xffff  }
0x161: {  	v23 =	vor.u32 v4, v19;
	[tilespmem:$0x1FE30] =	vst v7;
	v13 =	vor.u32 v1, v8;
	v5 =	vor.u32 $0xD000, v0;
	v27 =	vld.idx.msk [tilespmem:v18+s25+$0x0], $0xffff  }
0x162: {  	v9 =	vor.u32 v5, v19;
	v24 =	vld.idx.msk [tilespmem:v20+s23+$0x0], $0xffff;
	v10 =	vadd.f32 v11, v16;
	[tilespmem:$0x1FDE0] =	vst v3;
	v3 =	vor.u32 $0x5000, v0  }
0x163: {  	v14 =	vor.u32 v2, v8;
	v21 =	vor.u32 v4, v8;
	v7 =	vld.idx.msk [tilespmem:v20+s25+$0x0], $0xffff;
	v17 =	vor.u32 v3, v19  }
0x164: {  	[tilespmem:$0x1FE40] =	vst v10;
	v10 =	vadd.f32 v22, v15;
	v15 =	vor.u32 v3, v8;
	v19 =	vor.u32 v5, v8;
	v8 =	vld [tilespmem:$0x1D010]  }
0x165: {  	v6 =	vadd.f32 v12, v6;
	v16 =	vld [tilespmem:$0x1D390]  }
0x166: {  	v11 =	vld.idx.msk [tilespmem:v23+s25+$0x0], $0xffff  }
0x167: {  	[tilespmem:$0x1FE60] =	vst v6;
	v12 =	vld.idx.msk [tilespmem:v9+s25+$0x0], $0xffff;
	v9 =	vmul.f32 v27, v26  }
0x168: {  	v6 =	vimm.f32 $0.0e+00;
	[tilespmem:$0x1FE50] =	vst v10;
	v10 =	vld.idx.msk [tilespmem:v17+s25+$0x0], $0xffff  }
0x169: {  	[tilespmem:$0x1FE80] =	vst v8;
	v8 =	vadd.f32 v9, v6;
	v9 =	vld [tilespmem:$0x1D410];
	_ =	sdelay $0x1  }
0x16a: {  	[tilespmem:$0x1FE70] =	vst v16;
	v16 =	vmul.f32 v26, v24  }
0x16b: {  	s0 =	simm.s32 $0x2;
	v23 =	vmul.f32 v11, v26;
	v28 =	vmul.f32 v12, v24  }
0x16c: {  	v25 =	vmov s0;
	v18 =	vld.idx.msk [tilespmem:v13+s24+$0x0], $0xffff;
	v17 =	vmul.f32 v7, v24;
	v7 =	vmul.f32 v7, v26  }
0x16d: {  	[tilespmem:$0x1FE90] =	vst v9;
	v9 =	vadd.f32 v16, v6;
	v16 =	vmul.f32 v10, v24;
	v22 =	vmul.f32 v10, v26  }
0x16e: {  	v20 =	vld.idx.msk [tilespmem:v14+s25+$0x0], $0xffff;
	v10 =	vadd.f32 v17, v6;
	v17 =	vmul.f32 v11, v24;
	v11 =	vadd.f32 v7, v6  }
0x16f: {  	v26 =	vmul.f32 v12, v26;
	v7 =	vld.idx.msk [tilespmem:v13+s23+$0x0], $0xffff;
	v14 =	vadd.f32 v16, v6;
	v12 =	vadd.f32 v22, v6  }
0x170: {  	v24 =	vmul.f32 v27, v24;
	v22 =	vld.idx.msk [tilespmem:v13+s25+$0x0], $0xffff;
	v16 =	vadd.f32 v17, v6;
	v13 =	vadd.f32 v23, v6  }
0x171: {  	s1 =	simm.s32 $0x3;
	v25 =	vand.u32 $0x7F, v25;
	v23 =	vld.idx.msk [tilespmem:v15+s25+$0x0], $0xffff;
	v17 =	vadd.f32 v28, v6;
	v15 =	vadd.f32 v26, v6  }
.LBB2_6:
0x172: {  	p0 =	sne.s32 s1, $0x7F;
	v25 =	vbroadcast v25, $0x0;
	v26 =	vld.idx.msk [tilespmem:v21+s25+$0x0], $0xffff;
	v6 =	vadd.f32 v24, v6  }
0x173: {  	v27 =	vmov v18;
	v24 =	vld.idx.msk [tilespmem:v19+s25+$0x0], $0xffff  }
0x174: {  	v18 =	vmul.f32 v20, v27;
	v29 =	vmov v20;
	v28 =	vor.u32 v1, v25  }
0x175: {  	v30 =	vor.u32 v3, v25;
	v21 =	vor.u32 v4, v25;
	v20 =	vor.u32 v2, v25  }
0x176: {  	v19 =	vor.u32 v5, v25;
	v25 =	vmul.f32 v27, v7;
	v8 =	vadd.f32 v18, v8  }
0x177: {  	v31 =	vmul.f32 v22, v7;
	v22 =	vmul.f32 v22, v27  }
0x178: {  	v9 =	vadd.f32 v25, v9;
	v25 =	vmul.f32 v23, v7;
	v23 =	vmul.f32 v23, v27  }
.Ltmp2:
0x179: {  	v10 =	vadd.f32 v31, v10;
	v31 =	vmul.f32 v26, v7;
	v26 =	vmul.f32 v26, v27;
	v18 =	vld.idx.msk [tilespmem:v28+s24+$0x0], $0xffff;
	(pc) =	sbr.rel @p0 .LBB2_6-.Ltmp2, $4  }
0x17a: {  	v11 =	vadd.f32 v22, v11;
	v32 =	vmul.f32 v24, v7;
	v27 =	vmul.f32 v24, v27;
	v20 =	vld.idx.msk [tilespmem:v20+s25+$0x0], $0xffff  }
0x17b: {  	v14 =	vadd.f32 v25, v14;
	v12 =	vadd.f32 v23, v12;
	v24 =	vmul.f32 v29, v7;
	v7 =	vld.idx.msk [tilespmem:v28+s23+$0x0], $0xffff  }
0x17c: {  	v23 =	vmov s1;
	v16 =	vadd.f32 v31, v16;
	v13 =	vadd.f32 v26, v13;
	v22 =	vld.idx.msk [tilespmem:v28+s25+$0x0], $0xffff  }
0x17d: {  	s1 =	sadd.s32 $0x1, s1;
	v25 =	vand.u32 $0x7F, v23;
	v17 =	vadd.f32 v32, v17;
	v15 =	vadd.f32 v27, v15;
	v23 =	vld.idx.msk [tilespmem:v30+s25+$0x0], $0xffff  }
0x17e: {  	_ =	sdelay $0x2  }
0x17f: {  	v25 =	vbroadcast v25, $0x0  }
0x180: {  	v21 =	vld.idx.msk [tilespmem:v21+s25+$0x0], $0xffff  }
0x181: {  	v2 =	vor.u32 v2, v25  }
0x182: {  	v6 =	vadd.f32 v24, v6;
	v19 =	vld.idx.msk [tilespmem:v19+s25+$0x0], $0xffff;
	v1 =	vor.u32 v1, v25  }
0x183: {  	v24 =	vmul.f32 v20, v18;
	v3 =	vor.u32 v3, v25;
	v26 =	vmul.f32 v18, v7  }
0x184: {  	v4 =	vor.u32 v4, v25;
	v5 =	vor.u32 v5, v25;
	v25 =	vmul.f32 v22, v7  }
0x185: {  	v22 =	vmul.f32 v22, v18;
	v9 =	vadd.f32 v26, v9;
	v26 =	vmul.f32 v21, v7  }
0x186: {  	v8 =	vadd.f32 v24, v8;
	v21 =	vmul.f32 v21, v18;
	v24 =	vld.idx.msk [tilespmem:v2+s25+$0x0], $0xffff;
	v2 =	vmul.f32 v23, v7  }
0x187: {  	v27 =	vld.idx.msk [tilespmem:v1+s24+$0x0], $0xffff;
	v23 =	vmul.f32 v23, v18;
	v18 =	vmul.f32 v19, v18  }
0x188: {  	v10 =	vadd.f32 v25, v10;
	v25 =	vld.idx.msk [tilespmem:v1+s23+$0x0], $0xffff  }
0x189: {  	v15 =	vadd.f32 v18, v15;
	v18 =	vld [tilespmem:$0x1CDA0];
	_ =	sdelay $0x1  }
0x18a: {  	v11 =	vadd.f32 v22, v11;
	v22 =	vld.idx.msk [tilespmem:v1+s25+$0x0], $0xffff;
	v1 =	vmul.f32 v19, v7  }
0x18b: {  	s1 =	simm.s32 $0x0;
	v14 =	vadd.f32 v2, v14;
	v2 =	vmul.f32 v20, v7;
	v7 =	vadd.f32 v26, v16  }
0x18c: {  	v3 =	vld.idx.msk [tilespmem:v3+s25+$0x0], $0xffff;
	v16 =	vadd.f32 v1, v17;
	v1 =	vmov s1;
	v17 =	vmul.f32 v24, v27  }
0x18d: {  	v1 =	vand.u32 $0x7F, v1;
	v6 =	vadd.f32 v2, v6;
	v2 =	vld [tilespmem:$0x1CE20];
	[tilespmem:$0x1FBE0] =	vst v18;
	v18 =	vmul.f32 v27, v25  }
0x18e: {  	v19 =	vbroadcast v1, $0x0;
	v1 =	vadd.f32 v17, v8  }
0x18f: {  	v8 =	vmul.f32 v22, v25;
	v9 =	vadd.f32 v18, v9  }
0x190: {  	v4 =	vld.idx.msk [tilespmem:v4+s25+$0x0], $0xffff;
	v13 =	vadd.f32 v21, v13;
	v12 =	vadd.f32 v23, v12;
	[tilespmem:$0x1FC00] =	vst v1  }
0x191: {  	v21 =	vmul.f32 v3, v27;
	v1 =	vld [tilespmem:$0x1D220];
	[tilespmem:$0x1FC30] =	vst v9;
	v9 =	vmul.f32 v3, v25;
	v3 =	vadd.f32 v8, v10  }
0x192: {  	[tilespmem:$0x1FBF0] =	vst v2;
	v2 =	vld [tilespmem:$0x1CEA0]  }
0x193: {  	v12 =	vadd.f32 v21, v12;
	[tilespmem:$0x1FC50] =	vst v3;
	v3 =	vld [tilespmem:$0x1CF20]  }
0x194: {  	v18 =	vld [tilespmem:$0x1D2A0]  }
0x195: {  	[tilespmem:$0x1FCB0] =	vst v12  }
0x196: {  	v17 =	vmul.f32 v22, v27;
	[tilespmem:$0x1FC10] =	vst v1  }
0x197: {  	v5 =	vld.idx.msk [tilespmem:v5+s25+$0x0], $0xffff;
	v8 =	vmul.f32 v4, v25;
	v10 =	vmul.f32 v4, v27;
	v1 =	vor.u32 $0x1800, v0;
	[tilespmem:$0x1FC20] =	vst v2  }
0x198: {  	v4 =	vld [tilespmem:$0x1CFA0];
	v2 =	vor.u32 $0x11800, v0;
	v20 =	vor.u32 v1, v19;
	[tilespmem:$0x1FC60] =	vst v3;
	v3 =	vadd.f32 v17, v11  }
0x199: {  	s0 =	simm.s32 $0x1;
	v9 =	vadd.f32 v9, v14;
	[tilespmem:$0x1FC40] =	vst v18;
	v18 =	vor.u32 v2, v19  }
0x19a: {  	v14 =	vmov s0;
	v7 =	vadd.f32 v8, v7;
	[tilespmem:$0x1FC70] =	vst v3;
	v3 =	vld [tilespmem:$0x1D320]  }
0x19b: {  	v14 =	vand.u32 $0x7F, v14;
	[tilespmem:$0x1FCA0] =	vst v9  }
0x19c: {  	v22 =	vmul.f32 v5, v27;
	[tilespmem:$0x1FCC0] =	vst v7;
	v7 =	vadd.f32 v10, v13;
	v8 =	vbroadcast v14, $0x0  }
0x19d: {  	v12 =	vmul.f32 v24, v25;
	[tilespmem:$0x1FC90] =	vst v4;
	v4 =	vor.u32 $0x9800, v0;
	v11 =	vmul.f32 v5, v25;
	v26 =	vld.idx.msk [tilespmem:v20+s24+$0x0], $0xffff  }
0x19e: {  	v23 =	vor.u32 v4, v19;
	[tilespmem:$0x1FCD0] =	vst v7;
	v13 =	vor.u32 v1, v8;
	v5 =	vor.u32 $0xD800, v0;
	v27 =	vld.idx.msk [tilespmem:v18+s25+$0x0], $0xffff  }
0x19f: {  	v9 =	vor.u32 v5, v19;
	v24 =	vld.idx.msk [tilespmem:v20+s23+$0x0], $0xffff;
	v10 =	vadd.f32 v11, v16;
	[tilespmem:$0x1FC80] =	vst v3;
	v3 =	vor.u32 $0x5800, v0  }
0x1a0: {  	v14 =	vor.u32 v2, v8;
	v21 =	vor.u32 v4, v8;
	v7 =	vld.idx.msk [tilespmem:v20+s25+$0x0], $0xffff;
	v17 =	vor.u32 v3, v19  }
0x1a1: {  	[tilespmem:$0x1FCE0] =	vst v10;
	v10 =	vadd.f32 v22, v15;
	v15 =	vor.u32 v3, v8;
	v19 =	vor.u32 v5, v8;
	v8 =	vld [tilespmem:$0x1D020]  }
0x1a2: {  	v6 =	vadd.f32 v12, v6;
	v16 =	vld [tilespmem:$0x1D3A0]  }
0x1a3: {  	v11 =	vld.idx.msk [tilespmem:v23+s25+$0x0], $0xffff  }
0x1a4: {  	[tilespmem:$0x1FD00] =	vst v6;
	v12 =	vld.idx.msk [tilespmem:v9+s25+$0x0], $0xffff;
	v9 =	vmul.f32 v27, v26  }
0x1a5: {  	v6 =	vimm.f32 $0.0e+00;
	[tilespmem:$0x1FCF0] =	vst v10;
	v10 =	vld.idx.msk [tilespmem:v17+s25+$0x0], $0xffff  }
0x1a6: {  	[tilespmem:$0x1FD20] =	vst v8;
	v8 =	vadd.f32 v9, v6;
	v9 =	vld [tilespmem:$0x1D420];
	_ =	sdelay $0x1  }
0x1a7: {  	[tilespmem:$0x1FD10] =	vst v16;
	v16 =	vmul.f32 v26, v24  }
0x1a8: {  	s0 =	simm.s32 $0x2;
	v23 =	vmul.f32 v11, v26;
	v28 =	vmul.f32 v12, v24  }
0x1a9: {  	v25 =	vmov s0;
	v18 =	vld.idx.msk [tilespmem:v13+s24+$0x0], $0xffff;
	v17 =	vmul.f32 v7, v24;
	v7 =	vmul.f32 v7, v26  }
0x1aa: {  	[tilespmem:$0x1FD30] =	vst v9;
	v9 =	vadd.f32 v16, v6;
	v16 =	vmul.f32 v10, v24;
	v22 =	vmul.f32 v10, v26  }
0x1ab: {  	v20 =	vld.idx.msk [tilespmem:v14+s25+$0x0], $0xffff;
	v10 =	vadd.f32 v17, v6;
	v17 =	vmul.f32 v11, v24;
	v11 =	vadd.f32 v7, v6  }
0x1ac: {  	v26 =	vmul.f32 v12, v26;
	v7 =	vld.idx.msk [tilespmem:v13+s23+$0x0], $0xffff;
	v14 =	vadd.f32 v16, v6;
	v12 =	vadd.f32 v22, v6  }
0x1ad: {  	v24 =	vmul.f32 v27, v24;
	v22 =	vld.idx.msk [tilespmem:v13+s25+$0x0], $0xffff;
	v16 =	vadd.f32 v17, v6;
	v13 =	vadd.f32 v23, v6  }
0x1ae: {  	s1 =	simm.s32 $0x3;
	v25 =	vand.u32 $0x7F, v25;
	v23 =	vld.idx.msk [tilespmem:v15+s25+$0x0], $0xffff;
	v17 =	vadd.f32 v28, v6;
	v15 =	vadd.f32 v26, v6  }
.LBB2_8:
0x1af: {  	p0 =	sne.s32 s1, $0x7F;
	v25 =	vbroadcast v25, $0x0;
	v26 =	vld.idx.msk [tilespmem:v21+s25+$0x0], $0xffff;
	v6 =	vadd.f32 v24, v6  }
0x1b0: {  	v27 =	vmov v18;
	v24 =	vld.idx.msk [tilespmem:v19+s25+$0x0], $0xffff  }
0x1b1: {  	v18 =	vmul.f32 v20, v27;
	v29 =	vmov v20;
	v28 =	vor.u32 v1, v25  }
0x1b2: {  	v30 =	vor.u32 v3, v25;
	v21 =	vor.u32 v4, v25;
	v20 =	vor.u32 v2, v25  }
0x1b3: {  	v19 =	vor.u32 v5, v25;
	v25 =	vmul.f32 v27, v7;
	v8 =	vadd.f32 v18, v8  }
0x1b4: {  	v31 =	vmul.f32 v22, v7;
	v22 =	vmul.f32 v22, v27  }
0x1b5: {  	v9 =	vadd.f32 v25, v9;
	v25 =	vmul.f32 v23, v7;
	v23 =	vmul.f32 v23, v27  }
.Ltmp3:
0x1b6: {  	v10 =	vadd.f32 v31, v10;
	v31 =	vmul.f32 v26, v7;
	v26 =	vmul.f32 v26, v27;
	v18 =	vld.idx.msk [tilespmem:v28+s24+$0x0], $0xffff;
	(pc) =	sbr.rel @p0 .LBB2_8-.Ltmp3, $4  }
0x1b7: {  	v11 =	vadd.f32 v22, v11;
	v32 =	vmul.f32 v24, v7;
	v27 =	vmul.f32 v24, v27;
	v20 =	vld.idx.msk [tilespmem:v20+s25+$0x0], $0xffff  }
0x1b8: {  	v14 =	vadd.f32 v25, v14;
	v12 =	vadd.f32 v23, v12;
	v24 =	vmul.f32 v29, v7;
	v7 =	vld.idx.msk [tilespmem:v28+s23+$0x0], $0xffff  }
0x1b9: {  	v23 =	vmov s1;
	v16 =	vadd.f32 v31, v16;
	v13 =	vadd.f32 v26, v13;
	v22 =	vld.idx.msk [tilespmem:v28+s25+$0x0], $0xffff  }
0x1ba: {  	s1 =	sadd.s32 $0x1, s1;
	v25 =	vand.u32 $0x7F, v23;
	v17 =	vadd.f32 v32, v17;
	v15 =	vadd.f32 v27, v15;
	v23 =	vld.idx.msk [tilespmem:v30+s25+$0x0], $0xffff  }
0x1bb: {  	_ =	sdelay $0x2  }
0x1bc: {  	v25 =	vbroadcast v25, $0x0  }
0x1bd: {  	v21 =	vld.idx.msk [tilespmem:v21+s25+$0x0], $0xffff  }
0x1be: {  	v2 =	vor.u32 v2, v25  }
0x1bf: {  	v6 =	vadd.f32 v24, v6;
	v19 =	vld.idx.msk [tilespmem:v19+s25+$0x0], $0xffff;
	v1 =	vor.u32 v1, v25  }
0x1c0: {  	v24 =	vmul.f32 v20, v18;
	v3 =	vor.u32 v3, v25;
	v26 =	vmul.f32 v18, v7  }
0x1c1: {  	v4 =	vor.u32 v4, v25;
	v5 =	vor.u32 v5, v25;
	v25 =	vmul.f32 v22, v7  }
0x1c2: {  	v22 =	vmul.f32 v22, v18;
	v9 =	vadd.f32 v26, v9;
	v26 =	vmul.f32 v21, v7  }
0x1c3: {  	v8 =	vadd.f32 v24, v8;
	v21 =	vmul.f32 v21, v18;
	v24 =	vld.idx.msk [tilespmem:v2+s25+$0x0], $0xffff;
	v2 =	vmul.f32 v23, v7  }
0x1c4: {  	v27 =	vld.idx.msk [tilespmem:v1+s24+$0x0], $0xffff;
	v23 =	vmul.f32 v23, v18;
	v18 =	vmul.f32 v19, v18  }
0x1c5: {  	v10 =	vadd.f32 v25, v10;
	v25 =	vld.idx.msk [tilespmem:v1+s23+$0x0], $0xffff  }
0x1c6: {  	v14 =	vadd.f32 v2, v14;
	v2 =	vmul.f32 v20, v7;
	v15 =	vadd.f32 v18, v15;
	v18 =	vld [tilespmem:$0x1CDB0]  }
0x1c7: {  	v11 =	vadd.f32 v22, v11;
	v22 =	vld.idx.msk [tilespmem:v1+s25+$0x0], $0xffff  }
0x1c8: {  	v1 =	vmul.f32 v19, v7;
	v6 =	vadd.f32 v2, v6;
	v2 =	vld [tilespmem:$0x1CE30]  }
0x1c9: {  	s1 =	simm.s32 $0x0;
	v3 =	vld.idx.msk [tilespmem:v3+s25+$0x0], $0xffff;
	v7 =	vadd.f32 v26, v16  }
0x1ca: {  	v16 =	vadd.f32 v1, v17;
	v1 =	vmov s1;
	v17 =	vmul.f32 v24, v27  }
0x1cb: {  	v1 =	vand.u32 $0x7F, v1;
	[tilespmem:$0x1FA80] =	vst v18;
	v18 =	vmul.f32 v27, v25  }
0x1cc: {  	v19 =	vbroadcast v1, $0x0;
	v1 =	vadd.f32 v17, v8  }
0x1cd: {  	v4 =	vld.idx.msk [tilespmem:v4+s25+$0x0], $0xffff;
	v8 =	vmul.f32 v22, v25;
	[tilespmem:$0x1FA90] =	vst v2;
	v9 =	vadd.f32 v18, v9  }
0x1ce: {  	v13 =	vadd.f32 v21, v13;
	v12 =	vadd.f32 v23, v12;
	v21 =	vmul.f32 v3, v27;
	[tilespmem:$0x1FAA0] =	vst v1;
	v1 =	vld [tilespmem:$0x1D230]  }
0x1cf: {  	v2 =	vld [tilespmem:$0x1CEB0];
	[tilespmem:$0x1FAD0] =	vst v9;
	v9 =	vmul.f32 v3, v25;
	v3 =	vadd.f32 v8, v10  }
0x1d0: {  	v12 =	vadd.f32 v21, v12;
	v18 =	vld [tilespmem:$0x1D2B0]  }
0x1d1: {  	[tilespmem:$0x1FAF0] =	vst v3;
	v3 =	vld [tilespmem:$0x1CF30]  }
0x1d2: {  	[tilespmem:$0x1FB50] =	vst v12  }
0x1d3: {  	v8 =	vmul.f32 v4, v25;
	[tilespmem:$0x1FAB0] =	vst v1  }
0x1d4: {  	v5 =	vld.idx.msk [tilespmem:v5+s25+$0x0], $0xffff;
	v17 =	vmul.f32 v22, v27;
	v10 =	vmul.f32 v4, v27;
	v1 =	vor.u32 $0x2000, v0;
	[tilespmem:$0x1FAC0] =	vst v2  }
0x1d5: {  	v4 =	vld [tilespmem:$0x1CFB0];
	v7 =	vadd.f32 v8, v7;
	v2 =	vor.u32 $0x12000, v0;
	[tilespmem:$0x1FAE0] =	vst v18;
	v20 =	vor.u32 v1, v19  }
0x1d6: {  	v18 =	vor.u32 v2, v19;
	[tilespmem:$0x1FB00] =	vst v3;
	v3 =	vadd.f32 v17, v11  }
0x1d7: {  	v9 =	vadd.f32 v9, v14;
	[tilespmem:$0x1FB60] =	vst v7;
	v7 =	vadd.f32 v10, v13;
	v10 =	vld [tilespmem:$0x1D3B0]  }
0x1d8: {  	[tilespmem:$0x1FB10] =	vst v3;
	v3 =	vld [tilespmem:$0x1D330]  }
0x1d9: {  	[tilespmem:$0x1FB40] =	vst v9  }
0x1da: {  	v22 =	vmul.f32 v5, v27;
	[tilespmem:$0x1FB30] =	vst v4;
	v4 =	vor.u32 $0xA000, v0;
	v26 =	vld.idx.msk [tilespmem:v20+s24+$0x0], $0xffff  }
0x1db: {  	v23 =	vor.u32 v4, v19;
	[tilespmem:$0x1FB70] =	vst v7;
	v11 =	vmul.f32 v5, v25;
	v5 =	vor.u32 $0xE000, v0;
	v18 =	vld.idx.msk [tilespmem:v18+s25+$0x0], $0xffff  }
0x1dc: {  	s0 =	simm.s32 $0x1;
	v12 =	vmul.f32 v24, v25;
	v9 =	vor.u32 v5, v19;
	[tilespmem:$0x1FBB0] =	vst v10  }
0x1dd: {  	v14 =	vmov s0;
	v7 =	vadd.f32 v11, v16;
	v10 =	vld [tilespmem:$0x1D030];
	[tilespmem:$0x1FB20] =	vst v3;
	v3 =	vor.u32 $0x6000, v0  }
0x1de: {  	v6 =	vadd.f32 v12, v6;
	v14 =	vand.u32 $0x7F, v14;
	v13 =	vld.idx.msk [tilespmem:v20+s25+$0x0], $0xffff;
	v17 =	vor.u32 v3, v19  }
0x1df: {  	v8 =	vbroadcast v14, $0x0;
	[tilespmem:$0x1FB80] =	vst v7;
	v7 =	vadd.f32 v22, v15;
	v19 =	vld.idx.msk [tilespmem:v20+s23+$0x0], $0xffff  }
0x1e0: {  	[tilespmem:$0x1FBA0] =	vst v6;
	v15 =	vld.idx.msk [tilespmem:v23+s25+$0x0], $0xffff;
	v6 =	vmul.f32 v18, v26  }
0x1e1: {  	v16 =	vor.u32 v2, v8;
	[tilespmem:$0x1FB90] =	vst v7;
	v7 =	vimm.f32 $0.0e+00;
	v9 =	vld.idx.msk [tilespmem:v9+s25+$0x0], $0xffff  }
0x1e2: {  	[tilespmem:$0x1FBC0] =	vst v10;
	v10 =	vadd.f32 v6, v7;
	v6 =	vld [tilespmem:$0x1D430]  }
0x1e3: {  	v21 =	vor.u32 v4, v8;
	v14 =	vld.idx.msk [tilespmem:v17+s25+$0x0], $0xffff;
	v17 =	vor.u32 v1, v8  }
0x1e4: {  	v23 =	vor.u32 v3, v8;
	v11 =	vmul.f32 v26, v19;
	v12 =	vmul.f32 v13, v19  }
0x1e5: {  	v8 =	vor.u32 v5, v8;
	v13 =	vmul.f32 v13, v26;
	v25 =	vmul.f32 v15, v19  }
0x1e6: {  	v20 =	vld.idx.msk [tilespmem:v16+s25+$0x0], $0xffff;
	v15 =	vmul.f32 v15, v26;
	v27 =	vmul.f32 v9, v19;
	v11 =	vadd.f32 v11, v7  }
0x1e7: {  	v24 =	vmul.f32 v18, v19;
	[tilespmem:$0x1FBD0] =	vst v6;
	v12 =	vadd.f32 v12, v7;
	v13 =	vadd.f32 v13, v7  }
0x1e8: {  	s0 =	simm.s32 $0x2;
	v18 =	vadd.f32 v25, v7;
	v15 =	vadd.f32 v15, v7;
	v22 =	vmul.f32 v14, v19;
	v6 =	vld.idx.msk [tilespmem:v17+s24+$0x0], $0xffff  }
0x1e9: {  	v23 =	vld.idx.msk [tilespmem:v23+s25+$0x0], $0xffff;
	v14 =	vmul.f32 v14, v26;
	v26 =	vmul.f32 v9, v26;
	v19 =	vmov s0  }
0x1ea: {  	v9 =	vld.idx.msk [tilespmem:v17+s23+$0x0], $0xffff;
	v25 =	vand.u32 $0x7F, v19;
	v19 =	vadd.f32 v27, v7;
	v16 =	vadd.f32 v22, v7  }
0x1eb: {  	s1 =	simm.s32 $0x3;
	v14 =	vadd.f32 v14, v7;
	v22 =	vld.idx.msk [tilespmem:v17+s25+$0x0], $0xffff;
	v17 =	vadd.f32 v26, v7  }
.LBB2_10:
0x1ec: {  	p0 =	sne.s32 s1, $0x7F;
	v25 =	vbroadcast v25, $0x0;
	v26 =	vld.idx.msk [tilespmem:v21+s25+$0x0], $0xffff;
	v7 =	vadd.f32 v24, v7  }
0x1ed: {  	v27 =	vmov v6;
	v24 =	vld.idx.msk [tilespmem:v8+s25+$0x0], $0xffff  }
0x1ee: {  	v6 =	vmul.f32 v20, v27;
	v29 =	vmov v20;
	v28 =	vor.u32 v1, v25  }
0x1ef: {  	v30 =	vor.u32 v3, v25;
	v21 =	vor.u32 v4, v25;
	v20 =	vor.u32 v2, v25  }
0x1f0: {  	v8 =	vor.u32 v5, v25;
	v25 =	vmul.f32 v27, v9;
	v10 =	vadd.f32 v6, v10  }
0x1f1: {  	v31 =	vmul.f32 v22, v9;
	v22 =	vmul.f32 v22, v27  }
0x1f2: {  	v11 =	vadd.f32 v25, v11;
	v25 =	vmul.f32 v23, v9;
	v23 =	vmul.f32 v23, v27  }
.Ltmp4:
0x1f3: {  	v12 =	vadd.f32 v31, v12;
	v31 =	vmul.f32 v26, v9;
	v26 =	vmul.f32 v26, v27;
	v6 =	vld.idx.msk [tilespmem:v28+s24+$0x0], $0xffff;
	(pc) =	sbr.rel @p0 .LBB2_10-.Ltmp4, $4  }
0x1f4: {  	v13 =	vadd.f32 v22, v13;
	v32 =	vmul.f32 v24, v9;
	v27 =	vmul.f32 v24, v27;
	v20 =	vld.idx.msk [tilespmem:v20+s25+$0x0], $0xffff  }
0x1f5: {  	v16 =	vadd.f32 v25, v16;
	v14 =	vadd.f32 v23, v14;
	v24 =	vmul.f32 v29, v9;
	v9 =	vld.idx.msk [tilespmem:v28+s23+$0x0], $0xffff  }
0x1f6: {  	v23 =	vmov s1;
	v18 =	vadd.f32 v31, v18;
	v15 =	vadd.f32 v26, v15;
	v22 =	vld.idx.msk [tilespmem:v28+s25+$0x0], $0xffff  }
0x1f7: {  	s1 =	sadd.s32 $0x1, s1;
	v25 =	vand.u32 $0x7F, v23;
	v19 =	vadd.f32 v32, v19;
	v17 =	vadd.f32 v27, v17;
	v23 =	vld.idx.msk [tilespmem:v30+s25+$0x0], $0xffff  }
0x1f8: {  	v25 =	vbroadcast v25, $0x0;
	_ =	sdelay $0x1  }
0x1f9: {  	v1 =	vor.u32 v1, v25  }
0x1fa: {  	v2 =	vor.u32 v2, v25  }
0x1fb: {  	v21 =	vld.idx.msk [tilespmem:v21+s25+$0x0], $0xffff  }
0x1fc: {  	v7 =	vadd.f32 v24, v7;
	v8 =	vld.idx.msk [tilespmem:v8+s25+$0x0], $0xffff  }
0x1fd: {  	v24 =	vmul.f32 v20, v6;
	v3 =	vor.u32 v3, v25;
	v26 =	vmul.f32 v6, v9  }
0x1fe: {  	v4 =	vor.u32 v4, v25;
	v5 =	vor.u32 v5, v25;
	v25 =	vmul.f32 v22, v9;
	v27 =	vld.idx.msk [tilespmem:v1+s24+$0x0], $0xffff  }
0x1ff: {  	v10 =	vadd.f32 v24, v10;
	v22 =	vmul.f32 v22, v6;
	v11 =	vadd.f32 v26, v11;
	v24 =	vld.idx.msk [tilespmem:v2+s25+$0x0], $0xffff  }
0x200: {  	v12 =	vadd.f32 v25, v12;
	v26 =	vmul.f32 v21, v9;
	v2 =	vmul.f32 v23, v9;
	v25 =	vld.idx.msk [tilespmem:v1+s23+$0x0], $0xffff  }
0x201: {  	v21 =	vmul.f32 v21, v6;
	v13 =	vadd.f32 v22, v13;
	v22 =	vld.idx.msk [tilespmem:v1+s25+$0x0], $0xffff;
	v1 =	vmul.f32 v8, v9  }
0x202: {  	s1 =	simm.s32 $0x0;
	v23 =	vmul.f32 v23, v6;
	v6 =	vmul.f32 v8, v6;
	v3 =	vld.idx.msk [tilespmem:v3+s25+$0x0], $0xffff;
	v8 =	vadd.f32 v2, v16  }
0x203: {  	v2 =	vmul.f32 v20, v9;
	v16 =	vadd.f32 v1, v19;
	v1 =	vmov s1  }
0x204: {  	v6 =	vadd.f32 v6, v17;
	v1 =	vand.u32 $0x7F, v1;
	v17 =	vmul.f32 v24, v27  }
0x205: {  	v4 =	vld.idx.msk [tilespmem:v4+s25+$0x0], $0xffff;
	v9 =	vadd.f32 v26, v18;
	v7 =	vadd.f32 v2, v7;
	v19 =	vbroadcast v1, $0x0  }
0x206: {  	v2 =	vld [tilespmem:$0x1CE40];
	v18 =	vmul.f32 v27, v25;
	v1 =	vadd.f32 v17, v10;
	v10 =	vmul.f32 v22, v25  }
0x207: {  	v15 =	vadd.f32 v21, v15;
	v5 =	vld.idx.msk [tilespmem:v5+s25+$0x0], $0xffff;
	v21 =	vmul.f32 v3, v27  }
0x208: {  	v32 =	vadd.f32 v18, v11;
	v11 =	vmul.f32 v3, v25;
	v18 =	vld [tilespmem:$0x1D2C0];
	v3 =	vadd.f32 v10, v12  }
0x209: {  	[tilespmem:$0x1F950] =	vst v1;
	v1 =	vld [tilespmem:$0x1D240]  }
0x20a: {  	[tilespmem:$0x1F990] =	vst v3;
	v3 =	vld [tilespmem:$0x1CF40]  }
0x20b: {  	[tilespmem:$0x1F940] =	vst v2;
	v2 =	vld [tilespmem:$0x1CEC0]  }
0x20c: {  	v14 =	vadd.f32 v23, v14  }
0x20d: {  	v17 =	vmul.f32 v22, v27;
	[tilespmem:$0x1F980] =	vst v18  }
0x20e: {  	v22 =	vmul.f32 v5, v27;
	v14 =	vadd.f32 v21, v14;
	v10 =	vmul.f32 v4, v25;
	[tilespmem:$0x1F960] =	vst v1  }
0x20f: {  	v12 =	vmul.f32 v4, v27;
	v4 =	vld [tilespmem:$0x1CFC0];
	v1 =	vor.u32 $0x2800, v0;
	[tilespmem:$0x1F9A0] =	vst v3;
	v3 =	vadd.f32 v17, v13  }
0x210: {  	v8 =	vadd.f32 v11, v8;
	[tilespmem:$0x1F970] =	vst v2;
	v2 =	vor.u32 $0x12800, v0;
	v20 =	vor.u32 v1, v19  }
0x211: {  	v18 =	vor.u32 v2, v19;
	v13 =	vmul.f32 v5, v25;
	v5 =	vor.u32 $0xE800, v0;
	[tilespmem:$0x1F9B0] =	vst v3;
	v3 =	vld [tilespmem:$0x1D340]  }
0x212: {  	[tilespmem:$0x1F9E0] =	vst v8;
	v8 =	vor.u32 v5, v19  }
0x213: {  	[tilespmem:$0x1F9F0] =	vst v14  }
0x214: {  	v14 =	vmul.f32 v24, v25;
	[tilespmem:$0x1F9D0] =	vst v4;
	v4 =	vor.u32 $0xA800, v0  }
0x215: {  	v9 =	vadd.f32 v10, v9;
	v23 =	vor.u32 v4, v19;
	v26 =	vld.idx.msk [tilespmem:v20+s24+$0x0], $0xffff  }
0x216: {  	v7 =	vadd.f32 v14, v7;
	v18 =	vld.idx.msk [tilespmem:v18+s25+$0x0], $0xffff;
	[tilespmem:$0x1F9C0] =	vst v3;
	v3 =	vor.u32 $0x6800, v0  }
0x217: {  	s0 =	simm.s32 $0x1;
	[tilespmem:$0x1FA00] =	vst v9;
	v9 =	vadd.f32 v12, v15;
	v14 =	vld.idx.msk [tilespmem:v8+s25+$0x0], $0xffff;
	v17 =	vor.u32 v3, v19  }
0x218: {  	v11 =	vmov s0;
	v8 =	vld [tilespmem:$0x1D3C0]  }
0x219: {  	v11 =	vand.u32 $0x7F, v11;
	[tilespmem:$0x1FA10] =	vst v9;
	v9 =	vld.idx.msk [tilespmem:v20+s25+$0x0], $0xffff  }
0x21a: {  	v6 =	vadd.f32 v22, v6;
	v10 =	vbroadcast v11, $0x0;
	v11 =	vadd.f32 v13, v16;
	v13 =	vld.idx.msk [tilespmem:v23+s25+$0x0], $0xffff  }
0x21b: {  	v19 =	vld.idx.msk [tilespmem:v20+s23+$0x0], $0xffff  }
0x21c: {  	[tilespmem:$0x1FA30] =	vst v6;
	v15 =	vor.u32 v1, v10;
	v21 =	vor.u32 v4, v10;
	v6 =	vld.idx.msk [tilespmem:v17+s25+$0x0], $0xffff  }
0x21d: {  	v16 =	vor.u32 v2, v10;
	[tilespmem:$0x1FA50] =	vst v8;
	v8 =	vor.u32 v5, v10;
	v17 =	vor.u32 v3, v10;
	v10 =	vld [tilespmem:$0x1D040];
	_ =	sdelay $0x2  }
0x21e: {  	[tilespmem:$0x1FA20] =	vst v11;
	v11 =	vmul.f32 v18, v26  }
0x21f: {  	[tilespmem:$0x1FA40] =	vst v7;
	v7 =	vimm.f32 $0.0e+00;
	v27 =	vmul.f32 v13, v26;
	v20 =	vmul.f32 v9, v19  }
0x220: {  	v9 =	vmul.f32 v9, v26;
	v25 =	vmul.f32 v13, v19;
	[tilespmem:$0x1FA60] =	vst v10;
	v10 =	vadd.f32 v11, v7;
	v11 =	vld [tilespmem:$0x1D440]  }
0x221: {  	v12 =	vmul.f32 v26, v19;
	v28 =	vmul.f32 v14, v19  }
0x222: {  	v30 =	vld [tilespmem:$0x1CDC0];
	s0 =	simm.s32 $0x2;
	v24 =	vmul.f32 v18, v19;
	v13 =	vadd.f32 v9, v7;
	v18 =	vadd.f32 v25, v7  }
0x223: {  	v9 =	vld.idx.msk [tilespmem:v15+s23+$0x0], $0xffff;
	v22 =	vmul.f32 v6, v19;
	v23 =	vmul.f32 v6, v26;
	v19 =	vmov s0  }
0x224: {  	v6 =	vld.idx.msk [tilespmem:v15+s24+$0x0], $0xffff;
	v26 =	vmul.f32 v14, v26;
	v25 =	vand.u32 $0x7F, v19;
	v19 =	vadd.f32 v28, v7  }
0x225: {  	[tilespmem:$0x1FA70] =	vst v11;
	v11 =	vadd.f32 v12, v7;
	v12 =	vadd.f32 v20, v7;
	v20 =	vld.idx.msk [tilespmem:v16+s25+$0x0], $0xffff  }
0x226: {  	v14 =	vadd.f32 v23, v7;
	v23 =	vld.idx.msk [tilespmem:v17+s25+$0x0], $0xffff;
	v17 =	vadd.f32 v26, v7  }
0x227: {  	s1 =	simm.s32 $0x3;
	v16 =	vadd.f32 v22, v7;
	v22 =	vld.idx.msk [tilespmem:v15+s25+$0x0], $0xffff;
	v15 =	vadd.f32 v27, v7  }
.LBB2_12:
0x228: {  	p0 =	sne.s32 s1, $0x7F;
	v25 =	vbroadcast v25, $0x0;
	v26 =	vld.idx.msk [tilespmem:v21+s25+$0x0], $0xffff;
	v7 =	vadd.f32 v24, v7  }
0x229: {  	v27 =	vmov v6;
	v24 =	vld.idx.msk [tilespmem:v8+s25+$0x0], $0xffff  }
0x22a: {  	v6 =	vmul.f32 v20, v27;
	v29 =	vmov v20;
	v28 =	vor.u32 v1, v25  }
0x22b: {  	v31 =	vor.u32 v3, v25;
	v21 =	vor.u32 v4, v25;
	v20 =	vor.u32 v2, v25  }
0x22c: {  	v8 =	vor.u32 v5, v25;
	v25 =	vmul.f32 v27, v9;
	v10 =	vadd.f32 v6, v10  }
0x22d: {  	v33 =	vmul.f32 v22, v9;
	v22 =	vmul.f32 v22, v27  }
0x22e: {  	v11 =	vadd.f32 v25, v11;
	v25 =	vmul.f32 v23, v9;
	v23 =	vmul.f32 v23, v27  }
.Ltmp5:
0x22f: {  	v12 =	vadd.f32 v33, v12;
	v33 =	vmul.f32 v26, v9;
	v26 =	vmul.f32 v26, v27;
	v6 =	vld.idx.msk [tilespmem:v28+s24+$0x0], $0xffff;
	(pc) =	sbr.rel @p0 .LBB2_12-.Ltmp5, $4  }
0x230: {  	v13 =	vadd.f32 v22, v13;
	v34 =	vmul.f32 v24, v9;
	v27 =	vmul.f32 v24, v27;
	v20 =	vld.idx.msk [tilespmem:v20+s25+$0x0], $0xffff  }
0x231: {  	v16 =	vadd.f32 v25, v16;
	v14 =	vadd.f32 v23, v14;
	v24 =	vmul.f32 v29, v9;
	v9 =	vld.idx.msk [tilespmem:v28+s23+$0x0], $0xffff  }
0x232: {  	v23 =	vmov s1;
	v18 =	vadd.f32 v33, v18;
	v15 =	vadd.f32 v26, v15;
	v22 =	vld.idx.msk [tilespmem:v28+s25+$0x0], $0xffff  }
0x233: {  	s1 =	sadd.s32 $0x1, s1;
	v25 =	vand.u32 $0x7F, v23;
	v19 =	vadd.f32 v34, v19;
	v17 =	vadd.f32 v27, v17;
	v23 =	vld.idx.msk [tilespmem:v31+s25+$0x0], $0xffff  }
0x234: {  	v25 =	vbroadcast v25, $0x0;
	_ =	sdelay $0x1  }
0x235: {  	v1 =	vor.u32 v1, v25  }
0x236: {  	v2 =	vor.u32 v2, v25;
	_ =	sdelay $0x1  }
0x237: {  	v21 =	vld.idx.msk [tilespmem:v21+s25+$0x0], $0xffff  }
0x238: {  	v7 =	vadd.f32 v24, v7;
	v8 =	vld.idx.msk [tilespmem:v8+s25+$0x0], $0xffff  }
0x239: {  	v24 =	vmul.f32 v20, v6;
	v3 =	vor.u32 v3, v25;
	v26 =	vmul.f32 v6, v9;
	v27 =	vld.idx.msk [tilespmem:v1+s24+$0x0], $0xffff  }
0x23a: {  	v4 =	vor.u32 v4, v25;
	v5 =	vor.u32 v5, v25;
	v25 =	vmul.f32 v22, v9;
	v2 =	vld.idx.msk [tilespmem:v2+s25+$0x0], $0xffff  }
0x23b: {  	v10 =	vadd.f32 v24, v10;
	v22 =	vmul.f32 v22, v6;
	v11 =	vadd.f32 v26, v11  }
0x23c: {  	v24 =	vmul.f32 v23, v9;
	v23 =	vmul.f32 v23, v6;
	v12 =	vadd.f32 v25, v12  }
0x23d: {  	v26 =	vmul.f32 v21, v9;
	v21 =	vmul.f32 v21, v6;
	v13 =	vadd.f32 v22, v13;
	v25 =	vld.idx.msk [tilespmem:v1+s23+$0x0], $0xffff  }
0x23e: {  	s1 =	simm.s32 $0x0;
	v22 =	vmul.f32 v8, v9;
	v6 =	vmul.f32 v8, v6;
	v8 =	vadd.f32 v24, v16;
	v1 =	vld.idx.msk [tilespmem:v1+s25+$0x0], $0xffff  }
0x23f: {  	v3 =	vld.idx.msk [tilespmem:v3+s25+$0x0], $0xffff;
	v21 =	vadd.f32 v21, v15;
	v15 =	vmov s1;
	v16 =	vmul.f32 v2, v27  }
0x240: {  	v9 =	vmul.f32 v20, v9;
	v15 =	vand.u32 $0x7F, v15  }
0x241: {  	v14 =	vadd.f32 v23, v14;
	v23 =	vbroadcast v15, $0x0;
	v15 =	vld [tilespmem:$0x1D250];
	v10 =	vadd.f32 v16, v10  }
0x242: {  	v7 =	vadd.f32 v9, v7;
	v9 =	vmul.f32 v27, v25  }
0x243: {  	v16 =	vld [tilespmem:$0x1CED0];
	[tilespmem:$0x1F860] =	vst v10;
	v10 =	vmul.f32 v1, v25  }
0x244: {  	v20 =	vadd.f32 v26, v18;
	v4 =	vld.idx.msk [tilespmem:v4+s25+$0x0], $0xffff;
	v26 =	vmul.f32 v3, v27;
	v56 =	vadd.f32 v9, v11  }
0x245: {  	v9 =	vmul.f32 v3, v25;
	v11 =	vld [tilespmem:$0x1D2D0];
	v1 =	vmul.f32 v1, v27;
	v3 =	vadd.f32 v10, v12  }
0x246: {  	v6 =	vadd.f32 v6, v17;
	v17 =	vld [tilespmem:$0x1CE50];
	[tilespmem:$0x1F870] =	vst v15  }
0x247: {  	v15 =	vor.u32 $0x3000, v0;
	v1 =	vadd.f32 v1, v13;
	[tilespmem:$0x1F8A0] =	vst v3;
	v3 =	vld [tilespmem:$0x1CF50]  }
0x248: {  	v5 =	vld.idx.msk [tilespmem:v5+s25+$0x0], $0xffff;
	v24 =	vor.u32 v15, v23;
	[tilespmem:$0x1F880] =	vst v16  }
0x249: {  	v16 =	vor.u32 $0x13000, v0;
	[tilespmem:$0x1F8C0] =	vst v1;
	v1 =	vld [tilespmem:$0x1D350]  }
0x24a: {  	v18 =	vor.u32 $0xB000, v0;
	[tilespmem:$0x1F890] =	vst v11;
	v11 =	vor.u32 v16, v23  }
0x24b: {  	v29 =	vor.u32 v18, v23;
	[tilespmem:$0x1F850] =	vst v17  }
0x24c: {  	v17 =	vor.u32 $0x7000, v0;
	[tilespmem:$0x1F8B0] =	vst v3;
	v3 =	vld [tilespmem:$0x1CFD0]  }
0x24d: {  	v22 =	vadd.f32 v22, v19;
	v13 =	vor.u32 v17, v23;
	v31 =	vld.idx.msk [tilespmem:v24+s24+$0x0], $0xffff  }
0x24e: {  	v19 =	vor.u32 $0xF000, v0;
	v28 =	vmul.f32 v4, v27;
	v36 =	vld.idx.msk [tilespmem:v24+s23+$0x0], $0xffff;
	[tilespmem:$0x1F8D0] =	vst v1;
	v1 =	vmul.f32 v5, v25  }
0x24f: {  	s0 =	simm.s32 $0x1;
	v27 =	vmul.f32 v5, v27;
	v12 =	vmul.f32 v4, v25;
	v10 =	vadd.f32 v26, v14;
	v33 =	vld.idx.msk [tilespmem:v11+s25+$0x0], $0xffff  }
0x250: {  	v14 =	vmul.f32 v2, v25;
	v5 =	vmov s0;
	v25 =	vld.idx.msk [tilespmem:v29+s25+$0x0], $0xffff;
	v1 =	vadd.f32 v1, v22  }
0x251: {  	v2 =	vand.u32 $0x7F, v5;
	[tilespmem:$0x1F8E0] =	vst v3;
	v3 =	vadd.f32 v9, v8;
	v8 =	vor.u32 v19, v23  }
0x252: {  	[tilespmem:$0x1F910] =	vst v1;
	v1 =	vadd.f32 v27, v6;
	v6 =	vld.idx.msk [tilespmem:v13+s25+$0x0], $0xffff;
	v23 =	vbroadcast v2, $0x0  }
0x253: {  	v11 =	vadd.f32 v12, v20;
	[tilespmem:$0x1F8F0] =	vst v3;
	v3 =	vadd.f32 v28, v21;
	v21 =	vld.idx.msk [tilespmem:v24+s25+$0x0], $0xffff  }
0x254: {  	v54 =	vld [tilespmem:$0x1CDD0];
	v20 =	vimm.f32 $0.0e+00;
	v13 =	vmul.f32 v33, v31;
	v28 =	vor.u32 v16, v23  }
0x255: {  	v12 =	vld [tilespmem:$0x1D3D0];
	v39 =	vmul.f32 v25, v36;
	v40 =	vmul.f32 v25, v31;
	[tilespmem:$0x1F920] =	vst v1;
	v27 =	vor.u32 v15, v23  }
0x256: {  	v1 =	vadd.f32 v14, v7;
	v29 =	vor.u32 v17, v23;
	v35 =	vor.u32 v18, v23;
	v26 =	vld.idx.msk [tilespmem:v8+s25+$0x0], $0xffff  }
0x257: {  	v14 =	vld [tilespmem:$0x1D050];
	v37 =	vmul.f32 v6, v36;
	v8 =	vor.u32 v19, v23;
	v23 =	vmul.f32 v31, v36  }
0x258: {  	v22 =	vadd.f32 v13, v20;
	v13 =	vld [tilespmem:$0x1D450];
	v24 =	vmul.f32 v21, v36;
	v21 =	vmul.f32 v21, v31  }
0x259: {  	s0 =	simm.s32 $0x2;
	v38 =	vmul.f32 v6, v31;
	v23 =	vadd.f32 v23, v20;
	v34 =	vld.idx.msk [tilespmem:v28+s25+$0x0], $0xffff;
	v28 =	vadd.f32 v37, v20  }
0x25a: {  	v63 =	vmov s0;
	[tilespmem:$0x1F930] =	vst v1;
	v6 =	vld.idx.msk [tilespmem:v27+s24+$0x0], $0xffff;
	v24 =	vadd.f32 v24, v20;
	v25 =	vadd.f32 v21, v20  }
0x25b: {  	v21 =	vld.idx.msk [tilespmem:v27+s23+$0x0], $0xffff;
	v41 =	vmul.f32 v26, v36;
	v42 =	vmul.f32 v26, v31;
	v26 =	vadd.f32 v38, v20  }
0x25c: {  	v38 =	vmul.f32 v33, v36;
	v36 =	vld.idx.msk [tilespmem:v27+s25+$0x0], $0xffff;
	v31 =	vadd.f32 v39, v20;
	v27 =	vadd.f32 v40, v20  }
0x25d: {  	s1 =	simm.s32 $0x3;
	[tilespmem:$0x1F900] =	vst v3;
	v37 =	vld.idx.msk [tilespmem:v29+s25+$0x0], $0xffff;
	v39 =	vand.u32 $0x7F, v63;
	v33 =	vadd.f32 v41, v20;
	v29 =	vadd.f32 v42, v20  }
.LBB2_14:
0x25e: {  	p0 =	sne.s32 s1, $0x7F;
	v39 =	vbroadcast v39, $0x0;
	v40 =	vld.idx.msk [tilespmem:v35+s25+$0x0], $0xffff;
	v20 =	vadd.f32 v38, v20  }
0x25f: {  	v41 =	vmov v6;
	v38 =	vld.idx.msk [tilespmem:v8+s25+$0x0], $0xffff  }
0x260: {  	v6 =	vmul.f32 v34, v41;
	v43 =	vmov v34;
	v42 =	vor.u32 v15, v39  }
0x261: {  	v44 =	vor.u32 v17, v39;
	v35 =	vor.u32 v18, v39;
	v34 =	vor.u32 v16, v39  }
0x262: {  	v8 =	vor.u32 v19, v39;
	v39 =	vmul.f32 v41, v21;
	v22 =	vadd.f32 v6, v22  }
0x263: {  	v45 =	vmul.f32 v36, v21;
	v36 =	vmul.f32 v36, v41  }
0x264: {  	v23 =	vadd.f32 v39, v23;
	v39 =	vmul.f32 v37, v21;
	v37 =	vmul.f32 v37, v41  }
.Ltmp6:
0x265: {  	v24 =	vadd.f32 v45, v24;
	v45 =	vmul.f32 v40, v21;
	v40 =	vmul.f32 v40, v41;
	v6 =	vld.idx.msk [tilespmem:v42+s24+$0x0], $0xffff;
	(pc) =	sbr.rel @p0 .LBB2_14-.Ltmp6, $4  }
0x266: {  	v25 =	vadd.f32 v36, v25;
	v46 =	vmul.f32 v38, v21;
	v41 =	vmul.f32 v38, v41;
	v34 =	vld.idx.msk [tilespmem:v34+s25+$0x0], $0xffff  }
0x267: {  	v28 =	vadd.f32 v39, v28;
	v26 =	vadd.f32 v37, v26;
	v38 =	vmul.f32 v43, v21;
	v21 =	vld.idx.msk [tilespmem:v42+s23+$0x0], $0xffff  }
0x268: {  	v37 =	vmov s1;
	v31 =	vadd.f32 v45, v31;
	v27 =	vadd.f32 v40, v27;
	v36 =	vld.idx.msk [tilespmem:v42+s25+$0x0], $0xffff  }
0x269: {  	s1 =	sadd.s32 $0x1, s1;
	v39 =	vand.u32 $0x7F, v37;
	v33 =	vadd.f32 v46, v33;
	v29 =	vadd.f32 v41, v29;
	v37 =	vld.idx.msk [tilespmem:v44+s25+$0x0], $0xffff  }
0x26a: {  	v39 =	vbroadcast v39, $0x0;
	_ =	sdelay $0x1  }
0x26b: {  	v15 =	vor.u32 v15, v39  }
0x26c: {  	v16 =	vor.u32 v16, v39;
	_ =	sdelay $0x1  }
0x26d: {  	v35 =	vld.idx.msk [tilespmem:v35+s25+$0x0], $0xffff;
	v20 =	vadd.f32 v38, v20  }
0x26e: {  	v8 =	vld.idx.msk [tilespmem:v8+s25+$0x0], $0xffff;
	v42 =	vor.u32 $0xB800, v0;
	v60 =	vmul.f32 v34, v6;
	v19 =	vor.u32 v19, v39  }
0x26f: {  	v17 =	vor.u32 v17, v39;
	v40 =	vmul.f32 v6, v21;
	v18 =	vor.u32 v18, v39;
	v43 =	vld.idx.msk [tilespmem:v15+s24+$0x0], $0xffff  }
0x270: {  	v39 =	vor.u32 $0x3800, v0;
	v61 =	vmul.f32 v36, v21;
	v22 =	vadd.f32 v60, v22;
	v63 =	vld.idx.msk [tilespmem:v16+s25+$0x0], $0xffff  }
0x271: {  	v62 =	vmul.f32 v36, v6;
	v23 =	vadd.f32 v40, v23;
	v53 =	vmul.f32 v37, v6;
	v44 =	vld.idx.msk [tilespmem:v15+s23+$0x0], $0xffff  }
0x272: {  	v41 =	vadd.f32 v61, v24;
	v24 =	vmul.f32 v35, v21;
	v16 =	vmul.f32 v37, v21;
	v55 =	vld.idx.msk [tilespmem:v15+s25+$0x0], $0xffff  }
0x273: {  	s1 =	simm.s32 $0x0;
	v35 =	vmul.f32 v35, v6;
	v25 =	vadd.f32 v62, v25;
	v6 =	vmul.f32 v8, v6;
	v58 =	vld.idx.msk [tilespmem:v19+s25+$0x0], $0xffff  }
0x274: {  	v15 =	vmul.f32 v8, v21;
	v8 =	vadd.f32 v16, v28;
	v28 =	vld.idx.msk [tilespmem:v17+s25+$0x0], $0xffff;
	v17 =	vmov s1  }
0x275: {  	v37 =	vadd.f32 v53, v26;
	v31 =	vadd.f32 v24, v31;
	v26 =	vld [tilespmem:$0x1CF60];
	v17 =	vand.u32 $0x7F, v17  }
0x276: {  	v6 =	vadd.f32 v6, v29;
	v16 =	vmul.f32 v34, v21;
	v21 =	vld.idx.msk [tilespmem:v18+s25+$0x0], $0xffff;
	v46 =	vbroadcast v17, $0x0  }
0x277: {  	v40 =	vor.u32 $0x13800, v0;
	v34 =	vadd.f32 v35, v27;
	v57 =	vadd.f32 v15, v33;
	v15 =	vld [tilespmem:$0x1CDE0]  }
0x278: {  	v18 =	vld [tilespmem:$0x1CE60];
	v45 =	vadd.f32 v16, v20;
	v19 =	vmul.f32 v63, v43;
	v59 =	vor.u32 v39, v46  }
0x279: {  	v35 =	vld [tilespmem:$0x1D060];
	v24 =	vmul.f32 v43, v44;
	v29 =	vmul.f32 v55, v43;
	v47 =	vor.u32 v40, v46  }
0x27a: {  	v20 =	vld [tilespmem:$0x1D260];
	v52 =	vmul.f32 v58, v43;
	v16 =	vadd.f32 v19, v22;
	v19 =	vmul.f32 v55, v44  }
0x27b: {  	v22 =	vld [tilespmem:$0x1CEE0];
	v17 =	vadd.f32 v24, v23;
	v23 =	vmul.f32 v28, v44;
	v28 =	vmul.f32 v28, v43  }
0x27c: {  	v53 =	vor.u32 v42, v46;
	v24 =	vld [tilespmem:$0x1D2E0];
	v48 =	vmul.f32 v21, v44;
	v49 =	vmul.f32 v21, v43  }
0x27d: {  	v43 =	vor.u32 $0xF800, v0;
	v27 =	vadd.f32 v19, v41;
	v41 =	vor.u32 $0x7800, v0;
	v55 =	vld.idx.msk [tilespmem:v59+s24+$0x0], $0xffff  }
0x27e: {  	s0 =	simm.s32 $0x1;
	v33 =	vadd.f32 v23, v8;
	v8 =	vor.u32 v43, v46;
	v51 =	vor.u32 v41, v46;
	v47 =	vld.idx.msk [tilespmem:v47+s25+$0x0], $0xffff  }
0x27f: {  	v23 =	vmov s0;
	v37 =	vadd.f32 v28, v37;
	v28 =	vmul.f32 v63, v44;
	v60 =	vld.idx.msk [tilespmem:v59+s23+$0x0], $0xffff  }
0x280: {  	v50 =	vmul.f32 v58, v44;
	v29 =	vadd.f32 v29, v25;
	v23 =	vand.u32 $0x7F, v23;
	v36 =	vld.idx.msk [tilespmem:v59+s25+$0x0], $0xffff  }
0x281: {  	v38 =	vadd.f32 v48, v31;
	v46 =	vbroadcast v23, $0x0;
	v28 =	vadd.f32 v28, v45;
	v45 =	vld.idx.msk [tilespmem:v53+s25+$0x0], $0xffff  }
0x282: {  	v21 =	vld [tilespmem:$0x1CFE0];
	v25 =	vadd.f32 v49, v34;
	v31 =	vadd.f32 v50, v57  }
0x283: {  	v44 =	vimm.f32 $0.0e+00;
	v23 =	vadd.f32 v52, v6;
	v50 =	vor.u32 v39, v46;
	v6 =	vld.idx.msk [tilespmem:v51+s25+$0x0], $0xffff  }
0x284: {  	v61 =	vor.u32 v41, v46;
	v49 =	vld.idx.msk [tilespmem:v8+s25+$0x0], $0xffff;
	v51 =	vor.u32 v40, v46;
	v8 =	vmul.f32 v47, v55  }
0x285: {  	v19 =	vld [tilespmem:$0x1D360];
	v59 =	vor.u32 v42, v46;
	v63 =	vmul.f32 v55, v60;
	v58 =	vmul.f32 v36, v60  }
0x286: {  	v34 =	vld [tilespmem:$0x1D3E0];
	v57 =	vor.u32 v43, v46;
	v53 =	vmul.f32 v36, v55;
	v3 =	vmul.f32 v45, v60  }
0x287: {  	v36 =	vld [tilespmem:$0x1D460];
	v4 =	vmul.f32 v45, v55;
	v46 =	vadd.f32 v8, v44;
	v48 =	vadd.f32 v63, v44  }
0x288: {  	v8 =	vld.idx.msk [tilespmem:v50+s24+$0x0], $0xffff;
	v52 =	vadd.f32 v58, v44;
	v62 =	vmul.f32 v6, v60;
	v63 =	vmul.f32 v6, v55  }
0x289: {  	v53 =	vadd.f32 v53, v44;
	v5 =	vmul.f32 v49, v60;
	v58 =	vld.idx.msk [tilespmem:v51+s25+$0x0], $0xffff;
	v51 =	vadd.f32 v4, v44  }
0x28a: {  	s0 =	simm.s32 $0x2;
	v45 =	vld.idx.msk [tilespmem:v50+s23+$0x0], $0xffff;
	v55 =	vmul.f32 v49, v55;
	v6 =	vadd.f32 v62, v44;
	v49 =	vadd.f32 v63, v44  }
0x28b: {  	v62 =	vmul.f32 v47, v60;
	v47 =	vmov s0;
	v60 =	vld.idx.msk [tilespmem:v50+s25+$0x0], $0xffff;
	v50 =	vadd.f32 v3, v44  }
0x28c: {  	s1 =	simm.s32 $0x3;
	v61 =	vld.idx.msk [tilespmem:v61+s25+$0x0], $0xffff;
	v55 =	vadd.f32 v55, v44;
	v63 =	vand.u32 $0x7F, v47;
	v47 =	vadd.f32 v5, v44  }
.LBB2_16:
0x28d: {  	p0 =	sne.s32 s1, $0x7F;
	v3 =	vbroadcast v63, $0x0;
	v4 =	vld.idx.msk [tilespmem:v59+s25+$0x0], $0xffff;
	v44 =	vadd.f32 v62, v44  }
0x28e: {  	v62 =	vmov v8;
	v5 =	vld.idx.msk [tilespmem:v57+s25+$0x0], $0xffff  }
0x28f: {  	v8 =	vmul.f32 v58, v62;
	v1 =	vmov v58;
	v63 =	vor.u32 v39, v3  }
0x290: {  	v2 =	vor.u32 v41, v3;
	v59 =	vor.u32 v42, v3;
	v58 =	vor.u32 v40, v3  }
0x291: {  	v57 =	vor.u32 v43, v3;
	v3 =	vmul.f32 v62, v45;
	v46 =	vadd.f32 v8, v46  }
0x292: {  	v7 =	vmul.f32 v60, v45;
	v60 =	vmul.f32 v60, v62  }
0x293: {  	v48 =	vadd.f32 v3, v48;
	v3 =	vmul.f32 v61, v45;
	v61 =	vmul.f32 v61, v62  }
.Ltmp7:
0x294: {  	v52 =	vadd.f32 v7, v52;
	v7 =	vmul.f32 v4, v45;
	v4 =	vmul.f32 v4, v62;
	v8 =	vld.idx.msk [tilespmem:v63+s24+$0x0], $0xffff;
	(pc) =	sbr.rel @p0 .LBB2_16-.Ltmp7, $4  }
0x295: {  	v53 =	vadd.f32 v60, v53;
	v9 =	vmul.f32 v5, v45;
	v5 =	vmul.f32 v5, v62;
	v58 =	vld.idx.msk [tilespmem:v58+s25+$0x0], $0xffff  }
0x296: {  	v6 =	vadd.f32 v3, v6;
	v49 =	vadd.f32 v61, v49;
	v62 =	vmul.f32 v1, v45;
	v45 =	vld.idx.msk [tilespmem:v63+s23+$0x0], $0xffff  }
0x297: {  	v1 =	vmov s1;
	v50 =	vadd.f32 v7, v50;
	v51 =	vadd.f32 v4, v51;
	v60 =	vld.idx.msk [tilespmem:v63+s25+$0x0], $0xffff  }
0x298: {  	s1 =	sadd.s32 $0x1, s1;
	v47 =	vadd.f32 v9, v47;
	v55 =	vadd.f32 v5, v55;
	v63 =	vand.u32 $0x7F, v1;
	v61 =	vld.idx.msk [tilespmem:v2+s25+$0x0], $0xffff  }
0x299: {  	v1 =	vbroadcast v63, $0x0;
	_ =	sdelay $0x1  }
0x29a: {  	v2 =	vor.u32 v40, v1  }
0x29b: {  	v3 =	vor.u32 v39, v1;
	_ =	sdelay $0x1  }
0x29c: {  	v4 =	vld.idx.msk [tilespmem:v59+s25+$0x0], $0xffff  }
0x29d: {  	v7 =	vld.idx.msk [tilespmem:v57+s25+$0x0], $0xffff;
	v9 =	vor.u32 v41, v1  }
0x29e: {  	v5 =	vadd.f32 v62, v44;
	v40 =	vor.u32 v42, v1;
	v62 =	vmul.f32 v60, v45;
	v2 =	vld.idx.msk [tilespmem:v2+s25+$0x0], $0xffff  }
0x29f: {  	v59 =	vmul.f32 v58, v8;
	v57 =	vld.idx.msk [tilespmem:v3+s24+$0x0], $0xffff  }
0x2a0: {  	v41 =	vmul.f32 v8, v45;
	v63 =	vmul.f32 v60, v8;
	v42 =	vadd.f32 v62, v52;
	v52 =	vld.idx.msk [tilespmem:v3+s23+$0x0], $0xffff  }
0x2a1: {  	v1 =	vor.u32 v43, v1;
	v60 =	vmul.f32 v61, v45;
	v61 =	vmul.f32 v61, v8;
	v3 =	vld.idx.msk [tilespmem:v3+s25+$0x0], $0xffff  }
0x2a2: {  	v43 =	vadd.f32 v63, v53;
	v63 =	vmul.f32 v7, v8;
	v7 =	vmul.f32 v7, v45;
	v9 =	vld.idx.msk [tilespmem:v9+s25+$0x0], $0xffff  }
0x2a3: {  	v39 =	vadd.f32 v59, v46;
	v62 =	vmul.f32 v4, v45;
	v53 =	vmul.f32 v58, v45;
	v58 =	vld.idx.msk [tilespmem:v40+s25+$0x0], $0xffff  }
0x2a4: {  	v41 =	vadd.f32 v41, v48;
	v4 =	vmul.f32 v4, v8;
	v7 =	vadd.f32 v7, v47;
	v47 =	vld [tilespmem:$0x1FF60]  }
0x2a5: {  	v46 =	vadd.f32 v61, v49;
	v48 =	vadd.f32 v62, v50;
	v50 =	vld [tilespmem:$0x1FF30]  }
0x2a6: {  	v4 =	vadd.f32 v4, v51;
	v51 =	vld [tilespmem:$0x1FF00];
	v61 =	vmul.f32 v3, v52;
	v3 =	vmul.f32 v3, v57  }
0x2a7: {  	v5 =	vadd.f32 v53, v5;
	v53 =	vld [tilespmem:$0x1FF70];
	v62 =	vmul.f32 v9, v52;
	v9 =	vmul.f32 v9, v57  }
0x2a8: {  	v8 =	vadd.f32 v63, v55;
	v63 =	vmul.f32 v58, v52;
	v55 =	vmul.f32 v58, v57;
	v58 =	vld [tilespmem:$0x1FF20]  }
0x2a9: {  	v6 =	vadd.f32 v60, v6;
	v44 =	vadd.f32 v3, v43;
	v3 =	vld [tilespmem:$0x1FEB0]  }
0x2aa: {  	v60 =	vmul.f32 v57, v52;
	v45 =	vadd.f32 v61, v42;
	v42 =	vadd.f32 v9, v46;
	v9 =	vld [tilespmem:$0x1FF10]  }
0x2ab: {  	v59 =	vmul.f32 v2, v57;
	v46 =	vld [tilespmem:$0x1FEE0]  }
0x2ac: {  	v40 =	vadd.f32 v60, v41;
	v41 =	vadd.f32 v63, v48;
	v48 =	vld [tilespmem:$0x1FED0]  }
0x2ad: {  	v39 =	vadd.f32 v59, v39;
	v59 =	vld [tilespmem:$0x1FF80]  }
0x2ae: {  	v60 =	vld [tilespmem:$0x1FF40]  }
0x2af: {  	v61 =	vld [tilespmem:$0x1FF90];
	_ =	sdelay $0x1  }
0x2b0: {  	v1 =	vld.idx.msk [tilespmem:v1+s25+$0x0], $0xffff;
	v43 =	vadd.f32 v62, v6;
	v3 =	vsub.f32 v9, v3  }
0x2b1: {  	v9 =	vsub.f32 v50, v48;
	v48 =	vsub.f32 v59, v58;
	v58 =	vld [tilespmem:$0x1FF50]  }
0x2b2: {  	v2 =	vmul.f32 v2, v52;
	v6 =	vsub.f32 v47, v46;
	v46 =	vsub.f32 v53, v51;
	v59 =	vld [tilespmem:$0x1FFA0]  }
0x2b3: {  	v49 =	vsub.f32 v61, v60;
	v60 =	vld [tilespmem:$0x1FFB0];
	v3 =	vmul.f32 v3, v3  }
0x2b4: {  	v61 =	vld [tilespmem:$0x1FFD0];
	v50 =	vadd.f32 v2, v5;
	v9 =	vmul.f32 v9, v9;
	v62 =	vmul.f32 v46, v46  }
0x2b5: {  	v2 =	vld [tilespmem:$0x1FD80];
	v6 =	vmul.f32 v6, v6;
	v46 =	vadd.f32 v55, v4;
	v55 =	vmul.f32 v49, v49  }
0x2b6: {  	v63 =	vadd.f32 v62, v9;
	v62 =	vmul.f32 v1, v52;
	v1 =	vmul.f32 v1, v57;
	v57 =	vld [tilespmem:$0x1FEC0]  }
0x2b7: {  	v53 =	vmul.f32 v48, v48;
	v3 =	vadd.f32 v6, v3;
	v52 =	vld [tilespmem:$0x1FE00]  }
0x2b8: {  	v4 =	vadd.f32 v55, v63;
	v63 =	vld [tilespmem:$0x1FFC0]  }
0x2b9: {  	v3 =	vadd.f32 v53, v3;
	v53 =	vld [tilespmem:$0x1FFE0]  }
0x2ba: {  	v47 =	vsub.f32 v59, v58;
	v58 =	vld [tilespmem:$0x1FFF0]  }
0x2bb: {  	v48 =	vsub.f32 v60, v61;
	v60 =	vld [tilespmem:$0x1FD50]  }
0x2bc: {  	v61 =	vld [tilespmem:$0x1FDB0]  }
0x2bd: {  	v55 =	vmul.f32 v48, v48;
	v48 =	vadd.f32 v62, v7;
	v62 =	vld [tilespmem:$0x1FD70]  }
0x2be: {  	v9 =	vsub.f32 v63, v53;
	v63 =	vld [tilespmem:$0x1FDD0]  }
0x2bf: {  	v47 =	vmul.f32 v47, v47;
	v4 =	vadd.f32 v55, v4;
	v55 =	vld [tilespmem:$0x1FE10]  }
0x2c0: {  	v6 =	vsub.f32 v57, v58;
	v53 =	vld [tilespmem:$0x1FDA0]  }
0x2c1: {  	v3 =	vadd.f32 v47, v3;
	v59 =	vmul.f32 v9, v9;
	v9 =	vsub.f32 v61, v60  }
0x2c2: {  	v49 =	vadd.f32 v1, v8;
	v2 =	vsub.f32 v52, v2;
	v6 =	vmul.f32 v6, v6  }
0x2c3: {  	v1 =	vadd.f32 v59, v3;
	v9 =	vmul.f32 v9, v9;
	v47 =	vsub.f32 v63, v62  }
0x2c4: {  	v51 =	vld [tilespmem:$0x1FDF0];
	v2 =	vmul.f32 v2, v2;
	v3 =	vadd.f32 v6, v4  }
0x2c5: {  	v57 =	vld [tilespmem:$0x1FDC0];
	v4 =	vsub.f32 v55, v53;
	v1 =	vadd.f32 v9, v1;
	v47 =	vmul.f32 v47, v47  }
0x2c6: {  	v58 =	vld [tilespmem:$0x1FE20]  }
0x2c7: {  	v59 =	vld [tilespmem:$0x1FEF0];
	v1 =	vadd.f32 v2, v1;
	v2 =	vmul.f32 v4, v4;
	v3 =	vadd.f32 v47, v3  }
0x2c8: {  	v47 =	vld [tilespmem:$0x1FE30]  }
0x2c9: {  	v2 =	vadd.f32 v2, v3;
	v3 =	vld [tilespmem:$0x1FDE0]  }
0x2ca: {  	v61 =	vld [tilespmem:$0x1FD90]  }
0x2cb: {  	v52 =	vld [tilespmem:$0x1FE40]  }
0x2cc: {  	v5 =	vsub.f32 v58, v57;
	v57 =	vld [tilespmem:$0x1FEA0]  }
0x2cd: {  	v53 =	vld [tilespmem:$0x1FE50]  }
0x2ce: {  	v55 =	vld [tilespmem:$0x1FE70];
	v7 =	vadd.f32 $0.0e+00, v59;
	v3 =	vsub.f32 v47, v3  }
0x2cf: {  	v62 =	vmul.f32 v61, v61;
	v60 =	vmul.f32 v59, v59;
	v59 =	vld [tilespmem:$0x1FE60]  }
0x2d0: {  	v6 =	vadd.f32 v61, v7;
	v61 =	vld [tilespmem:$0x1FD40];
	v3 =	vmul.f32 v3, v3  }
0x2d1: {  	v63 =	vmul.f32 v5, v5;
	v5 =	vadd.f32 v62, v60;
	v62 =	vld [tilespmem:$0x1FE90]  }
0x2d2: {  	v2 =	vadd.f32 v3, v2;
	v3 =	vld [tilespmem:$0x1FD60]  }
0x2d3: {  	v60 =	vld [tilespmem:$0x1FE80]  }
0x2d4: {  	v7 =	vsub.f32 v53, v55;
	_ =	sdelay $0x1  }
0x2d5: {  	v4 =	vsub.f32 v52, v51;
	v7 =	vmul.f32 v7, v7  }
0x2d6: {  	v47 =	vmul.f32 v57, v57;
	v51 =	vmul.f32 v61, v61;
	v3 =	vsub.f32 v3, v62  }
0x2d7: {  	v52 =	vld [tilespmem:$0x1FC50];
	v1 =	vadd.f32 v63, v1;
	v4 =	vmul.f32 v4, v4;
	v9 =	vsub.f32 v59, v60  }
0x2d8: {  	v47 =	vadd.f32 v51, v47;
	v51 =	vld [tilespmem:$0x1FBF0];
	v2 =	vadd.f32 v7, v2;
	v3 =	vmul.f32 v3, v3  }
0x2d9: {  	v58 =	vadd.f32 $0.0e+00, v57;
	v1 =	vadd.f32 v4, v1;
	v57 =	vld [tilespmem:$0x1FCA0];
	v63 =	vmul.f32 v9, v9  }
0x2da: {  	v2 =	vadd.f32 v3, v2;
	v3 =	vld [tilespmem:$0x1FC20]  }
0x2db: {  	v1 =	vadd.f32 v63, v1;
	v63 =	vld [tilespmem:$0x1FCC0]  }
0x2dc: {  	v62 =	vld [tilespmem:$0x1FC60]  }
0x2dd: {  	v7 =	vsub.f32 v52, v51  }
0x2de: {  	v53 =	vld [tilespmem:$0x1FC10]  }
0x2df: {  	v55 =	vld [tilespmem:$0x1FC70];
	v7 =	vmul.f32 v7, v7;
	v3 =	vsub.f32 v57, v3  }
0x2e0: {  	v8 =	vadd.f32 v61, v58;
	v58 =	vld [tilespmem:$0x1FC40]  }
0x2e1: {  	v59 =	vld [tilespmem:$0x1FCB0];
	v1 =	vadd.f32 v7, v1;
	v7 =	vsub.f32 v63, v62;
	v3 =	vmul.f32 v3, v3  }
0x2e2: {  	v60 =	vld [tilespmem:$0x1FC30]  }
0x2e3: {  	v1 =	vadd.f32 v3, v1;
	v3 =	vmul.f32 v7, v7  }
0x2e4: {  	v4 =	vsub.f32 v55, v53;
	v55 =	vld [tilespmem:$0x1FCE0]  }
0x2e5: {  	v1 =	vadd.f32 v3, v1;
	v3 =	vld [tilespmem:$0x1FC90]  }
0x2e6: {  	v9 =	vsub.f32 v59, v58;
	v59 =	vld [tilespmem:$0x1FD00]  }
0x2e7: {  	v61 =	vmul.f32 v60, v60;
	v6 =	vadd.f32 v60, v6;
	v60 =	vld [tilespmem:$0x1FD20]  }
0x2e8: {  	v53 =	vld [tilespmem:$0x1FCD0]  }
0x2e9: {  	v58 =	vld [tilespmem:$0x1FD10]  }
0x2ea: {  	v52 =	vld [tilespmem:$0x1FC80];
	v3 =	vsub.f32 v55, v3  }
0x2eb: {  	v5 =	vadd.f32 v61, v5;
	v61 =	vld [tilespmem:$0x1FBE0]  }
0x2ec: {  	v51 =	vmul.f32 v9, v9;
	v9 =	vsub.f32 v59, v60;
	v57 =	vld [tilespmem:$0x1FCF0];
	v3 =	vmul.f32 v3, v3  }
0x2ed: {  	v4 =	vmul.f32 v4, v4;
	v62 =	vld [tilespmem:$0x1FC00]  }
0x2ee: {  	v63 =	vld [tilespmem:$0x1FD30];
	v1 =	vadd.f32 v3, v1;
	v3 =	vmul.f32 v9, v9  }
0x2ef: {  	v2 =	vadd.f32 v4, v2;
	v4 =	vsub.f32 v53, v52;
	v53 =	vld [tilespmem:$0x1FB10]  }
0x2f0: {  	v1 =	vadd.f32 v3, v1;
	v3 =	vld [tilespmem:$0x1FAB0]  }
0x2f1: {  	v59 =	vld [tilespmem:$0x1FB50];
	v2 =	vadd.f32 v51, v2;
	v4 =	vmul.f32 v4, v4;
	v7 =	vsub.f32 v57, v58  }
0x2f2: {  	v58 =	vld [tilespmem:$0x1FAE0]  }
0x2f3: {  	v2 =	vadd.f32 v4, v2;
	v4 =	vsub.f32 v62, v63;
	v7 =	vmul.f32 v7, v7;
	_ =	sdelay $0x1  }
0x2f4: {  	v4 =	vmul.f32 v4, v4;
	v2 =	vadd.f32 v7, v2;
	v3 =	vsub.f32 v53, v3  }
0x2f5: {  	v51 =	vmul.f32 v61, v61  }
0x2f6: {  	v2 =	vadd.f32 v4, v2;
	v9 =	vsub.f32 v59, v58;
	v3 =	vmul.f32 v3, v3  }
0x2f7: {  	v52 =	vld [tilespmem:$0x1FAF0]  }
0x2f8: {  	v47 =	vadd.f32 v51, v47;
	v51 =	vld [tilespmem:$0x1FA90];
	v2 =	vadd.f32 v3, v2;
	v3 =	vmul.f32 v9, v9  }
0x2f9: {  	v53 =	vld [tilespmem:$0x1FB70]  }
0x2fa: {  	v2 =	vadd.f32 v3, v2;
	v3 =	vld [tilespmem:$0x1FB20]  }
0x2fb: {  	v62 =	vld [tilespmem:$0x1FB00]  }
0x2fc: {  	v63 =	vld [tilespmem:$0x1FB60]  }
0x2fd: {  	v57 =	vld [tilespmem:$0x1FB40]  }
0x2fe: {  	v7 =	vsub.f32 v52, v51;
	v55 =	vld [tilespmem:$0x1FAC0]  }
0x2ff: {  	v60 =	vld [tilespmem:$0x1FAD0];
	v3 =	vsub.f32 v53, v3  }
0x300: {  	v7 =	vmul.f32 v7, v7;
	v58 =	vld [tilespmem:$0x1FB90]  }
0x301: {  	v59 =	vld [tilespmem:$0x1FBB0];
	v3 =	vmul.f32 v3, v3  }
0x302: {  	v1 =	vadd.f32 v7, v1;
	v7 =	vsub.f32 v63, v62;
	v63 =	vld [tilespmem:$0x1FBD0]  }
0x303: {  	v4 =	vsub.f32 v57, v55;
	v2 =	vadd.f32 v3, v2;
	v3 =	vld [tilespmem:$0x1FAA0]  }
0x304: {  	v55 =	vld [tilespmem:$0x1FB30]  }
0x305: {  	v8 =	vadd.f32 v61, v8;
	v61 =	vmul.f32 v60, v60;
	v57 =	vld [tilespmem:$0x1FB80];
	v4 =	vmul.f32 v4, v4  }
0x306: {  	v6 =	vadd.f32 v60, v6;
	v60 =	vld [tilespmem:$0x1FBA0];
	v52 =	vmul.f32 v7, v7;
	v7 =	vsub.f32 v58, v59  }
0x307: {  	v5 =	vadd.f32 v61, v5;
	v61 =	vld [tilespmem:$0x1FBC0];
	v1 =	vadd.f32 v4, v1  }
0x308: {  	v62 =	vld [tilespmem:$0x1FA80];
	v7 =	vmul.f32 v7, v7;
	v3 =	vsub.f32 v3, v63  }
0x309: {  	v1 =	vadd.f32 v52, v1;
	v52 =	vld [tilespmem:$0x1F940]  }
0x30a: {  	v4 =	vsub.f32 v57, v55;
	v53 =	vld [tilespmem:$0x1F990];
	v2 =	vadd.f32 v7, v2;
	v3 =	vmul.f32 v3, v3  }
0x30b: {  	v58 =	vld [tilespmem:$0x1F9E0]  }
0x30c: {  	v4 =	vmul.f32 v4, v4;
	v2 =	vadd.f32 v3, v2;
	v3 =	vld [tilespmem:$0x1F970]  }
0x30d: {  	v8 =	vadd.f32 v62, v8;
	v51 =	vmul.f32 v62, v62;
	v62 =	vld [tilespmem:$0x1F9A0];
	v9 =	vsub.f32 v60, v61  }
0x30e: {  	v1 =	vadd.f32 v4, v1;
	v63 =	vld [tilespmem:$0x1FA00]  }
0x30f: {  	v47 =	vadd.f32 v51, v47;
	v51 =	vmul.f32 v9, v9;
	v7 =	vsub.f32 v53, v52;
	_ =	sdelay $0x1  }
0x310: {  	v1 =	vadd.f32 v51, v1;
	v7 =	vmul.f32 v7, v7;
	v3 =	vsub.f32 v58, v3  }
0x311: {  	v55 =	vld [tilespmem:$0x1F960]  }
0x312: {  	v57 =	vld [tilespmem:$0x1F9B0];
	v1 =	vadd.f32 v7, v1;
	v7 =	vsub.f32 v63, v62;
	v3 =	vmul.f32 v3, v3  }
0x313: {  	v59 =	vld [tilespmem:$0x1F980]  }
0x314: {  	v60 =	vld [tilespmem:$0x1F9F0];
	v1 =	vadd.f32 v3, v1;
	v3 =	vmul.f32 v7, v7  }
0x315: {  	v52 =	vld [tilespmem:$0x1FA20]  }
0x316: {  	v1 =	vadd.f32 v3, v1;
	v3 =	vld [tilespmem:$0x1F9D0]  }
0x317: {  	v4 =	vsub.f32 v57, v55;
	v57 =	vld [tilespmem:$0x1FA40]  }
0x318: {  	v58 =	vld [tilespmem:$0x1FA60]  }
0x319: {  	v4 =	vmul.f32 v4, v4;
	v9 =	vsub.f32 v60, v59  }
0x31a: {  	v6 =	vadd.f32 v32, v6;
	v61 =	vmul.f32 v32, v32;
	v32 =	vld [tilespmem:$0x1F9C0]  }
0x31b: {  	v51 =	vld [tilespmem:$0x1FA10];
	v9 =	vmul.f32 v9, v9;
	v2 =	vadd.f32 v4, v2;
	v3 =	vsub.f32 v52, v3  }
0x31c: {  	v55 =	vld [tilespmem:$0x1FA50]  }
0x31d: {  	v53 =	vld [tilespmem:$0x1FA30];
	v2 =	vadd.f32 v9, v2;
	v9 =	vsub.f32 v57, v58;
	v3 =	vmul.f32 v3, v3  }
0x31e: {  	v5 =	vadd.f32 v61, v5;
	v61 =	vld [tilespmem:$0x1FA70]  }
0x31f: {  	v60 =	vld [tilespmem:$0x1F950];
	v1 =	vadd.f32 v3, v1;
	v3 =	vmul.f32 v9, v9  }
0x320: {  	v4 =	vsub.f32 v51, v32;
	v32 =	vld [tilespmem:$0x1F8C0]  }
0x321: {  	v1 =	vadd.f32 v3, v1;
	v3 =	vld [tilespmem:$0x1F870]  }
0x322: {  	v4 =	vmul.f32 v4, v4;
	v7 =	vsub.f32 v53, v55  }
0x323: {  	v52 =	vld [tilespmem:$0x1F890]  }
0x324: {  	v2 =	vadd.f32 v4, v2;
	v4 =	vsub.f32 v60, v61;
	v7 =	vmul.f32 v7, v7;
	_ =	sdelay $0x1  }
0x325: {  	v4 =	vmul.f32 v4, v4;
	v2 =	vadd.f32 v7, v2;
	v3 =	vsub.f32 v32, v3;
	_ =	sdelay $0x1  }
0x326: {  	v2 =	vadd.f32 v4, v2;
	v9 =	vsub.f32 v10, v52;
	v3 =	vmul.f32 v3, v3  }
0x327: {  	v62 =	vld [tilespmem:$0x1F850]  }
0x328: {  	v63 =	vld [tilespmem:$0x1F8A0];
	v2 =	vadd.f32 v3, v2;
	v3 =	vmul.f32 v9, v9  }
0x329: {  	v59 =	vmul.f32 v30, v30;
	v58 =	vld [tilespmem:$0x1F900]  }
0x32a: {  	v2 =	vadd.f32 v3, v2;
	v3 =	vld [tilespmem:$0x1F8D0]  }
0x32b: {  	v8 =	vadd.f32 v30, v8;
	v30 =	vadd.f32 v59, v47;
	v47 =	vld [tilespmem:$0x1F880]  }
0x32c: {  	v51 =	vld [tilespmem:$0x1F8F0];
	_ =	sdelay $0x1  }
0x32d: {  	v55 =	vld [tilespmem:$0x1F8B0];
	v7 =	vsub.f32 v63, v62  }
0x32e: {  	v6 =	vadd.f32 v56, v6;
	v59 =	vld [tilespmem:$0x1F8E0];
	v3 =	vsub.f32 v58, v3  }
0x32f: {  	v28 =	vsub.f32 v28, v35;
	v60 =	vld [tilespmem:$0x1F910];
	v7 =	vmul.f32 v7, v7  }
0x330: {  	v6 =	vadd.f32 v17, v6;
	v61 =	vld [tilespmem:$0x1F920];
	v4 =	vsub.f32 v51, v47;
	v3 =	vmul.f32 v3, v3  }
0x331: {  	v8 =	vadd.f32 v54, v8;
	v62 =	vld [tilespmem:$0x1F930];
	v1 =	vadd.f32 v7, v1  }
0x332: {  	v4 =	vmul.f32 v4, v4;
	v7 =	vsub.f32 v11, v55;
	v2 =	vadd.f32 v3, v2;
	v3 =	vld [tilespmem:$0x1F860]  }
0x333: {  	v6 =	vadd.f32 v40, v6;
	v8 =	vadd.f32 v15, v8;
	v53 =	vmul.f32 v56, v56  }
0x334: {  	v1 =	vadd.f32 v4, v1;
	v57 =	vmul.f32 v7, v7;
	v4 =	vsub.f32 v60, v59  }
0x335: {  	v5 =	vadd.f32 v53, v5;
	v63 =	vmul.f32 v54, v54;
	v7 =	vsub.f32 v61, v12  }
0x336: {  	v1 =	vadd.f32 v57, v1;
	v4 =	vmul.f32 v4, v4;
	v9 =	vsub.f32 v62, v14  }
0x337: {  	v10 =	vadd.f32 v63, v30;
	v7 =	vmul.f32 v7, v7;
	v3 =	vsub.f32 v3, v13  }
0x338: {  	v54 =	vld [tilespmem:$0x1D470];
	v11 =	vsub.f32 v27, v18;
	v1 =	vadd.f32 v4, v1;
	v9 =	vmul.f32 v9, v9  }
0x339: {  	v18 =	vsub.f32 v38, v26;
	v2 =	vadd.f32 v7, v2;
	v3 =	vmul.f32 v3, v3  }
0x33a: {  	v27 =	vmul.f32 v15, v15;
	v12 =	vsub.f32 v29, v20;
	v29 =	vld [tilespmem:$0x1CEF0];
	v1 =	vadd.f32 v9, v1  }
0x33b: {  	v7 =	vmul.f32 v11, v11;
	v2 =	vadd.f32 v3, v2;
	v3 =	vsub.f32 v33, v22  }
0x33c: {  	v10 =	vadd.f32 v27, v10;
	v4 =	vmul.f32 v12, v12;
	v13 =	vsub.f32 v37, v24  }
0x33d: {  	v59 =	vsub.f32 v39, v54;
	v1 =	vadd.f32 v7, v1;
	v3 =	vmul.f32 v3, v3  }
0x33e: {  	v35 =	vld [tilespmem:$0x1D370];
	v20 =	vmul.f32 v13, v13;
	v22 =	vsub.f32 v25, v19;
	v2 =	vadd.f32 v4, v2  }
0x33f: {  	v26 =	vld [tilespmem:$0x1D270];
	v38 =	vsub.f32 v43, v29;
	v1 =	vadd.f32 v3, v1;
	v3 =	vmul.f32 v18, v18  }
0x340: {  	v24 =	vld [tilespmem:$0x1CE70];
	v25 =	vsub.f32 v23, v34;
	v4 =	vmul.f32 v22, v22;
	v2 =	vadd.f32 v20, v2  }
0x341: {  	v32 =	vld [tilespmem:$0x1D2F0];
	v14 =	vmul.f32 v17, v17;
	v1 =	vadd.f32 v3, v1;
	v3 =	vsub.f32 v31, v21  }
0x342: {  	v43 =	vld [tilespmem:$0x1CFF0];
	v30 =	vmul.f32 v25, v25;
	v2 =	vadd.f32 v4, v2;
	v31 =	vsub.f32 v16, v36  }
0x343: {  	v52 =	vld [tilespmem:$0x1D070];
	v5 =	vadd.f32 v14, v5;
	v9 =	vsub.f32 v46, v35;
	v3 =	vmul.f32 v3, v3  }
0x344: {  	v11 =	vsub.f32 v44, v26;
	v33 =	vld [tilespmem:$0x1CF70];
	v2 =	vadd.f32 v30, v2;
	v34 =	vmul.f32 v31, v31  }
0x345: {  	v7 =	vsub.f32 v45, v24;
	v45 =	vld [tilespmem:$0x1D3F0];
	v1 =	vadd.f32 v3, v1;
	v3 =	vmul.f32 v28, v28  }
0x346: {  	v44 =	vsub.f32 v42, v32;
	v11 =	vmul.f32 v11, v11;
	v2 =	vadd.f32 v34, v2  }
0x347: {  	v56 =	vsub.f32 v48, v43;
	v37 =	vmul.f32 v7, v7;
	v1 =	vadd.f32 v3, v1  }
0x348: {  	v58 =	vsub.f32 v50, v52;
	v53 =	vmul.f32 v44, v44;
	v3 =	vld [tilespmem:$0x1CDF0];
	v2 =	vadd.f32 v11, v2  }
0x349: {  	v47 =	vmul.f32 v38, v38;
	v51 =	vsub.f32 v41, v33;
	v1 =	vadd.f32 v37, v1  }
0x34a: {  	v9 =	vmul.f32 v9, v9;
	v57 =	vsub.f32 v49, v45;
	v2 =	vadd.f32 v53, v2  }
0x34b: {  	v36 =	vmul.f32 v40, v40;
	v55 =	vmul.f32 v51, v51;
	v1 =	vadd.f32 v47, v1  }
0x34c: {  	v7 =	vmul.f32 v56, v56;
	v4 =	vmul.f32 v57, v57;
	v2 =	vadd.f32 v9, v2  }
0x34d: {  	v5 =	vadd.f32 v36, v5;
	v60 =	vmul.f32 v3, v3;
	v1 =	vadd.f32 v55, v1  }
0x34e: {  	[tilespmem:$0x1D680] =	vst v6;
	v63 =	vmul.f32 v59, v59;
	v3 =	vadd.f32 v3, v8;
	v2 =	vadd.f32 v4, v2  }
0x34f: {  	v61 =	vmul.f32 v58, v58;
	[tilespmem:$0x1D600] =	vst v5;
	v62 =	vadd.f32 v60, v10;
	v1 =	vadd.f32 v7, v1  }
0x350: {  	[tilespmem:$0x1D700] =	vst v3;
	v2 =	vadd.f32 v63, v2  }
0x351: {  	s31 =	sadd.s32 $0x1, s31;
	[tilespmem:$0x1D780] =	vst v62;
	v1 =	vadd.f32 v61, v1  }
0x352: {  	p0 =	sne.s32 s31, s15;
	[tilespmem:$0x1D880] =	vst v2  }
.Ltmp8:
0x353: {  	[tilespmem:$0x1D800] =	vst v1;
	(pc) =	sbr.rel @p0 .LBB2_1-.Ltmp8, $4  }
0x354: {  	[hbm4b:s14+s4] =	stream.linear.scatter [tilespmem:s30], [sflag:$0x2], $0x300, $0x38;
	[tilespmem:$0x1DA00] =	vst v63  }
0x355: {  	_ =	swait.ge [sflag:s16], $0x300  }
0x356: {  	[sflag:s16] =	ssyncset.done $0x0  }
0x357: {  	[sflag:s16] =	ssyncadd.s32 $0xFFFFFD00  }
0x358: {  	_ =	sfence.sel $0x180000  }
0x359: {  	[bflag:$0x0] =	sbarrier.arrive $0xFFFF  }
0x35a: {  	_ =	strace $0x9000004D  }
0x35b: {  	s0 =	stileid.u32;
	[bflag:$0x2] =	sbarrier.arrive $0xFFFF  }
0x35c: {  	p0 =	sne.s32 s0, $0x0;
	s0 =	rddreg [dreg:$0x5]  }
0x35d: {  	s0 =	sadd.s32 @!p0 $0x100000, s0  }
0x35e: {  	[sflag:s0] =	ssyncadd.tile.s32 @!p0 $0x1;
	_ =	shalt  }
.Lfunc_end2:
_tile_overlayer_lowered:
.L_overlay_start_2:
0x35f: {  	(tag) =	ssettag $0x2  }
0x360: {  	s0 =	rddreg [dreg:$0x0];
	s2 =	stileid.u32  }
0x361: {  	s1 =	rddreg [dreg:$0x1];
	p0 =	sne.s32 s2, $0x0  }
0x362: {  	s3 =	rddreg [dreg:$0x2];
	[bflag:$0x3] =	sbarrier.arrive $0xFFFF;
	s2 =	simm.s32 @!p0 $0x1C02  }
0x363: {  	[timem:s3], [sflag:s2] =	dma.local @!p0 [hbm:s0], s1  }
0x364: {  	s0 =	simm.s32 @!p0 $0x2  }
0x365: {  	_ =	swait.ge @!p0 [sflag:s0], s1  }
0x366: {  	s1 =	ssub.s32 @!p0 $0x0, s1;
	[sflag:s0] =	ssyncset.done @!p0 $0x0  }
0x367: {  	[sflag:s0] =	ssyncadd.s32 @!p0 s1  }
0x368: {  	[bflag:$0x3] =	sbarrier.arrive $0xFFFF  }
0x369: {  	_ =	shalt  }

// kernel: sparse-core-data-format-call.1.cloned.1.call-start
scs
called_computation.1_lowered:
.L_overlay_start_0:
0x0: {  	s2 =	sld [smem:$0x3FD9]  }
0x1: {  	s3 =	sld [smem:$0x3FFE];
	_ =	sdelay $0x1  }
0x2: {  	s1 =	srdreg.scid  }
0x3: {  	s0 =	sand.u32 $0x1, s1  }
0x4: {  	s18 =	sshll.u32 s0, $0xA;
	s2 =	sadd.s32 s3, s2  }
0x5: {  	s2 =	sadd.s32 s2, s18  }
0x6: {  	[smem:$0x3FC2] =	sst s2  }
0x7: {  	_ = 	snop  }
0x8: {  	s2 =	sld [smem:$0x3FC5];
	(tm) =	ssettm $0x1  }
0x9: {  	s19 =	sld [smem:$0x3FFB];
	_ =	sdelay $0x3  }
0xa: {  	_ =	strace s19  }
0xb: {  	s3 =	sld [smem:$0x3FFC];
	_ =	sdelay $0x3  }
0xc: {  	_ =	strace s3  }
0xd: {  	s3 =	sld [smem:$0x3FFD];
	_ =	sdelay $0x3  }
0xe: {  	_ =	strace s3  }
0xf: {  	_ =	strace $0x8FFFFFFF  }
0x10: {  	s20 =	sld [smem:$0x3FDB];
	_ =	sdelay $0x1  }
0x11: {  	s4 =	simm.s32 $_scs_section_size  }
0x12: {  	s5 =	simm.s32 $_size__tile_overlayer_lowered;
	s6 =	simm.s32 $_tile_overlayer_lowered  }
0x13: {  	s23 =	simm.s32 $0x1BFF;
	s22 =	sshll.u32 s6, $0x1;
	s3 =	sadd.s32 s4, s20  }
0x14: {  	s7 =	simm.s32 $0x0;
	s21 =	sshll.u32 s5, $0x1;
	s5 =	sadd.s32 s22, s3  }
0x15: {  	[timem:s7], [sflag:s23] =	dma.local [hbm:s5], s21  }
0x16: {  	_ =	swait.ge [sflag:s23], s21  }
0x17: {  	s4 =	ssub.s32 $0x0, s21;
	[sflag:s23] =	ssyncset.done $0x0  }
0x18: {  	[sflag:s23] =	ssyncadd.s32 s4;
	_ =	sdelay $0x1  }
0x19: {  	s24 =	simm.s32 $0x1B8B  }
0x1a: {  	_ =	swait.ge [sflag:s24], $0x1  }
0x1b: {  	[sflag:s24] =	ssyncset.done $0x0  }
0x1c: {  	s26 =	simm.s32 $0x1B8E;
	s25 =	sld [smem:$0x3FFE];
	[sflag:s24] =	ssyncadd.s32 $0xFFFFFFFF  }
0x1d: {  	s27 =	simm.s32 $execute0_lowered;
	[smem:$0x3FD2] =	sst s26  }
0x1e: {  	s5 =	sshll.u32 s27, $0x1;
	_ =	strace $0x80000046;
	[dreg:$0x1] =	wrdreg $0xFFFFFFFF  }
0x1f: {  	s28 =	simm.s32 $_size_execute0_lowered;
	s3 =	sadd.s32 s3, s5;
	[dreg:$0x0] =	wrdreg $0x0  }
0x20: {  	s5 =	sshll.u32 s28, $0x1;
	[dreg:$0x2] =	wrdreg s3  }
0x21: {  	[dreg:$0x3] =	wrdreg s5  }
0x22: {  	[dreg:$0x4] =	wrdreg $0xC0  }
0x23: {  	_ =	task [dreg:s7], $0x5FFFF  }
0x24: {  	[dreg:$0x1] =	wrdreg $0xFFFFFFFF  }
0x25: {  	[dreg:$0x0] =	wrdreg $0x60  }
0x26: {  	[dreg:$0x2] =	wrdreg s2  }
0x27: {  	[dreg:$0x3] =	wrdreg s25  }
0x28: {  	[dreg:$0x4] =	wrdreg $0xA  }
0x29: {  	_ =	task.clear_ibuf [dreg:s7], $0x5FFFF;
	_ =	strace $0x90000046  }
0x2a: {  	s29 =	simm.s32 $0xA;
	_ =	strace $0x80000048  }
0x2b: {  	_ =	swait.ge [sflag:s29], $0x1  }
0x2c: {  	[sflag:s29] =	ssyncadd.s32 $0xFFFFFFFF  }
0x2d: {  	_ =	strace $0x90000048  }
0x2e: {  	_ =	sfence  }
0x2f: {  	s30 =	sld [smem:$0x0];
	_ =	sdelay $0x2  }
0x30: {  	s31 =	sshll.u32 s1, $0xD;
	s1 =	sshrl.u32 s1, $0x2  }
0x31: {  	s3 =	sand.u32 $0x4000, s31;
	s1 =	sadd.s32 s1, s30  }
0x32: {  	s0 =	sor.u32 s3, s0;
	s1 =	sshll.u32 s1, $0x11  }
0x33: {  	s0 =	sor.u32 s1, s0  }
0x34: {  	s0 =	sadd.s32 $0x8F2B, s0  }
0x35: {  	[sflag:s0] =	ssyncadd.remote.s32 $0x1  }
0x36: {  	_ =	sfence.sel $0xFFFF  }
0x37: {  	[dreg:$0x0] =	wrdreg $0xFFFFFFFF;
	(pc) =	sbr.abs _section_cstart, $3  }
0x38: {  	[dreg:$0x1] =	wrdreg $0xFFFFFFFF  }
0x39: {  	_ =	task.clear_ibuf [dreg:s7], $0x2FFFF;
	_ =	strace $0x9FFFFFFF  }
0x3a: {  	(tm) =	ssettm $0x7FFFFFFF  }
0x3b: {  	_ =	shalt  }
tec
execute0_lowered:
.L_overlay_start_1:
0x0: {  	(tag) =	ssettag $0x1  }
0x1: {  	s2 =	rddreg [dreg:$0x0]  }
0x2: {  	s1 =	rddreg [dreg:$0x1]  }
0x3: {  	s0 =	rddreg [dreg:$0x2];
	_ =	strace $0x80000047;
	s4 =	srdreg.scid  }
0x4: {  	s6 =	simm.s32 $0x2;
	s11 =	simm.s32 $0x0;
	p0 =	por $0x0, $0x0  }
.Ltmp0:
0x5: {  	s7 =	simm.s32 $0x2000;
	s12 =	simm.s32 $0x0;
	(pc) =	sbr.rel .LBB1_1-.Ltmp0, $4  }
0x6: {  	s9 =	simm.s32 $0x0;
	s3 =	sadd.s32 $0xE00, s1;
	s5 =	sshll.u32 s4, $0x4  }
0x7: {  	s1 =	stileid.u32;
	s4 =	simm.s32 $0x1;
	s5 =	sand.u32 $0x10, s5  }
0x8: {  	s8 =	simm.s32 $0x0;
	[sflag:s4] =	ssyncpa.u1 $0x0;
	s5 =	sor.u32 s1, s5  }
0x9: {  	[sflag:s6] =	ssyncpa.u1 $0x0;
	s6 =	simm.s32 $0x800;
	s10 =	smov.u32 s5  }
.LBB1_7:
0xa: {  	s13 =	sadd.s32 $0x10, s9  }
0xb: {  	s11 =	sadd.s32 $0x20, s10;
	s15 =	smov.u32 s10;
	p2 =	sgt.s32 s13, $0x3F  }
0xc: {  	p1 =	slt.u32 s8, $0x2;
	s15 =	smov.u32 @p2 s11  }
0xd: {  	s8 =	sadd.s32 $0x1, s8;
	s13 =	simm.s32 @p2 $0x0;
	p2 =	sgt.s32 s15, $0x3FF  }
0xe: {  	s15 =	smov.u32 @p2 s5;
	p2 =	sne.s32 s8, $0x82  }
.Ltmp1:
0xf: {  	_ = 	snop;
	(pc) =	sbr.rel @!p2 .LBB1_8-.Ltmp1, $4  }
0x10: {  	s14 =	simm.s32 @!p1 $0x2  }
0x11: {  	s12 =	smov.u32 s10;
	_ =	swait.ge @!p1 [sflag:s14], $0x4000  }
0x12: {  	p0 =	por !p0, !p0;
	s11 =	smov.u32 s9;
	[sflag:s14] =	ssyncset.done @!p1 $0x0  }
0x13: {  	s9 =	smov.u32 s13;
	[sflag:s14] =	ssyncadd.s32 @!p1 $0xFFFFC000;
	s10 =	smov.u32 s15  }
.LBB1_1:
0x14: {  	p1 =	sgt.u32 s8, $0x7F  }
0x15: {  	s13 =	sxor.u32 @!p1 $0xFFFFFFFF, s8;
	s14 =	sshll.u32 @!p1 s10, $0xD  }
0x16: {  	s15 =	sshll.u32 @!p1 s9, $0x7;
	s13 =	sshll.u32 @!p1 s13, $0xE;
	s14 =	sadd.s32 @!p1 s2, s14  }
0x17: {  	s13 =	sand.u32 @!p1 $0x4000, s13;
	s14 =	sadd.s32 @!p1 s15, s14;
	s15 =	simm.s32 @!p1 $0x0  }
0x18: {  	[tilespmem:s13], [sflag:$0x1] =	stream.linear.gather @!p1 [hbm4b:s14+s15], $0x4000, $0x38;
	[tilespmem:$0x10000] =	vst v63  }
0x19: {  	p1 =	seq.s32 s8, $0x0  }
0x1a: {  	p2 =	seq.s32 @!p1 s8, $0x81  }
0x1b: {  	p1 =	por p1, p2  }
.Ltmp2:
0x1c: {  	_ = 	snop;
	(pc) =	sbr.rel @p1 .LBB1_7-.Ltmp2, $1  }
0x1d: {  	_ =	sdelay $0x3  }
0x1e: {  	s13 =	simm.s32 $0x1;
	_ =	swait.ge [sflag:s4], $0x4000;
	s16 =	sshll.u32 s8, $0xE  }
0x1f: {  	s13 =	simm.s32 @!p0 $0x0;
	[sflag:s4] =	ssyncset.done $0x0;
	s31 =	sand.u32 $0x4000, s16  }
0x20: {  	s16 =	simm.s32 $0x0;
	s14 =	sshll.u32 s13, $0xE;
	[sflag:s4] =	ssyncadd.s32 $0xFFFFC000  }
0x21: {  	s13 =	sor.u32 $0x8040, s14;
	s15 =	sor.u32 $0x40, s14;
	s14 =	sor.u32 $0x8000, s31  }
.LBB1_3:
0x22: {  	v0 =	vmov s15;
	_ =	sdelay $0x3  }
0x23: {  	s18 =	simm.s32 $0x0  }
0x24: {  	v6 =	vld.idx.msk [tilespmem:v0+s18+$0x30 ss:$0x1], $0xffff  }
0x25: {  	v7 =	vld.idx.msk [tilespmem:v0+s18+$0xFFFFFFC0 ss:$0x1], $0xffff  }
0x26: {  	v5 =	vld.idx.msk [tilespmem:v0+s18+$0xFFFFFFD0 ss:$0x1], $0xffff  }
0x27: {  	v4 =	vld.idx.msk [tilespmem:v0+s18+$0xFFFFFFE0 ss:$0x1], $0xffff  }
0x28: {  	v3 =	vld.idx.msk [tilespmem:v0+s18+$0xFFFFFFF0 ss:$0x1], $0xffff  }
0x29: {  	v1 =	vld.idx.msk [tilespmem:v0+s18+$0x0 ss:$0x1], $0xffff  }
0x2a: {  	v2 =	vld.idx.msk [tilespmem:v0+s18+$0x10 ss:$0x1], $0xffff;
	[tilespmem:s13+$0x30] =	vst v6  }
0x2b: {  	s17 =	simm.s32 $0x80;
	s19 =	simm.s32 $0x400;
	[tilespmem:s13+$0xFFFFFFC0] =	vst v7;
	v6 =	vld.idx.msk [tilespmem:v0+s18+$0x20 ss:$0x1], $0xffff;
	s18 =	smov.u32 s13  }
.LBB1_4:
0x2c: {  	p1 =	sne.s32 s19, $0xE00;
	v7 =	vld.idx.msk [tilespmem:v0+s17+$0x30 ss:$0x1], $0xffff;
	[tilespmem:s18+$0xFFFFFFD0] =	vst v5  }
0x2d: {  	v8 =	vld.idx.msk [tilespmem:v0+s17+$0xFFFFFFC0 ss:$0x1], $0xffff;
	[tilespmem:s18+$0xFFFFFFE0] =	vst v4  }
0x2e: {  	v5 =	vld.idx.msk [tilespmem:v0+s17+$0xFFFFFFD0 ss:$0x1], $0xffff;
	[tilespmem:s18+$0xFFFFFFF0] =	vst v3  }
.Ltmp3:
0x2f: {  	v4 =	vld.idx.msk [tilespmem:v0+s17+$0xFFFFFFE0 ss:$0x1], $0xffff;
	[tilespmem:s18+$0x0] =	vst v1;
	(pc) =	sbr.rel @p1 .LBB1_4-.Ltmp3, $4  }
0x30: {  	v3 =	vld.idx.msk [tilespmem:v0+s17+$0xFFFFFFF0 ss:$0x1], $0xffff;
	[tilespmem:s18+$0x10] =	vst v2  }
0x31: {  	v1 =	vld.idx.msk [tilespmem:v0+s17+$0x0 ss:$0x1], $0xffff;
	[tilespmem:s18+$0x20] =	vst v6;
	s18 =	sadd.s32 $0x800, s18  }
0x32: {  	v2 =	vld.idx.msk [tilespmem:v0+s17+$0x10 ss:$0x1], $0xffff;
	[tilespmem:s18+$0x30] =	vst v7  }
0x33: {  	[tilespmem:s18+$0xFFFFFFC0] =	vst v8;
	v6 =	vld.idx.msk [tilespmem:v0+s17+$0x20 ss:$0x1], $0xffff;
	s17 =	sshra.s32 s19, $0x2;
	s19 =	sadd.s32 $0x200, s19  }
0x34: {  	_ =	sdelay $0x2  }
0x35: {  	[tilespmem:s18+$0xFFFFFFD0] =	vst v5  }
0x36: {  	v56 =	vld.idx.msk [tilespmem:v0+s17+$0x30 ss:$0x1], $0xffff;
	[tilespmem:s18+$0xFFFFFFE0] =	vst v4  }
0x37: {  	v57 =	vld.idx.msk [tilespmem:v0+s17+$0xFFFFFFC0 ss:$0x1], $0xffff;
	[tilespmem:s18+$0xFFFFFFF0] =	vst v3  }
0x38: {  	v58 =	vld.idx.msk [tilespmem:v0+s17+$0xFFFFFFD0 ss:$0x1], $0xffff;
	[tilespmem:s18+$0x0] =	vst v1  }
0x39: {  	v59 =	vld.idx.msk [tilespmem:v0+s17+$0xFFFFFFE0 ss:$0x1], $0xffff;
	[tilespmem:s18+$0x10] =	vst v2  }
0x3a: {  	v60 =	vld.idx.msk [tilespmem:v0+s17+$0xFFFFFFF0 ss:$0x1], $0xffff;
	s31 =	sadd.s32 $0x800, s18;
	[tilespmem:s18+$0x20] =	vst v6  }
0x3b: {  	v61 =	vld.idx.msk [tilespmem:v0+s17+$0x0 ss:$0x1], $0xffff;
	[tilespmem:s31+$0x30] =	vst v56  }
0x3c: {  	v62 =	vld.idx.msk [tilespmem:v0+s17+$0x10 ss:$0x1], $0xffff;
	s16 =	sadd.s32 $0x1, s16;
	[tilespmem:s31+$0xFFFFFFC0] =	vst v57  }
0x3d: {  	v63 =	vld.idx.msk [tilespmem:v0+s17+$0x20 ss:$0x1], $0xffff;
	p1 =	sne.s32 s16, $0x10;
	[tilespmem:s31+$0xFFFFFFD0] =	vst v58  }
.Ltmp4:
0x3e: {  	[tilespmem:s31+$0xFFFFFFE0] =	vst v59;
	(pc) =	sbr.rel @p1 .LBB1_3-.Ltmp4, $4  }
0x3f: {  	[tilespmem:s31+$0xFFFFFFF0] =	vst v60  }
0x40: {  	[tilespmem:s31+$0x0] =	vst v61  }
0x41: {  	[tilespmem:s31+$0x10] =	vst v62  }
0x42: {  	s13 =	sadd.s32 $0x80, s13;
	s15 =	sadd.s32 $0x400, s15;
	[tilespmem:s31+$0x20] =	vst v63  }
.Ltmp5:
0x43: {  	(pc) =	sbr.rel .LBB1_7-.Ltmp5, $4  }
0x44: {  	s12 =	sshll.u32 s12, $0xD;
	s11 =	sshll.u32 s11, $0x4  }
0x45: {  	s11 =	sand.u32 $0x3F0, s11;
	s12 =	sadd.s32 s3, s12  }
0x46: {  	s11 =	sadd.s32 s11, s12  }
0x47: {  	[hbm4b:s11+s6] =	stream.strided.scatter [tilespmem:s14], [sflag:$0x2], $0x4000, s7, s6, $0x38;
	[tilespmem:$0x10000] =	vst v63  }
.LBB1_8:
0x48: {  	_ =	sfence.sel $0x180000  }
0x49: {  	s2 =	simm.s32 $0x1;
	[bflag:$0x0] =	sbarrier.arrive $0xFFFF  }
0x4a: {  	s31 =	simm.s32 $0x2;
	[sflag:s2] =	ssyncpa.u1 $0x1  }
0x4b: {  	[sflag:s31] =	ssyncpa.u1 $0x1  }
0x4c: {  	p0 =	sne.s32 s1, $0x0;
	_ =	strace $0x90000047  }
0x4d: {  	s0 =	sadd.s32 @!p0 $0x100000, s0;
	[bflag:$0x2] =	sbarrier.arrive $0xFFFF  }
0x4e: {  	[sflag:s0] =	ssyncadd.tile.s32 @!p0 $0x1;
	_ =	shalt  }
.Lfunc_end1:
_tile_overlayer_lowered:
.L_overlay_start_2:
0x4f: {  	(tag) =	ssettag $0x2  }
0x50: {  	s0 =	rddreg [dreg:$0x0];
	s2 =	stileid.u32  }
0x51: {  	s1 =	rddreg [dreg:$0x1];
	p0 =	sne.s32 s2, $0x0  }
0x52: {  	s3 =	rddreg [dreg:$0x2];
	[bflag:$0x3] =	sbarrier.arrive $0xFFFF;
	s2 =	simm.s32 @!p0 $0x1C01  }
0x53: {  	[timem:s3], [sflag:s2] =	dma.local @!p0 [hbm:s0], s1  }
0x54: {  	s0 =	simm.s32 @!p0 $0x1  }
0x55: {  	_ =	swait.ge @!p0 [sflag:s0], s1  }
0x56: {  	s1 =	ssub.s32 @!p0 $0x0, s1;
	[sflag:s0] =	ssyncset.done @!p0 $0x0  }
0x57: {  	[sflag:s0] =	ssyncadd.s32 @!p0 s1  }
0x58: {  	[bflag:$0x3] =	sbarrier.arrive $0xFFFF  }
0x59: {  	_ =	shalt  }

// kernel: sparse-core-data-format-call.cloned.1.call-start
scs
called_computation_lowered:
.L_overlay_start_0:
0x0: {  	s2 =	sld [smem:$0x3FD9]  }
0x1: {  	s3 =	sld [smem:$0x3FFE];
	_ =	sdelay $0x1  }
0x2: {  	s1 =	srdreg.scid  }
0x3: {  	s0 =	sand.u32 $0x1, s1  }
0x4: {  	s18 =	sshll.u32 s0, $0xA;
	s2 =	sadd.s32 s3, s2  }
0x5: {  	s2 =	sadd.s32 s2, s18  }
0x6: {  	[smem:$0x3FC2] =	sst s2  }
0x7: {  	_ = 	snop  }
0x8: {  	s19 =	sld [smem:$0x3FC4];
	(tm) =	ssettm $0x1  }
0x9: {  	s20 =	sld [smem:$0x3FFB];
	_ =	sdelay $0x3  }
0xa: {  	_ =	strace s20  }
0xb: {  	s2 =	sld [smem:$0x3FFC];
	_ =	sdelay $0x3  }
0xc: {  	_ =	strace s2  }
0xd: {  	s2 =	sld [smem:$0x3FFD];
	_ =	sdelay $0x3  }
0xe: {  	_ =	strace s2  }
0xf: {  	_ =	strace $0x8FFFFFFF  }
0x10: {  	s21 =	sld [smem:$0x3FDB];
	_ =	sdelay $0x1  }
0x11: {  	s4 =	simm.s32 $_scs_section_size  }
0x12: {  	s5 =	simm.s32 $_size__tile_overlayer_lowered;
	s6 =	simm.s32 $_tile_overlayer_lowered  }
0x13: {  	s7 =	simm.s32 $0x1BFF;
	s22 =	sshll.u32 s6, $0x1;
	s4 =	sadd.s32 s4, s21  }
0x14: {  	s23 =	simm.s32 $0x0;
	s5 =	sshll.u32 s5, $0x1;
	s6 =	sadd.s32 s22, s4  }
0x15: {  	[timem:s23], [sflag:s7] =	dma.local [hbm:s6], s5  }
0x16: {  	_ =	swait.ge [sflag:s7], s5  }
0x17: {  	s5 =	ssub.s32 $0x0, s5;
	[sflag:s7] =	ssyncset.done $0x0  }
0x18: {  	[sflag:s7] =	ssyncadd.s32 s5;
	_ =	sdelay $0x1  }
0x19: {  	s24 =	simm.s32 $0x1B8B  }
0x1a: {  	_ =	swait.ge [sflag:s24], $0x1  }
0x1b: {  	[sflag:s24] =	ssyncset.done $0x0  }
0x1c: {  	[sflag:s24] =	ssyncadd.s32 $0xFFFFFFFF  }
0x1d: {  	s5 =	sld [smem:$0x0]  }
0x1e: {  	s6 =	sand.u32 $0xFFFFFFFE, s1  }
0x1f: {  	p0 =	sne.s32 s1, s6  }
0x20: {  	s6 =	sshll.u32 @p0 s6, $0xE  }
0x21: {  	s6 =	sadd.s32 @p0 $0x11B8D, s6;
	s7 =	sshll.u32 @p0 s5, $0x11  }
0x22: {  	s6 =	sor.u32 @p0 s7, s6  }
0x23: {  	[sflag:s6] =	ssyncadd.remote.s32 @p0 $0x1;
	_ =	sdelay $0x1  }
0x24: {  	s6 =	simm.s32 @p0 $0x1B8D  }
0x25: {  	_ =	swait.eq @p0 [sflag:s6], $0x1  }
0x26: {  	[sflag:s6] =	ssyncadd.s32 @p0 $0xFFFFFFFF  }
0x27: {  	s7 =	sshll.u32 @!p0 s1, $0xE  }
0x28: {  	s7 =	sor.u32 @!p0 $0x4000, s7;
	s6 =	simm.s32 @!p0 $0x1B8D  }
0x29: {  	s5 =	sshll.u32 @!p0 s5, $0x11;
	s7 =	sadd.s32 @!p0 $0x11B8D, s7;
	_ =	swait.eq @!p0 [sflag:s6], $0x1  }
0x2a: {  	s5 =	sor.u32 @!p0 s5, s7;
	[sflag:s6] =	ssyncadd.s32 @!p0 $0xFFFFFFFF  }
0x2b: {  	s26 =	simm.s32 $0x1B8E;
	s25 =	sld [smem:$0x3FFE];
	[sflag:s5] =	ssyncadd.remote.s32 @!p0 $0x1  }
0x2c: {  	s27 =	simm.s32 $execute0_lowered;
	[smem:$0x3FD2] =	sst s26  }
0x2d: {  	s6 =	sshll.u32 s27, $0x1;
	_ =	strace $0x80000049;
	[dreg:$0x1] =	wrdreg $0xFFFFFFFF  }
0x2e: {  	s28 =	simm.s32 $_size_execute0_lowered;
	s4 =	sadd.s32 s4, s6;
	[dreg:$0x0] =	wrdreg $0x0  }
0x2f: {  	s6 =	sshll.u32 s28, $0x1;
	[dreg:$0x2] =	wrdreg s4  }
0x30: {  	[dreg:$0x3] =	wrdreg s6  }
0x31: {  	[dreg:$0x4] =	wrdreg $0xC0  }
0x32: {  	_ =	task [dreg:s23], $0x5FFFF  }
0x33: {  	[dreg:$0x1] =	wrdreg $0xFFFFFFFF  }
0x34: {  	[dreg:$0x0] =	wrdreg $0x60  }
0x35: {  	[dreg:$0x2] =	wrdreg s19  }
0x36: {  	[dreg:$0x3] =	wrdreg s25  }
0x37: {  	[dreg:$0x4] =	wrdreg $0x9  }
0x38: {  	_ =	task.clear_ibuf [dreg:s23], $0x5FFFF;
	_ =	strace $0x90000049  }
0x39: {  	s29 =	simm.s32 $0x9;
	_ =	strace $0x8000004B  }
0x3a: {  	_ =	swait.ge [sflag:s29], $0x1  }
0x3b: {  	[sflag:s29] =	ssyncadd.s32 $0xFFFFFFFF  }
0x3c: {  	_ =	strace $0x9000004B  }
0x3d: {  	_ =	sfence  }
0x3e: {  	s30 =	sld [smem:$0x0];
	_ =	sdelay $0x2  }
0x3f: {  	s31 =	sshll.u32 s1, $0xD;
	s1 =	sshrl.u32 s1, $0x2  }
0x40: {  	s4 =	sand.u32 $0x4000, s31;
	s1 =	sadd.s32 s1, s30  }
0x41: {  	s0 =	sor.u32 s4, s0;
	s1 =	sshll.u32 s1, $0x11  }
0x42: {  	s0 =	sor.u32 s1, s0  }
0x43: {  	s0 =	sadd.s32 $0x8F2B, s0  }
0x44: {  	[sflag:s0] =	ssyncadd.remote.s32 $0x1  }
0x45: {  	_ =	sfence.sel $0xFFFF  }
0x46: {  	[dreg:$0x0] =	wrdreg $0xFFFFFFFF;
	(pc) =	sbr.abs _section_cstart, $3  }
0x47: {  	[dreg:$0x1] =	wrdreg $0xFFFFFFFF  }
0x48: {  	_ =	task.clear_ibuf [dreg:s23], $0x2FFFF;
	_ =	strace $0x9FFFFFFF  }
0x49: {  	(tm) =	ssettm $0x7FFFFFFF  }
tec
execute0_lowered:
.L_overlay_start_1:
0x0: {  	(tag) =	ssettag $0x1  }
0x1: {  	s2 =	rddreg [dreg:$0x0]  }
0x2: {  	s1 =	rddreg [dreg:$0x1]  }
0x3: {  	s0 =	rddreg [dreg:$0x2];
	_ =	strace $0x8000004A;
	s4 =	srdreg.scid  }
0x4: {  	s6 =	simm.s32 $0x2;
	s11 =	simm.s32 $0x0;
	p0 =	por $0x0, $0x0  }
.Ltmp0:
0x5: {  	s7 =	simm.s32 $0x2000;
	s12 =	simm.s32 $0x0;
	(pc) =	sbr.rel .LBB1_1-.Ltmp0, $4  }
0x6: {  	s9 =	simm.s32 $0x0;
	s3 =	sadd.s32 $0x800E00, s1;
	s5 =	sshll.u32 s4, $0x4  }
0x7: {  	s1 =	stileid.u32;
	s4 =	simm.s32 $0x1;
	s5 =	sand.u32 $0x10, s5  }
0x8: {  	s8 =	simm.s32 $0x0;
	[sflag:s4] =	ssyncpa.u1 $0x0;
	s5 =	sor.u32 s1, s5  }
0x9: {  	[sflag:s6] =	ssyncpa.u1 $0x0;
	s6 =	simm.s32 $0x800;
	s10 =	smov.u32 s5  }
.LBB1_7:
0xa: {  	s13 =	sadd.s32 $0x10, s9  }
0xb: {  	s11 =	sadd.s32 $0x20, s10;
	s15 =	smov.u32 s10;
	p2 =	sgt.s32 s13, $0x3F  }
0xc: {  	p1 =	slt.u32 s8, $0x2;
	s15 =	smov.u32 @p2 s11  }
0xd: {  	s8 =	sadd.s32 $0x1, s8;
	s13 =	simm.s32 @p2 $0x0;
	p2 =	sgt.s32 s15, $0x3FF  }
0xe: {  	s15 =	smov.u32 @p2 s5;
	p2 =	sne.s32 s8, $0x82  }
.Ltmp1:
0xf: {  	_ = 	snop;
	(pc) =	sbr.rel @!p2 .LBB1_8-.Ltmp1, $4  }
0x10: {  	s14 =	simm.s32 @!p1 $0x2  }
0x11: {  	s12 =	smov.u32 s10;
	_ =	swait.ge @!p1 [sflag:s14], $0x4000  }
0x12: {  	p0 =	por !p0, !p0;
	s11 =	smov.u32 s9;
	[sflag:s14] =	ssyncset.done @!p1 $0x0  }
0x13: {  	s9 =	smov.u32 s13;
	[sflag:s14] =	ssyncadd.s32 @!p1 $0xFFFFC000;
	s10 =	smov.u32 s15  }
.LBB1_1:
0x14: {  	p1 =	sgt.u32 s8, $0x7F  }
0x15: {  	s13 =	sxor.u32 @!p1 $0xFFFFFFFF, s8;
	s14 =	sshll.u32 @!p1 s10, $0xD  }
0x16: {  	s15 =	sshll.u32 @!p1 s9, $0x7;
	s13 =	sshll.u32 @!p1 s13, $0xE;
	s14 =	sadd.s32 @!p1 s2, s14  }
0x17: {  	s13 =	sand.u32 @!p1 $0x4000, s13;
	s14 =	sadd.s32 @!p1 s15, s14;
	s15 =	simm.s32 @!p1 $0x0  }
0x18: {  	[tilespmem:s13], [sflag:$0x1] =	stream.linear.gather @!p1 [hbm4b:s14+s15], $0x4000, $0x38;
	[tilespmem:$0x10000] =	vst v63  }
0x19: {  	p1 =	seq.s32 s8, $0x0  }
0x1a: {  	p2 =	seq.s32 @!p1 s8, $0x81  }
0x1b: {  	p1 =	por p1, p2  }
.Ltmp2:
0x1c: {  	_ = 	snop;
	(pc) =	sbr.rel @p1 .LBB1_7-.Ltmp2, $1  }
0x1d: {  	_ =	sdelay $0x3  }
0x1e: {  	s13 =	simm.s32 $0x1;
	_ =	swait.ge [sflag:s4], $0x4000;
	s16 =	sshll.u32 s8, $0xE  }
0x1f: {  	s13 =	simm.s32 @!p0 $0x0;
	[sflag:s4] =	ssyncset.done $0x0;
	s31 =	sand.u32 $0x4000, s16  }
0x20: {  	s16 =	simm.s32 $0x0;
	s14 =	sshll.u32 s13, $0xE;
	[sflag:s4] =	ssyncadd.s32 $0xFFFFC000  }
0x21: {  	s13 =	sor.u32 $0x8040, s14;
	s15 =	sor.u32 $0x40, s14;
	s14 =	sor.u32 $0x8000, s31  }
.LBB1_3:
0x22: {  	v0 =	vmov s15;
	_ =	sdelay $0x3  }
0x23: {  	s18 =	simm.s32 $0x0  }
0x24: {  	v6 =	vld.idx.msk [tilespmem:v0+s18+$0x30 ss:$0x1], $0xffff  }
0x25: {  	v7 =	vld.idx.msk [tilespmem:v0+s18+$0xFFFFFFC0 ss:$0x1], $0xffff  }
0x26: {  	v5 =	vld.idx.msk [tilespmem:v0+s18+$0xFFFFFFD0 ss:$0x1], $0xffff  }
0x27: {  	v4 =	vld.idx.msk [tilespmem:v0+s18+$0xFFFFFFE0 ss:$0x1], $0xffff  }
0x28: {  	v3 =	vld.idx.msk [tilespmem:v0+s18+$0xFFFFFFF0 ss:$0x1], $0xffff  }
0x29: {  	v1 =	vld.idx.msk [tilespmem:v0+s18+$0x0 ss:$0x1], $0xffff  }
0x2a: {  	v2 =	vld.idx.msk [tilespmem:v0+s18+$0x10 ss:$0x1], $0xffff;
	[tilespmem:s13+$0x30] =	vst v6  }
0x2b: {  	s17 =	simm.s32 $0x80;
	s19 =	simm.s32 $0x400;
	[tilespmem:s13+$0xFFFFFFC0] =	vst v7;
	v6 =	vld.idx.msk [tilespmem:v0+s18+$0x20 ss:$0x1], $0xffff;
	s18 =	smov.u32 s13  }
.LBB1_4:
0x2c: {  	p1 =	sne.s32 s19, $0xE00;
	v7 =	vld.idx.msk [tilespmem:v0+s17+$0x30 ss:$0x1], $0xffff;
	[tilespmem:s18+$0xFFFFFFD0] =	vst v5  }
0x2d: {  	v8 =	vld.idx.msk [tilespmem:v0+s17+$0xFFFFFFC0 ss:$0x1], $0xffff;
	[tilespmem:s18+$0xFFFFFFE0] =	vst v4  }
0x2e: {  	v5 =	vld.idx.msk [tilespmem:v0+s17+$0xFFFFFFD0 ss:$0x1], $0xffff;
	[tilespmem:s18+$0xFFFFFFF0] =	vst v3  }
.Ltmp3:
0x2f: {  	v4 =	vld.idx.msk [tilespmem:v0+s17+$0xFFFFFFE0 ss:$0x1], $0xffff;
	[tilespmem:s18+$0x0] =	vst v1;
	(pc) =	sbr.rel @p1 .LBB1_4-.Ltmp3, $4  }
0x30: {  	v3 =	vld.idx.msk [tilespmem:v0+s17+$0xFFFFFFF0 ss:$0x1], $0xffff;
	[tilespmem:s18+$0x10] =	vst v2  }
0x31: {  	v1 =	vld.idx.msk [tilespmem:v0+s17+$0x0 ss:$0x1], $0xffff;
	[tilespmem:s18+$0x20] =	vst v6;
	s18 =	sadd.s32 $0x800, s18  }
0x32: {  	v2 =	vld.idx.msk [tilespmem:v0+s17+$0x10 ss:$0x1], $0xffff;
	[tilespmem:s18+$0x30] =	vst v7  }
0x33: {  	[tilespmem:s18+$0xFFFFFFC0] =	vst v8;
	v6 =	vld.idx.msk [tilespmem:v0+s17+$0x20 ss:$0x1], $0xffff;
	s17 =	sshra.s32 s19, $0x2;
	s19 =	sadd.s32 $0x200, s19  }
0x34: {  	_ =	sdelay $0x2  }
0x35: {  	[tilespmem:s18+$0xFFFFFFD0] =	vst v5  }
0x36: {  	v56 =	vld.idx.msk [tilespmem:v0+s17+$0x30 ss:$0x1], $0xffff;
	[tilespmem:s18+$0xFFFFFFE0] =	vst v4  }
0x37: {  	v57 =	vld.idx.msk [tilespmem:v0+s17+$0xFFFFFFC0 ss:$0x1], $0xffff;
	[tilespmem:s18+$0xFFFFFFF0] =	vst v3  }
0x38: {  	v58 =	vld.idx.msk [tilespmem:v0+s17+$0xFFFFFFD0 ss:$0x1], $0xffff;
	[tilespmem:s18+$0x0] =	vst v1  }
0x39: {  	v59 =	vld.idx.msk [tilespmem:v0+s17+$0xFFFFFFE0 ss:$0x1], $0xffff;
	[tilespmem:s18+$0x10] =	vst v2  }
0x3a: {  	v60 =	vld.idx.msk [tilespmem:v0+s17+$0xFFFFFFF0 ss:$0x1], $0xffff;
	s31 =	sadd.s32 $0x800, s18;
	[tilespmem:s18+$0x20] =	vst v6  }
0x3b: {  	v61 =	vld.idx.msk [tilespmem:v0+s17+$0x0 ss:$0x1], $0xffff;
	[tilespmem:s31+$0x30] =	vst v56  }
0x3c: {  	v62 =	vld.idx.msk [tilespmem:v0+s17+$0x10 ss:$0x1], $0xffff;
	s16 =	sadd.s32 $0x1, s16;
	[tilespmem:s31+$0xFFFFFFC0] =	vst v57  }
0x3d: {  	v63 =	vld.idx.msk [tilespmem:v0+s17+$0x20 ss:$0x1], $0xffff;
	p1 =	sne.s32 s16, $0x10;
	[tilespmem:s31+$0xFFFFFFD0] =	vst v58  }
.Ltmp4:
0x3e: {  	[tilespmem:s31+$0xFFFFFFE0] =	vst v59;
	(pc) =	sbr.rel @p1 .LBB1_3-.Ltmp4, $4  }
0x3f: {  	[tilespmem:s31+$0xFFFFFFF0] =	vst v60  }
0x40: {  	[tilespmem:s31+$0x0] =	vst v61  }
0x41: {  	[tilespmem:s31+$0x10] =	vst v62  }
0x42: {  	s13 =	sadd.s32 $0x80, s13;
	s15 =	sadd.s32 $0x400, s15;
	[tilespmem:s31+$0x20] =	vst v63  }
.Ltmp5:
0x43: {  	(pc) =	sbr.rel .LBB1_7-.Ltmp5, $4  }
0x44: {  	s12 =	sshll.u32 s12, $0xD;
	s11 =	sshll.u32 s11, $0x4  }
0x45: {  	s11 =	sand.u32 $0x3F0, s11;
	s12 =	sadd.s32 s3, s12  }
0x46: {  	s11 =	sadd.s32 s11, s12  }
0x47: {  	[hbm4b:s11+s6] =	stream.strided.scatter [tilespmem:s14], [sflag:$0x2], $0x4000, s7, s6, $0x38;
	[tilespmem:$0x10000] =	vst v63  }
.LBB1_8:
0x48: {  	_ =	sfence.sel $0x180000  }
0x49: {  	s2 =	simm.s32 $0x1;
	[bflag:$0x0] =	sbarrier.arrive $0xFFFF  }
0x4a: {  	s31 =	simm.s32 $0x2;
	[sflag:s2] =	ssyncpa.u1 $0x1  }
0x4b: {  	[sflag:s31] =	ssyncpa.u1 $0x1  }
0x4c: {  	p0 =	sne.s32 s1, $0x0;
	_ =	strace $0x9000004A  }
0x4d: {  	s0 =	sadd.s32 @!p0 $0x100000, s0;
	[bflag:$0x2] =	sbarrier.arrive $0xFFFF  }
0x4e: {  	[sflag:s0] =	ssyncadd.tile.s32 @!p0 $0x1;
	_ =	shalt  }
.Lfunc_end1:
_tile_overlayer_lowered:
.L_overlay_start_2:
0x4f: {  	(tag) =	ssettag $0x2  }
0x50: {  	s0 =	rddreg [dreg:$0x0];
	s2 =	stileid.u32  }
0x51: {  	s1 =	rddreg [dreg:$0x1];
	p0 =	sne.s32 s2, $0x0  }
0x52: {  	s3 =	rddreg [dreg:$0x2];
	[bflag:$0x3] =	sbarrier.arrive $0xFFFF;
	s2 =	simm.s32 @!p0 $0x1C01  }
0x53: {  	[timem:s3], [sflag:s2] =	dma.local @!p0 [hbm:s0], s1  }
0x54: {  	s0 =	simm.s32 @!p0 $0x1  }
0x55: {  	_ =	swait.ge @!p0 [sflag:s0], s1  }
0x56: {  	s1 =	ssub.s32 @!p0 $0x0, s1;
	[sflag:s0] =	ssyncset.done @!p0 $0x0  }
0x57: {  	[sflag:s0] =	ssyncadd.s32 @!p0 s1  }
0x58: {  	[bflag:$0x3] =	sbarrier.arrive $0xFFFF  }
0x59: {  	_ =	shalt  }

</sc_bundles>
